<compile_context>
chip_gen: v7x
topology: tpu7x:2x2x1
jax: 0.10.2.dev20260603
libtpu: 0.0.44.dev20260713+nightly
codegen_flags: <defaults>
</compile_context>

<pallas_src>
import jax
import jax.numpy as jnp
from jax import lax
from jax.experimental import pallas as pl
from jax.experimental.pallas import tpu as pltpu
from jax.experimental.pallas import tpu_sc as plsc

B, A, D, F_ = 16, 2048, 256, 128
TEMP = 0.1
EPS = 1e-8

NW = 32
ROWS_W = (B * A) // NW
CHUNK = 128
NCHUNK = ROWS_W // CHUNK
LANES = 16


NSTREAM = 4
GROUP = CHUNK // NSTREAM


def _seg_body(ae_hbm, idx_hbm, out_hbm, cnt_hbm, idx_v, buf, acc, acc_cnt,
              sems):
    c = lax.axis_index("c")
    s = lax.axis_index("s")
    wid = c * 16 + s
    base = wid * ROWS_W

    pltpu.async_copy(ae_hbm.at[pl.ds(base, CHUNK)], buf.at[0], sems[0])
    pltpu.async_copy(ae_hbm.at[pl.ds(base + CHUNK, CHUNK)], buf.at[1], sems[1])
    pltpu.sync_copy(idx_hbm.at[pl.ds(base, ROWS_W)], idx_v)

    zero = jnp.zeros((LANES,), jnp.float32)

    @plsc.parallel_loop(0, F_, 1, unroll=4)
    def _(r):
        for j in range(D // LANES):
            acc[r, pl.ds(j * LANES, LANES)] = zero

    for j in range(F_ // LANES):
        acc_cnt[0, pl.ds(j * LANES, LANES)] = zero

    cols = [lax.iota(jnp.int32, 16) + j * LANES for j in range(D // LANES)]
    lane0 = lax.iota(jnp.int32, 16) == 0
    row0 = jnp.zeros((LANES,), jnp.int32)
    ones = jnp.ones((LANES,), jnp.float32)

    def outer(kk, _):
        for slot in range(2):
            chunk_id = kk * 2 + slot
            chunk_base = chunk_id * CHUNK
            pltpu.make_async_copy(
                ae_hbm.at[pl.ds(base, CHUNK)], buf.at[slot],
                sems[slot]).wait()
            bufk = buf.at[slot]

            @plsc.parallel_loop(0, GROUP, 1, unroll=1)
            def _(g, bufk=bufk, chunk_base=chunk_base):
                for h in range(NSTREAM):
                    rowv = plsc.load_gather(
                        idx_v,
                        [jnp.full((LANES,), chunk_base + g + h * GROUP,
                                  jnp.int32)])
                    plsc.addupdate_scatter(acc_cnt, [row0, rowv], ones,
                                           mask=lane0)
                    for j in range(D // LANES):
                        x = bufk[g + h * GROUP, pl.ds(j * LANES, LANES)]
                        plsc.addupdate_scatter(acc, [rowv, cols[j]], x)

            @pl.when(chunk_id + 2 < NCHUNK)
            def _(chunk_base=chunk_base, slot=slot):
                pltpu.async_copy(
                    ae_hbm.at[pl.ds(base + chunk_base + 2 * CHUNK, CHUNK)],
                    buf.at[slot], sems[slot])
        return 0

    lax.fori_loop(0, NCHUNK // 2, outer, 0)

    pltpu.sync_copy(acc, out_hbm.at[pl.ds(wid * F_, F_)])
    pltpu.sync_copy(acc_cnt.at[0], cnt_hbm.at[pl.ds(wid * F_, F_)])


def _segment_sums(atom_embed, index):
    mesh = plsc.VectorSubcoreMesh(core_axis_name="c", subcore_axis_name="s")
    k = pl.kernel(
        _seg_body,
        out_type=(jax.ShapeDtypeStruct((NW * F_, D), jnp.float32),
                  jax.ShapeDtypeStruct((NW * F_,), jnp.float32)),
        mesh=mesh,
        compiler_params=pltpu.CompilerParams(needs_layout_passes=False),
        scratch_types=[
            pltpu.VMEM((ROWS_W,), jnp.int32),
            pltpu.VMEM((2, CHUNK, D), jnp.float32),
            pltpu.VMEM((F_, D), jnp.float32),
            pltpu.VMEM((8, F_), jnp.float32),
            (pltpu.SemaphoreType.DMA, pltpu.SemaphoreType.DMA),
        ],
    )
    return k(atom_embed.reshape(B * A, D), index.reshape(B * A))


IB = 8


def _dense_body(cparts_ref, parts_ref, fe_ref, loss_ref, cnt_ref):
    b = pl.program_id(0)

    eye = (lax.broadcasted_iota(jnp.int32, (F_, F_), 0)
           == lax.broadcasted_iota(jnp.int32, (F_, F_), 1)).astype(jnp.float32)

    item_loss = jnp.float32(0.0)
    item_cnt = jnp.float32(0.0)
    for i in range(IB):
        sums = parts_ref[2 * i] + parts_ref[2 * i + 1]
        fe = fe_ref[i]
        counts = cparts_ref[2 * i] + cparts_ref[2 * i + 1]

        valid = counts > 0.0
        mean = sums / jnp.maximum(counts, 1.0)[:, None]
        mn = jnp.maximum(jnp.sqrt(jnp.sum(mean * mean, axis=1,
                                          keepdims=True)), EPS)
        fn = jnp.maximum(jnp.sqrt(jnp.sum(fe * fe, axis=1,
                                          keepdims=True)), EPS)
        sims = lax.dot_general(mean / mn, fe / fn, (((1,), (1,)), ((), ())),
                               preferred_element_type=jnp.float32) / TEMP

        pos = jnp.sum(sims * eye, axis=1)
        lse = jnp.log(jnp.sum(jnp.exp(sims), axis=1))
        loss_f = lse - pos

        item_loss += jnp.sum(jnp.where(valid, loss_f, 0.0))
        item_cnt += jnp.sum(valid.astype(jnp.float32))

    @pl.when(b == 0)
    def _():
        loss_ref[...] = jnp.zeros_like(loss_ref)
        cnt_ref[...] = jnp.zeros_like(cnt_ref)

    loss_ref[...] += item_loss.reshape(1, 1)
    cnt_ref[...] += item_cnt.reshape(1, 1)


def kernel(atom_embed, fragment_embed, index):
    parts, cparts = _segment_sums(atom_embed, index)
    parts = parts.reshape(NW, F_, D)
    cparts = cparts.reshape(NW, F_)
    loss, cnt = pl.pallas_call(
        _dense_body,
        grid=(B // IB,),
        in_specs=[
            pl.BlockSpec((2 * IB, F_), lambda b: (b, 0)),
            pl.BlockSpec((2 * IB, F_, D), lambda b: (b, 0, 0)),
            pl.BlockSpec((IB, F_, D), lambda b: (b, 0, 0)),
        ],
        out_specs=[
            pl.BlockSpec((1, 1), lambda b: (0, 0)),
            pl.BlockSpec((1, 1), lambda b: (0, 0)),
        ],
        out_shape=[
            jax.ShapeDtypeStruct((1, 1), jnp.float32),
            jax.ShapeDtypeStruct((1, 1), jnp.float32),
        ],
    )(cparts, parts, fragment_embed)
    total = loss[0, 0]
    c = cnt[0, 0]
    return jnp.where(c > 0, total / c, jnp.float32(0.0))

# --- scband reference (transcript-rebuilt; emitter-appended) ---
"""Pipeline reference for scband-node-contrastive-loss-5111011083049 (READ-ONLY COPY).

The authoritative reference and input builder live on the scoring server;
editing this copy changes nothing except your own understanding.
"""

import jax, jax.numpy as jnp
import numpy as np
from jax.scipy.special import logsumexp

B, A, D, F_ = 16, 2048, 256, 128
TEMP = 0.1
EPS = 1e-8


def setup_inputs(seed: int = 0) -> dict:
    key = jax.random.key(seed)
    k1, k2, k3 = jax.random.split(key, 3)
    atom_embed = jax.random.normal(k1, (B, A, D), dtype=jnp.float32)
    fragment_embed = jax.random.normal(k2, (B, F_, D), dtype=jnp.float32)
    index = jnp.sort(jax.random.randint(k3, (B, A), 0, F_), axis=-1)
    return {"atom_embed": atom_embed, "fragment_embed": fragment_embed, "index": index}


def reference(atom_embed, fragment_embed, index):
    # Tensorized faithful version of NodeContrastiveLoss.forward:
    # index[b, a] = fragment id owning atom a of molecule b (ragged groups as segment ids).
    # For each fragment f with >=1 atom: mean atom embed, cosine sim against all fragments,
    # InfoNCE: -log(exp(pos) / (exp(pos) + sum exp(neg))) = logsumexp(all) - pos.
    def per_item(ae, fe, idx):
        sums = jax.ops.segment_sum(ae, idx, num_segments=F_)
        counts = jax.ops.segment_sum(jnp.ones((ae.shape[0],), dtype=ae.dtype), idx, num_segments=F_)
        valid = counts > 0
        mean = sums / jnp.maximum(counts, 1.0)[:, None]
        # F.cosine_similarity with eps=1e-8 (clamp norms)
        mn = jnp.maximum(jnp.linalg.norm(mean, axis=-1, keepdims=True), EPS)
        fn = jnp.maximum(jnp.linalg.norm(fe, axis=-1, keepdims=True), EPS)
        sims = ((mean / mn) @ (fe / fn).T) / TEMP  # [F_, F_]
        pos = jnp.diagonal(sims)
        lse = logsumexp(sims, axis=1)
        loss_f = lse - pos
        return jnp.sum(jnp.where(valid, loss_f, 0.0)), jnp.sum(valid.astype(jnp.float32))
    losses, cnts = jax.vmap(per_item)(atom_embed, fragment_embed, index)
    total = jnp.sum(losses)
    cnt = jnp.sum(cnts)
    return jnp.where(cnt > 0, total / cnt, jnp.float32(0.0))

if __name__ == "__main__":
    import jax
    _d = setup_inputs()
    print(jax.jit(kernel)(*tuple(_d.values())))

</pallas_src>

<mosaic_0001>
#map = affine_map<(d0, d1) -> (0, 0)>
#map1 = affine_map<(d0, d1) -> (0)>
module attributes {stable_mosaic.version = 14 : i64} {
  func.func @_seg_body(%arg0: i32, %arg1: i32, %arg2: memref<32768x256xf32, #tpu.memory_space<hbm>>, %arg3: memref<32768xi32, #tpu.memory_space<hbm>>, %arg4: memref<4096x256xf32, #tpu.memory_space<hbm>>, %arg5: memref<4096xf32, #tpu.memory_space<hbm>>, %arg6: memref<1024xi32, #tpu.memory_space<vmem>>, %arg7: memref<2x128x256xf32, #tpu.memory_space<vmem>>, %arg8: memref<128x256xf32, #tpu.memory_space<vmem>>, %arg9: memref<8x128xf32, #tpu.memory_space<vmem>>, %arg10: memref<!tpu.dma_semaphore, #tpu.memory_space<semaphore_mem>>, %arg11: memref<!tpu.dma_semaphore, #tpu.memory_space<semaphore_mem>>) attributes {dimension_semantics = [#tpu.dimension_semantics<core_parallel>, #tpu.dimension_semantics<subcore_parallel>], iteration_bounds = array<i64: 2, 16>, scalar_prefetch = 0 : i64, scratch_operands = 6 : i64, tpu.core_type = #tpu.core_type<sc_vector_subcore>, window_params = [{transform_indices = #map}, {transform_indices = #map1}, {transform_indices = #map}, {transform_indices = #map1}]} {
    %mul3A = arith.constant 16 : i32
    %mul3A_0 = arith.muli %arg0, %mul3A : i32
    %add3A = arith.addi %mul3A_0, %arg1 : i32
    %mul3A_1 = arith.constant 1024 : i32
    %mul3A_2 = arith.muli %add3A, %mul3A_1 : i32
    %dma_start3A = arith.constant 0 : i32
    %dma_start3A_3 = arith.constant 0 : i32
    %dma_start3A_4 = arith.constant 0 : i32
    %dma_start3A_5 = tpu.memref_slice %arg7[%dma_start3A, %dma_start3A_3, %dma_start3A_4] : memref<2x128x256xf32, #tpu.memory_space<vmem>> -> memref<1x128x256xf32, #tpu.memory_space<vmem>>
    %dma_start3A_6 = tpu.memref_squeeze %dma_start3A_5 : memref<1x128x256xf32, #tpu.memory_space<vmem>> -> memref<128x256xf32, #tpu.memory_space<vmem>>
    %dma_start3A_7 = arith.constant 0 : i32
    %dma_start3A_8 = tpu.memref_slice %arg2[%mul3A_2, %dma_start3A_7] : memref<32768x256xf32, #tpu.memory_space<hbm>> -> memref<128x256xf32, #tpu.memory_space<hbm>>
    %dma_start3A_9 = arith.constant 0 : i32
    %dma_start3A_10 = arith.constant 0 : i32
    %dma_start3A_11 = tpu.memref_slice %arg7[%dma_start3A, %dma_start3A_9, %dma_start3A_10] : memref<2x128x256xf32, #tpu.memory_space<vmem>> -> memref<1x128x256xf32, #tpu.memory_space<vmem>>
    %dma_start3A_12 = tpu.memref_squeeze %dma_start3A_11 : memref<1x128x256xf32, #tpu.memory_space<vmem>> -> memref<128x256xf32, #tpu.memory_space<vmem>>
    %dma_start3A_13 = arith.constant 0 : i32
    %dma_start3A_14 = tpu.memref_slice %arg2[%mul3A_2, %dma_start3A_13] : memref<32768x256xf32, #tpu.memory_space<hbm>> -> memref<128x256xf32, #tpu.memory_space<hbm>>
    tpu.enqueue_dma source(%dma_start3A_14 : memref<128x256xf32, #tpu.memory_space<hbm>>) target(%dma_start3A_12 : memref<128x256xf32, #tpu.memory_space<vmem>>) target_semaphore(%arg10 : memref<!tpu.dma_semaphore, #tpu.memory_space<semaphore_mem>>)
    %add3A_15 = arith.constant 128 : i32
    %add3A_16 = arith.addi %mul3A_2, %add3A_15 : i32
    %dma_start3A_17 = arith.constant 1 : i32
    %dma_start3A_18 = arith.constant 0 : i32
    %dma_start3A_19 = arith.constant 0 : i32
    %dma_start3A_20 = tpu.memref_slice %arg7[%dma_start3A_17, %dma_start3A_18, %dma_start3A_19] : memref<2x128x256xf32, #tpu.memory_space<vmem>> -> memref<1x128x256xf32, #tpu.memory_space<vmem>>
    %dma_start3A_21 = tpu.memref_squeeze %dma_start3A_20 : memref<1x128x256xf32, #tpu.memory_space<vmem>> -> memref<128x256xf32, #tpu.memory_space<vmem>>
    %dma_start3A_22 = arith.constant 0 : i32
    %dma_start3A_23 = tpu.memref_slice %arg2[%add3A_16, %dma_start3A_22] : memref<32768x256xf32, #tpu.memory_space<hbm>> -> memref<128x256xf32, #tpu.memory_space<hbm>>
    %dma_start3A_24 = arith.constant 0 : i32
    %dma_start3A_25 = arith.constant 0 : i32
    %dma_start3A_26 = tpu.memref_slice %arg7[%dma_start3A_17, %dma_start3A_24, %dma_start3A_25] : memref<2x128x256xf32, #tpu.memory_space<vmem>> -> memref<1x128x256xf32, #tpu.memory_space<vmem>>
    %dma_start3A_27 = tpu.memref_squeeze %dma_start3A_26 : memref<1x128x256xf32, #tpu.memory_space<vmem>> -> memref<128x256xf32, #tpu.memory_space<vmem>>
    %dma_start3A_28 = arith.constant 0 : i32
    %dma_start3A_29 = tpu.memref_slice %arg2[%add3A_16, %dma_start3A_28] : memref<32768x256xf32, #tpu.memory_space<hbm>> -> memref<128x256xf32, #tpu.memory_space<hbm>>
    tpu.enqueue_dma source(%dma_start3A_29 : memref<128x256xf32, #tpu.memory_space<hbm>>) target(%dma_start3A_27 : memref<128x256xf32, #tpu.memory_space<vmem>>) target_semaphore(%arg11 : memref<!tpu.dma_semaphore, #tpu.memory_space<semaphore_mem>>)
    "tpu.region"() ({
      %run_scoped3A_144 = tpu.sem_alloc : memref<!tpu.dma_semaphore, #tpu.memory_space<semaphore_mem>>
      %dma_start3A_145 = tpu.memref_slice %arg3[%mul3A_2] : memref<32768xi32, #tpu.memory_space<hbm>> -> memref<1024xi32, #tpu.memory_space<hbm>>
      %dma_start3A_146 = tpu.memref_slice %arg3[%mul3A_2] : memref<32768xi32, #tpu.memory_space<hbm>> -> memref<1024xi32, #tpu.memory_space<hbm>>
      tpu.enqueue_dma source(%dma_start3A_146 : memref<1024xi32, #tpu.memory_space<hbm>>) target(%arg6 : memref<1024xi32, #tpu.memory_space<vmem>>) target_semaphore(%run_scoped3A_144 : memref<!tpu.dma_semaphore, #tpu.memory_space<semaphore_mem>>)
      %dma_wait3A = tpu.memref_slice %arg3[%mul3A_2] : memref<32768xi32, #tpu.memory_space<hbm>> -> memref<1024xi32, #tpu.memory_space<hbm>>
      %dma_wait3A_147 = tpu.memref_slice %arg3[%mul3A_2] : memref<32768xi32, #tpu.memory_space<hbm>> -> memref<1024xi32, #tpu.memory_space<hbm>>
      tpu.wait_dma2 semaphore(%run_scoped3A_144 : memref<!tpu.dma_semaphore, #tpu.memory_space<semaphore_mem>>) src(%dma_wait3A_147 : memref<1024xi32, #tpu.memory_space<hbm>>) dst(%arg6 : memref<1024xi32, #tpu.memory_space<vmem>>)
      tpu.yield
    }) : () -> ()
    %broadcast_in_dim3A = arith.constant 0.000000e+00 : f32
    %broadcast_in_dim3A_30 = vector.broadcast %broadcast_in_dim3A : f32 to vector<16xf32>
    %parallel_loop3A = arith.constant 0 : i32
    %parallel_loop3A_31 = arith.constant 128 : i32
    %parallel_loop3A_32 = arith.constant 1 : i32
    scf.for %parallel_loop3A_144 = %parallel_loop3A to %parallel_loop3A_31 step %parallel_loop3A_32  : i32 {
      %parallel_loop3A_145 = arith.index_cast %parallel_loop3A_144 : i32 to index
      %parallel_loop3A_146 = arith.constant 0 : index
      %parallel_loop3A_147 = tpu.vector_load %arg8[%parallel_loop3A_145, %parallel_loop3A_146] {strides = array<i32>} : memref<128x256xf32, #tpu.memory_space<vmem>>, vector<16xf32>,
      tpu.vector_store %arg8[%parallel_loop3A_145, %parallel_loop3A_146], %broadcast_in_dim3A_30 {strides = array<i32>} : memref<128x256xf32, #tpu.memory_space<vmem>>, vector<16xf32>,
      %parallel_loop3A_148 = arith.index_cast %parallel_loop3A_144 : i32 to index
      %parallel_loop3A_149 = arith.constant 16 : index
      %parallel_loop3A_150 = tpu.vector_load %arg8[%parallel_loop3A_148, %parallel_loop3A_149] {strides = array<i32>} : memref<128x256xf32, #tpu.memory_space<vmem>>, vector<16xf32>,
      tpu.vector_store %arg8[%parallel_loop3A_148, %parallel_loop3A_149], %broadcast_in_dim3A_30 {strides = array<i32>} : memref<128x256xf32, #tpu.memory_space<vmem>>, vector<16xf32>,
      %parallel_loop3A_151 = arith.index_cast %parallel_loop3A_144 : i32 to index
      %parallel_loop3A_152 = arith.constant 32 : index
      %parallel_loop3A_153 = tpu.vector_load %arg8[%parallel_loop3A_151, %parallel_loop3A_152] {strides = array<i32>} : memref<128x256xf32, #tpu.memory_space<vmem>>, vector<16xf32>,
      tpu.vector_store %arg8[%parallel_loop3A_151, %parallel_loop3A_152], %broadcast_in_dim3A_30 {strides = array<i32>} : memref<128x256xf32, #tpu.memory_space<vmem>>, vector<16xf32>,
      %parallel_loop3A_154 = arith.index_cast %parallel_loop3A_144 : i32 to index
      %parallel_loop3A_155 = arith.constant 48 : index
      %parallel_loop3A_156 = tpu.vector_load %arg8[%parallel_loop3A_154, %parallel_loop3A_155] {strides = array<i32>} : memref<128x256xf32, #tpu.memory_space<vmem>>, vector<16xf32>,
      tpu.vector_store %arg8[%parallel_loop3A_154, %parallel_loop3A_155], %broadcast_in_dim3A_30 {strides = array<i32>} : memref<128x256xf32, #tpu.memory_space<vmem>>, vector<16xf32>,
      %parallel_loop3A_157 = arith.index_cast %parallel_loop3A_144 : i32 to index
      %parallel_loop3A_158 = arith.constant 64 : index
      %parallel_loop3A_159 = tpu.vector_load %arg8[%parallel_loop3A_157, %parallel_loop3A_158] {strides = array<i32>} : memref<128x256xf32, #tpu.memory_space<vmem>>, vector<16xf32>,
      tpu.vector_store %arg8[%parallel_loop3A_157, %parallel_loop3A_158], %broadcast_in_dim3A_30 {strides = array<i32>} : memref<128x256xf32, #tpu.memory_space<vmem>>, vector<16xf32>,
      %parallel_loop3A_160 = arith.index_cast %parallel_loop3A_144 : i32 to index
      %parallel_loop3A_161 = arith.constant 80 : index
      %parallel_loop3A_162 = tpu.vector_load %arg8[%parallel_loop3A_160, %parallel_loop3A_161] {strides = array<i32>} : memref<128x256xf32, #tpu.memory_space<vmem>>, vector<16xf32>,
      tpu.vector_store %arg8[%parallel_loop3A_160, %parallel_loop3A_161], %broadcast_in_dim3A_30 {strides = array<i32>} : memref<128x256xf32, #tpu.memory_space<vmem>>, vector<16xf32>,
      %parallel_loop3A_163 = arith.index_cast %parallel_loop3A_144 : i32 to index
      %parallel_loop3A_164 = arith.constant 96 : index
      %parallel_loop3A_165 = tpu.vector_load %arg8[%parallel_loop3A_163, %parallel_loop3A_164] {strides = array<i32>} : memref<128x256xf32, #tpu.memory_space<vmem>>, vector<16xf32>,
      tpu.vector_store %arg8[%parallel_loop3A_163, %parallel_loop3A_164], %broadcast_in_dim3A_30 {strides = array<i32>} : memref<128x256xf32, #tpu.memory_space<vmem>>, vector<16xf32>,
      %parallel_loop3A_166 = arith.index_cast %parallel_loop3A_144 : i32 to index
      %parallel_loop3A_167 = arith.constant 112 : index
      %parallel_loop3A_168 = tpu.vector_load %arg8[%parallel_loop3A_166, %parallel_loop3A_167] {strides = array<i32>} : memref<128x256xf32, #tpu.memory_space<vmem>>, vector<16xf32>,
      tpu.vector_store %arg8[%parallel_loop3A_166, %parallel_loop3A_167], %broadcast_in_dim3A_30 {strides = array<i32>} : memref<128x256xf32, #tpu.memory_space<vmem>>, vector<16xf32>,
      %parallel_loop3A_169 = arith.index_cast %parallel_loop3A_144 : i32 to index
      %parallel_loop3A_170 = arith.constant 128 : index
      %parallel_loop3A_171 = tpu.vector_load %arg8[%parallel_loop3A_169, %parallel_loop3A_170] {strides = array<i32>} : memref<128x256xf32, #tpu.memory_space<vmem>>, vector<16xf32>,
      tpu.vector_store %arg8[%parallel_loop3A_169, %parallel_loop3A_170], %broadcast_in_dim3A_30 {strides = array<i32>} : memref<128x256xf32, #tpu.memory_space<vmem>>, vector<16xf32>,
      %parallel_loop3A_172 = arith.index_cast %parallel_loop3A_144 : i32 to index
      %parallel_loop3A_173 = arith.constant 144 : index
      %parallel_loop3A_174 = tpu.vector_load %arg8[%parallel_loop3A_172, %parallel_loop3A_173] {strides = array<i32>} : memref<128x256xf32, #tpu.memory_space<vmem>>, vector<16xf32>,
      tpu.vector_store %arg8[%parallel_loop3A_172, %parallel_loop3A_173], %broadcast_in_dim3A_30 {strides = array<i32>} : memref<128x256xf32, #tpu.memory_space<vmem>>, vector<16xf32>,
      %parallel_loop3A_175 = arith.index_cast %parallel_loop3A_144 : i32 to index
      %parallel_loop3A_176 = arith.constant 160 : index
      %parallel_loop3A_177 = tpu.vector_load %arg8[%parallel_loop3A_175, %parallel_loop3A_176] {strides = array<i32>} : memref<128x256xf32, #tpu.memory_space<vmem>>, vector<16xf32>,
      tpu.vector_store %arg8[%parallel_loop3A_175, %parallel_loop3A_176], %broadcast_in_dim3A_30 {strides = array<i32>} : memref<128x256xf32, #tpu.memory_space<vmem>>, vector<16xf32>,
      %parallel_loop3A_178 = arith.index_cast %parallel_loop3A_144 : i32 to index
      %parallel_loop3A_179 = arith.constant 176 : index
      %parallel_loop3A_180 = tpu.vector_load %arg8[%parallel_loop3A_178, %parallel_loop3A_179] {strides = array<i32>} : memref<128x256xf32, #tpu.memory_space<vmem>>, vector<16xf32>,
      tpu.vector_store %arg8[%parallel_loop3A_178, %parallel_loop3A_179], %broadcast_in_dim3A_30 {strides = array<i32>} : memref<128x256xf32, #tpu.memory_space<vmem>>, vector<16xf32>,
      %parallel_loop3A_181 = arith.index_cast %parallel_loop3A_144 : i32 to index
      %parallel_loop3A_182 = arith.constant 192 : index
      %parallel_loop3A_183 = tpu.vector_load %arg8[%parallel_loop3A_181, %parallel_loop3A_182] {strides = array<i32>} : memref<128x256xf32, #tpu.memory_space<vmem>>, vector<16xf32>,
      tpu.vector_store %arg8[%parallel_loop3A_181, %parallel_loop3A_182], %broadcast_in_dim3A_30 {strides = array<i32>} : memref<128x256xf32, #tpu.memory_space<vmem>>, vector<16xf32>,
      %parallel_loop3A_184 = arith.index_cast %parallel_loop3A_144 : i32 to index
      %parallel_loop3A_185 = arith.constant 208 : index
      %parallel_loop3A_186 = tpu.vector_load %arg8[%parallel_loop3A_184, %parallel_loop3A_185] {strides = array<i32>} : memref<128x256xf32, #tpu.memory_space<vmem>>, vector<16xf32>,
      tpu.vector_store %arg8[%parallel_loop3A_184, %parallel_loop3A_185], %broadcast_in_dim3A_30 {strides = array<i32>} : memref<128x256xf32, #tpu.memory_space<vmem>>, vector<16xf32>,
      %parallel_loop3A_187 = arith.index_cast %parallel_loop3A_144 : i32 to index
      %parallel_loop3A_188 = arith.constant 224 : index
      %parallel_loop3A_189 = tpu.vector_load %arg8[%parallel_loop3A_187, %parallel_loop3A_188] {strides = array<i32>} : memref<128x256xf32, #tpu.memory_space<vmem>>, vector<16xf32>,
      tpu.vector_store %arg8[%parallel_loop3A_187, %parallel_loop3A_188], %broadcast_in_dim3A_30 {strides = array<i32>} : memref<128x256xf32, #tpu.memory_space<vmem>>, vector<16xf32>,
      %parallel_loop3A_190 = arith.index_cast %parallel_loop3A_144 : i32 to index
      %parallel_loop3A_191 = arith.constant 240 : index
      %parallel_loop3A_192 = tpu.vector_load %arg8[%parallel_loop3A_190, %parallel_loop3A_191] {strides = array<i32>} : memref<128x256xf32, #tpu.memory_space<vmem>>, vector<16xf32>,
      tpu.vector_store %arg8[%parallel_loop3A_190, %parallel_loop3A_191], %broadcast_in_dim3A_30 {strides = array<i32>} : memref<128x256xf32, #tpu.memory_space<vmem>>, vector<16xf32>,
    } {sc.loop_unroll_factor = 4 : i64, sc.parallel_access}
    %swap3A = arith.constant 0 : i32
    %swap3A_33 = arith.index_cast %swap3A : i32 to index
    %swap3A_34 = arith.constant 0 : index
    %swap3A_35 = tpu.vector_load %arg9[%swap3A_33, %swap3A_34] {strides = array<i32>} : memref<8x128xf32, #tpu.memory_space<vmem>>, vector<16xf32>,
    tpu.vector_store %arg9[%swap3A_33, %swap3A_34], %broadcast_in_dim3A_30 {strides = array<i32>} : memref<8x128xf32, #tpu.memory_space<vmem>>, vector<16xf32>,
    %swap3A_36 = arith.constant 0 : i32
    %swap3A_37 = arith.index_cast %swap3A_36 : i32 to index
    %swap3A_38 = arith.constant 16 : index
    %swap3A_39 = tpu.vector_load %arg9[%swap3A_37, %swap3A_38] {strides = array<i32>} : memref<8x128xf32, #tpu.memory_space<vmem>>, vector<16xf32>,
    tpu.vector_store %arg9[%swap3A_37, %swap3A_38], %broadcast_in_dim3A_30 {strides = array<i32>} : memref<8x128xf32, #tpu.memory_space<vmem>>, vector<16xf32>,
    %swap3A_40 = arith.constant 0 : i32
    %swap3A_41 = arith.index_cast %swap3A_40 : i32 to index
    %swap3A_42 = arith.constant 32 : index
    %swap3A_43 = tpu.vector_load %arg9[%swap3A_41, %swap3A_42] {strides = array<i32>} : memref<8x128xf32, #tpu.memory_space<vmem>>, vector<16xf32>,
    tpu.vector_store %arg9[%swap3A_41, %swap3A_42], %broadcast_in_dim3A_30 {strides = array<i32>} : memref<8x128xf32, #tpu.memory_space<vmem>>, vector<16xf32>,
    %swap3A_44 = arith.constant 0 : i32
    %swap3A_45 = arith.index_cast %swap3A_44 : i32 to index
    %swap3A_46 = arith.constant 48 : index
    %swap3A_47 = tpu.vector_load %arg9[%swap3A_45, %swap3A_46] {strides = array<i32>} : memref<8x128xf32, #tpu.memory_space<vmem>>, vector<16xf32>,
    tpu.vector_store %arg9[%swap3A_45, %swap3A_46], %broadcast_in_dim3A_30 {strides = array<i32>} : memref<8x128xf32, #tpu.memory_space<vmem>>, vector<16xf32>,
    %swap3A_48 = arith.constant 0 : i32
    %swap3A_49 = arith.index_cast %swap3A_48 : i32 to index
    %swap3A_50 = arith.constant 64 : index
    %swap3A_51 = tpu.vector_load %arg9[%swap3A_49, %swap3A_50] {strides = array<i32>} : memref<8x128xf32, #tpu.memory_space<vmem>>, vector<16xf32>,
    tpu.vector_store %arg9[%swap3A_49, %swap3A_50], %broadcast_in_dim3A_30 {strides = array<i32>} : memref<8x128xf32, #tpu.memory_space<vmem>>, vector<16xf32>,
    %swap3A_52 = arith.constant 0 : i32
    %swap3A_53 = arith.index_cast %swap3A_52 : i32 to index
    %swap3A_54 = arith.constant 80 : index
    %swap3A_55 = tpu.vector_load %arg9[%swap3A_53, %swap3A_54] {strides = array<i32>} : memref<8x128xf32, #tpu.memory_space<vmem>>, vector<16xf32>,
    tpu.vector_store %arg9[%swap3A_53, %swap3A_54], %broadcast_in_dim3A_30 {strides = array<i32>} : memref<8x128xf32, #tpu.memory_space<vmem>>, vector<16xf32>,
    %swap3A_56 = arith.constant 0 : i32
    %swap3A_57 = arith.index_cast %swap3A_56 : i32 to index
    %swap3A_58 = arith.constant 96 : index
    %swap3A_59 = tpu.vector_load %arg9[%swap3A_57, %swap3A_58] {strides = array<i32>} : memref<8x128xf32, #tpu.memory_space<vmem>>, vector<16xf32>,
    tpu.vector_store %arg9[%swap3A_57, %swap3A_58], %broadcast_in_dim3A_30 {strides = array<i32>} : memref<8x128xf32, #tpu.memory_space<vmem>>, vector<16xf32>,
    %swap3A_60 = arith.constant 0 : i32
    %swap3A_61 = arith.index_cast %swap3A_60 : i32 to index
    %swap3A_62 = arith.constant 112 : index
    %swap3A_63 = tpu.vector_load %arg9[%swap3A_61, %swap3A_62] {strides = array<i32>} : memref<8x128xf32, #tpu.memory_space<vmem>>, vector<16xf32>,
    tpu.vector_store %arg9[%swap3A_61, %swap3A_62], %broadcast_in_dim3A_30 {strides = array<i32>} : memref<8x128xf32, #tpu.memory_space<vmem>>, vector<16xf32>,
    %iota3A = tpu.iota {dimensions = array<i32: 0>} : vector<16xi32>
    %add3A_64 = arith.constant 0 : i32
    %add3A_65 = vector.broadcast %add3A_64 : i32 to vector<16xi32>
    %add3A_66 = arith.addi %iota3A, %add3A_65 : vector<16xi32>
    %iota3A_67 = tpu.iota {dimensions = array<i32: 0>} : vector<16xi32>
    %add3A_68 = arith.constant 16 : i32
    %add3A_69 = vector.broadcast %add3A_68 : i32 to vector<16xi32>
    %add3A_70 = arith.addi %iota3A_67, %add3A_69 : vector<16xi32>
    %iota3A_71 = tpu.iota {dimensions = array<i32: 0>} : vector<16xi32>
    %add3A_72 = arith.constant 32 : i32
    %add3A_73 = vector.broadcast %add3A_72 : i32 to vector<16xi32>
    %add3A_74 = arith.addi %iota3A_71, %add3A_73 : vector<16xi32>
    %iota3A_75 = tpu.iota {dimensions = array<i32: 0>} : vector<16xi32>
    %add3A_76 = arith.constant 48 : i32
    %add3A_77 = vector.broadcast %add3A_76 : i32 to vector<16xi32>
    %add3A_78 = arith.addi %iota3A_75, %add3A_77 : vector<16xi32>
    %iota3A_79 = tpu.iota {dimensions = array<i32: 0>} : vector<16xi32>
    %add3A_80 = arith.constant 64 : i32
    %add3A_81 = vector.broadcast %add3A_80 : i32 to vector<16xi32>
    %add3A_82 = arith.addi %iota3A_79, %add3A_81 : vector<16xi32>
    %iota3A_83 = tpu.iota {dimensions = array<i32: 0>} : vector<16xi32>
    %add3A_84 = arith.constant 80 : i32
    %add3A_85 = vector.broadcast %add3A_84 : i32 to vector<16xi32>
    %add3A_86 = arith.addi %iota3A_83, %add3A_85 : vector<16xi32>
    %iota3A_87 = tpu.iota {dimensions = array<i32: 0>} : vector<16xi32>
    %add3A_88 = arith.constant 96 : i32
    %add3A_89 = vector.broadcast %add3A_88 : i32 to vector<16xi32>
    %add3A_90 = arith.addi %iota3A_87, %add3A_89 : vector<16xi32>
    %iota3A_91 = tpu.iota {dimensions = array<i32: 0>} : vector<16xi32>
    %add3A_92 = arith.constant 112 : i32
    %add3A_93 = vector.broadcast %add3A_92 : i32 to vector<16xi32>
    %add3A_94 = arith.addi %iota3A_91, %add3A_93 : vector<16xi32>
    %iota3A_95 = tpu.iota {dimensions = array<i32: 0>} : vector<16xi32>
    %add3A_96 = arith.constant 128 : i32
    %add3A_97 = vector.broadcast %add3A_96 : i32 to vector<16xi32>
    %add3A_98 = arith.addi %iota3A_95, %add3A_97 : vector<16xi32>
    %iota3A_99 = tpu.iota {dimensions = array<i32: 0>} : vector<16xi32>
    %add3A_100 = arith.constant 144 : i32
    %add3A_101 = vector.broadcast %add3A_100 : i32 to vector<16xi32>
    %add3A_102 = arith.addi %iota3A_99, %add3A_101 : vector<16xi32>
    %iota3A_103 = tpu.iota {dimensions = array<i32: 0>} : vector<16xi32>
    %add3A_104 = arith.constant 160 : i32
    %add3A_105 = vector.broadcast %add3A_104 : i32 to vector<16xi32>
    %add3A_106 = arith.addi %iota3A_103, %add3A_105 : vector<16xi32>
    %iota3A_107 = tpu.iota {dimensions = array<i32: 0>} : vector<16xi32>
    %add3A_108 = arith.constant 176 : i32
    %add3A_109 = vector.broadcast %add3A_108 : i32 to vector<16xi32>
    %add3A_110 = arith.addi %iota3A_107, %add3A_109 : vector<16xi32>
    %iota3A_111 = tpu.iota {dimensions = array<i32: 0>} : vector<16xi32>
    %add3A_112 = arith.constant 192 : i32
    %add3A_113 = vector.broadcast %add3A_112 : i32 to vector<16xi32>
    %add3A_114 = arith.addi %iota3A_111, %add3A_113 : vector<16xi32>
    %iota3A_115 = tpu.iota {dimensions = array<i32: 0>} : vector<16xi32>
    %add3A_116 = arith.constant 208 : i32
    %add3A_117 = vector.broadcast %add3A_116 : i32 to vector<16xi32>
    %add3A_118 = arith.addi %iota3A_115, %add3A_117 : vector<16xi32>
    %iota3A_119 = tpu.iota {dimensions = array<i32: 0>} : vector<16xi32>
    %add3A_120 = arith.constant 224 : i32
    %add3A_121 = vector.broadcast %add3A_120 : i32 to vector<16xi32>
    %add3A_122 = arith.addi %iota3A_119, %add3A_121 : vector<16xi32>
    %iota3A_123 = tpu.iota {dimensions = array<i32: 0>} : vector<16xi32>
    %add3A_124 = arith.constant 240 : i32
    %add3A_125 = vector.broadcast %add3A_124 : i32 to vector<16xi32>
    %add3A_126 = arith.addi %iota3A_123, %add3A_125 : vector<16xi32>
    %iota3A_127 = tpu.iota {dimensions = array<i32: 0>} : vector<16xi32>
    %eq3A = arith.constant 0 : i32
    %eq3A_128 = vector.broadcast %eq3A : i32 to vector<16xi32>
    %eq3A_129 = arith.cmpi eq, %iota3A_127, %eq3A_128 : vector<16xi32>
    %broadcast_in_dim3A_130 = arith.constant 0 : i32
    %broadcast_in_dim3A_131 = vector.broadcast %broadcast_in_dim3A_130 : i32 to vector<16xi32>
    %broadcast_in_dim3A_132 = arith.constant 1.000000e+00 : f32
    %broadcast_in_dim3A_133 = vector.broadcast %broadcast_in_dim3A_132 : f32 to vector<16xf32>
    %scan3A = arith.constant 0 : i32
    %scan3A_134 = arith.constant 0 : i32
    %scan3A_135 = arith.constant 4 : i32
    %scan3A_136 = arith.addi %scan3A_134, %scan3A_135 : i32
    %scan3A_137 = arith.constant 1 : i32
    %scan3A_138 = scf.for %scan3A_144 = %scan3A_134 to %scan3A_136 step %scan3A_137 iter_args(%scan3A_145 = %scan3A) -> (i32)  : i32 {
      %mul3A_146 = arith.constant 2 : i32
      %mul3A_147 = arith.muli %scan3A_144, %mul3A_146 : i32
      %add3A_148 = arith.constant 0 : i32
      %add3A_149 = arith.addi %mul3A_147, %add3A_148 : i32
      %mul3A_150 = arith.constant 128 : i32
      %mul3A_151 = arith.muli %add3A_149, %mul3A_150 : i32
      %dma_wait3A = arith.constant 0 : i32
      %dma_wait3A_152 = arith.constant 0 : i32
      %dma_wait3A_153 = arith.constant 0 : i32
      %dma_wait3A_154 = tpu.memref_slice %arg7[%dma_wait3A, %dma_wait3A_152, %dma_wait3A_153] : memref<2x128x256xf32, #tpu.memory_space<vmem>> -> memref<1x128x256xf32, #tpu.memory_space<vmem>>
      %dma_wait3A_155 = tpu.memref_squeeze %dma_wait3A_154 : memref<1x128x256xf32, #tpu.memory_space<vmem>> -> memref<128x256xf32, #tpu.memory_space<vmem>>
      %dma_wait3A_156 = arith.constant 0 : i32
      %dma_wait3A_157 = tpu.memref_slice %arg2[%mul3A_2, %dma_wait3A_156] : memref<32768x256xf32, #tpu.memory_space<hbm>> -> memref<128x256xf32, #tpu.memory_space<hbm>>
      %dma_wait3A_158 = arith.constant 0 : i32
      %dma_wait3A_159 = arith.constant 0 : i32
      %dma_wait3A_160 = tpu.memref_slice %arg7[%dma_wait3A, %dma_wait3A_158, %dma_wait3A_159] : memref<2x128x256xf32, #tpu.memory_space<vmem>> -> memref<1x128x256xf32, #tpu.memory_space<vmem>>
      %dma_wait3A_161 = tpu.memref_squeeze %dma_wait3A_160 : memref<1x128x256xf32, #tpu.memory_space<vmem>> -> memref<128x256xf32, #tpu.memory_space<vmem>>
      %dma_wait3A_162 = arith.constant 0 : i32
      %dma_wait3A_163 = tpu.memref_slice %arg2[%mul3A_2, %dma_wait3A_162] : memref<32768x256xf32, #tpu.memory_space<hbm>> -> memref<128x256xf32, #tpu.memory_space<hbm>>
      tpu.wait_dma2 semaphore(%arg10 : memref<!tpu.dma_semaphore, #tpu.memory_space<semaphore_mem>>) src(%dma_wait3A_163 : memref<128x256xf32, #tpu.memory_space<hbm>>) dst(%dma_wait3A_161 : memref<128x256xf32, #tpu.memory_space<vmem>>)
      %parallel_loop3A_164 = arith.constant 0 : i32
      %parallel_loop3A_165 = arith.constant 32 : i32
      %parallel_loop3A_166 = arith.constant 1 : i32
      %parallel_loop3A_167 = arith.constant 0 : i32
      scf.for %parallel_loop3A_203 = %parallel_loop3A_164 to %parallel_loop3A_165 step %parallel_loop3A_166  : i32 {
        %parallel_loop3A_204 = arith.addi %mul3A_151, %parallel_loop3A_203 : i32
        %parallel_loop3A_205 = arith.constant 0 : i32
        %parallel_loop3A_206 = arith.addi %parallel_loop3A_204, %parallel_loop3A_205 : i32
        %parallel_loop3A_207 = vector.broadcast %parallel_loop3A_206 : i32 to vector<16xi32>
        %parallel_loop3A_208 = tpu.vector_load_idx %arg6[%parallel_loop3A_207] : memref<1024xi32, #tpu.memory_space<vmem>>[vector<16xi32>], vector<16xi32>,
        tpu.vector_store_idx %arg9[%broadcast_in_dim3A_131, %parallel_loop3A_208], %broadcast_in_dim3A_133 masked %eq3A_129 {add = true} : memref<8x128xf32, #tpu.memory_space<vmem>>[vector<16xi32>, vector<16xi32>], vector<16xf32>, vector<16xi1>
        %parallel_loop3A_209 = arith.constant 0 : i32
        %parallel_loop3A_210 = arith.addi %parallel_loop3A_203, %parallel_loop3A_209 : i32
        %parallel_loop3A_211 = arith.constant 0 : i32
        %parallel_loop3A_212 = arith.constant 0 : i32
        %parallel_loop3A_213 = tpu.memref_slice %arg7[%parallel_loop3A_167, %parallel_loop3A_211, %parallel_loop3A_212] : memref<2x128x256xf32, #tpu.memory_space<vmem>> -> memref<1x128x256xf32, #tpu.memory_space<vmem>>
        %parallel_loop3A_214 = tpu.memref_squeeze %parallel_loop3A_213 : memref<1x128x256xf32, #tpu.memory_space<vmem>> -> memref<128x256xf32, #tpu.memory_space<vmem>>
        %parallel_loop3A_215 = arith.index_cast %parallel_loop3A_210 : i32 to index
        %parallel_loop3A_216 = arith.constant 0 : index
        %parallel_loop3A_217 = tpu.vector_load %parallel_loop3A_214[%parallel_loop3A_215, %parallel_loop3A_216] {strides = array<i32>} : memref<128x256xf32, #tpu.memory_space<vmem>>, vector<16xf32>,
        tpu.vector_store_idx %arg8[%parallel_loop3A_208, %add3A_66], %parallel_loop3A_217 {add = true} : memref<128x256xf32, #tpu.memory_space<vmem>>[vector<16xi32>, vector<16xi32>], vector<16xf32>,
        %parallel_loop3A_218 = arith.constant 0 : i32
        %parallel_loop3A_219 = arith.addi %parallel_loop3A_203, %parallel_loop3A_218 : i32
        %parallel_loop3A_220 = arith.constant 0 : i32
        %parallel_loop3A_221 = arith.constant 0 : i32
        %parallel_loop3A_222 = tpu.memref_slice %arg7[%parallel_loop3A_167, %parallel_loop3A_220, %parallel_loop3A_221] : memref<2x128x256xf32, #tpu.memory_space<vmem>> -> memref<1x128x256xf32, #tpu.memory_space<vmem>>
        %parallel_loop3A_223 = tpu.memref_squeeze %parallel_loop3A_222 : memref<1x128x256xf32, #tpu.memory_space<vmem>> -> memref<128x256xf32, #tpu.memory_space<vmem>>
        %parallel_loop3A_224 = arith.index_cast %parallel_loop3A_219 : i32 to index
        %parallel_loop3A_225 = arith.constant 16 : index
        %parallel_loop3A_226 = tpu.vector_load %parallel_loop3A_223[%parallel_loop3A_224, %parallel_loop3A_225] {strides = array<i32>} : memref<128x256xf32, #tpu.memory_space<vmem>>, vector<16xf32>,
        tpu.vector_store_idx %arg8[%parallel_loop3A_208, %add3A_70], %parallel_loop3A_226 {add = true} : memref<128x256xf32, #tpu.memory_space<vmem>>[vector<16xi32>, vector<16xi32>], vector<16xf32>,
        %parallel_loop3A_227 = arith.constant 0 : i32
        %parallel_loop3A_228 = arith.addi %parallel_loop3A_203, %parallel_loop3A_227 : i32
        %parallel_loop3A_229 = arith.constant 0 : i32
        %parallel_loop3A_230 = arith.constant 0 : i32
        %parallel_loop3A_231 = tpu.memref_slice %arg7[%parallel_loop3A_167, %parallel_loop3A_229, %parallel_loop3A_230] : memref<2x128x256xf32, #tpu.memory_space<vmem>> -> memref<1x128x256xf32, #tpu.memory_space<vmem>>
        %parallel_loop3A_232 = tpu.memref_squeeze %parallel_loop3A_231 : memref<1x128x256xf32, #tpu.memory_space<vmem>> -> memref<128x256xf32, #tpu.memory_space<vmem>>
        %parallel_loop3A_233 = arith.index_cast %parallel_loop3A_228 : i32 to index
        %parallel_loop3A_234 = arith.constant 32 : index
        %parallel_loop3A_235 = tpu.vector_load %parallel_loop3A_232[%parallel_loop3A_233, %parallel_loop3A_234] {strides = array<i32>} : memref<128x256xf32, #tpu.memory_space<vmem>>, vector<16xf32>,
        tpu.vector_store_idx %arg8[%parallel_loop3A_208, %add3A_74], %parallel_loop3A_235 {add = true} : memref<128x256xf32, #tpu.memory_space<vmem>>[vector<16xi32>, vector<16xi32>], vector<16xf32>,
        %parallel_loop3A_236 = arith.constant 0 : i32
        %parallel_loop3A_237 = arith.addi %parallel_loop3A_203, %parallel_loop3A_236 : i32
        %parallel_loop3A_238 = arith.constant 0 : i32
        %parallel_loop3A_239 = arith.constant 0 : i32
        %parallel_loop3A_240 = tpu.memref_slice %arg7[%parallel_loop3A_167, %parallel_loop3A_238, %parallel_loop3A_239] : memref<2x128x256xf32, #tpu.memory_space<vmem>> -> memref<1x128x256xf32, #tpu.memory_space<vmem>>
        %parallel_loop3A_241 = tpu.memref_squeeze %parallel_loop3A_240 : memref<1x128x256xf32, #tpu.memory_space<vmem>> -> memref<128x256xf32, #tpu.memory_space<vmem>>
        %parallel_loop3A_242 = arith.index_cast %parallel_loop3A_237 : i32 to index
        %parallel_loop3A_243 = arith.constant 48 : index
        %parallel_loop3A_244 = tpu.vector_load %parallel_loop3A_241[%parallel_loop3A_242, %parallel_loop3A_243] {strides = array<i32>} : memref<128x256xf32, #tpu.memory_space<vmem>>, vector<16xf32>,
        tpu.vector_store_idx %arg8[%parallel_loop3A_208, %add3A_78], %parallel_loop3A_244 {add = true} : memref<128x256xf32, #tpu.memory_space<vmem>>[vector<16xi32>, vector<16xi32>], vector<16xf32>,
        %parallel_loop3A_245 = arith.constant 0 : i32
        %parallel_loop3A_246 = arith.addi %parallel_loop3A_203, %parallel_loop3A_245 : i32
        %parallel_loop3A_247 = arith.constant 0 : i32
        %parallel_loop3A_248 = arith.constant 0 : i32
        %parallel_loop3A_249 = tpu.memref_slice %arg7[%parallel_loop3A_167, %parallel_loop3A_247, %parallel_loop3A_248] : memref<2x128x256xf32, #tpu.memory_space<vmem>> -> memref<1x128x256xf32, #tpu.memory_space<vmem>>
        %parallel_loop3A_250 = tpu.memref_squeeze %parallel_loop3A_249 : memref<1x128x256xf32, #tpu.memory_space<vmem>> -> memref<128x256xf32, #tpu.memory_space<vmem>>
        %parallel_loop3A_251 = arith.index_cast %parallel_loop3A_246 : i32 to index
        %parallel_loop3A_252 = arith.constant 64 : index
        %parallel_loop3A_253 = tpu.vector_load %parallel_loop3A_250[%parallel_loop3A_251, %parallel_loop3A_252] {strides = array<i32>} : memref<128x256xf32, #tpu.memory_space<vmem>>, vector<16xf32>,
        tpu.vector_store_idx %arg8[%parallel_loop3A_208, %add3A_82], %parallel_loop3A_253 {add = true} : memref<128x256xf32, #tpu.memory_space<vmem>>[vector<16xi32>, vector<16xi32>], vector<16xf32>,
        %parallel_loop3A_254 = arith.constant 0 : i32
        %parallel_loop3A_255 = arith.addi %parallel_loop3A_203, %parallel_loop3A_254 : i32
        %parallel_loop3A_256 = arith.constant 0 : i32
        %parallel_loop3A_257 = arith.constant 0 : i32
        %parallel_loop3A_258 = tpu.memref_slice %arg7[%parallel_loop3A_167, %parallel_loop3A_256, %parallel_loop3A_257] : memref<2x128x256xf32, #tpu.memory_space<vmem>> -> memref<1x128x256xf32, #tpu.memory_space<vmem>>
        %parallel_loop3A_259 = tpu.memref_squeeze %parallel_loop3A_258 : memref<1x128x256xf32, #tpu.memory_space<vmem>> -> memref<128x256xf32, #tpu.memory_space<vmem>>
        %parallel_loop3A_260 = arith.index_cast %parallel_loop3A_255 : i32 to index
        %parallel_loop3A_261 = arith.constant 80 : index
        %parallel_loop3A_262 = tpu.vector_load %parallel_loop3A_259[%parallel_loop3A_260, %parallel_loop3A_261] {strides = array<i32>} : memref<128x256xf32, #tpu.memory_space<vmem>>, vector<16xf32>,
        tpu.vector_store_idx %arg8[%parallel_loop3A_208, %add3A_86], %parallel_loop3A_262 {add = true} : memref<128x256xf32, #tpu.memory_space<vmem>>[vector<16xi32>, vector<16xi32>], vector<16xf32>,
        %parallel_loop3A_263 = arith.constant 0 : i32
        %parallel_loop3A_264 = arith.addi %parallel_loop3A_203, %parallel_loop3A_263 : i32
        %parallel_loop3A_265 = arith.constant 0 : i32
        %parallel_loop3A_266 = arith.constant 0 : i32
        %parallel_loop3A_267 = tpu.memref_slice %arg7[%parallel_loop3A_167, %parallel_loop3A_265, %parallel_loop3A_266] : memref<2x128x256xf32, #tpu.memory_space<vmem>> -> memref<1x128x256xf32, #tpu.memory_space<vmem>>
        %parallel_loop3A_268 = tpu.memref_squeeze %parallel_loop3A_267 : memref<1x128x256xf32, #tpu.memory_space<vmem>> -> memref<128x256xf32, #tpu.memory_space<vmem>>
        %parallel_loop3A_269 = arith.index_cast %parallel_loop3A_264 : i32 to index
        %parallel_loop3A_270 = arith.constant 96 : index
        %parallel_loop3A_271 = tpu.vector_load %parallel_loop3A_268[%parallel_loop3A_269, %parallel_loop3A_270] {strides = array<i32>} : memref<128x256xf32, #tpu.memory_space<vmem>>, vector<16xf32>,
        tpu.vector_store_idx %arg8[%parallel_loop3A_208, %add3A_90], %parallel_loop3A_271 {add = true} : memref<128x256xf32, #tpu.memory_space<vmem>>[vector<16xi32>, vector<16xi32>], vector<16xf32>,
        %parallel_loop3A_272 = arith.constant 0 : i32
        %parallel_loop3A_273 = arith.addi %parallel_loop3A_203, %parallel_loop3A_272 : i32
        %parallel_loop3A_274 = arith.constant 0 : i32
        %parallel_loop3A_275 = arith.constant 0 : i32
        %parallel_loop3A_276 = tpu.memref_slice %arg7[%parallel_loop3A_167, %parallel_loop3A_274, %parallel_loop3A_275] : memref<2x128x256xf32, #tpu.memory_space<vmem>> -> memref<1x128x256xf32, #tpu.memory_space<vmem>>
        %parallel_loop3A_277 = tpu.memref_squeeze %parallel_loop3A_276 : memref<1x128x256xf32, #tpu.memory_space<vmem>> -> memref<128x256xf32, #tpu.memory_space<vmem>>
        %parallel_loop3A_278 = arith.index_cast %parallel_loop3A_273 : i32 to index
        %parallel_loop3A_279 = arith.constant 112 : index
        %parallel_loop3A_280 = tpu.vector_load %parallel_loop3A_277[%parallel_loop3A_278, %parallel_loop3A_279] {strides = array<i32>} : memref<128x256xf32, #tpu.memory_space<vmem>>, vector<16xf32>,
        tpu.vector_store_idx %arg8[%parallel_loop3A_208, %add3A_94], %parallel_loop3A_280 {add = true} : memref<128x256xf32, #tpu.memory_space<vmem>>[vector<16xi32>, vector<16xi32>], vector<16xf32>,
        %parallel_loop3A_281 = arith.constant 0 : i32
        %parallel_loop3A_282 = arith.addi %parallel_loop3A_203, %parallel_loop3A_281 : i32
        %parallel_loop3A_283 = arith.constant 0 : i32
        %parallel_loop3A_284 = arith.constant 0 : i32
        %parallel_loop3A_285 = tpu.memref_slice %arg7[%parallel_loop3A_167, %parallel_loop3A_283, %parallel_loop3A_284] : memref<2x128x256xf32, #tpu.memory_space<vmem>> -> memref<1x128x256xf32, #tpu.memory_space<vmem>>
        %parallel_loop3A_286 = tpu.memref_squeeze %parallel_loop3A_285 : memref<1x128x256xf32, #tpu.memory_space<vmem>> -> memref<128x256xf32, #tpu.memory_space<vmem>>
        %parallel_loop3A_287 = arith.index_cast %parallel_loop3A_282 : i32 to index
        %parallel_loop3A_288 = arith.constant 128 : index
        %parallel_loop3A_289 = tpu.vector_load %parallel_loop3A_286[%parallel_loop3A_287, %parallel_loop3A_288] {strides = array<i32>} : memref<128x256xf32, #tpu.memory_space<vmem>>, vector<16xf32>,
        tpu.vector_store_idx %arg8[%parallel_loop3A_208, %add3A_98], %parallel_loop3A_289 {add = true} : memref<128x256xf32, #tpu.memory_space<vmem>>[vector<16xi32>, vector<16xi32>], vector<16xf32>,
        %parallel_loop3A_290 = arith.constant 0 : i32
        %parallel_loop3A_291 = arith.addi %parallel_loop3A_203, %parallel_loop3A_290 : i32
        %parallel_loop3A_292 = arith.constant 0 : i32
        %parallel_loop3A_293 = arith.constant 0 : i32
        %parallel_loop3A_294 = tpu.memref_slice %arg7[%parallel_loop3A_167, %parallel_loop3A_292, %parallel_loop3A_293] : memref<2x128x256xf32, #tpu.memory_space<vmem>> -> memref<1x128x256xf32, #tpu.memory_space<vmem>>
        %parallel_loop3A_295 = tpu.memref_squeeze %parallel_loop3A_294 : memref<1x128x256xf32, #tpu.memory_space<vmem>> -> memref<128x256xf32, #tpu.memory_space<vmem>>
        %parallel_loop3A_296 = arith.index_cast %parallel_loop3A_291 : i32 to index
        %parallel_loop3A_297 = arith.constant 144 : index
        %parallel_loop3A_298 = tpu.vector_load %parallel_loop3A_295[%parallel_loop3A_296, %parallel_loop3A_297] {strides = array<i32>} : memref<128x256xf32, #tpu.memory_space<vmem>>, vector<16xf32>,
        tpu.vector_store_idx %arg8[%parallel_loop3A_208, %add3A_102], %parallel_loop3A_298 {add = true} : memref<128x256xf32, #tpu.memory_space<vmem>>[vector<16xi32>, vector<16xi32>], vector<16xf32>,
        %parallel_loop3A_299 = arith.constant 0 : i32
        %parallel_loop3A_300 = arith.addi %parallel_loop3A_203, %parallel_loop3A_299 : i32
        %parallel_loop3A_301 = arith.constant 0 : i32
        %parallel_loop3A_302 = arith.constant 0 : i32
        %parallel_loop3A_303 = tpu.memref_slice %arg7[%parallel_loop3A_167, %parallel_loop3A_301, %parallel_loop3A_302] : memref<2x128x256xf32, #tpu.memory_space<vmem>> -> memref<1x128x256xf32, #tpu.memory_space<vmem>>
        %parallel_loop3A_304 = tpu.memref_squeeze %parallel_loop3A_303 : memref<1x128x256xf32, #tpu.memory_space<vmem>> -> memref<128x256xf32, #tpu.memory_space<vmem>>
        %parallel_loop3A_305 = arith.index_cast %parallel_loop3A_300 : i32 to index
        %parallel_loop3A_306 = arith.constant 160 : index
        %parallel_loop3A_307 = tpu.vector_load %parallel_loop3A_304[%parallel_loop3A_305, %parallel_loop3A_306] {strides = array<i32>} : memref<128x256xf32, #tpu.memory_space<vmem>>, vector<16xf32>,
        tpu.vector_store_idx %arg8[%parallel_loop3A_208, %add3A_106], %parallel_loop3A_307 {add = true} : memref<128x256xf32, #tpu.memory_space<vmem>>[vector<16xi32>, vector<16xi32>], vector<16xf32>,
        %parallel_loop3A_308 = arith.constant 0 : i32
        %parallel_loop3A_309 = arith.addi %parallel_loop3A_203, %parallel_loop3A_308 : i32
        %parallel_loop3A_310 = arith.constant 0 : i32
        %parallel_loop3A_311 = arith.constant 0 : i32
        %parallel_loop3A_312 = tpu.memref_slice %arg7[%parallel_loop3A_167, %parallel_loop3A_310, %parallel_loop3A_311] : memref<2x128x256xf32, #tpu.memory_space<vmem>> -> memref<1x128x256xf32, #tpu.memory_space<vmem>>
        %parallel_loop3A_313 = tpu.memref_squeeze %parallel_loop3A_312 : memref<1x128x256xf32, #tpu.memory_space<vmem>> -> memref<128x256xf32, #tpu.memory_space<vmem>>
        %parallel_loop3A_314 = arith.index_cast %parallel_loop3A_309 : i32 to index
        %parallel_loop3A_315 = arith.constant 176 : index
        %parallel_loop3A_316 = tpu.vector_load %parallel_loop3A_313[%parallel_loop3A_314, %parallel_loop3A_315] {strides = array<i32>} : memref<128x256xf32, #tpu.memory_space<vmem>>, vector<16xf32>,
        tpu.vector_store_idx %arg8[%parallel_loop3A_208, %add3A_110], %parallel_loop3A_316 {add = true} : memref<128x256xf32, #tpu.memory_space<vmem>>[vector<16xi32>, vector<16xi32>], vector<16xf32>,
        %parallel_loop3A_317 = arith.constant 0 : i32
        %parallel_loop3A_318 = arith.addi %parallel_loop3A_203, %parallel_loop3A_317 : i32
        %parallel_loop3A_319 = arith.constant 0 : i32
        %parallel_loop3A_320 = arith.constant 0 : i32
        %parallel_loop3A_321 = tpu.memref_slice %arg7[%parallel_loop3A_167, %parallel_loop3A_319, %parallel_loop3A_320] : memref<2x128x256xf32, #tpu.memory_space<vmem>> -> memref<1x128x256xf32, #tpu.memory_space<vmem>>
        %parallel_loop3A_322 = tpu.memref_squeeze %parallel_loop3A_321 : memref<1x128x256xf32, #tpu.memory_space<vmem>> -> memref<128x256xf32, #tpu.memory_space<vmem>>
        %parallel_loop3A_323 = arith.index_cast %parallel_loop3A_318 : i32 to index
        %parallel_loop3A_324 = arith.constant 192 : index
        %parallel_loop3A_325 = tpu.vector_load %parallel_loop3A_322[%parallel_loop3A_323, %parallel_loop3A_324] {strides = array<i32>} : memref<128x256xf32, #tpu.memory_space<vmem>>, vector<16xf32>,
        tpu.vector_store_idx %arg8[%parallel_loop3A_208, %add3A_114], %parallel_loop3A_325 {add = true} : memref<128x256xf32, #tpu.memory_space<vmem>>[vector<16xi32>, vector<16xi32>], vector<16xf32>,
        %parallel_loop3A_326 = arith.constant 0 : i32
        %parallel_loop3A_327 = arith.addi %parallel_loop3A_203, %parallel_loop3A_326 : i32
        %parallel_loop3A_328 = arith.constant 0 : i32
        %parallel_loop3A_329 = arith.constant 0 : i32
        %parallel_loop3A_330 = tpu.memref_slice %arg7[%parallel_loop3A_167, %parallel_loop3A_328, %parallel_loop3A_329] : memref<2x128x256xf32, #tpu.memory_space<vmem>> -> memref<1x128x256xf32, #tpu.memory_space<vmem>>
        %parallel_loop3A_331 = tpu.memref_squeeze %parallel_loop3A_330 : memref<1x128x256xf32, #tpu.memory_space<vmem>> -> memref<128x256xf32, #tpu.memory_space<vmem>>
        %parallel_loop3A_332 = arith.index_cast %parallel_loop3A_327 : i32 to index
        %parallel_loop3A_333 = arith.constant 208 : index
        %parallel_loop3A_334 = tpu.vector_load %parallel_loop3A_331[%parallel_loop3A_332, %parallel_loop3A_333] {strides = array<i32>} : memref<128x256xf32, #tpu.memory_space<vmem>>, vector<16xf32>,
        tpu.vector_store_idx %arg8[%parallel_loop3A_208, %add3A_118], %parallel_loop3A_334 {add = true} : memref<128x256xf32, #tpu.memory_space<vmem>>[vector<16xi32>, vector<16xi32>], vector<16xf32>,
        %parallel_loop3A_335 = arith.constant 0 : i32
        %parallel_loop3A_336 = arith.addi %parallel_loop3A_203, %parallel_loop3A_335 : i32
        %parallel_loop3A_337 = arith.constant 0 : i32
        %parallel_loop3A_338 = arith.constant 0 : i32
        %parallel_loop3A_339 = tpu.memref_slice %arg7[%parallel_loop3A_167, %parallel_loop3A_337, %parallel_loop3A_338] : memref<2x128x256xf32, #tpu.memory_space<vmem>> -> memref<1x128x256xf32, #tpu.memory_space<vmem>>
        %parallel_loop3A_340 = tpu.memref_squeeze %parallel_loop3A_339 : memref<1x128x256xf32, #tpu.memory_space<vmem>> -> memref<128x256xf32, #tpu.memory_space<vmem>>
        %parallel_loop3A_341 = arith.index_cast %parallel_loop3A_336 : i32 to index
        %parallel_loop3A_342 = arith.constant 224 : index
        %parallel_loop3A_343 = tpu.vector_load %parallel_loop3A_340[%parallel_loop3A_341, %parallel_loop3A_342] {strides = array<i32>} : memref<128x256xf32, #tpu.memory_space<vmem>>, vector<16xf32>,
        tpu.vector_store_idx %arg8[%parallel_loop3A_208, %add3A_122], %parallel_loop3A_343 {add = true} : memref<128x256xf32, #tpu.memory_space<vmem>>[vector<16xi32>, vector<16xi32>], vector<16xf32>,
        %parallel_loop3A_344 = arith.constant 0 : i32
        %parallel_loop3A_345 = arith.addi %parallel_loop3A_203, %parallel_loop3A_344 : i32
        %parallel_loop3A_346 = arith.constant 0 : i32
        %parallel_loop3A_347 = arith.constant 0 : i32
        %parallel_loop3A_348 = tpu.memref_slice %arg7[%parallel_loop3A_167, %parallel_loop3A_346, %parallel_loop3A_347] : memref<2x128x256xf32, #tpu.memory_space<vmem>> -> memref<1x128x256xf32, #tpu.memory_space<vmem>>
        %parallel_loop3A_349 = tpu.memref_squeeze %parallel_loop3A_348 : memref<1x128x256xf32, #tpu.memory_space<vmem>> -> memref<128x256xf32, #tpu.memory_space<vmem>>
        %parallel_loop3A_350 = arith.index_cast %parallel_loop3A_345 : i32 to index
        %parallel_loop3A_351 = arith.constant 240 : index
        %parallel_loop3A_352 = tpu.vector_load %parallel_loop3A_349[%parallel_loop3A_350, %parallel_loop3A_351] {strides = array<i32>} : memref<128x256xf32, #tpu.memory_space<vmem>>, vector<16xf32>,
        tpu.vector_store_idx %arg8[%parallel_loop3A_208, %add3A_126], %parallel_loop3A_352 {add = true} : memref<128x256xf32, #tpu.memory_space<vmem>>[vector<16xi32>, vector<16xi32>], vector<16xf32>,
        %parallel_loop3A_353 = arith.addi %mul3A_151, %parallel_loop3A_203 : i32
        %parallel_loop3A_354 = arith.constant 32 : i32
        %parallel_loop3A_355 = arith.addi %parallel_loop3A_353, %parallel_loop3A_354 : i32
        %parallel_loop3A_356 = vector.broadcast %parallel_loop3A_355 : i32 to vector<16xi32>
        %parallel_loop3A_357 = tpu.vector_load_idx %arg6[%parallel_loop3A_356] : memref<1024xi32, #tpu.memory_space<vmem>>[vector<16xi32>], vector<16xi32>,
        tpu.vector_store_idx %arg9[%broadcast_in_dim3A_131, %parallel_loop3A_357], %broadcast_in_dim3A_133 masked %eq3A_129 {add = true} : memref<8x128xf32, #tpu.memory_space<vmem>>[vector<16xi32>, vector<16xi32>], vector<16xf32>, vector<16xi1>
        %parallel_loop3A_358 = arith.constant 32 : i32
        %parallel_loop3A_359 = arith.addi %parallel_loop3A_203, %parallel_loop3A_358 : i32
        %parallel_loop3A_360 = arith.constant 0 : i32
        %parallel_loop3A_361 = arith.constant 0 : i32
        %parallel_loop3A_362 = tpu.memref_slice %arg7[%parallel_loop3A_167, %parallel_loop3A_360, %parallel_loop3A_361] : memref<2x128x256xf32, #tpu.memory_space<vmem>> -> memref<1x128x256xf32, #tpu.memory_space<vmem>>
        %parallel_loop3A_363 = tpu.memref_squeeze %parallel_loop3A_362 : memref<1x128x256xf32, #tpu.memory_space<vmem>> -> memref<128x256xf32, #tpu.memory_space<vmem>>
        %parallel_loop3A_364 = arith.index_cast %parallel_loop3A_359 : i32 to index
        %parallel_loop3A_365 = arith.constant 0 : index
        %parallel_loop3A_366 = tpu.vector_load %parallel_loop3A_363[%parallel_loop3A_364, %parallel_loop3A_365] {strides = array<i32>} : memref<128x256xf32, #tpu.memory_space<vmem>>, vector<16xf32>,
        tpu.vector_store_idx %arg8[%parallel_loop3A_357, %add3A_66], %parallel_loop3A_366 {add = true} : memref<128x256xf32, #tpu.memory_space<vmem>>[vector<16xi32>, vector<16xi32>], vector<16xf32>,
        %parallel_loop3A_367 = arith.constant 32 : i32
        %parallel_loop3A_368 = arith.addi %parallel_loop3A_203, %parallel_loop3A_367 : i32
        %parallel_loop3A_369 = arith.constant 0 : i32
        %parallel_loop3A_370 = arith.constant 0 : i32
        %parallel_loop3A_371 = tpu.memref_slice %arg7[%parallel_loop3A_167, %parallel_loop3A_369, %parallel_loop3A_370] : memref<2x128x256xf32, #tpu.memory_space<vmem>> -> memref<1x128x256xf32, #tpu.memory_space<vmem>>
        %parallel_loop3A_372 = tpu.memref_squeeze %parallel_loop3A_371 : memref<1x128x256xf32, #tpu.memory_space<vmem>> -> memref<128x256xf32, #tpu.memory_space<vmem>>
        %parallel_loop3A_373 = arith.index_cast %parallel_loop3A_368 : i32 to index
        %parallel_loop3A_374 = arith.constant 16 : index
        %parallel_loop3A_375 = tpu.vector_load %parallel_loop3A_372[%parallel_loop3A_373, %parallel_loop3A_374] {strides = array<i32>} : memref<128x256xf32, #tpu.memory_space<vmem>>, vector<16xf32>,
        tpu.vector_store_idx %arg8[%parallel_loop3A_357, %add3A_70], %parallel_loop3A_375 {add = true} : memref<128x256xf32, #tpu.memory_space<vmem>>[vector<16xi32>, vector<16xi32>], vector<16xf32>,
        %parallel_loop3A_376 = arith.constant 32 : i32
        %parallel_loop3A_377 = arith.addi %parallel_loop3A_203, %parallel_loop3A_376 : i32
        %parallel_loop3A_378 = arith.constant 0 : i32
        %parallel_loop3A_379 = arith.constant 0 : i32
        %parallel_loop3A_380 = tpu.memref_slice %arg7[%parallel_loop3A_167, %parallel_loop3A_378, %parallel_loop3A_379] : memref<2x128x256xf32, #tpu.memory_space<vmem>> -> memref<1x128x256xf32, #tpu.memory_space<vmem>>
        %parallel_loop3A_381 = tpu.memref_squeeze %parallel_loop3A_380 : memref<1x128x256xf32, #tpu.memory_space<vmem>> -> memref<128x256xf32, #tpu.memory_space<vmem>>
        %parallel_loop3A_382 = arith.index_cast %parallel_loop3A_377 : i32 to index
        %parallel_loop3A_383 = arith.constant 32 : index
        %parallel_loop3A_384 = tpu.vector_load %parallel_loop3A_381[%parallel_loop3A_382, %parallel_loop3A_383] {strides = array<i32>} : memref<128x256xf32, #tpu.memory_space<vmem>>, vector<16xf32>,
        tpu.vector_store_idx %arg8[%parallel_loop3A_357, %add3A_74], %parallel_loop3A_384 {add = true} : memref<128x256xf32, #tpu.memory_space<vmem>>[vector<16xi32>, vector<16xi32>], vector<16xf32>,
        %parallel_loop3A_385 = arith.constant 32 : i32
        %parallel_loop3A_386 = arith.addi %parallel_loop3A_203, %parallel_loop3A_385 : i32
        %parallel_loop3A_387 = arith.constant 0 : i32
        %parallel_loop3A_388 = arith.constant 0 : i32
        %parallel_loop3A_389 = tpu.memref_slice %arg7[%parallel_loop3A_167, %parallel_loop3A_387, %parallel_loop3A_388] : memref<2x128x256xf32, #tpu.memory_space<vmem>> -> memref<1x128x256xf32, #tpu.memory_space<vmem>>
        %parallel_loop3A_390 = tpu.memref_squeeze %parallel_loop3A_389 : memref<1x128x256xf32, #tpu.memory_space<vmem>> -> memref<128x256xf32, #tpu.memory_space<vmem>>
        %parallel_loop3A_391 = arith.index_cast %parallel_loop3A_386 : i32 to index
        %parallel_loop3A_392 = arith.constant 48 : index
        %parallel_loop3A_393 = tpu.vector_load %parallel_loop3A_390[%parallel_loop3A_391, %parallel_loop3A_392] {strides = array<i32>} : memref<128x256xf32, #tpu.memory_space<vmem>>, vector<16xf32>,
        tpu.vector_store_idx %arg8[%parallel_loop3A_357, %add3A_78], %parallel_loop3A_393 {add = true} : memref<128x256xf32, #tpu.memory_space<vmem>>[vector<16xi32>, vector<16xi32>], vector<16xf32>,
        %parallel_loop3A_394 = arith.constant 32 : i32
        %parallel_loop3A_395 = arith.addi %parallel_loop3A_203, %parallel_loop3A_394 : i32
        %parallel_loop3A_396 = arith.constant 0 : i32
        %parallel_loop3A_397 = arith.constant 0 : i32
        %parallel_loop3A_398 = tpu.memref_slice %arg7[%parallel_loop3A_167, %parallel_loop3A_396, %parallel_loop3A_397] : memref<2x128x256xf32, #tpu.memory_space<vmem>> -> memref<1x128x256xf32, #tpu.memory_space<vmem>>
        %parallel_loop3A_399 = tpu.memref_squeeze %parallel_loop3A_398 : memref<1x128x256xf32, #tpu.memory_space<vmem>> -> memref<128x256xf32, #tpu.memory_space<vmem>>
        %parallel_loop3A_400 = arith.index_cast %parallel_loop3A_395 : i32 to index
        %parallel_loop3A_401 = arith.constant 64 : index
        %parallel_loop3A_402 = tpu.vector_load %parallel_loop3A_399[%parallel_loop3A_400, %parallel_loop3A_401] {strides = array<i32>} : memref<128x256xf32, #tpu.memory_space<vmem>>, vector<16xf32>,
        tpu.vector_store_idx %arg8[%parallel_loop3A_357, %add3A_82], %parallel_loop3A_402 {add = true} : memref<128x256xf32, #tpu.memory_space<vmem>>[vector<16xi32>, vector<16xi32>], vector<16xf32>,
        %parallel_loop3A_403 = arith.constant 32 : i32
        %parallel_loop3A_404 = arith.addi %parallel_loop3A_203, %parallel_loop3A_403 : i32
        %parallel_loop3A_405 = arith.constant 0 : i32
        %parallel_loop3A_406 = arith.constant 0 : i32
        %parallel_loop3A_407 = tpu.memref_slice %arg7[%parallel_loop3A_167, %parallel_loop3A_405, %parallel_loop3A_406] : memref<2x128x256xf32, #tpu.memory_space<vmem>> -> memref<1x128x256xf32, #tpu.memory_space<vmem>>
        %parallel_loop3A_408 = tpu.memref_squeeze %parallel_loop3A_407 : memref<1x128x256xf32, #tpu.memory_space<vmem>> -> memref<128x256xf32, #tpu.memory_space<vmem>>
        %parallel_loop3A_409 = arith.index_cast %parallel_loop3A_404 : i32 to index
        %parallel_loop3A_410 = arith.constant 80 : index
        %parallel_loop3A_411 = tpu.vector_load %parallel_loop3A_408[%parallel_loop3A_409, %parallel_loop3A_410] {strides = array<i32>} : memref<128x256xf32, #tpu.memory_space<vmem>>, vector<16xf32>,
        tpu.vector_store_idx %arg8[%parallel_loop3A_357, %add3A_86], %parallel_loop3A_411 {add = true} : memref<128x256xf32, #tpu.memory_space<vmem>>[vector<16xi32>, vector<16xi32>], vector<16xf32>,
        %parallel_loop3A_412 = arith.constant 32 : i32
        %parallel_loop3A_413 = arith.addi %parallel_loop3A_203, %parallel_loop3A_412 : i32
        %parallel_loop3A_414 = arith.constant 0 : i32
        %parallel_loop3A_415 = arith.constant 0 : i32
        %parallel_loop3A_416 = tpu.memref_slice %arg7[%parallel_loop3A_167, %parallel_loop3A_414, %parallel_loop3A_415] : memref<2x128x256xf32, #tpu.memory_space<vmem>> -> memref<1x128x256xf32, #tpu.memory_space<vmem>>
        %parallel_loop3A_417 = tpu.memref_squeeze %parallel_loop3A_416 : memref<1x128x256xf32, #tpu.memory_space<vmem>> -> memref<128x256xf32, #tpu.memory_space<vmem>>
        %parallel_loop3A_418 = arith.index_cast %parallel_loop3A_413 : i32 to index
        %parallel_loop3A_419 = arith.constant 96 : index
        %parallel_loop3A_420 = tpu.vector_load %parallel_loop3A_417[%parallel_loop3A_418, %parallel_loop3A_419] {strides = array<i32>} : memref<128x256xf32, #tpu.memory_space<vmem>>, vector<16xf32>,
        tpu.vector_store_idx %arg8[%parallel_loop3A_357, %add3A_90], %parallel_loop3A_420 {add = true} : memref<128x256xf32, #tpu.memory_space<vmem>>[vector<16xi32>, vector<16xi32>], vector<16xf32>,
        %parallel_loop3A_421 = arith.constant 32 : i32
        %parallel_loop3A_422 = arith.addi %parallel_loop3A_203, %parallel_loop3A_421 : i32
        %parallel_loop3A_423 = arith.constant 0 : i32
        %parallel_loop3A_424 = arith.constant 0 : i32
        %parallel_loop3A_425 = tpu.memref_slice %arg7[%parallel_loop3A_167, %parallel_loop3A_423, %parallel_loop3A_424] : memref<2x128x256xf32, #tpu.memory_space<vmem>> -> memref<1x128x256xf32, #tpu.memory_space<vmem>>
        %parallel_loop3A_426 = tpu.memref_squeeze %parallel_loop3A_425 : memref<1x128x256xf32, #tpu.memory_space<vmem>> -> memref<128x256xf32, #tpu.memory_space<vmem>>
        %parallel_loop3A_427 = arith.index_cast %parallel_loop3A_422 : i32 to index
        %parallel_loop3A_428 = arith.constant 112 : index
        %parallel_loop3A_429 = tpu.vector_load %parallel_loop3A_426[%parallel_loop3A_427, %parallel_loop3A_428] {strides = array<i32>} : memref<128x256xf32, #tpu.memory_space<vmem>>, vector<16xf32>,
        tpu.vector_store_idx %arg8[%parallel_loop3A_357, %add3A_94], %parallel_loop3A_429 {add = true} : memref<128x256xf32, #tpu.memory_space<vmem>>[vector<16xi32>, vector<16xi32>], vector<16xf32>,
        %parallel_loop3A_430 = arith.constant 32 : i32
        %parallel_loop3A_431 = arith.addi %parallel_loop3A_203, %parallel_loop3A_430 : i32
        %parallel_loop3A_432 = arith.constant 0 : i32
        %parallel_loop3A_433 = arith.constant 0 : i32
        %parallel_loop3A_434 = tpu.memref_slice %arg7[%parallel_loop3A_167, %parallel_loop3A_432, %parallel_loop3A_433] : memref<2x128x256xf32, #tpu.memory_space<vmem>> -> memref<1x128x256xf32, #tpu.memory_space<vmem>>
        %parallel_loop3A_435 = tpu.memref_squeeze %parallel_loop3A_434 : memref<1x128x256xf32, #tpu.memory_space<vmem>> -> memref<128x256xf32, #tpu.memory_space<vmem>>
        %parallel_loop3A_436 = arith.index_cast %parallel_loop3A_431 : i32 to index
        %parallel_loop3A_437 = arith.constant 128 : index
        %parallel_loop3A_438 = tpu.vector_load %parallel_loop3A_435[%parallel_loop3A_436, %parallel_loop3A_437] {strides = array<i32>} : memref<128x256xf32, #tpu.memory_space<vmem>>, vector<16xf32>,
        tpu.vector_store_idx %arg8[%parallel_loop3A_357, %add3A_98], %parallel_loop3A_438 {add = true} : memref<128x256xf32, #tpu.memory_space<vmem>>[vector<16xi32>, vector<16xi32>], vector<16xf32>,
        %parallel_loop3A_439 = arith.constant 32 : i32
        %parallel_loop3A_440 = arith.addi %parallel_loop3A_203, %parallel_loop3A_439 : i32
        %parallel_loop3A_441 = arith.constant 0 : i32
        %parallel_loop3A_442 = arith.constant 0 : i32
        %parallel_loop3A_443 = tpu.memref_slice %arg7[%parallel_loop3A_167, %parallel_loop3A_441, %parallel_loop3A_442] : memref<2x128x256xf32, #tpu.memory_space<vmem>> -> memref<1x128x256xf32, #tpu.memory_space<vmem>>
        %parallel_loop3A_444 = tpu.memref_squeeze %parallel_loop3A_443 : memref<1x128x256xf32, #tpu.memory_space<vmem>> -> memref<128x256xf32, #tpu.memory_space<vmem>>
        %parallel_loop3A_445 = arith.index_cast %parallel_loop3A_440 : i32 to index
        %parallel_loop3A_446 = arith.constant 144 : index
        %parallel_loop3A_447 = tpu.vector_load %parallel_loop3A_444[%parallel_loop3A_445, %parallel_loop3A_446] {strides = array<i32>} : memref<128x256xf32, #tpu.memory_space<vmem>>, vector<16xf32>,
        tpu.vector_store_idx %arg8[%parallel_loop3A_357, %add3A_102], %parallel_loop3A_447 {add = true} : memref<128x256xf32, #tpu.memory_space<vmem>>[vector<16xi32>, vector<16xi32>], vector<16xf32>,
        %parallel_loop3A_448 = arith.constant 32 : i32
        %parallel_loop3A_449 = arith.addi %parallel_loop3A_203, %parallel_loop3A_448 : i32
        %parallel_loop3A_450 = arith.constant 0 : i32
        %parallel_loop3A_451 = arith.constant 0 : i32
        %parallel_loop3A_452 = tpu.memref_slice %arg7[%parallel_loop3A_167, %parallel_loop3A_450, %parallel_loop3A_451] : memref<2x128x256xf32, #tpu.memory_space<vmem>> -> memref<1x128x256xf32, #tpu.memory_space<vmem>>
        %parallel_loop3A_453 = tpu.memref_squeeze %parallel_loop3A_452 : memref<1x128x256xf32, #tpu.memory_space<vmem>> -> memref<128x256xf32, #tpu.memory_space<vmem>>
        %parallel_loop3A_454 = arith.index_cast %parallel_loop3A_449 : i32 to index
        %parallel_loop3A_455 = arith.constant 160 : index
        %parallel_loop3A_456 = tpu.vector_load %parallel_loop3A_453[%parallel_loop3A_454, %parallel_loop3A_455] {strides = array<i32>} : memref<128x256xf32, #tpu.memory_space<vmem>>, vector<16xf32>,
        tpu.vector_store_idx %arg8[%parallel_loop3A_357, %add3A_106], %parallel_loop3A_456 {add = true} : memref<128x256xf32, #tpu.memory_space<vmem>>[vector<16xi32>, vector<16xi32>], vector<16xf32>,
        %parallel_loop3A_457 = arith.constant 32 : i32
        %parallel_loop3A_458 = arith.addi %parallel_loop3A_203, %parallel_loop3A_457 : i32
        %parallel_loop3A_459 = arith.constant 0 : i32
        %parallel_loop3A_460 = arith.constant 0 : i32
        %parallel_loop3A_461 = tpu.memref_slice %arg7[%parallel_loop3A_167, %parallel_loop3A_459, %parallel_loop3A_460] : memref<2x128x256xf32, #tpu.memory_space<vmem>> -> memref<1x128x256xf32, #tpu.memory_space<vmem>>
        %parallel_loop3A_462 = tpu.memref_squeeze %parallel_loop3A_461 : memref<1x128x256xf32, #tpu.memory_space<vmem>> -> memref<128x256xf32, #tpu.memory_space<vmem>>
        %parallel_loop3A_463 = arith.index_cast %parallel_loop3A_458 : i32 to index
        %parallel_loop3A_464 = arith.constant 176 : index
        %parallel_loop3A_465 = tpu.vector_load %parallel_loop3A_462[%parallel_loop3A_463, %parallel_loop3A_464] {strides = array<i32>} : memref<128x256xf32, #tpu.memory_space<vmem>>, vector<16xf32>,
        tpu.vector_store_idx %arg8[%parallel_loop3A_357, %add3A_110], %parallel_loop3A_465 {add = true} : memref<128x256xf32, #tpu.memory_space<vmem>>[vector<16xi32>, vector<16xi32>], vector<16xf32>,
        %parallel_loop3A_466 = arith.constant 32 : i32
        %parallel_loop3A_467 = arith.addi %parallel_loop3A_203, %parallel_loop3A_466 : i32
        %parallel_loop3A_468 = arith.constant 0 : i32
        %parallel_loop3A_469 = arith.constant 0 : i32
        %parallel_loop3A_470 = tpu.memref_slice %arg7[%parallel_loop3A_167, %parallel_loop3A_468, %parallel_loop3A_469] : memref<2x128x256xf32, #tpu.memory_space<vmem>> -> memref<1x128x256xf32, #tpu.memory_space<vmem>>
        %parallel_loop3A_471 = tpu.memref_squeeze %parallel_loop3A_470 : memref<1x128x256xf32, #tpu.memory_space<vmem>> -> memref<128x256xf32, #tpu.memory_space<vmem>>
        %parallel_loop3A_472 = arith.index_cast %parallel_loop3A_467 : i32 to index
        %parallel_loop3A_473 = arith.constant 192 : index
        %parallel_loop3A_474 = tpu.vector_load %parallel_loop3A_471[%parallel_loop3A_472, %parallel_loop3A_473] {strides = array<i32>} : memref<128x256xf32, #tpu.memory_space<vmem>>, vector<16xf32>,
        tpu.vector_store_idx %arg8[%parallel_loop3A_357, %add3A_114], %parallel_loop3A_474 {add = true} : memref<128x256xf32, #tpu.memory_space<vmem>>[vector<16xi32>, vector<16xi32>], vector<16xf32>,
        %parallel_loop3A_475 = arith.constant 32 : i32
        %parallel_loop3A_476 = arith.addi %parallel_loop3A_203, %parallel_loop3A_475 : i32
        %parallel_loop3A_477 = arith.constant 0 : i32
        %parallel_loop3A_478 = arith.constant 0 : i32
        %parallel_loop3A_479 = tpu.memref_slice %arg7[%parallel_loop3A_167, %parallel_loop3A_477, %parallel_loop3A_478] : memref<2x128x256xf32, #tpu.memory_space<vmem>> -> memref<1x128x256xf32, #tpu.memory_space<vmem>>
        %parallel_loop3A_480 = tpu.memref_squeeze %parallel_loop3A_479 : memref<1x128x256xf32, #tpu.memory_space<vmem>> -> memref<128x256xf32, #tpu.memory_space<vmem>>
        %parallel_loop3A_481 = arith.index_cast %parallel_loop3A_476 : i32 to index
        %parallel_loop3A_482 = arith.constant 208 : index
        %parallel_loop3A_483 = tpu.vector_load %parallel_loop3A_480[%parallel_loop3A_481, %parallel_loop3A_482] {strides = array<i32>} : memref<128x256xf32, #tpu.memory_space<vmem>>, vector<16xf32>,
        tpu.vector_store_idx %arg8[%parallel_loop3A_357, %add3A_118], %parallel_loop3A_483 {add = true} : memref<128x256xf32, #tpu.memory_space<vmem>>[vector<16xi32>, vector<16xi32>], vector<16xf32>,
        %parallel_loop3A_484 = arith.constant 32 : i32
        %parallel_loop3A_485 = arith.addi %parallel_loop3A_203, %parallel_loop3A_484 : i32
        %parallel_loop3A_486 = arith.constant 0 : i32
        %parallel_loop3A_487 = arith.constant 0 : i32
        %parallel_loop3A_488 = tpu.memref_slice %arg7[%parallel_loop3A_167, %parallel_loop3A_486, %parallel_loop3A_487] : memref<2x128x256xf32, #tpu.memory_space<vmem>> -> memref<1x128x256xf32, #tpu.memory_space<vmem>>
        %parallel_loop3A_489 = tpu.memref_squeeze %parallel_loop3A_488 : memref<1x128x256xf32, #tpu.memory_space<vmem>> -> memref<128x256xf32, #tpu.memory_space<vmem>>
        %parallel_loop3A_490 = arith.index_cast %parallel_loop3A_485 : i32 to index
        %parallel_loop3A_491 = arith.constant 224 : index
        %parallel_loop3A_492 = tpu.vector_load %parallel_loop3A_489[%parallel_loop3A_490, %parallel_loop3A_491] {strides = array<i32>} : memref<128x256xf32, #tpu.memory_space<vmem>>, vector<16xf32>,
        tpu.vector_store_idx %arg8[%parallel_loop3A_357, %add3A_122], %parallel_loop3A_492 {add = true} : memref<128x256xf32, #tpu.memory_space<vmem>>[vector<16xi32>, vector<16xi32>], vector<16xf32>,
        %parallel_loop3A_493 = arith.constant 32 : i32
        %parallel_loop3A_494 = arith.addi %parallel_loop3A_203, %parallel_loop3A_493 : i32
        %parallel_loop3A_495 = arith.constant 0 : i32
        %parallel_loop3A_496 = arith.constant 0 : i32
        %parallel_loop3A_497 = tpu.memref_slice %arg7[%parallel_loop3A_167, %parallel_loop3A_495, %parallel_loop3A_496] : memref<2x128x256xf32, #tpu.memory_space<vmem>> -> memref<1x128x256xf32, #tpu.memory_space<vmem>>
        %parallel_loop3A_498 = tpu.memref_squeeze %parallel_loop3A_497 : memref<1x128x256xf32, #tpu.memory_space<vmem>> -> memref<128x256xf32, #tpu.memory_space<vmem>>
        %parallel_loop3A_499 = arith.index_cast %parallel_loop3A_494 : i32 to index
        %parallel_loop3A_500 = arith.constant 240 : index
        %parallel_loop3A_501 = tpu.vector_load %parallel_loop3A_498[%parallel_loop3A_499, %parallel_loop3A_500] {strides = array<i32>} : memref<128x256xf32, #tpu.memory_space<vmem>>, vector<16xf32>,
        tpu.vector_store_idx %arg8[%parallel_loop3A_357, %add3A_126], %parallel_loop3A_501 {add = true} : memref<128x256xf32, #tpu.memory_space<vmem>>[vector<16xi32>, vector<16xi32>], vector<16xf32>,
        %parallel_loop3A_502 = arith.addi %mul3A_151, %parallel_loop3A_203 : i32
        %parallel_loop3A_503 = arith.constant 64 : i32
        %parallel_loop3A_504 = arith.addi %parallel_loop3A_502, %parallel_loop3A_503 : i32
        %parallel_loop3A_505 = vector.broadcast %parallel_loop3A_504 : i32 to vector<16xi32>
        %parallel_loop3A_506 = tpu.vector_load_idx %arg6[%parallel_loop3A_505] : memref<1024xi32, #tpu.memory_space<vmem>>[vector<16xi32>], vector<16xi32>,
        tpu.vector_store_idx %arg9[%broadcast_in_dim3A_131, %parallel_loop3A_506], %broadcast_in_dim3A_133 masked %eq3A_129 {add = true} : memref<8x128xf32, #tpu.memory_space<vmem>>[vector<16xi32>, vector<16xi32>], vector<16xf32>, vector<16xi1>
        %parallel_loop3A_507 = arith.constant 64 : i32
        %parallel_loop3A_508 = arith.addi %parallel_loop3A_203, %parallel_loop3A_507 : i32
        %parallel_loop3A_509 = arith.constant 0 : i32
        %parallel_loop3A_510 = arith.constant 0 : i32
        %parallel_loop3A_511 = tpu.memref_slice %arg7[%parallel_loop3A_167, %parallel_loop3A_509, %parallel_loop3A_510] : memref<2x128x256xf32, #tpu.memory_space<vmem>> -> memref<1x128x256xf32, #tpu.memory_space<vmem>>
        %parallel_loop3A_512 = tpu.memref_squeeze %parallel_loop3A_511 : memref<1x128x256xf32, #tpu.memory_space<vmem>> -> memref<128x256xf32, #tpu.memory_space<vmem>>
        %parallel_loop3A_513 = arith.index_cast %parallel_loop3A_508 : i32 to index
        %parallel_loop3A_514 = arith.constant 0 : index
        %parallel_loop3A_515 = tpu.vector_load %parallel_loop3A_512[%parallel_loop3A_513, %parallel_loop3A_514] {strides = array<i32>} : memref<128x256xf32, #tpu.memory_space<vmem>>, vector<16xf32>,
        tpu.vector_store_idx %arg8[%parallel_loop3A_506, %add3A_66], %parallel_loop3A_515 {add = true} : memref<128x256xf32, #tpu.memory_space<vmem>>[vector<16xi32>, vector<16xi32>], vector<16xf32>,
        %parallel_loop3A_516 = arith.constant 64 : i32
        %parallel_loop3A_517 = arith.addi %parallel_loop3A_203, %parallel_loop3A_516 : i32
        %parallel_loop3A_518 = arith.constant 0 : i32
        %parallel_loop3A_519 = arith.constant 0 : i32
        %parallel_loop3A_520 = tpu.memref_slice %arg7[%parallel_loop3A_167, %parallel_loop3A_518, %parallel_loop3A_519] : memref<2x128x256xf32, #tpu.memory_space<vmem>> -> memref<1x128x256xf32, #tpu.memory_space<vmem>>
        %parallel_loop3A_521 = tpu.memref_squeeze %parallel_loop3A_520 : memref<1x128x256xf32, #tpu.memory_space<vmem>> -> memref<128x256xf32, #tpu.memory_space<vmem>>
        %parallel_loop3A_522 = arith.index_cast %parallel_loop3A_517 : i32 to index
        %parallel_loop3A_523 = arith.constant 16 : index
        %parallel_loop3A_524 = tpu.vector_load %parallel_loop3A_521[%parallel_loop3A_522, %parallel_loop3A_523] {strides = array<i32>} : memref<128x256xf32, #tpu.memory_space<vmem>>, vector<16xf32>,
        tpu.vector_store_idx %arg8[%parallel_loop3A_506, %add3A_70], %parallel_loop3A_524 {add = true} : memref<128x256xf32, #tpu.memory_space<vmem>>[vector<16xi32>, vector<16xi32>], vector<16xf32>,
        %parallel_loop3A_525 = arith.constant 64 : i32
        %parallel_loop3A_526 = arith.addi %parallel_loop3A_203, %parallel_loop3A_525 : i32
        %parallel_loop3A_527 = arith.constant 0 : i32
        %parallel_loop3A_528 = arith.constant 0 : i32
        %parallel_loop3A_529 = tpu.memref_slice %arg7[%parallel_loop3A_167, %parallel_loop3A_527, %parallel_loop3A_528] : memref<2x128x256xf32, #tpu.memory_space<vmem>> -> memref<1x128x256xf32, #tpu.memory_space<vmem>>
        %parallel_loop3A_530 = tpu.memref_squeeze %parallel_loop3A_529 : memref<1x128x256xf32, #tpu.memory_space<vmem>> -> memref<128x256xf32, #tpu.memory_space<vmem>>
        %parallel_loop3A_531 = arith.index_cast %parallel_loop3A_526 : i32 to index
        %parallel_loop3A_532 = arith.constant 32 : index
        %parallel_loop3A_533 = tpu.vector_load %parallel_loop3A_530[%parallel_loop3A_531, %parallel_loop3A_532] {strides = array<i32>} : memref<128x256xf32, #tpu.memory_space<vmem>>, vector<16xf32>,
        tpu.vector_store_idx %arg8[%parallel_loop3A_506, %add3A_74], %parallel_loop3A_533 {add = true} : memref<128x256xf32, #tpu.memory_space<vmem>>[vector<16xi32>, vector<16xi32>], vector<16xf32>,
        %parallel_loop3A_534 = arith.constant 64 : i32
        %parallel_loop3A_535 = arith.addi %parallel_loop3A_203, %parallel_loop3A_534 : i32
        %parallel_loop3A_536 = arith.constant 0 : i32
        %parallel_loop3A_537 = arith.constant 0 : i32
        %parallel_loop3A_538 = tpu.memref_slice %arg7[%parallel_loop3A_167, %parallel_loop3A_536, %parallel_loop3A_537] : memref<2x128x256xf32, #tpu.memory_space<vmem>> -> memref<1x128x256xf32, #tpu.memory_space<vmem>>
        %parallel_loop3A_539 = tpu.memref_squeeze %parallel_loop3A_538 : memref<1x128x256xf32, #tpu.memory_space<vmem>> -> memref<128x256xf32, #tpu.memory_space<vmem>>
        %parallel_loop3A_540 = arith.index_cast %parallel_loop3A_535 : i32 to index
        %parallel_loop3A_541 = arith.constant 48 : index
        %parallel_loop3A_542 = tpu.vector_load %parallel_loop3A_539[%parallel_loop3A_540, %parallel_loop3A_541] {strides = array<i32>} : memref<128x256xf32, #tpu.memory_space<vmem>>, vector<16xf32>,
        tpu.vector_store_idx %arg8[%parallel_loop3A_506, %add3A_78], %parallel_loop3A_542 {add = true} : memref<128x256xf32, #tpu.memory_space<vmem>>[vector<16xi32>, vector<16xi32>], vector<16xf32>,
        %parallel_loop3A_543 = arith.constant 64 : i32
        %parallel_loop3A_544 = arith.addi %parallel_loop3A_203, %parallel_loop3A_543 : i32
        %parallel_loop3A_545 = arith.constant 0 : i32
        %parallel_loop3A_546 = arith.constant 0 : i32
        %parallel_loop3A_547 = tpu.memref_slice %arg7[%parallel_loop3A_167, %parallel_loop3A_545, %parallel_loop3A_546] : memref<2x128x256xf32, #tpu.memory_space<vmem>> -> memref<1x128x256xf32, #tpu.memory_space<vmem>>
        %parallel_loop3A_548 = tpu.memref_squeeze %parallel_loop3A_547 : memref<1x128x256xf32, #tpu.memory_space<vmem>> -> memref<128x256xf32, #tpu.memory_space<vmem>>
        %parallel_loop3A_549 = arith.index_cast %parallel_loop3A_544 : i32 to index
        %parallel_loop3A_550 = arith.constant 64 : index
        %parallel_loop3A_551 = tpu.vector_load %parallel_loop3A_548[%parallel_loop3A_549, %parallel_loop3A_550] {strides = array<i32>} : memref<128x256xf32, #tpu.memory_space<vmem>>, vector<16xf32>,
        tpu.vector_store_idx %arg8[%parallel_loop3A_506, %add3A_82], %parallel_loop3A_551 {add = true} : memref<128x256xf32, #tpu.memory_space<vmem>>[vector<16xi32>, vector<16xi32>], vector<16xf32>,
        %parallel_loop3A_552 = arith.constant 64 : i32
        %parallel_loop3A_553 = arith.addi %parallel_loop3A_203, %parallel_loop3A_552 : i32
        %parallel_loop3A_554 = arith.constant 0 : i32
        %parallel_loop3A_555 = arith.constant 0 : i32
        %parallel_loop3A_556 = tpu.memref_slice %arg7[%parallel_loop3A_167, %parallel_loop3A_554, %parallel_loop3A_555] : memref<2x128x256xf32, #tpu.memory_space<vmem>> -> memref<1x128x256xf32, #tpu.memory_space<vmem>>
        %parallel_loop3A_557 = tpu.memref_squeeze %parallel_loop3A_556 : memref<1x128x256xf32, #tpu.memory_space<vmem>> -> memref<128x256xf32, #tpu.memory_space<vmem>>
        %parallel_loop3A_558 = arith.index_cast %parallel_loop3A_553 : i32 to index
        %parallel_loop3A_559 = arith.constant 80 : index
        %parallel_loop3A_560 = tpu.vector_load %parallel_loop3A_557[%parallel_loop3A_558, %parallel_loop3A_559] {strides = array<i32>} : memref<128x256xf32, #tpu.memory_space<vmem>>, vector<16xf32>,
        tpu.vector_store_idx %arg8[%parallel_loop3A_506, %add3A_86], %parallel_loop3A_560 {add = true} : memref<128x256xf32, #tpu.memory_space<vmem>>[vector<16xi32>, vector<16xi32>], vector<16xf32>,
        %parallel_loop3A_561 = arith.constant 64 : i32
        %parallel_loop3A_562 = arith.addi %parallel_loop3A_203, %parallel_loop3A_561 : i32
        %parallel_loop3A_563 = arith.constant 0 : i32
        %parallel_loop3A_564 = arith.constant 0 : i32
        %parallel_loop3A_565 = tpu.memref_slice %arg7[%parallel_loop3A_167, %parallel_loop3A_563, %parallel_loop3A_564] : memref<2x128x256xf32, #tpu.memory_space<vmem>> -> memref<1x128x256xf32, #tpu.memory_space<vmem>>
        %parallel_loop3A_566 = tpu.memref_squeeze %parallel_loop3A_565 : memref<1x128x256xf32, #tpu.memory_space<vmem>> -> memref<128x256xf32, #tpu.memory_space<vmem>>
        %parallel_loop3A_567 = arith.index_cast %parallel_loop3A_562 : i32 to index
        %parallel_loop3A_568 = arith.constant 96 : index
        %parallel_loop3A_569 = tpu.vector_load %parallel_loop3A_566[%parallel_loop3A_567, %parallel_loop3A_568] {strides = array<i32>} : memref<128x256xf32, #tpu.memory_space<vmem>>, vector<16xf32>,
        tpu.vector_store_idx %arg8[%parallel_loop3A_506, %add3A_90], %parallel_loop3A_569 {add = true} : memref<128x256xf32, #tpu.memory_space<vmem>>[vector<16xi32>, vector<16xi32>], vector<16xf32>,
        %parallel_loop3A_570 = arith.constant 64 : i32
        %parallel_loop3A_571 = arith.addi %parallel_loop3A_203, %parallel_loop3A_570 : i32
        %parallel_loop3A_572 = arith.constant 0 : i32
        %parallel_loop3A_573 = arith.constant 0 : i32
        %parallel_loop3A_574 = tpu.memref_slice %arg7[%parallel_loop3A_167, %parallel_loop3A_572, %parallel_loop3A_573] : memref<2x128x256xf32, #tpu.memory_space<vmem>> -> memref<1x128x256xf32, #tpu.memory_space<vmem>>
        %parallel_loop3A_575 = tpu.memref_squeeze %parallel_loop3A_574 : memref<1x128x256xf32, #tpu.memory_space<vmem>> -> memref<128x256xf32, #tpu.memory_space<vmem>>
        %parallel_loop3A_576 = arith.index_cast %parallel_loop3A_571 : i32 to index
        %parallel_loop3A_577 = arith.constant 112 : index
        %parallel_loop3A_578 = tpu.vector_load %parallel_loop3A_575[%parallel_loop3A_576, %parallel_loop3A_577] {strides = array<i32>} : memref<128x256xf32, #tpu.memory_space<vmem>>, vector<16xf32>,
        tpu.vector_store_idx %arg8[%parallel_loop3A_506, %add3A_94], %parallel_loop3A_578 {add = true} : memref<128x256xf32, #tpu.memory_space<vmem>>[vector<16xi32>, vector<16xi32>], vector<16xf32>,
        %parallel_loop3A_579 = arith.constant 64 : i32
        %parallel_loop3A_580 = arith.addi %parallel_loop3A_203, %parallel_loop3A_579 : i32
        %parallel_loop3A_581 = arith.constant 0 : i32
        %parallel_loop3A_582 = arith.constant 0 : i32
        %parallel_loop3A_583 = tpu.memref_slice %arg7[%parallel_loop3A_167, %parallel_loop3A_581, %parallel_loop3A_582] : memref<2x128x256xf32, #tpu.memory_space<vmem>> -> memref<1x128x256xf32, #tpu.memory_space<vmem>>
        %parallel_loop3A_584 = tpu.memref_squeeze %parallel_loop3A_583 : memref<1x128x256xf32, #tpu.memory_space<vmem>> -> memref<128x256xf32, #tpu.memory_space<vmem>>
        %parallel_loop3A_585 = arith.index_cast %parallel_loop3A_580 : i32 to index
        %parallel_loop3A_586 = arith.constant 128 : index
        %parallel_loop3A_587 = tpu.vector_load %parallel_loop3A_584[%parallel_loop3A_585, %parallel_loop3A_586] {strides = array<i32>} : memref<128x256xf32, #tpu.memory_space<vmem>>, vector<16xf32>,
        tpu.vector_store_idx %arg8[%parallel_loop3A_506, %add3A_98], %parallel_loop3A_587 {add = true} : memref<128x256xf32, #tpu.memory_space<vmem>>[vector<16xi32>, vector<16xi32>], vector<16xf32>,
        %parallel_loop3A_588 = arith.constant 64 : i32
        %parallel_loop3A_589 = arith.addi %parallel_loop3A_203, %parallel_loop3A_588 : i32
        %parallel_loop3A_590 = arith.constant 0 : i32
        %parallel_loop3A_591 = arith.constant 0 : i32
        %parallel_loop3A_592 = tpu.memref_slice %arg7[%parallel_loop3A_167, %parallel_loop3A_590, %parallel_loop3A_591] : memref<2x128x256xf32, #tpu.memory_space<vmem>> -> memref<1x128x256xf32, #tpu.memory_space<vmem>>
        %parallel_loop3A_593 = tpu.memref_squeeze %parallel_loop3A_592 : memref<1x128x256xf32, #tpu.memory_space<vmem>> -> memref<128x256xf32, #tpu.memory_space<vmem>>
        %parallel_loop3A_594 = arith.index_cast %parallel_loop3A_589 : i32 to index
        %parallel_loop3A_595 = arith.constant 144 : index
        %parallel_loop3A_596 = tpu.vector_load %parallel_loop3A_593[%parallel_loop3A_594, %parallel_loop3A_595] {strides = array<i32>} : memref<128x256xf32, #tpu.memory_space<vmem>>, vector<16xf32>,
        tpu.vector_store_idx %arg8[%parallel_loop3A_506, %add3A_102], %parallel_loop3A_596 {add = true} : memref<128x256xf32, #tpu.memory_space<vmem>>[vector<16xi32>, vector<16xi32>], vector<16xf32>,
        %parallel_loop3A_597 = arith.constant 64 : i32
        %parallel_loop3A_598 = arith.addi %parallel_loop3A_203, %parallel_loop3A_597 : i32
        %parallel_loop3A_599 = arith.constant 0 : i32
        %parallel_loop3A_600 = arith.constant 0 : i32
        %parallel_loop3A_601 = tpu.memref_slice %arg7[%parallel_loop3A_167, %parallel_loop3A_599, %parallel_loop3A_600] : memref<2x128x256xf32, #tpu.memory_space<vmem>> -> memref<1x128x256xf32, #tpu.memory_space<vmem>>
        %parallel_loop3A_602 = tpu.memref_squeeze %parallel_loop3A_601 : memref<1x128x256xf32, #tpu.memory_space<vmem>> -> memref<128x256xf32, #tpu.memory_space<vmem>>
        %parallel_loop3A_603 = arith.index_cast %parallel_loop3A_598 : i32 to index
        %parallel_loop3A_604 = arith.constant 160 : index
        %parallel_loop3A_605 = tpu.vector_load %parallel_loop3A_602[%parallel_loop3A_603, %parallel_loop3A_604] {strides = array<i32>} : memref<128x256xf32, #tpu.memory_space<vmem>>, vector<16xf32>,
        tpu.vector_store_idx %arg8[%parallel_loop3A_506, %add3A_106], %parallel_loop3A_605 {add = true} : memref<128x256xf32, #tpu.memory_space<vmem>>[vector<16xi32>, vector<16xi32>], vector<16xf32>,
        %parallel_loop3A_606 = arith.constant 64 : i32
        %parallel_loop3A_607 = arith.addi %parallel_loop3A_203, %parallel_loop3A_606 : i32
        %parallel_loop3A_608 = arith.constant 0 : i32
        %parallel_loop3A_609 = arith.constant 0 : i32
        %parallel_loop3A_610 = tpu.memref_slice %arg7[%parallel_loop3A_167, %parallel_loop3A_608, %parallel_loop3A_609] : memref<2x128x256xf32, #tpu.memory_space<vmem>> -> memref<1x128x256xf32, #tpu.memory_space<vmem>>
        %parallel_loop3A_611 = tpu.memref_squeeze %parallel_loop3A_610 : memref<1x128x256xf32, #tpu.memory_space<vmem>> -> memref<128x256xf32, #tpu.memory_space<vmem>>
        %parallel_loop3A_612 = arith.index_cast %parallel_loop3A_607 : i32 to index
        %parallel_loop3A_613 = arith.constant 176 : index
        %parallel_loop3A_614 = tpu.vector_load %parallel_loop3A_611[%parallel_loop3A_612, %parallel_loop3A_613] {strides = array<i32>} : memref<128x256xf32, #tpu.memory_space<vmem>>, vector<16xf32>,
        tpu.vector_store_idx %arg8[%parallel_loop3A_506, %add3A_110], %parallel_loop3A_614 {add = true} : memref<128x256xf32, #tpu.memory_space<vmem>>[vector<16xi32>, vector<16xi32>], vector<16xf32>,
        %parallel_loop3A_615 = arith.constant 64 : i32
        %parallel_loop3A_616 = arith.addi %parallel_loop3A_203, %parallel_loop3A_615 : i32
        %parallel_loop3A_617 = arith.constant 0 : i32
        %parallel_loop3A_618 = arith.constant 0 : i32
        %parallel_loop3A_619 = tpu.memref_slice %arg7[%parallel_loop3A_167, %parallel_loop3A_617, %parallel_loop3A_618] : memref<2x128x256xf32, #tpu.memory_space<vmem>> -> memref<1x128x256xf32, #tpu.memory_space<vmem>>
        %parallel_loop3A_620 = tpu.memref_squeeze %parallel_loop3A_619 : memref<1x128x256xf32, #tpu.memory_space<vmem>> -> memref<128x256xf32, #tpu.memory_space<vmem>>
        %parallel_loop3A_621 = arith.index_cast %parallel_loop3A_616 : i32 to index
        %parallel_loop3A_622 = arith.constant 192 : index
        %parallel_loop3A_623 = tpu.vector_load %parallel_loop3A_620[%parallel_loop3A_621, %parallel_loop3A_622] {strides = array<i32>} : memref<128x256xf32, #tpu.memory_space<vmem>>, vector<16xf32>,
        tpu.vector_store_idx %arg8[%parallel_loop3A_506, %add3A_114], %parallel_loop3A_623 {add = true} : memref<128x256xf32, #tpu.memory_space<vmem>>[vector<16xi32>, vector<16xi32>], vector<16xf32>,
        %parallel_loop3A_624 = arith.constant 64 : i32
        %parallel_loop3A_625 = arith.addi %parallel_loop3A_203, %parallel_loop3A_624 : i32
        %parallel_loop3A_626 = arith.constant 0 : i32
        %parallel_loop3A_627 = arith.constant 0 : i32
        %parallel_loop3A_628 = tpu.memref_slice %arg7[%parallel_loop3A_167, %parallel_loop3A_626, %parallel_loop3A_627] : memref<2x128x256xf32, #tpu.memory_space<vmem>> -> memref<1x128x256xf32, #tpu.memory_space<vmem>>
        %parallel_loop3A_629 = tpu.memref_squeeze %parallel_loop3A_628 : memref<1x128x256xf32, #tpu.memory_space<vmem>> -> memref<128x256xf32, #tpu.memory_space<vmem>>
        %parallel_loop3A_630 = arith.index_cast %parallel_loop3A_625 : i32 to index
        %parallel_loop3A_631 = arith.constant 208 : index
        %parallel_loop3A_632 = tpu.vector_load %parallel_loop3A_629[%parallel_loop3A_630, %parallel_loop3A_631] {strides = array<i32>} : memref<128x256xf32, #tpu.memory_space<vmem>>, vector<16xf32>,
        tpu.vector_store_idx %arg8[%parallel_loop3A_506, %add3A_118], %parallel_loop3A_632 {add = true} : memref<128x256xf32, #tpu.memory_space<vmem>>[vector<16xi32>, vector<16xi32>], vector<16xf32>,
        %parallel_loop3A_633 = arith.constant 64 : i32
        %parallel_loop3A_634 = arith.addi %parallel_loop3A_203, %parallel_loop3A_633 : i32
        %parallel_loop3A_635 = arith.constant 0 : i32
        %parallel_loop3A_636 = arith.constant 0 : i32
        %parallel_loop3A_637 = tpu.memref_slice %arg7[%parallel_loop3A_167, %parallel_loop3A_635, %parallel_loop3A_636] : memref<2x128x256xf32, #tpu.memory_space<vmem>> -> memref<1x128x256xf32, #tpu.memory_space<vmem>>
        %parallel_loop3A_638 = tpu.memref_squeeze %parallel_loop3A_637 : memref<1x128x256xf32, #tpu.memory_space<vmem>> -> memref<128x256xf32, #tpu.memory_space<vmem>>
        %parallel_loop3A_639 = arith.index_cast %parallel_loop3A_634 : i32 to index
        %parallel_loop3A_640 = arith.constant 224 : index
        %parallel_loop3A_641 = tpu.vector_load %parallel_loop3A_638[%parallel_loop3A_639, %parallel_loop3A_640] {strides = array<i32>} : memref<128x256xf32, #tpu.memory_space<vmem>>, vector<16xf32>,
        tpu.vector_store_idx %arg8[%parallel_loop3A_506, %add3A_122], %parallel_loop3A_641 {add = true} : memref<128x256xf32, #tpu.memory_space<vmem>>[vector<16xi32>, vector<16xi32>], vector<16xf32>,
        %parallel_loop3A_642 = arith.constant 64 : i32
        %parallel_loop3A_643 = arith.addi %parallel_loop3A_203, %parallel_loop3A_642 : i32
        %parallel_loop3A_644 = arith.constant 0 : i32
        %parallel_loop3A_645 = arith.constant 0 : i32
        %parallel_loop3A_646 = tpu.memref_slice %arg7[%parallel_loop3A_167, %parallel_loop3A_644, %parallel_loop3A_645] : memref<2x128x256xf32, #tpu.memory_space<vmem>> -> memref<1x128x256xf32, #tpu.memory_space<vmem>>
        %parallel_loop3A_647 = tpu.memref_squeeze %parallel_loop3A_646 : memref<1x128x256xf32, #tpu.memory_space<vmem>> -> memref<128x256xf32, #tpu.memory_space<vmem>>
        %parallel_loop3A_648 = arith.index_cast %parallel_loop3A_643 : i32 to index
        %parallel_loop3A_649 = arith.constant 240 : index
        %parallel_loop3A_650 = tpu.vector_load %parallel_loop3A_647[%parallel_loop3A_648, %parallel_loop3A_649] {strides = array<i32>} : memref<128x256xf32, #tpu.memory_space<vmem>>, vector<16xf32>,
        tpu.vector_store_idx %arg8[%parallel_loop3A_506, %add3A_126], %parallel_loop3A_650 {add = true} : memref<128x256xf32, #tpu.memory_space<vmem>>[vector<16xi32>, vector<16xi32>], vector<16xf32>,
        %parallel_loop3A_651 = arith.addi %mul3A_151, %parallel_loop3A_203 : i32
        %parallel_loop3A_652 = arith.constant 96 : i32
        %parallel_loop3A_653 = arith.addi %parallel_loop3A_651, %parallel_loop3A_652 : i32
        %parallel_loop3A_654 = vector.broadcast %parallel_loop3A_653 : i32 to vector<16xi32>
        %parallel_loop3A_655 = tpu.vector_load_idx %arg6[%parallel_loop3A_654] : memref<1024xi32, #tpu.memory_space<vmem>>[vector<16xi32>], vector<16xi32>,
        tpu.vector_store_idx %arg9[%broadcast_in_dim3A_131, %parallel_loop3A_655], %broadcast_in_dim3A_133 masked %eq3A_129 {add = true} : memref<8x128xf32, #tpu.memory_space<vmem>>[vector<16xi32>, vector<16xi32>], vector<16xf32>, vector<16xi1>
        %parallel_loop3A_656 = arith.constant 96 : i32
        %parallel_loop3A_657 = arith.addi %parallel_loop3A_203, %parallel_loop3A_656 : i32
        %parallel_loop3A_658 = arith.constant 0 : i32
        %parallel_loop3A_659 = arith.constant 0 : i32
        %parallel_loop3A_660 = tpu.memref_slice %arg7[%parallel_loop3A_167, %parallel_loop3A_658, %parallel_loop3A_659] : memref<2x128x256xf32, #tpu.memory_space<vmem>> -> memref<1x128x256xf32, #tpu.memory_space<vmem>>
        %parallel_loop3A_661 = tpu.memref_squeeze %parallel_loop3A_660 : memref<1x128x256xf32, #tpu.memory_space<vmem>> -> memref<128x256xf32, #tpu.memory_space<vmem>>
        %parallel_loop3A_662 = arith.index_cast %parallel_loop3A_657 : i32 to index
        %parallel_loop3A_663 = arith.constant 0 : index
        %parallel_loop3A_664 = tpu.vector_load %parallel_loop3A_661[%parallel_loop3A_662, %parallel_loop3A_663] {strides = array<i32>} : memref<128x256xf32, #tpu.memory_space<vmem>>, vector<16xf32>,
        tpu.vector_store_idx %arg8[%parallel_loop3A_655, %add3A_66], %parallel_loop3A_664 {add = true} : memref<128x256xf32, #tpu.memory_space<vmem>>[vector<16xi32>, vector<16xi32>], vector<16xf32>,
        %parallel_loop3A_665 = arith.constant 96 : i32
        %parallel_loop3A_666 = arith.addi %parallel_loop3A_203, %parallel_loop3A_665 : i32
        %parallel_loop3A_667 = arith.constant 0 : i32
        %parallel_loop3A_668 = arith.constant 0 : i32
        %parallel_loop3A_669 = tpu.memref_slice %arg7[%parallel_loop3A_167, %parallel_loop3A_667, %parallel_loop3A_668] : memref<2x128x256xf32, #tpu.memory_space<vmem>> -> memref<1x128x256xf32, #tpu.memory_space<vmem>>
        %parallel_loop3A_670 = tpu.memref_squeeze %parallel_loop3A_669 : memref<1x128x256xf32, #tpu.memory_space<vmem>> -> memref<128x256xf32, #tpu.memory_space<vmem>>
        %parallel_loop3A_671 = arith.index_cast %parallel_loop3A_666 : i32 to index
        %parallel_loop3A_672 = arith.constant 16 : index
        %parallel_loop3A_673 = tpu.vector_load %parallel_loop3A_670[%parallel_loop3A_671, %parallel_loop3A_672] {strides = array<i32>} : memref<128x256xf32, #tpu.memory_space<vmem>>, vector<16xf32>,
        tpu.vector_store_idx %arg8[%parallel_loop3A_655, %add3A_70], %parallel_loop3A_673 {add = true} : memref<128x256xf32, #tpu.memory_space<vmem>>[vector<16xi32>, vector<16xi32>], vector<16xf32>,
        %parallel_loop3A_674 = arith.constant 96 : i32
        %parallel_loop3A_675 = arith.addi %parallel_loop3A_203, %parallel_loop3A_674 : i32
        %parallel_loop3A_676 = arith.constant 0 : i32
        %parallel_loop3A_677 = arith.constant 0 : i32
        %parallel_loop3A_678 = tpu.memref_slice %arg7[%parallel_loop3A_167, %parallel_loop3A_676, %parallel_loop3A_677] : memref<2x128x256xf32, #tpu.memory_space<vmem>> -> memref<1x128x256xf32, #tpu.memory_space<vmem>>
        %parallel_loop3A_679 = tpu.memref_squeeze %parallel_loop3A_678 : memref<1x128x256xf32, #tpu.memory_space<vmem>> -> memref<128x256xf32, #tpu.memory_space<vmem>>
        %parallel_loop3A_680 = arith.index_cast %parallel_loop3A_675 : i32 to index
        %parallel_loop3A_681 = arith.constant 32 : index
        %parallel_loop3A_682 = tpu.vector_load %parallel_loop3A_679[%parallel_loop3A_680, %parallel_loop3A_681] {strides = array<i32>} : memref<128x256xf32, #tpu.memory_space<vmem>>, vector<16xf32>,
        tpu.vector_store_idx %arg8[%parallel_loop3A_655, %add3A_74], %parallel_loop3A_682 {add = true} : memref<128x256xf32, #tpu.memory_space<vmem>>[vector<16xi32>, vector<16xi32>], vector<16xf32>,
        %parallel_loop3A_683 = arith.constant 96 : i32
        %parallel_loop3A_684 = arith.addi %parallel_loop3A_203, %parallel_loop3A_683 : i32
        %parallel_loop3A_685 = arith.constant 0 : i32
        %parallel_loop3A_686 = arith.constant 0 : i32
        %parallel_loop3A_687 = tpu.memref_slice %arg7[%parallel_loop3A_167, %parallel_loop3A_685, %parallel_loop3A_686] : memref<2x128x256xf32, #tpu.memory_space<vmem>> -> memref<1x128x256xf32, #tpu.memory_space<vmem>>
        %parallel_loop3A_688 = tpu.memref_squeeze %parallel_loop3A_687 : memref<1x128x256xf32, #tpu.memory_space<vmem>> -> memref<128x256xf32, #tpu.memory_space<vmem>>
        %parallel_loop3A_689 = arith.index_cast %parallel_loop3A_684 : i32 to index
        %parallel_loop3A_690 = arith.constant 48 : index
        %parallel_loop3A_691 = tpu.vector_load %parallel_loop3A_688[%parallel_loop3A_689, %parallel_loop3A_690] {strides = array<i32>} : memref<128x256xf32, #tpu.memory_space<vmem>>, vector<16xf32>,
        tpu.vector_store_idx %arg8[%parallel_loop3A_655, %add3A_78], %parallel_loop3A_691 {add = true} : memref<128x256xf32, #tpu.memory_space<vmem>>[vector<16xi32>, vector<16xi32>], vector<16xf32>,
        %parallel_loop3A_692 = arith.constant 96 : i32
        %parallel_loop3A_693 = arith.addi %parallel_loop3A_203, %parallel_loop3A_692 : i32
        %parallel_loop3A_694 = arith.constant 0 : i32
        %parallel_loop3A_695 = arith.constant 0 : i32
        %parallel_loop3A_696 = tpu.memref_slice %arg7[%parallel_loop3A_167, %parallel_loop3A_694, %parallel_loop3A_695] : memref<2x128x256xf32, #tpu.memory_space<vmem>> -> memref<1x128x256xf32, #tpu.memory_space<vmem>>
        %parallel_loop3A_697 = tpu.memref_squeeze %parallel_loop3A_696 : memref<1x128x256xf32, #tpu.memory_space<vmem>> -> memref<128x256xf32, #tpu.memory_space<vmem>>
        %parallel_loop3A_698 = arith.index_cast %parallel_loop3A_693 : i32 to index
        %parallel_loop3A_699 = arith.constant 64 : index
        %parallel_loop3A_700 = tpu.vector_load %parallel_loop3A_697[%parallel_loop3A_698, %parallel_loop3A_699] {strides = array<i32>} : memref<128x256xf32, #tpu.memory_space<vmem>>, vector<16xf32>,
        tpu.vector_store_idx %arg8[%parallel_loop3A_655, %add3A_82], %parallel_loop3A_700 {add = true} : memref<128x256xf32, #tpu.memory_space<vmem>>[vector<16xi32>, vector<16xi32>], vector<16xf32>,
        %parallel_loop3A_701 = arith.constant 96 : i32
        %parallel_loop3A_702 = arith.addi %parallel_loop3A_203, %parallel_loop3A_701 : i32
        %parallel_loop3A_703 = arith.constant 0 : i32
        %parallel_loop3A_704 = arith.constant 0 : i32
        %parallel_loop3A_705 = tpu.memref_slice %arg7[%parallel_loop3A_167, %parallel_loop3A_703, %parallel_loop3A_704] : memref<2x128x256xf32, #tpu.memory_space<vmem>> -> memref<1x128x256xf32, #tpu.memory_space<vmem>>
        %parallel_loop3A_706 = tpu.memref_squeeze %parallel_loop3A_705 : memref<1x128x256xf32, #tpu.memory_space<vmem>> -> memref<128x256xf32, #tpu.memory_space<vmem>>
        %parallel_loop3A_707 = arith.index_cast %parallel_loop3A_702 : i32 to index
        %parallel_loop3A_708 = arith.constant 80 : index
        %parallel_loop3A_709 = tpu.vector_load %parallel_loop3A_706[%parallel_loop3A_707, %parallel_loop3A_708] {strides = array<i32>} : memref<128x256xf32, #tpu.memory_space<vmem>>, vector<16xf32>,
        tpu.vector_store_idx %arg8[%parallel_loop3A_655, %add3A_86], %parallel_loop3A_709 {add = true} : memref<128x256xf32, #tpu.memory_space<vmem>>[vector<16xi32>, vector<16xi32>], vector<16xf32>,
        %parallel_loop3A_710 = arith.constant 96 : i32
        %parallel_loop3A_711 = arith.addi %parallel_loop3A_203, %parallel_loop3A_710 : i32
        %parallel_loop3A_712 = arith.constant 0 : i32
        %parallel_loop3A_713 = arith.constant 0 : i32
        %parallel_loop3A_714 = tpu.memref_slice %arg7[%parallel_loop3A_167, %parallel_loop3A_712, %parallel_loop3A_713] : memref<2x128x256xf32, #tpu.memory_space<vmem>> -> memref<1x128x256xf32, #tpu.memory_space<vmem>>
        %parallel_loop3A_715 = tpu.memref_squeeze %parallel_loop3A_714 : memref<1x128x256xf32, #tpu.memory_space<vmem>> -> memref<128x256xf32, #tpu.memory_space<vmem>>
        %parallel_loop3A_716 = arith.index_cast %parallel_loop3A_711 : i32 to index
        %parallel_loop3A_717 = arith.constant 96 : index
        %parallel_loop3A_718 = tpu.vector_load %parallel_loop3A_715[%parallel_loop3A_716, %parallel_loop3A_717] {strides = array<i32>} : memref<128x256xf32, #tpu.memory_space<vmem>>, vector<16xf32>,
        tpu.vector_store_idx %arg8[%parallel_loop3A_655, %add3A_90], %parallel_loop3A_718 {add = true} : memref<128x256xf32, #tpu.memory_space<vmem>>[vector<16xi32>, vector<16xi32>], vector<16xf32>,
        %parallel_loop3A_719 = arith.constant 96 : i32
        %parallel_loop3A_720 = arith.addi %parallel_loop3A_203, %parallel_loop3A_719 : i32
        %parallel_loop3A_721 = arith.constant 0 : i32
        %parallel_loop3A_722 = arith.constant 0 : i32
        %parallel_loop3A_723 = tpu.memref_slice %arg7[%parallel_loop3A_167, %parallel_loop3A_721, %parallel_loop3A_722] : memref<2x128x256xf32, #tpu.memory_space<vmem>> -> memref<1x128x256xf32, #tpu.memory_space<vmem>>
        %parallel_loop3A_724 = tpu.memref_squeeze %parallel_loop3A_723 : memref<1x128x256xf32, #tpu.memory_space<vmem>> -> memref<128x256xf32, #tpu.memory_space<vmem>>
        %parallel_loop3A_725 = arith.index_cast %parallel_loop3A_720 : i32 to index
        %parallel_loop3A_726 = arith.constant 112 : index
        %parallel_loop3A_727 = tpu.vector_load %parallel_loop3A_724[%parallel_loop3A_725, %parallel_loop3A_726] {strides = array<i32>} : memref<128x256xf32, #tpu.memory_space<vmem>>, vector<16xf32>,
        tpu.vector_store_idx %arg8[%parallel_loop3A_655, %add3A_94], %parallel_loop3A_727 {add = true} : memref<128x256xf32, #tpu.memory_space<vmem>>[vector<16xi32>, vector<16xi32>], vector<16xf32>,
        %parallel_loop3A_728 = arith.constant 96 : i32
        %parallel_loop3A_729 = arith.addi %parallel_loop3A_203, %parallel_loop3A_728 : i32
        %parallel_loop3A_730 = arith.constant 0 : i32
        %parallel_loop3A_731 = arith.constant 0 : i32
        %parallel_loop3A_732 = tpu.memref_slice %arg7[%parallel_loop3A_167, %parallel_loop3A_730, %parallel_loop3A_731] : memref<2x128x256xf32, #tpu.memory_space<vmem>> -> memref<1x128x256xf32, #tpu.memory_space<vmem>>
        %parallel_loop3A_733 = tpu.memref_squeeze %parallel_loop3A_732 : memref<1x128x256xf32, #tpu.memory_space<vmem>> -> memref<128x256xf32, #tpu.memory_space<vmem>>
        %parallel_loop3A_734 = arith.index_cast %parallel_loop3A_729 : i32 to index
        %parallel_loop3A_735 = arith.constant 128 : index
        %parallel_loop3A_736 = tpu.vector_load %parallel_loop3A_733[%parallel_loop3A_734, %parallel_loop3A_735] {strides = array<i32>} : memref<128x256xf32, #tpu.memory_space<vmem>>, vector<16xf32>,
        tpu.vector_store_idx %arg8[%parallel_loop3A_655, %add3A_98], %parallel_loop3A_736 {add = true} : memref<128x256xf32, #tpu.memory_space<vmem>>[vector<16xi32>, vector<16xi32>], vector<16xf32>,
        %parallel_loop3A_737 = arith.constant 96 : i32
        %parallel_loop3A_738 = arith.addi %parallel_loop3A_203, %parallel_loop3A_737 : i32
        %parallel_loop3A_739 = arith.constant 0 : i32
        %parallel_loop3A_740 = arith.constant 0 : i32
        %parallel_loop3A_741 = tpu.memref_slice %arg7[%parallel_loop3A_167, %parallel_loop3A_739, %parallel_loop3A_740] : memref<2x128x256xf32, #tpu.memory_space<vmem>> -> memref<1x128x256xf32, #tpu.memory_space<vmem>>
        %parallel_loop3A_742 = tpu.memref_squeeze %parallel_loop3A_741 : memref<1x128x256xf32, #tpu.memory_space<vmem>> -> memref<128x256xf32, #tpu.memory_space<vmem>>
        %parallel_loop3A_743 = arith.index_cast %parallel_loop3A_738 : i32 to index
        %parallel_loop3A_744 = arith.constant 144 : index
        %parallel_loop3A_745 = tpu.vector_load %parallel_loop3A_742[%parallel_loop3A_743, %parallel_loop3A_744] {strides = array<i32>} : memref<128x256xf32, #tpu.memory_space<vmem>>, vector<16xf32>,
        tpu.vector_store_idx %arg8[%parallel_loop3A_655, %add3A_102], %parallel_loop3A_745 {add = true} : memref<128x256xf32, #tpu.memory_space<vmem>>[vector<16xi32>, vector<16xi32>], vector<16xf32>,
        %parallel_loop3A_746 = arith.constant 96 : i32
        %parallel_loop3A_747 = arith.addi %parallel_loop3A_203, %parallel_loop3A_746 : i32
        %parallel_loop3A_748 = arith.constant 0 : i32
        %parallel_loop3A_749 = arith.constant 0 : i32
        %parallel_loop3A_750 = tpu.memref_slice %arg7[%parallel_loop3A_167, %parallel_loop3A_748, %parallel_loop3A_749] : memref<2x128x256xf32, #tpu.memory_space<vmem>> -> memref<1x128x256xf32, #tpu.memory_space<vmem>>
        %parallel_loop3A_751 = tpu.memref_squeeze %parallel_loop3A_750 : memref<1x128x256xf32, #tpu.memory_space<vmem>> -> memref<128x256xf32, #tpu.memory_space<vmem>>
        %parallel_loop3A_752 = arith.index_cast %parallel_loop3A_747 : i32 to index
        %parallel_loop3A_753 = arith.constant 160 : index
        %parallel_loop3A_754 = tpu.vector_load %parallel_loop3A_751[%parallel_loop3A_752, %parallel_loop3A_753] {strides = array<i32>} : memref<128x256xf32, #tpu.memory_space<vmem>>, vector<16xf32>,
        tpu.vector_store_idx %arg8[%parallel_loop3A_655, %add3A_106], %parallel_loop3A_754 {add = true} : memref<128x256xf32, #tpu.memory_space<vmem>>[vector<16xi32>, vector<16xi32>], vector<16xf32>,
        %parallel_loop3A_755 = arith.constant 96 : i32
        %parallel_loop3A_756 = arith.addi %parallel_loop3A_203, %parallel_loop3A_755 : i32
        %parallel_loop3A_757 = arith.constant 0 : i32
        %parallel_loop3A_758 = arith.constant 0 : i32
        %parallel_loop3A_759 = tpu.memref_slice %arg7[%parallel_loop3A_167, %parallel_loop3A_757, %parallel_loop3A_758] : memref<2x128x256xf32, #tpu.memory_space<vmem>> -> memref<1x128x256xf32, #tpu.memory_space<vmem>>
        %parallel_loop3A_760 = tpu.memref_squeeze %parallel_loop3A_759 : memref<1x128x256xf32, #tpu.memory_space<vmem>> -> memref<128x256xf32, #tpu.memory_space<vmem>>
        %parallel_loop3A_761 = arith.index_cast %parallel_loop3A_756 : i32 to index
        %parallel_loop3A_762 = arith.constant 176 : index
        %parallel_loop3A_763 = tpu.vector_load %parallel_loop3A_760[%parallel_loop3A_761, %parallel_loop3A_762] {strides = array<i32>} : memref<128x256xf32, #tpu.memory_space<vmem>>, vector<16xf32>,
        tpu.vector_store_idx %arg8[%parallel_loop3A_655, %add3A_110], %parallel_loop3A_763 {add = true} : memref<128x256xf32, #tpu.memory_space<vmem>>[vector<16xi32>, vector<16xi32>], vector<16xf32>,
        %parallel_loop3A_764 = arith.constant 96 : i32
        %parallel_loop3A_765 = arith.addi %parallel_loop3A_203, %parallel_loop3A_764 : i32
        %parallel_loop3A_766 = arith.constant 0 : i32
        %parallel_loop3A_767 = arith.constant 0 : i32
        %parallel_loop3A_768 = tpu.memref_slice %arg7[%parallel_loop3A_167, %parallel_loop3A_766, %parallel_loop3A_767] : memref<2x128x256xf32, #tpu.memory_space<vmem>> -> memref<1x128x256xf32, #tpu.memory_space<vmem>>
        %parallel_loop3A_769 = tpu.memref_squeeze %parallel_loop3A_768 : memref<1x128x256xf32, #tpu.memory_space<vmem>> -> memref<128x256xf32, #tpu.memory_space<vmem>>
        %parallel_loop3A_770 = arith.index_cast %parallel_loop3A_765 : i32 to index
        %parallel_loop3A_771 = arith.constant 192 : index
        %parallel_loop3A_772 = tpu.vector_load %parallel_loop3A_769[%parallel_loop3A_770, %parallel_loop3A_771] {strides = array<i32>} : memref<128x256xf32, #tpu.memory_space<vmem>>, vector<16xf32>,
        tpu.vector_store_idx %arg8[%parallel_loop3A_655, %add3A_114], %parallel_loop3A_772 {add = true} : memref<128x256xf32, #tpu.memory_space<vmem>>[vector<16xi32>, vector<16xi32>], vector<16xf32>,
        %parallel_loop3A_773 = arith.constant 96 : i32
        %parallel_loop3A_774 = arith.addi %parallel_loop3A_203, %parallel_loop3A_773 : i32
        %parallel_loop3A_775 = arith.constant 0 : i32
        %parallel_loop3A_776 = arith.constant 0 : i32
        %parallel_loop3A_777 = tpu.memref_slice %arg7[%parallel_loop3A_167, %parallel_loop3A_775, %parallel_loop3A_776] : memref<2x128x256xf32, #tpu.memory_space<vmem>> -> memref<1x128x256xf32, #tpu.memory_space<vmem>>
        %parallel_loop3A_778 = tpu.memref_squeeze %parallel_loop3A_777 : memref<1x128x256xf32, #tpu.memory_space<vmem>> -> memref<128x256xf32, #tpu.memory_space<vmem>>
        %parallel_loop3A_779 = arith.index_cast %parallel_loop3A_774 : i32 to index
        %parallel_loop3A_780 = arith.constant 208 : index
        %parallel_loop3A_781 = tpu.vector_load %parallel_loop3A_778[%parallel_loop3A_779, %parallel_loop3A_780] {strides = array<i32>} : memref<128x256xf32, #tpu.memory_space<vmem>>, vector<16xf32>,
        tpu.vector_store_idx %arg8[%parallel_loop3A_655, %add3A_118], %parallel_loop3A_781 {add = true} : memref<128x256xf32, #tpu.memory_space<vmem>>[vector<16xi32>, vector<16xi32>], vector<16xf32>,
        %parallel_loop3A_782 = arith.constant 96 : i32
        %parallel_loop3A_783 = arith.addi %parallel_loop3A_203, %parallel_loop3A_782 : i32
        %parallel_loop3A_784 = arith.constant 0 : i32
        %parallel_loop3A_785 = arith.constant 0 : i32
        %parallel_loop3A_786 = tpu.memref_slice %arg7[%parallel_loop3A_167, %parallel_loop3A_784, %parallel_loop3A_785] : memref<2x128x256xf32, #tpu.memory_space<vmem>> -> memref<1x128x256xf32, #tpu.memory_space<vmem>>
        %parallel_loop3A_787 = tpu.memref_squeeze %parallel_loop3A_786 : memref<1x128x256xf32, #tpu.memory_space<vmem>> -> memref<128x256xf32, #tpu.memory_space<vmem>>
        %parallel_loop3A_788 = arith.index_cast %parallel_loop3A_783 : i32 to index
        %parallel_loop3A_789 = arith.constant 224 : index
        %parallel_loop3A_790 = tpu.vector_load %parallel_loop3A_787[%parallel_loop3A_788, %parallel_loop3A_789] {strides = array<i32>} : memref<128x256xf32, #tpu.memory_space<vmem>>, vector<16xf32>,
        tpu.vector_store_idx %arg8[%parallel_loop3A_655, %add3A_122], %parallel_loop3A_790 {add = true} : memref<128x256xf32, #tpu.memory_space<vmem>>[vector<16xi32>, vector<16xi32>], vector<16xf32>,
        %parallel_loop3A_791 = arith.constant 96 : i32
        %parallel_loop3A_792 = arith.addi %parallel_loop3A_203, %parallel_loop3A_791 : i32
        %parallel_loop3A_793 = arith.constant 0 : i32
        %parallel_loop3A_794 = arith.constant 0 : i32
        %parallel_loop3A_795 = tpu.memref_slice %arg7[%parallel_loop3A_167, %parallel_loop3A_793, %parallel_loop3A_794] : memref<2x128x256xf32, #tpu.memory_space<vmem>> -> memref<1x128x256xf32, #tpu.memory_space<vmem>>
        %parallel_loop3A_796 = tpu.memref_squeeze %parallel_loop3A_795 : memref<1x128x256xf32, #tpu.memory_space<vmem>> -> memref<128x256xf32, #tpu.memory_space<vmem>>
        %parallel_loop3A_797 = arith.index_cast %parallel_loop3A_792 : i32 to index
        %parallel_loop3A_798 = arith.constant 240 : index
        %parallel_loop3A_799 = tpu.vector_load %parallel_loop3A_796[%parallel_loop3A_797, %parallel_loop3A_798] {strides = array<i32>} : memref<128x256xf32, #tpu.memory_space<vmem>>, vector<16xf32>,
        tpu.vector_store_idx %arg8[%parallel_loop3A_655, %add3A_126], %parallel_loop3A_799 {add = true} : memref<128x256xf32, #tpu.memory_space<vmem>>[vector<16xi32>, vector<16xi32>], vector<16xf32>,
      } {sc.loop_unroll_factor = 1 : i64, sc.parallel_access}
      %add3A_168 = arith.constant 2 : i32
      %add3A_169 = arith.addi %add3A_149, %add3A_168 : i32
      %lt3A = arith.constant 8 : i32
      %lt3A_170 = arith.cmpi slt, %add3A_169, %lt3A : i32
      %convert_element_type3A = arith.extui %lt3A_170 : i1 to i32
      %cond3A = arith.constant 0 : i32
      %cond3A_171 = arith.cmpi ne, %convert_element_type3A, %cond3A : i32
      scf.if %cond3A_171 {
        %add3A_203 = arith.addi %mul3A_2, %mul3A_151 : i32
        %add3A_204 = arith.constant 256 : i32
        %add3A_205 = arith.addi %add3A_203, %add3A_204 : i32
        %dma_start3A_206 = arith.constant 0 : i32
        %dma_start3A_207 = arith.constant 0 : i32
        %dma_start3A_208 = arith.constant 0 : i32
        %dma_start3A_209 = tpu.memref_slice %arg7[%dma_start3A_206, %dma_start3A_207, %dma_start3A_208] : memref<2x128x256xf32, #tpu.memory_space<vmem>> -> memref<1x128x256xf32, #tpu.memory_space<vmem>>
        %dma_start3A_210 = tpu.memref_squeeze %dma_start3A_209 : memref<1x128x256xf32, #tpu.memory_space<vmem>> -> memref<128x256xf32, #tpu.memory_space<vmem>>
        %dma_start3A_211 = arith.constant 0 : i32
        %dma_start3A_212 = tpu.memref_slice %arg2[%add3A_205, %dma_start3A_211] : memref<32768x256xf32, #tpu.memory_space<hbm>> -> memref<128x256xf32, #tpu.memory_space<hbm>>
        %dma_start3A_213 = arith.constant 0 : i32
        %dma_start3A_214 = arith.constant 0 : i32
        %dma_start3A_215 = tpu.memref_slice %arg7[%dma_start3A_206, %dma_start3A_213, %dma_start3A_214] : memref<2x128x256xf32, #tpu.memory_space<vmem>> -> memref<1x128x256xf32, #tpu.memory_space<vmem>>
        %dma_start3A_216 = tpu.memref_squeeze %dma_start3A_215 : memref<1x128x256xf32, #tpu.memory_space<vmem>> -> memref<128x256xf32, #tpu.memory_space<vmem>>
        %dma_start3A_217 = arith.constant 0 : i32
        %dma_start3A_218 = tpu.memref_slice %arg2[%add3A_205, %dma_start3A_217] : memref<32768x256xf32, #tpu.memory_space<hbm>> -> memref<128x256xf32, #tpu.memory_space<hbm>>
        tpu.enqueue_dma source(%dma_start3A_218 : memref<128x256xf32, #tpu.memory_space<hbm>>) target(%dma_start3A_216 : memref<128x256xf32, #tpu.memory_space<vmem>>) target_semaphore(%arg10 : memref<!tpu.dma_semaphore, #tpu.memory_space<semaphore_mem>>)
      } else {
      }
      %mul3A_172 = arith.constant 2 : i32
      %mul3A_173 = arith.muli %scan3A_144, %mul3A_172 : i32
      %add3A_174 = arith.constant 1 : i32
      %add3A_175 = arith.addi %mul3A_173, %add3A_174 : i32
      %mul3A_176 = arith.constant 128 : i32
      %mul3A_177 = arith.muli %add3A_175, %mul3A_176 : i32
      %dma_wait3A_178 = arith.constant 1 : i32
      %dma_wait3A_179 = arith.constant 0 : i32
      %dma_wait3A_180 = arith.constant 0 : i32
      %dma_wait3A_181 = tpu.memref_slice %arg7[%dma_wait3A_178, %dma_wait3A_179, %dma_wait3A_180] : memref<2x128x256xf32, #tpu.memory_space<vmem>> -> memref<1x128x256xf32, #tpu.memory_space<vmem>>
      %dma_wait3A_182 = tpu.memref_squeeze %dma_wait3A_181 : memref<1x128x256xf32, #tpu.memory_space<vmem>> -> memref<128x256xf32, #tpu.memory_space<vmem>>
      %dma_wait3A_183 = arith.constant 0 : i32
      %dma_wait3A_184 = tpu.memref_slice %arg2[%mul3A_2, %dma_wait3A_183] : memref<32768x256xf32, #tpu.memory_space<hbm>> -> memref<128x256xf32, #tpu.memory_space<hbm>>
      %dma_wait3A_185 = arith.constant 0 : i32
      %dma_wait3A_186 = arith.constant 0 : i32
      %dma_wait3A_187 = tpu.memref_slice %arg7[%dma_wait3A_178, %dma_wait3A_185, %dma_wait3A_186] : memref<2x128x256xf32, #tpu.memory_space<vmem>> -> memref<1x128x256xf32, #tpu.memory_space<vmem>>
      %dma_wait3A_188 = tpu.memref_squeeze %dma_wait3A_187 : memref<1x128x256xf32, #tpu.memory_space<vmem>> -> memref<128x256xf32, #tpu.memory_space<vmem>>
      %dma_wait3A_189 = arith.constant 0 : i32
      %dma_wait3A_190 = tpu.memref_slice %arg2[%mul3A_2, %dma_wait3A_189] : memref<32768x256xf32, #tpu.memory_space<hbm>> -> memref<128x256xf32, #tpu.memory_space<hbm>>
      tpu.wait_dma2 semaphore(%arg11 : memref<!tpu.dma_semaphore, #tpu.memory_space<semaphore_mem>>) src(%dma_wait3A_190 : memref<128x256xf32, #tpu.memory_space<hbm>>) dst(%dma_wait3A_188 : memref<128x256xf32, #tpu.memory_space<vmem>>)
      %parallel_loop3A_191 = arith.constant 0 : i32
      %parallel_loop3A_192 = arith.constant 32 : i32
      %parallel_loop3A_193 = arith.constant 1 : i32
      %parallel_loop3A_194 = arith.constant 1 : i32
      scf.for %parallel_loop3A_203 = %parallel_loop3A_191 to %parallel_loop3A_192 step %parallel_loop3A_193  : i32 {
        %parallel_loop3A_204 = arith.addi %mul3A_177, %parallel_loop3A_203 : i32
        %parallel_loop3A_205 = arith.constant 0 : i32
        %parallel_loop3A_206 = arith.addi %parallel_loop3A_204, %parallel_loop3A_205 : i32
        %parallel_loop3A_207 = vector.broadcast %parallel_loop3A_206 : i32 to vector<16xi32>
        %parallel_loop3A_208 = tpu.vector_load_idx %arg6[%parallel_loop3A_207] : memref<1024xi32, #tpu.memory_space<vmem>>[vector<16xi32>], vector<16xi32>,
        tpu.vector_store_idx %arg9[%broadcast_in_dim3A_131, %parallel_loop3A_208], %broadcast_in_dim3A_133 masked %eq3A_129 {add = true} : memref<8x128xf32, #tpu.memory_space<vmem>>[vector<16xi32>, vector<16xi32>], vector<16xf32>, vector<16xi1>
        %parallel_loop3A_209 = arith.constant 0 : i32
        %parallel_loop3A_210 = arith.addi %parallel_loop3A_203, %parallel_loop3A_209 : i32
        %parallel_loop3A_211 = arith.constant 0 : i32
        %parallel_loop3A_212 = arith.constant 0 : i32
        %parallel_loop3A_213 = tpu.memref_slice %arg7[%parallel_loop3A_194, %parallel_loop3A_211, %parallel_loop3A_212] : memref<2x128x256xf32, #tpu.memory_space<vmem>> -> memref<1x128x256xf32, #tpu.memory_space<vmem>>
        %parallel_loop3A_214 = tpu.memref_squeeze %parallel_loop3A_213 : memref<1x128x256xf32, #tpu.memory_space<vmem>> -> memref<128x256xf32, #tpu.memory_space<vmem>>
        %parallel_loop3A_215 = arith.index_cast %parallel_loop3A_210 : i32 to index
        %parallel_loop3A_216 = arith.constant 0 : index
        %parallel_loop3A_217 = tpu.vector_load %parallel_loop3A_214[%parallel_loop3A_215, %parallel_loop3A_216] {strides = array<i32>} : memref<128x256xf32, #tpu.memory_space<vmem>>, vector<16xf32>,
        tpu.vector_store_idx %arg8[%parallel_loop3A_208, %add3A_66], %parallel_loop3A_217 {add = true} : memref<128x256xf32, #tpu.memory_space<vmem>>[vector<16xi32>, vector<16xi32>], vector<16xf32>,
        %parallel_loop3A_218 = arith.constant 0 : i32
        %parallel_loop3A_219 = arith.addi %parallel_loop3A_203, %parallel_loop3A_218 : i32
        %parallel_loop3A_220 = arith.constant 0 : i32
        %parallel_loop3A_221 = arith.constant 0 : i32
        %parallel_loop3A_222 = tpu.memref_slice %arg7[%parallel_loop3A_194, %parallel_loop3A_220, %parallel_loop3A_221] : memref<2x128x256xf32, #tpu.memory_space<vmem>> -> memref<1x128x256xf32, #tpu.memory_space<vmem>>
        %parallel_loop3A_223 = tpu.memref_squeeze %parallel_loop3A_222 : memref<1x128x256xf32, #tpu.memory_space<vmem>> -> memref<128x256xf32, #tpu.memory_space<vmem>>
        %parallel_loop3A_224 = arith.index_cast %parallel_loop3A_219 : i32 to index
        %parallel_loop3A_225 = arith.constant 16 : index
        %parallel_loop3A_226 = tpu.vector_load %parallel_loop3A_223[%parallel_loop3A_224, %parallel_loop3A_225] {strides = array<i32>} : memref<128x256xf32, #tpu.memory_space<vmem>>, vector<16xf32>,
        tpu.vector_store_idx %arg8[%parallel_loop3A_208, %add3A_70], %parallel_loop3A_226 {add = true} : memref<128x256xf32, #tpu.memory_space<vmem>>[vector<16xi32>, vector<16xi32>], vector<16xf32>,
        %parallel_loop3A_227 = arith.constant 0 : i32
        %parallel_loop3A_228 = arith.addi %parallel_loop3A_203, %parallel_loop3A_227 : i32
        %parallel_loop3A_229 = arith.constant 0 : i32
        %parallel_loop3A_230 = arith.constant 0 : i32
        %parallel_loop3A_231 = tpu.memref_slice %arg7[%parallel_loop3A_194, %parallel_loop3A_229, %parallel_loop3A_230] : memref<2x128x256xf32, #tpu.memory_space<vmem>> -> memref<1x128x256xf32, #tpu.memory_space<vmem>>
        %parallel_loop3A_232 = tpu.memref_squeeze %parallel_loop3A_231 : memref<1x128x256xf32, #tpu.memory_space<vmem>> -> memref<128x256xf32, #tpu.memory_space<vmem>>
        %parallel_loop3A_233 = arith.index_cast %parallel_loop3A_228 : i32 to index
        %parallel_loop3A_234 = arith.constant 32 : index
        %parallel_loop3A_235 = tpu.vector_load %parallel_loop3A_232[%parallel_loop3A_233, %parallel_loop3A_234] {strides = array<i32>} : memref<128x256xf32, #tpu.memory_space<vmem>>, vector<16xf32>,
        tpu.vector_store_idx %arg8[%parallel_loop3A_208, %add3A_74], %parallel_loop3A_235 {add = true} : memref<128x256xf32, #tpu.memory_space<vmem>>[vector<16xi32>, vector<16xi32>], vector<16xf32>,
        %parallel_loop3A_236 = arith.constant 0 : i32
        %parallel_loop3A_237 = arith.addi %parallel_loop3A_203, %parallel_loop3A_236 : i32
        %parallel_loop3A_238 = arith.constant 0 : i32
        %parallel_loop3A_239 = arith.constant 0 : i32
        %parallel_loop3A_240 = tpu.memref_slice %arg7[%parallel_loop3A_194, %parallel_loop3A_238, %parallel_loop3A_239] : memref<2x128x256xf32, #tpu.memory_space<vmem>> -> memref<1x128x256xf32, #tpu.memory_space<vmem>>
        %parallel_loop3A_241 = tpu.memref_squeeze %parallel_loop3A_240 : memref<1x128x256xf32, #tpu.memory_space<vmem>> -> memref<128x256xf32, #tpu.memory_space<vmem>>
        %parallel_loop3A_242 = arith.index_cast %parallel_loop3A_237 : i32 to index
        %parallel_loop3A_243 = arith.constant 48 : index
        %parallel_loop3A_244 = tpu.vector_load %parallel_loop3A_241[%parallel_loop3A_242, %parallel_loop3A_243] {strides = array<i32>} : memref<128x256xf32, #tpu.memory_space<vmem>>, vector<16xf32>,
        tpu.vector_store_idx %arg8[%parallel_loop3A_208, %add3A_78], %parallel_loop3A_244 {add = true} : memref<128x256xf32, #tpu.memory_space<vmem>>[vector<16xi32>, vector<16xi32>], vector<16xf32>,
        %parallel_loop3A_245 = arith.constant 0 : i32
        %parallel_loop3A_246 = arith.addi %parallel_loop3A_203, %parallel_loop3A_245 : i32
        %parallel_loop3A_247 = arith.constant 0 : i32
        %parallel_loop3A_248 = arith.constant 0 : i32
        %parallel_loop3A_249 = tpu.memref_slice %arg7[%parallel_loop3A_194, %parallel_loop3A_247, %parallel_loop3A_248] : memref<2x128x256xf32, #tpu.memory_space<vmem>> -> memref<1x128x256xf32, #tpu.memory_space<vmem>>
        %parallel_loop3A_250 = tpu.memref_squeeze %parallel_loop3A_249 : memref<1x128x256xf32, #tpu.memory_space<vmem>> -> memref<128x256xf32, #tpu.memory_space<vmem>>
        %parallel_loop3A_251 = arith.index_cast %parallel_loop3A_246 : i32 to index
        %parallel_loop3A_252 = arith.constant 64 : index
        %parallel_loop3A_253 = tpu.vector_load %parallel_loop3A_250[%parallel_loop3A_251, %parallel_loop3A_252] {strides = array<i32>} : memref<128x256xf32, #tpu.memory_space<vmem>>, vector<16xf32>,
        tpu.vector_store_idx %arg8[%parallel_loop3A_208, %add3A_82], %parallel_loop3A_253 {add = true} : memref<128x256xf32, #tpu.memory_space<vmem>>[vector<16xi32>, vector<16xi32>], vector<16xf32>,
        %parallel_loop3A_254 = arith.constant 0 : i32
        %parallel_loop3A_255 = arith.addi %parallel_loop3A_203, %parallel_loop3A_254 : i32
        %parallel_loop3A_256 = arith.constant 0 : i32
        %parallel_loop3A_257 = arith.constant 0 : i32
        %parallel_loop3A_258 = tpu.memref_slice %arg7[%parallel_loop3A_194, %parallel_loop3A_256, %parallel_loop3A_257] : memref<2x128x256xf32, #tpu.memory_space<vmem>> -> memref<1x128x256xf32, #tpu.memory_space<vmem>>
        %parallel_loop3A_259 = tpu.memref_squeeze %parallel_loop3A_258 : memref<1x128x256xf32, #tpu.memory_space<vmem>> -> memref<128x256xf32, #tpu.memory_space<vmem>>
        %parallel_loop3A_260 = arith.index_cast %parallel_loop3A_255 : i32 to index
        %parallel_loop3A_261 = arith.constant 80 : index
        %parallel_loop3A_262 = tpu.vector_load %parallel_loop3A_259[%parallel_loop3A_260, %parallel_loop3A_261] {strides = array<i32>} : memref<128x256xf32, #tpu.memory_space<vmem>>, vector<16xf32>,
        tpu.vector_store_idx %arg8[%parallel_loop3A_208, %add3A_86], %parallel_loop3A_262 {add = true} : memref<128x256xf32, #tpu.memory_space<vmem>>[vector<16xi32>, vector<16xi32>], vector<16xf32>,
        %parallel_loop3A_263 = arith.constant 0 : i32
        %parallel_loop3A_264 = arith.addi %parallel_loop3A_203, %parallel_loop3A_263 : i32
        %parallel_loop3A_265 = arith.constant 0 : i32
        %parallel_loop3A_266 = arith.constant 0 : i32
        %parallel_loop3A_267 = tpu.memref_slice %arg7[%parallel_loop3A_194, %parallel_loop3A_265, %parallel_loop3A_266] : memref<2x128x256xf32, #tpu.memory_space<vmem>> -> memref<1x128x256xf32, #tpu.memory_space<vmem>>
        %parallel_loop3A_268 = tpu.memref_squeeze %parallel_loop3A_267 : memref<1x128x256xf32, #tpu.memory_space<vmem>> -> memref<128x256xf32, #tpu.memory_space<vmem>>
        %parallel_loop3A_269 = arith.index_cast %parallel_loop3A_264 : i32 to index
        %parallel_loop3A_270 = arith.constant 96 : index
        %parallel_loop3A_271 = tpu.vector_load %parallel_loop3A_268[%parallel_loop3A_269, %parallel_loop3A_270] {strides = array<i32>} : memref<128x256xf32, #tpu.memory_space<vmem>>, vector<16xf32>,
        tpu.vector_store_idx %arg8[%parallel_loop3A_208, %add3A_90], %parallel_loop3A_271 {add = true} : memref<128x256xf32, #tpu.memory_space<vmem>>[vector<16xi32>, vector<16xi32>], vector<16xf32>,
        %parallel_loop3A_272 = arith.constant 0 : i32
        %parallel_loop3A_273 = arith.addi %parallel_loop3A_203, %parallel_loop3A_272 : i32
        %parallel_loop3A_274 = arith.constant 0 : i32
        %parallel_loop3A_275 = arith.constant 0 : i32
        %parallel_loop3A_276 = tpu.memref_slice %arg7[%parallel_loop3A_194, %parallel_loop3A_274, %parallel_loop3A_275] : memref<2x128x256xf32, #tpu.memory_space<vmem>> -> memref<1x128x256xf32, #tpu.memory_space<vmem>>
        %parallel_loop3A_277 = tpu.memref_squeeze %parallel_loop3A_276 : memref<1x128x256xf32, #tpu.memory_space<vmem>> -> memref<128x256xf32, #tpu.memory_space<vmem>>
        %parallel_loop3A_278 = arith.index_cast %parallel_loop3A_273 : i32 to index
        %parallel_loop3A_279 = arith.constant 112 : index
        %parallel_loop3A_280 = tpu.vector_load %parallel_loop3A_277[%parallel_loop3A_278, %parallel_loop3A_279] {strides = array<i32>} : memref<128x256xf32, #tpu.memory_space<vmem>>, vector<16xf32>,
        tpu.vector_store_idx %arg8[%parallel_loop3A_208, %add3A_94], %parallel_loop3A_280 {add = true} : memref<128x256xf32, #tpu.memory_space<vmem>>[vector<16xi32>, vector<16xi32>], vector<16xf32>,
        %parallel_loop3A_281 = arith.constant 0 : i32
        %parallel_loop3A_282 = arith.addi %parallel_loop3A_203, %parallel_loop3A_281 : i32
        %parallel_loop3A_283 = arith.constant 0 : i32
        %parallel_loop3A_284 = arith.constant 0 : i32
        %parallel_loop3A_285 = tpu.memref_slice %arg7[%parallel_loop3A_194, %parallel_loop3A_283, %parallel_loop3A_284] : memref<2x128x256xf32, #tpu.memory_space<vmem>> -> memref<1x128x256xf32, #tpu.memory_space<vmem>>
        %parallel_loop3A_286 = tpu.memref_squeeze %parallel_loop3A_285 : memref<1x128x256xf32, #tpu.memory_space<vmem>> -> memref<128x256xf32, #tpu.memory_space<vmem>>
        %parallel_loop3A_287 = arith.index_cast %parallel_loop3A_282 : i32 to index
        %parallel_loop3A_288 = arith.constant 128 : index
        %parallel_loop3A_289 = tpu.vector_load %parallel_loop3A_286[%parallel_loop3A_287, %parallel_loop3A_288] {strides = array<i32>} : memref<128x256xf32, #tpu.memory_space<vmem>>, vector<16xf32>,
        tpu.vector_store_idx %arg8[%parallel_loop3A_208, %add3A_98], %parallel_loop3A_289 {add = true} : memref<128x256xf32, #tpu.memory_space<vmem>>[vector<16xi32>, vector<16xi32>], vector<16xf32>,
        %parallel_loop3A_290 = arith.constant 0 : i32
        %parallel_loop3A_291 = arith.addi %parallel_loop3A_203, %parallel_loop3A_290 : i32
        %parallel_loop3A_292 = arith.constant 0 : i32
        %parallel_loop3A_293 = arith.constant 0 : i32
        %parallel_loop3A_294 = tpu.memref_slice %arg7[%parallel_loop3A_194, %parallel_loop3A_292, %parallel_loop3A_293] : memref<2x128x256xf32, #tpu.memory_space<vmem>> -> memref<1x128x256xf32, #tpu.memory_space<vmem>>
        %parallel_loop3A_295 = tpu.memref_squeeze %parallel_loop3A_294 : memref<1x128x256xf32, #tpu.memory_space<vmem>> -> memref<128x256xf32, #tpu.memory_space<vmem>>
        %parallel_loop3A_296 = arith.index_cast %parallel_loop3A_291 : i32 to index
        %parallel_loop3A_297 = arith.constant 144 : index
        %parallel_loop3A_298 = tpu.vector_load %parallel_loop3A_295[%parallel_loop3A_296, %parallel_loop3A_297] {strides = array<i32>} : memref<128x256xf32, #tpu.memory_space<vmem>>, vector<16xf32>,
        tpu.vector_store_idx %arg8[%parallel_loop3A_208, %add3A_102], %parallel_loop3A_298 {add = true} : memref<128x256xf32, #tpu.memory_space<vmem>>[vector<16xi32>, vector<16xi32>], vector<16xf32>,
        %parallel_loop3A_299 = arith.constant 0 : i32
        %parallel_loop3A_300 = arith.addi %parallel_loop3A_203, %parallel_loop3A_299 : i32
        %parallel_loop3A_301 = arith.constant 0 : i32
        %parallel_loop3A_302 = arith.constant 0 : i32
        %parallel_loop3A_303 = tpu.memref_slice %arg7[%parallel_loop3A_194, %parallel_loop3A_301, %parallel_loop3A_302] : memref<2x128x256xf32, #tpu.memory_space<vmem>> -> memref<1x128x256xf32, #tpu.memory_space<vmem>>
        %parallel_loop3A_304 = tpu.memref_squeeze %parallel_loop3A_303 : memref<1x128x256xf32, #tpu.memory_space<vmem>> -> memref<128x256xf32, #tpu.memory_space<vmem>>
        %parallel_loop3A_305 = arith.index_cast %parallel_loop3A_300 : i32 to index
        %parallel_loop3A_306 = arith.constant 160 : index
        %parallel_loop3A_307 = tpu.vector_load %parallel_loop3A_304[%parallel_loop3A_305, %parallel_loop3A_306] {strides = array<i32>} : memref<128x256xf32, #tpu.memory_space<vmem>>, vector<16xf32>,
        tpu.vector_store_idx %arg8[%parallel_loop3A_208, %add3A_106], %parallel_loop3A_307 {add = true} : memref<128x256xf32, #tpu.memory_space<vmem>>[vector<16xi32>, vector<16xi32>], vector<16xf32>,
        %parallel_loop3A_308 = arith.constant 0 : i32
        %parallel_loop3A_309 = arith.addi %parallel_loop3A_203, %parallel_loop3A_308 : i32
        %parallel_loop3A_310 = arith.constant 0 : i32
        %parallel_loop3A_311 = arith.constant 0 : i32
        %parallel_loop3A_312 = tpu.memref_slice %arg7[%parallel_loop3A_194, %parallel_loop3A_310, %parallel_loop3A_311] : memref<2x128x256xf32, #tpu.memory_space<vmem>> -> memref<1x128x256xf32, #tpu.memory_space<vmem>>
        %parallel_loop3A_313 = tpu.memref_squeeze %parallel_loop3A_312 : memref<1x128x256xf32, #tpu.memory_space<vmem>> -> memref<128x256xf32, #tpu.memory_space<vmem>>
        %parallel_loop3A_314 = arith.index_cast %parallel_loop3A_309 : i32 to index
        %parallel_loop3A_315 = arith.constant 176 : index
        %parallel_loop3A_316 = tpu.vector_load %parallel_loop3A_313[%parallel_loop3A_314, %parallel_loop3A_315] {strides = array<i32>} : memref<128x256xf32, #tpu.memory_space<vmem>>, vector<16xf32>,
        tpu.vector_store_idx %arg8[%parallel_loop3A_208, %add3A_110], %parallel_loop3A_316 {add = true} : memref<128x256xf32, #tpu.memory_space<vmem>>[vector<16xi32>, vector<16xi32>], vector<16xf32>,
        %parallel_loop3A_317 = arith.constant 0 : i32
        %parallel_loop3A_318 = arith.addi %parallel_loop3A_203, %parallel_loop3A_317 : i32
        %parallel_loop3A_319 = arith.constant 0 : i32
        %parallel_loop3A_320 = arith.constant 0 : i32
        %parallel_loop3A_321 = tpu.memref_slice %arg7[%parallel_loop3A_194, %parallel_loop3A_319, %parallel_loop3A_320] : memref<2x128x256xf32, #tpu.memory_space<vmem>> -> memref<1x128x256xf32, #tpu.memory_space<vmem>>
        %parallel_loop3A_322 = tpu.memref_squeeze %parallel_loop3A_321 : memref<1x128x256xf32, #tpu.memory_space<vmem>> -> memref<128x256xf32, #tpu.memory_space<vmem>>
        %parallel_loop3A_323 = arith.index_cast %parallel_loop3A_318 : i32 to index
        %parallel_loop3A_324 = arith.constant 192 : index
        %parallel_loop3A_325 = tpu.vector_load %parallel_loop3A_322[%parallel_loop3A_323, %parallel_loop3A_324] {strides = array<i32>} : memref<128x256xf32, #tpu.memory_space<vmem>>, vector<16xf32>,
        tpu.vector_store_idx %arg8[%parallel_loop3A_208, %add3A_114], %parallel_loop3A_325 {add = true} : memref<128x256xf32, #tpu.memory_space<vmem>>[vector<16xi32>, vector<16xi32>], vector<16xf32>,
        %parallel_loop3A_326 = arith.constant 0 : i32
        %parallel_loop3A_327 = arith.addi %parallel_loop3A_203, %parallel_loop3A_326 : i32
        %parallel_loop3A_328 = arith.constant 0 : i32
        %parallel_loop3A_329 = arith.constant 0 : i32
        %parallel_loop3A_330 = tpu.memref_slice %arg7[%parallel_loop3A_194, %parallel_loop3A_328, %parallel_loop3A_329] : memref<2x128x256xf32, #tpu.memory_space<vmem>> -> memref<1x128x256xf32, #tpu.memory_space<vmem>>
        %parallel_loop3A_331 = tpu.memref_squeeze %parallel_loop3A_330 : memref<1x128x256xf32, #tpu.memory_space<vmem>> -> memref<128x256xf32, #tpu.memory_space<vmem>>
        %parallel_loop3A_332 = arith.index_cast %parallel_loop3A_327 : i32 to index
        %parallel_loop3A_333 = arith.constant 208 : index
        %parallel_loop3A_334 = tpu.vector_load %parallel_loop3A_331[%parallel_loop3A_332, %parallel_loop3A_333] {strides = array<i32>} : memref<128x256xf32, #tpu.memory_space<vmem>>, vector<16xf32>,
        tpu.vector_store_idx %arg8[%parallel_loop3A_208, %add3A_118], %parallel_loop3A_334 {add = true} : memref<128x256xf32, #tpu.memory_space<vmem>>[vector<16xi32>, vector<16xi32>], vector<16xf32>,
        %parallel_loop3A_335 = arith.constant 0 : i32
        %parallel_loop3A_336 = arith.addi %parallel_loop3A_203, %parallel_loop3A_335 : i32
        %parallel_loop3A_337 = arith.constant 0 : i32
        %parallel_loop3A_338 = arith.constant 0 : i32
        %parallel_loop3A_339 = tpu.memref_slice %arg7[%parallel_loop3A_194, %parallel_loop3A_337, %parallel_loop3A_338] : memref<2x128x256xf32, #tpu.memory_space<vmem>> -> memref<1x128x256xf32, #tpu.memory_space<vmem>>
        %parallel_loop3A_340 = tpu.memref_squeeze %parallel_loop3A_339 : memref<1x128x256xf32, #tpu.memory_space<vmem>> -> memref<128x256xf32, #tpu.memory_space<vmem>>
        %parallel_loop3A_341 = arith.index_cast %parallel_loop3A_336 : i32 to index
        %parallel_loop3A_342 = arith.constant 224 : index
        %parallel_loop3A_343 = tpu.vector_load %parallel_loop3A_340[%parallel_loop3A_341, %parallel_loop3A_342] {strides = array<i32>} : memref<128x256xf32, #tpu.memory_space<vmem>>, vector<16xf32>,
        tpu.vector_store_idx %arg8[%parallel_loop3A_208, %add3A_122], %parallel_loop3A_343 {add = true} : memref<128x256xf32, #tpu.memory_space<vmem>>[vector<16xi32>, vector<16xi32>], vector<16xf32>,
        %parallel_loop3A_344 = arith.constant 0 : i32
        %parallel_loop3A_345 = arith.addi %parallel_loop3A_203, %parallel_loop3A_344 : i32
        %parallel_loop3A_346 = arith.constant 0 : i32
        %parallel_loop3A_347 = arith.constant 0 : i32
        %parallel_loop3A_348 = tpu.memref_slice %arg7[%parallel_loop3A_194, %parallel_loop3A_346, %parallel_loop3A_347] : memref<2x128x256xf32, #tpu.memory_space<vmem>> -> memref<1x128x256xf32, #tpu.memory_space<vmem>>
        %parallel_loop3A_349 = tpu.memref_squeeze %parallel_loop3A_348 : memref<1x128x256xf32, #tpu.memory_space<vmem>> -> memref<128x256xf32, #tpu.memory_space<vmem>>
        %parallel_loop3A_350 = arith.index_cast %parallel_loop3A_345 : i32 to index
        %parallel_loop3A_351 = arith.constant 240 : index
        %parallel_loop3A_352 = tpu.vector_load %parallel_loop3A_349[%parallel_loop3A_350, %parallel_loop3A_351] {strides = array<i32>} : memref<128x256xf32, #tpu.memory_space<vmem>>, vector<16xf32>,
        tpu.vector_store_idx %arg8[%parallel_loop3A_208, %add3A_126], %parallel_loop3A_352 {add = true} : memref<128x256xf32, #tpu.memory_space<vmem>>[vector<16xi32>, vector<16xi32>], vector<16xf32>,
        %parallel_loop3A_353 = arith.addi %mul3A_177, %parallel_loop3A_203 : i32
        %parallel_loop3A_354 = arith.constant 32 : i32
        %parallel_loop3A_355 = arith.addi %parallel_loop3A_353, %parallel_loop3A_354 : i32
        %parallel_loop3A_356 = vector.broadcast %parallel_loop3A_355 : i32 to vector<16xi32>
        %parallel_loop3A_357 = tpu.vector_load_idx %arg6[%parallel_loop3A_356] : memref<1024xi32, #tpu.memory_space<vmem>>[vector<16xi32>], vector<16xi32>,
        tpu.vector_store_idx %arg9[%broadcast_in_dim3A_131, %parallel_loop3A_357], %broadcast_in_dim3A_133 masked %eq3A_129 {add = true} : memref<8x128xf32, #tpu.memory_space<vmem>>[vector<16xi32>, vector<16xi32>], vector<16xf32>, vector<16xi1>
        %parallel_loop3A_358 = arith.constant 32 : i32
        %parallel_loop3A_359 = arith.addi %parallel_loop3A_203, %parallel_loop3A_358 : i32
        %parallel_loop3A_360 = arith.constant 0 : i32
        %parallel_loop3A_361 = arith.constant 0 : i32
        %parallel_loop3A_362 = tpu.memref_slice %arg7[%parallel_loop3A_194, %parallel_loop3A_360, %parallel_loop3A_361] : memref<2x128x256xf32, #tpu.memory_space<vmem>> -> memref<1x128x256xf32, #tpu.memory_space<vmem>>
        %parallel_loop3A_363 = tpu.memref_squeeze %parallel_loop3A_362 : memref<1x128x256xf32, #tpu.memory_space<vmem>> -> memref<128x256xf32, #tpu.memory_space<vmem>>
        %parallel_loop3A_364 = arith.index_cast %parallel_loop3A_359 : i32 to index
        %parallel_loop3A_365 = arith.constant 0 : index
        %parallel_loop3A_366 = tpu.vector_load %parallel_loop3A_363[%parallel_loop3A_364, %parallel_loop3A_365] {strides = array<i32>} : memref<128x256xf32, #tpu.memory_space<vmem>>, vector<16xf32>,
        tpu.vector_store_idx %arg8[%parallel_loop3A_357, %add3A_66], %parallel_loop3A_366 {add = true} : memref<128x256xf32, #tpu.memory_space<vmem>>[vector<16xi32>, vector<16xi32>], vector<16xf32>,
        %parallel_loop3A_367 = arith.constant 32 : i32
        %parallel_loop3A_368 = arith.addi %parallel_loop3A_203, %parallel_loop3A_367 : i32
        %parallel_loop3A_369 = arith.constant 0 : i32
        %parallel_loop3A_370 = arith.constant 0 : i32
        %parallel_loop3A_371 = tpu.memref_slice %arg7[%parallel_loop3A_194, %parallel_loop3A_369, %parallel_loop3A_370] : memref<2x128x256xf32, #tpu.memory_space<vmem>> -> memref<1x128x256xf32, #tpu.memory_space<vmem>>
        %parallel_loop3A_372 = tpu.memref_squeeze %parallel_loop3A_371 : memref<1x128x256xf32, #tpu.memory_space<vmem>> -> memref<128x256xf32, #tpu.memory_space<vmem>>
        %parallel_loop3A_373 = arith.index_cast %parallel_loop3A_368 : i32 to index
        %parallel_loop3A_374 = arith.constant 16 : index
        %parallel_loop3A_375 = tpu.vector_load %parallel_loop3A_372[%parallel_loop3A_373, %parallel_loop3A_374] {strides = array<i32>} : memref<128x256xf32, #tpu.memory_space<vmem>>, vector<16xf32>,
        tpu.vector_store_idx %arg8[%parallel_loop3A_357, %add3A_70], %parallel_loop3A_375 {add = true} : memref<128x256xf32, #tpu.memory_space<vmem>>[vector<16xi32>, vector<16xi32>], vector<16xf32>,
        %parallel_loop3A_376 = arith.constant 32 : i32
        %parallel_loop3A_377 = arith.addi %parallel_loop3A_203, %parallel_loop3A_376 : i32
        %parallel_loop3A_378 = arith.constant 0 : i32
        %parallel_loop3A_379 = arith.constant 0 : i32
        %parallel_loop3A_380 = tpu.memref_slice %arg7[%parallel_loop3A_194, %parallel_loop3A_378, %parallel_loop3A_379] : memref<2x128x256xf32, #tpu.memory_space<vmem>> -> memref<1x128x256xf32, #tpu.memory_space<vmem>>
        %parallel_loop3A_381 = tpu.memref_squeeze %parallel_loop3A_380 : memref<1x128x256xf32, #tpu.memory_space<vmem>> -> memref<128x256xf32, #tpu.memory_space<vmem>>
        %parallel_loop3A_382 = arith.index_cast %parallel_loop3A_377 : i32 to index
        %parallel_loop3A_383 = arith.constant 32 : index
        %parallel_loop3A_384 = tpu.vector_load %parallel_loop3A_381[%parallel_loop3A_382, %parallel_loop3A_383] {strides = array<i32>} : memref<128x256xf32, #tpu.memory_space<vmem>>, vector<16xf32>,
        tpu.vector_store_idx %arg8[%parallel_loop3A_357, %add3A_74], %parallel_loop3A_384 {add = true} : memref<128x256xf32, #tpu.memory_space<vmem>>[vector<16xi32>, vector<16xi32>], vector<16xf32>,
        %parallel_loop3A_385 = arith.constant 32 : i32
        %parallel_loop3A_386 = arith.addi %parallel_loop3A_203, %parallel_loop3A_385 : i32
        %parallel_loop3A_387 = arith.constant 0 : i32
        %parallel_loop3A_388 = arith.constant 0 : i32
        %parallel_loop3A_389 = tpu.memref_slice %arg7[%parallel_loop3A_194, %parallel_loop3A_387, %parallel_loop3A_388] : memref<2x128x256xf32, #tpu.memory_space<vmem>> -> memref<1x128x256xf32, #tpu.memory_space<vmem>>
        %parallel_loop3A_390 = tpu.memref_squeeze %parallel_loop3A_389 : memref<1x128x256xf32, #tpu.memory_space<vmem>> -> memref<128x256xf32, #tpu.memory_space<vmem>>
        %parallel_loop3A_391 = arith.index_cast %parallel_loop3A_386 : i32 to index
        %parallel_loop3A_392 = arith.constant 48 : index
        %parallel_loop3A_393 = tpu.vector_load %parallel_loop3A_390[%parallel_loop3A_391, %parallel_loop3A_392] {strides = array<i32>} : memref<128x256xf32, #tpu.memory_space<vmem>>, vector<16xf32>,
        tpu.vector_store_idx %arg8[%parallel_loop3A_357, %add3A_78], %parallel_loop3A_393 {add = true} : memref<128x256xf32, #tpu.memory_space<vmem>>[vector<16xi32>, vector<16xi32>], vector<16xf32>,
        %parallel_loop3A_394 = arith.constant 32 : i32
        %parallel_loop3A_395 = arith.addi %parallel_loop3A_203, %parallel_loop3A_394 : i32
        %parallel_loop3A_396 = arith.constant 0 : i32
        %parallel_loop3A_397 = arith.constant 0 : i32
        %parallel_loop3A_398 = tpu.memref_slice %arg7[%parallel_loop3A_194, %parallel_loop3A_396, %parallel_loop3A_397] : memref<2x128x256xf32, #tpu.memory_space<vmem>> -> memref<1x128x256xf32, #tpu.memory_space<vmem>>
        %parallel_loop3A_399 = tpu.memref_squeeze %parallel_loop3A_398 : memref<1x128x256xf32, #tpu.memory_space<vmem>> -> memref<128x256xf32, #tpu.memory_space<vmem>>
        %parallel_loop3A_400 = arith.index_cast %parallel_loop3A_395 : i32 to index
        %parallel_loop3A_401 = arith.constant 64 : index
        %parallel_loop3A_402 = tpu.vector_load %parallel_loop3A_399[%parallel_loop3A_400, %parallel_loop3A_401] {strides = array<i32>} : memref<128x256xf32, #tpu.memory_space<vmem>>, vector<16xf32>,
        tpu.vector_store_idx %arg8[%parallel_loop3A_357, %add3A_82], %parallel_loop3A_402 {add = true} : memref<128x256xf32, #tpu.memory_space<vmem>>[vector<16xi32>, vector<16xi32>], vector<16xf32>,
        %parallel_loop3A_403 = arith.constant 32 : i32
        %parallel_loop3A_404 = arith.addi %parallel_loop3A_203, %parallel_loop3A_403 : i32
        %parallel_loop3A_405 = arith.constant 0 : i32
        %parallel_loop3A_406 = arith.constant 0 : i32
        %parallel_loop3A_407 = tpu.memref_slice %arg7[%parallel_loop3A_194, %parallel_loop3A_405, %parallel_loop3A_406] : memref<2x128x256xf32, #tpu.memory_space<vmem>> -> memref<1x128x256xf32, #tpu.memory_space<vmem>>
        %parallel_loop3A_408 = tpu.memref_squeeze %parallel_loop3A_407 : memref<1x128x256xf32, #tpu.memory_space<vmem>> -> memref<128x256xf32, #tpu.memory_space<vmem>>
        %parallel_loop3A_409 = arith.index_cast %parallel_loop3A_404 : i32 to index
        %parallel_loop3A_410 = arith.constant 80 : index
        %parallel_loop3A_411 = tpu.vector_load %parallel_loop3A_408[%parallel_loop3A_409, %parallel_loop3A_410] {strides = array<i32>} : memref<128x256xf32, #tpu.memory_space<vmem>>, vector<16xf32>,
        tpu.vector_store_idx %arg8[%parallel_loop3A_357, %add3A_86], %parallel_loop3A_411 {add = true} : memref<128x256xf32, #tpu.memory_space<vmem>>[vector<16xi32>, vector<16xi32>], vector<16xf32>,
        %parallel_loop3A_412 = arith.constant 32 : i32
        %parallel_loop3A_413 = arith.addi %parallel_loop3A_203, %parallel_loop3A_412 : i32
        %parallel_loop3A_414 = arith.constant 0 : i32
        %parallel_loop3A_415 = arith.constant 0 : i32
        %parallel_loop3A_416 = tpu.memref_slice %arg7[%parallel_loop3A_194, %parallel_loop3A_414, %parallel_loop3A_415] : memref<2x128x256xf32, #tpu.memory_space<vmem>> -> memref<1x128x256xf32, #tpu.memory_space<vmem>>
        %parallel_loop3A_417 = tpu.memref_squeeze %parallel_loop3A_416 : memref<1x128x256xf32, #tpu.memory_space<vmem>> -> memref<128x256xf32, #tpu.memory_space<vmem>>
        %parallel_loop3A_418 = arith.index_cast %parallel_loop3A_413 : i32 to index
        %parallel_loop3A_419 = arith.constant 96 : index
        %parallel_loop3A_420 = tpu.vector_load %parallel_loop3A_417[%parallel_loop3A_418, %parallel_loop3A_419] {strides = array<i32>} : memref<128x256xf32, #tpu.memory_space<vmem>>, vector<16xf32>,
        tpu.vector_store_idx %arg8[%parallel_loop3A_357, %add3A_90], %parallel_loop3A_420 {add = true} : memref<128x256xf32, #tpu.memory_space<vmem>>[vector<16xi32>, vector<16xi32>], vector<16xf32>,
        %parallel_loop3A_421 = arith.constant 32 : i32
        %parallel_loop3A_422 = arith.addi %parallel_loop3A_203, %parallel_loop3A_421 : i32
        %parallel_loop3A_423 = arith.constant 0 : i32
        %parallel_loop3A_424 = arith.constant 0 : i32
        %parallel_loop3A_425 = tpu.memref_slice %arg7[%parallel_loop3A_194, %parallel_loop3A_423, %parallel_loop3A_424] : memref<2x128x256xf32, #tpu.memory_space<vmem>> -> memref<1x128x256xf32, #tpu.memory_space<vmem>>
        %parallel_loop3A_426 = tpu.memref_squeeze %parallel_loop3A_425 : memref<1x128x256xf32, #tpu.memory_space<vmem>> -> memref<128x256xf32, #tpu.memory_space<vmem>>
        %parallel_loop3A_427 = arith.index_cast %parallel_loop3A_422 : i32 to index
        %parallel_loop3A_428 = arith.constant 112 : index
        %parallel_loop3A_429 = tpu.vector_load %parallel_loop3A_426[%parallel_loop3A_427, %parallel_loop3A_428] {strides = array<i32>} : memref<128x256xf32, #tpu.memory_space<vmem>>, vector<16xf32>,
        tpu.vector_store_idx %arg8[%parallel_loop3A_357, %add3A_94], %parallel_loop3A_429 {add = true} : memref<128x256xf32, #tpu.memory_space<vmem>>[vector<16xi32>, vector<16xi32>], vector<16xf32>,
        %parallel_loop3A_430 = arith.constant 32 : i32
        %parallel_loop3A_431 = arith.addi %parallel_loop3A_203, %parallel_loop3A_430 : i32
        %parallel_loop3A_432 = arith.constant 0 : i32
        %parallel_loop3A_433 = arith.constant 0 : i32
        %parallel_loop3A_434 = tpu.memref_slice %arg7[%parallel_loop3A_194, %parallel_loop3A_432, %parallel_loop3A_433] : memref<2x128x256xf32, #tpu.memory_space<vmem>> -> memref<1x128x256xf32, #tpu.memory_space<vmem>>
        %parallel_loop3A_435 = tpu.memref_squeeze %parallel_loop3A_434 : memref<1x128x256xf32, #tpu.memory_space<vmem>> -> memref<128x256xf32, #tpu.memory_space<vmem>>
        %parallel_loop3A_436 = arith.index_cast %parallel_loop3A_431 : i32 to index
        %parallel_loop3A_437 = arith.constant 128 : index
        %parallel_loop3A_438 = tpu.vector_load %parallel_loop3A_435[%parallel_loop3A_436, %parallel_loop3A_437] {strides = array<i32>} : memref<128x256xf32, #tpu.memory_space<vmem>>, vector<16xf32>,
        tpu.vector_store_idx %arg8[%parallel_loop3A_357, %add3A_98], %parallel_loop3A_438 {add = true} : memref<128x256xf32, #tpu.memory_space<vmem>>[vector<16xi32>, vector<16xi32>], vector<16xf32>,
        %parallel_loop3A_439 = arith.constant 32 : i32
        %parallel_loop3A_440 = arith.addi %parallel_loop3A_203, %parallel_loop3A_439 : i32
        %parallel_loop3A_441 = arith.constant 0 : i32
        %parallel_loop3A_442 = arith.constant 0 : i32
        %parallel_loop3A_443 = tpu.memref_slice %arg7[%parallel_loop3A_194, %parallel_loop3A_441, %parallel_loop3A_442] : memref<2x128x256xf32, #tpu.memory_space<vmem>> -> memref<1x128x256xf32, #tpu.memory_space<vmem>>
        %parallel_loop3A_444 = tpu.memref_squeeze %parallel_loop3A_443 : memref<1x128x256xf32, #tpu.memory_space<vmem>> -> memref<128x256xf32, #tpu.memory_space<vmem>>
        %parallel_loop3A_445 = arith.index_cast %parallel_loop3A_440 : i32 to index
        %parallel_loop3A_446 = arith.constant 144 : index
        %parallel_loop3A_447 = tpu.vector_load %parallel_loop3A_444[%parallel_loop3A_445, %parallel_loop3A_446] {strides = array<i32>} : memref<128x256xf32, #tpu.memory_space<vmem>>, vector<16xf32>,
        tpu.vector_store_idx %arg8[%parallel_loop3A_357, %add3A_102], %parallel_loop3A_447 {add = true} : memref<128x256xf32, #tpu.memory_space<vmem>>[vector<16xi32>, vector<16xi32>], vector<16xf32>,
        %parallel_loop3A_448 = arith.constant 32 : i32
        %parallel_loop3A_449 = arith.addi %parallel_loop3A_203, %parallel_loop3A_448 : i32
        %parallel_loop3A_450 = arith.constant 0 : i32
        %parallel_loop3A_451 = arith.constant 0 : i32
        %parallel_loop3A_452 = tpu.memref_slice %arg7[%parallel_loop3A_194, %parallel_loop3A_450, %parallel_loop3A_451] : memref<2x128x256xf32, #tpu.memory_space<vmem>> -> memref<1x128x256xf32, #tpu.memory_space<vmem>>
        %parallel_loop3A_453 = tpu.memref_squeeze %parallel_loop3A_452 : memref<1x128x256xf32, #tpu.memory_space<vmem>> -> memref<128x256xf32, #tpu.memory_space<vmem>>
        %parallel_loop3A_454 = arith.index_cast %parallel_loop3A_449 : i32 to index
        %parallel_loop3A_455 = arith.constant 160 : index
        %parallel_loop3A_456 = tpu.vector_load %parallel_loop3A_453[%parallel_loop3A_454, %parallel_loop3A_455] {strides = array<i32>} : memref<128x256xf32, #tpu.memory_space<vmem>>, vector<16xf32>,
        tpu.vector_store_idx %arg8[%parallel_loop3A_357, %add3A_106], %parallel_loop3A_456 {add = true} : memref<128x256xf32, #tpu.memory_space<vmem>>[vector<16xi32>, vector<16xi32>], vector<16xf32>,
        %parallel_loop3A_457 = arith.constant 32 : i32
        %parallel_loop3A_458 = arith.addi %parallel_loop3A_203, %parallel_loop3A_457 : i32
        %parallel_loop3A_459 = arith.constant 0 : i32
        %parallel_loop3A_460 = arith.constant 0 : i32
        %parallel_loop3A_461 = tpu.memref_slice %arg7[%parallel_loop3A_194, %parallel_loop3A_459, %parallel_loop3A_460] : memref<2x128x256xf32, #tpu.memory_space<vmem>> -> memref<1x128x256xf32, #tpu.memory_space<vmem>>
        %parallel_loop3A_462 = tpu.memref_squeeze %parallel_loop3A_461 : memref<1x128x256xf32, #tpu.memory_space<vmem>> -> memref<128x256xf32, #tpu.memory_space<vmem>>
        %parallel_loop3A_463 = arith.index_cast %parallel_loop3A_458 : i32 to index
        %parallel_loop3A_464 = arith.constant 176 : index
        %parallel_loop3A_465 = tpu.vector_load %parallel_loop3A_462[%parallel_loop3A_463, %parallel_loop3A_464] {strides = array<i32>} : memref<128x256xf32, #tpu.memory_space<vmem>>, vector<16xf32>,
        tpu.vector_store_idx %arg8[%parallel_loop3A_357, %add3A_110], %parallel_loop3A_465 {add = true} : memref<128x256xf32, #tpu.memory_space<vmem>>[vector<16xi32>, vector<16xi32>], vector<16xf32>,
        %parallel_loop3A_466 = arith.constant 32 : i32
        %parallel_loop3A_467 = arith.addi %parallel_loop3A_203, %parallel_loop3A_466 : i32
        %parallel_loop3A_468 = arith.constant 0 : i32
        %parallel_loop3A_469 = arith.constant 0 : i32
        %parallel_loop3A_470 = tpu.memref_slice %arg7[%parallel_loop3A_194, %parallel_loop3A_468, %parallel_loop3A_469] : memref<2x128x256xf32, #tpu.memory_space<vmem>> -> memref<1x128x256xf32, #tpu.memory_space<vmem>>
        %parallel_loop3A_471 = tpu.memref_squeeze %parallel_loop3A_470 : memref<1x128x256xf32, #tpu.memory_space<vmem>> -> memref<128x256xf32, #tpu.memory_space<vmem>>
        %parallel_loop3A_472 = arith.index_cast %parallel_loop3A_467 : i32 to index
        %parallel_loop3A_473 = arith.constant 192 : index
        %parallel_loop3A_474 = tpu.vector_load %parallel_loop3A_471[%parallel_loop3A_472, %parallel_loop3A_473] {strides = array<i32>} : memref<128x256xf32, #tpu.memory_space<vmem>>, vector<16xf32>,
        tpu.vector_store_idx %arg8[%parallel_loop3A_357, %add3A_114], %parallel_loop3A_474 {add = true} : memref<128x256xf32, #tpu.memory_space<vmem>>[vector<16xi32>, vector<16xi32>], vector<16xf32>,
        %parallel_loop3A_475 = arith.constant 32 : i32
        %parallel_loop3A_476 = arith.addi %parallel_loop3A_203, %parallel_loop3A_475 : i32
        %parallel_loop3A_477 = arith.constant 0 : i32
        %parallel_loop3A_478 = arith.constant 0 : i32
        %parallel_loop3A_479 = tpu.memref_slice %arg7[%parallel_loop3A_194, %parallel_loop3A_477, %parallel_loop3A_478] : memref<2x128x256xf32, #tpu.memory_space<vmem>> -> memref<1x128x256xf32, #tpu.memory_space<vmem>>
        %parallel_loop3A_480 = tpu.memref_squeeze %parallel_loop3A_479 : memref<1x128x256xf32, #tpu.memory_space<vmem>> -> memref<128x256xf32, #tpu.memory_space<vmem>>
        %parallel_loop3A_481 = arith.index_cast %parallel_loop3A_476 : i32 to index
        %parallel_loop3A_482 = arith.constant 208 : index
        %parallel_loop3A_483 = tpu.vector_load %parallel_loop3A_480[%parallel_loop3A_481, %parallel_loop3A_482] {strides = array<i32>} : memref<128x256xf32, #tpu.memory_space<vmem>>, vector<16xf32>,
        tpu.vector_store_idx %arg8[%parallel_loop3A_357, %add3A_118], %parallel_loop3A_483 {add = true} : memref<128x256xf32, #tpu.memory_space<vmem>>[vector<16xi32>, vector<16xi32>], vector<16xf32>,
        %parallel_loop3A_484 = arith.constant 32 : i32
        %parallel_loop3A_485 = arith.addi %parallel_loop3A_203, %parallel_loop3A_484 : i32
        %parallel_loop3A_486 = arith.constant 0 : i32
        %parallel_loop3A_487 = arith.constant 0 : i32
        %parallel_loop3A_488 = tpu.memref_slice %arg7[%parallel_loop3A_194, %parallel_loop3A_486, %parallel_loop3A_487] : memref<2x128x256xf32, #tpu.memory_space<vmem>> -> memref<1x128x256xf32, #tpu.memory_space<vmem>>
        %parallel_loop3A_489 = tpu.memref_squeeze %parallel_loop3A_488 : memref<1x128x256xf32, #tpu.memory_space<vmem>> -> memref<128x256xf32, #tpu.memory_space<vmem>>
        %parallel_loop3A_490 = arith.index_cast %parallel_loop3A_485 : i32 to index
        %parallel_loop3A_491 = arith.constant 224 : index
        %parallel_loop3A_492 = tpu.vector_load %parallel_loop3A_489[%parallel_loop3A_490, %parallel_loop3A_491] {strides = array<i32>} : memref<128x256xf32, #tpu.memory_space<vmem>>, vector<16xf32>,
        tpu.vector_store_idx %arg8[%parallel_loop3A_357, %add3A_122], %parallel_loop3A_492 {add = true} : memref<128x256xf32, #tpu.memory_space<vmem>>[vector<16xi32>, vector<16xi32>], vector<16xf32>,
        %parallel_loop3A_493 = arith.constant 32 : i32
        %parallel_loop3A_494 = arith.addi %parallel_loop3A_203, %parallel_loop3A_493 : i32
        %parallel_loop3A_495 = arith.constant 0 : i32
        %parallel_loop3A_496 = arith.constant 0 : i32
        %parallel_loop3A_497 = tpu.memref_slice %arg7[%parallel_loop3A_194, %parallel_loop3A_495, %parallel_loop3A_496] : memref<2x128x256xf32, #tpu.memory_space<vmem>> -> memref<1x128x256xf32, #tpu.memory_space<vmem>>
        %parallel_loop3A_498 = tpu.memref_squeeze %parallel_loop3A_497 : memref<1x128x256xf32, #tpu.memory_space<vmem>> -> memref<128x256xf32, #tpu.memory_space<vmem>>
        %parallel_loop3A_499 = arith.index_cast %parallel_loop3A_494 : i32 to index
        %parallel_loop3A_500 = arith.constant 240 : index
        %parallel_loop3A_501 = tpu.vector_load %parallel_loop3A_498[%parallel_loop3A_499, %parallel_loop3A_500] {strides = array<i32>} : memref<128x256xf32, #tpu.memory_space<vmem>>, vector<16xf32>,
        tpu.vector_store_idx %arg8[%parallel_loop3A_357, %add3A_126], %parallel_loop3A_501 {add = true} : memref<128x256xf32, #tpu.memory_space<vmem>>[vector<16xi32>, vector<16xi32>], vector<16xf32>,
        %parallel_loop3A_502 = arith.addi %mul3A_177, %parallel_loop3A_203 : i32
        %parallel_loop3A_503 = arith.constant 64 : i32
        %parallel_loop3A_504 = arith.addi %parallel_loop3A_502, %parallel_loop3A_503 : i32
        %parallel_loop3A_505 = vector.broadcast %parallel_loop3A_504 : i32 to vector<16xi32>
        %parallel_loop3A_506 = tpu.vector_load_idx %arg6[%parallel_loop3A_505] : memref<1024xi32, #tpu.memory_space<vmem>>[vector<16xi32>], vector<16xi32>,
        tpu.vector_store_idx %arg9[%broadcast_in_dim3A_131, %parallel_loop3A_506], %broadcast_in_dim3A_133 masked %eq3A_129 {add = true} : memref<8x128xf32, #tpu.memory_space<vmem>>[vector<16xi32>, vector<16xi32>], vector<16xf32>, vector<16xi1>
        %parallel_loop3A_507 = arith.constant 64 : i32
        %parallel_loop3A_508 = arith.addi %parallel_loop3A_203, %parallel_loop3A_507 : i32
        %parallel_loop3A_509 = arith.constant 0 : i32
        %parallel_loop3A_510 = arith.constant 0 : i32
        %parallel_loop3A_511 = tpu.memref_slice %arg7[%parallel_loop3A_194, %parallel_loop3A_509, %parallel_loop3A_510] : memref<2x128x256xf32, #tpu.memory_space<vmem>> -> memref<1x128x256xf32, #tpu.memory_space<vmem>>
        %parallel_loop3A_512 = tpu.memref_squeeze %parallel_loop3A_511 : memref<1x128x256xf32, #tpu.memory_space<vmem>> -> memref<128x256xf32, #tpu.memory_space<vmem>>
        %parallel_loop3A_513 = arith.index_cast %parallel_loop3A_508 : i32 to index
        %parallel_loop3A_514 = arith.constant 0 : index
        %parallel_loop3A_515 = tpu.vector_load %parallel_loop3A_512[%parallel_loop3A_513, %parallel_loop3A_514] {strides = array<i32>} : memref<128x256xf32, #tpu.memory_space<vmem>>, vector<16xf32>,
        tpu.vector_store_idx %arg8[%parallel_loop3A_506, %add3A_66], %parallel_loop3A_515 {add = true} : memref<128x256xf32, #tpu.memory_space<vmem>>[vector<16xi32>, vector<16xi32>], vector<16xf32>,
        %parallel_loop3A_516 = arith.constant 64 : i32
        %parallel_loop3A_517 = arith.addi %parallel_loop3A_203, %parallel_loop3A_516 : i32
        %parallel_loop3A_518 = arith.constant 0 : i32
        %parallel_loop3A_519 = arith.constant 0 : i32
        %parallel_loop3A_520 = tpu.memref_slice %arg7[%parallel_loop3A_194, %parallel_loop3A_518, %parallel_loop3A_519] : memref<2x128x256xf32, #tpu.memory_space<vmem>> -> memref<1x128x256xf32, #tpu.memory_space<vmem>>
        %parallel_loop3A_521 = tpu.memref_squeeze %parallel_loop3A_520 : memref<1x128x256xf32, #tpu.memory_space<vmem>> -> memref<128x256xf32, #tpu.memory_space<vmem>>
        %parallel_loop3A_522 = arith.index_cast %parallel_loop3A_517 : i32 to index
        %parallel_loop3A_523 = arith.constant 16 : index
        %parallel_loop3A_524 = tpu.vector_load %parallel_loop3A_521[%parallel_loop3A_522, %parallel_loop3A_523] {strides = array<i32>} : memref<128x256xf32, #tpu.memory_space<vmem>>, vector<16xf32>,
        tpu.vector_store_idx %arg8[%parallel_loop3A_506, %add3A_70], %parallel_loop3A_524 {add = true} : memref<128x256xf32, #tpu.memory_space<vmem>>[vector<16xi32>, vector<16xi32>], vector<16xf32>,
        %parallel_loop3A_525 = arith.constant 64 : i32
        %parallel_loop3A_526 = arith.addi %parallel_loop3A_203, %parallel_loop3A_525 : i32
        %parallel_loop3A_527 = arith.constant 0 : i32
        %parallel_loop3A_528 = arith.constant 0 : i32
        %parallel_loop3A_529 = tpu.memref_slice %arg7[%parallel_loop3A_194, %parallel_loop3A_527, %parallel_loop3A_528] : memref<2x128x256xf32, #tpu.memory_space<vmem>> -> memref<1x128x256xf32, #tpu.memory_space<vmem>>
        %parallel_loop3A_530 = tpu.memref_squeeze %parallel_loop3A_529 : memref<1x128x256xf32, #tpu.memory_space<vmem>> -> memref<128x256xf32, #tpu.memory_space<vmem>>
        %parallel_loop3A_531 = arith.index_cast %parallel_loop3A_526 : i32 to index
        %parallel_loop3A_532 = arith.constant 32 : index
        %parallel_loop3A_533 = tpu.vector_load %parallel_loop3A_530[%parallel_loop3A_531, %parallel_loop3A_532] {strides = array<i32>} : memref<128x256xf32, #tpu.memory_space<vmem>>, vector<16xf32>,
        tpu.vector_store_idx %arg8[%parallel_loop3A_506, %add3A_74], %parallel_loop3A_533 {add = true} : memref<128x256xf32, #tpu.memory_space<vmem>>[vector<16xi32>, vector<16xi32>], vector<16xf32>,
        %parallel_loop3A_534 = arith.constant 64 : i32
        %parallel_loop3A_535 = arith.addi %parallel_loop3A_203, %parallel_loop3A_534 : i32
        %parallel_loop3A_536 = arith.constant 0 : i32
        %parallel_loop3A_537 = arith.constant 0 : i32
        %parallel_loop3A_538 = tpu.memref_slice %arg7[%parallel_loop3A_194, %parallel_loop3A_536, %parallel_loop3A_537] : memref<2x128x256xf32, #tpu.memory_space<vmem>> -> memref<1x128x256xf32, #tpu.memory_space<vmem>>
        %parallel_loop3A_539 = tpu.memref_squeeze %parallel_loop3A_538 : memref<1x128x256xf32, #tpu.memory_space<vmem>> -> memref<128x256xf32, #tpu.memory_space<vmem>>
        %parallel_loop3A_540 = arith.index_cast %parallel_loop3A_535 : i32 to index
        %parallel_loop3A_541 = arith.constant 48 : index
        %parallel_loop3A_542 = tpu.vector_load %parallel_loop3A_539[%parallel_loop3A_540, %parallel_loop3A_541] {strides = array<i32>} : memref<128x256xf32, #tpu.memory_space<vmem>>, vector<16xf32>,
        tpu.vector_store_idx %arg8[%parallel_loop3A_506, %add3A_78], %parallel_loop3A_542 {add = true} : memref<128x256xf32, #tpu.memory_space<vmem>>[vector<16xi32>, vector<16xi32>], vector<16xf32>,
        %parallel_loop3A_543 = arith.constant 64 : i32
        %parallel_loop3A_544 = arith.addi %parallel_loop3A_203, %parallel_loop3A_543 : i32
        %parallel_loop3A_545 = arith.constant 0 : i32
        %parallel_loop3A_546 = arith.constant 0 : i32
        %parallel_loop3A_547 = tpu.memref_slice %arg7[%parallel_loop3A_194, %parallel_loop3A_545, %parallel_loop3A_546] : memref<2x128x256xf32, #tpu.memory_space<vmem>> -> memref<1x128x256xf32, #tpu.memory_space<vmem>>
        %parallel_loop3A_548 = tpu.memref_squeeze %parallel_loop3A_547 : memref<1x128x256xf32, #tpu.memory_space<vmem>> -> memref<128x256xf32, #tpu.memory_space<vmem>>
        %parallel_loop3A_549 = arith.index_cast %parallel_loop3A_544 : i32 to index
        %parallel_loop3A_550 = arith.constant 64 : index
        %parallel_loop3A_551 = tpu.vector_load %parallel_loop3A_548[%parallel_loop3A_549, %parallel_loop3A_550] {strides = array<i32>} : memref<128x256xf32, #tpu.memory_space<vmem>>, vector<16xf32>,
        tpu.vector_store_idx %arg8[%parallel_loop3A_506, %add3A_82], %parallel_loop3A_551 {add = true} : memref<128x256xf32, #tpu.memory_space<vmem>>[vector<16xi32>, vector<16xi32>], vector<16xf32>,
        %parallel_loop3A_552 = arith.constant 64 : i32
        %parallel_loop3A_553 = arith.addi %parallel_loop3A_203, %parallel_loop3A_552 : i32
        %parallel_loop3A_554 = arith.constant 0 : i32
        %parallel_loop3A_555 = arith.constant 0 : i32
        %parallel_loop3A_556 = tpu.memref_slice %arg7[%parallel_loop3A_194, %parallel_loop3A_554, %parallel_loop3A_555] : memref<2x128x256xf32, #tpu.memory_space<vmem>> -> memref<1x128x256xf32, #tpu.memory_space<vmem>>
        %parallel_loop3A_557 = tpu.memref_squeeze %parallel_loop3A_556 : memref<1x128x256xf32, #tpu.memory_space<vmem>> -> memref<128x256xf32, #tpu.memory_space<vmem>>
        %parallel_loop3A_558 = arith.index_cast %parallel_loop3A_553 : i32 to index
        %parallel_loop3A_559 = arith.constant 80 : index
        %parallel_loop3A_560 = tpu.vector_load %parallel_loop3A_557[%parallel_loop3A_558, %parallel_loop3A_559] {strides = array<i32>} : memref<128x256xf32, #tpu.memory_space<vmem>>, vector<16xf32>,
        tpu.vector_store_idx %arg8[%parallel_loop3A_506, %add3A_86], %parallel_loop3A_560 {add = true} : memref<128x256xf32, #tpu.memory_space<vmem>>[vector<16xi32>, vector<16xi32>], vector<16xf32>,
        %parallel_loop3A_561 = arith.constant 64 : i32
        %parallel_loop3A_562 = arith.addi %parallel_loop3A_203, %parallel_loop3A_561 : i32
        %parallel_loop3A_563 = arith.constant 0 : i32
        %parallel_loop3A_564 = arith.constant 0 : i32
        %parallel_loop3A_565 = tpu.memref_slice %arg7[%parallel_loop3A_194, %parallel_loop3A_563, %parallel_loop3A_564] : memref<2x128x256xf32, #tpu.memory_space<vmem>> -> memref<1x128x256xf32, #tpu.memory_space<vmem>>
        %parallel_loop3A_566 = tpu.memref_squeeze %parallel_loop3A_565 : memref<1x128x256xf32, #tpu.memory_space<vmem>> -> memref<128x256xf32, #tpu.memory_space<vmem>>
        %parallel_loop3A_567 = arith.index_cast %parallel_loop3A_562 : i32 to index
        %parallel_loop3A_568 = arith.constant 96 : index
        %parallel_loop3A_569 = tpu.vector_load %parallel_loop3A_566[%parallel_loop3A_567, %parallel_loop3A_568] {strides = array<i32>} : memref<128x256xf32, #tpu.memory_space<vmem>>, vector<16xf32>,
        tpu.vector_store_idx %arg8[%parallel_loop3A_506, %add3A_90], %parallel_loop3A_569 {add = true} : memref<128x256xf32, #tpu.memory_space<vmem>>[vector<16xi32>, vector<16xi32>], vector<16xf32>,
        %parallel_loop3A_570 = arith.constant 64 : i32
        %parallel_loop3A_571 = arith.addi %parallel_loop3A_203, %parallel_loop3A_570 : i32
        %parallel_loop3A_572 = arith.constant 0 : i32
        %parallel_loop3A_573 = arith.constant 0 : i32
        %parallel_loop3A_574 = tpu.memref_slice %arg7[%parallel_loop3A_194, %parallel_loop3A_572, %parallel_loop3A_573] : memref<2x128x256xf32, #tpu.memory_space<vmem>> -> memref<1x128x256xf32, #tpu.memory_space<vmem>>
        %parallel_loop3A_575 = tpu.memref_squeeze %parallel_loop3A_574 : memref<1x128x256xf32, #tpu.memory_space<vmem>> -> memref<128x256xf32, #tpu.memory_space<vmem>>
        %parallel_loop3A_576 = arith.index_cast %parallel_loop3A_571 : i32 to index
        %parallel_loop3A_577 = arith.constant 112 : index
        %parallel_loop3A_578 = tpu.vector_load %parallel_loop3A_575[%parallel_loop3A_576, %parallel_loop3A_577] {strides = array<i32>} : memref<128x256xf32, #tpu.memory_space<vmem>>, vector<16xf32>,
        tpu.vector_store_idx %arg8[%parallel_loop3A_506, %add3A_94], %parallel_loop3A_578 {add = true} : memref<128x256xf32, #tpu.memory_space<vmem>>[vector<16xi32>, vector<16xi32>], vector<16xf32>,
        %parallel_loop3A_579 = arith.constant 64 : i32
        %parallel_loop3A_580 = arith.addi %parallel_loop3A_203, %parallel_loop3A_579 : i32
        %parallel_loop3A_581 = arith.constant 0 : i32
        %parallel_loop3A_582 = arith.constant 0 : i32
        %parallel_loop3A_583 = tpu.memref_slice %arg7[%parallel_loop3A_194, %parallel_loop3A_581, %parallel_loop3A_582] : memref<2x128x256xf32, #tpu.memory_space<vmem>> -> memref<1x128x256xf32, #tpu.memory_space<vmem>>
        %parallel_loop3A_584 = tpu.memref_squeeze %parallel_loop3A_583 : memref<1x128x256xf32, #tpu.memory_space<vmem>> -> memref<128x256xf32, #tpu.memory_space<vmem>>
        %parallel_loop3A_585 = arith.index_cast %parallel_loop3A_580 : i32 to index
        %parallel_loop3A_586 = arith.constant 128 : index
        %parallel_loop3A_587 = tpu.vector_load %parallel_loop3A_584[%parallel_loop3A_585, %parallel_loop3A_586] {strides = array<i32>} : memref<128x256xf32, #tpu.memory_space<vmem>>, vector<16xf32>,
        tpu.vector_store_idx %arg8[%parallel_loop3A_506, %add3A_98], %parallel_loop3A_587 {add = true} : memref<128x256xf32, #tpu.memory_space<vmem>>[vector<16xi32>, vector<16xi32>], vector<16xf32>,
        %parallel_loop3A_588 = arith.constant 64 : i32
        %parallel_loop3A_589 = arith.addi %parallel_loop3A_203, %parallel_loop3A_588 : i32
        %parallel_loop3A_590 = arith.constant 0 : i32
        %parallel_loop3A_591 = arith.constant 0 : i32
        %parallel_loop3A_592 = tpu.memref_slice %arg7[%parallel_loop3A_194, %parallel_loop3A_590, %parallel_loop3A_591] : memref<2x128x256xf32, #tpu.memory_space<vmem>> -> memref<1x128x256xf32, #tpu.memory_space<vmem>>
        %parallel_loop3A_593 = tpu.memref_squeeze %parallel_loop3A_592 : memref<1x128x256xf32, #tpu.memory_space<vmem>> -> memref<128x256xf32, #tpu.memory_space<vmem>>
        %parallel_loop3A_594 = arith.index_cast %parallel_loop3A_589 : i32 to index
        %parallel_loop3A_595 = arith.constant 144 : index
        %parallel_loop3A_596 = tpu.vector_load %parallel_loop3A_593[%parallel_loop3A_594, %parallel_loop3A_595] {strides = array<i32>} : memref<128x256xf32, #tpu.memory_space<vmem>>, vector<16xf32>,
        tpu.vector_store_idx %arg8[%parallel_loop3A_506, %add3A_102], %parallel_loop3A_596 {add = true} : memref<128x256xf32, #tpu.memory_space<vmem>>[vector<16xi32>, vector<16xi32>], vector<16xf32>,
        %parallel_loop3A_597 = arith.constant 64 : i32
        %parallel_loop3A_598 = arith.addi %parallel_loop3A_203, %parallel_loop3A_597 : i32
        %parallel_loop3A_599 = arith.constant 0 : i32
        %parallel_loop3A_600 = arith.constant 0 : i32
        %parallel_loop3A_601 = tpu.memref_slice %arg7[%parallel_loop3A_194, %parallel_loop3A_599, %parallel_loop3A_600] : memref<2x128x256xf32, #tpu.memory_space<vmem>> -> memref<1x128x256xf32, #tpu.memory_space<vmem>>
        %parallel_loop3A_602 = tpu.memref_squeeze %parallel_loop3A_601 : memref<1x128x256xf32, #tpu.memory_space<vmem>> -> memref<128x256xf32, #tpu.memory_space<vmem>>
        %parallel_loop3A_603 = arith.index_cast %parallel_loop3A_598 : i32 to index
        %parallel_loop3A_604 = arith.constant 160 : index
        %parallel_loop3A_605 = tpu.vector_load %parallel_loop3A_602[%parallel_loop3A_603, %parallel_loop3A_604] {strides = array<i32>} : memref<128x256xf32, #tpu.memory_space<vmem>>, vector<16xf32>,
        tpu.vector_store_idx %arg8[%parallel_loop3A_506, %add3A_106], %parallel_loop3A_605 {add = true} : memref<128x256xf32, #tpu.memory_space<vmem>>[vector<16xi32>, vector<16xi32>], vector<16xf32>,
        %parallel_loop3A_606 = arith.constant 64 : i32
        %parallel_loop3A_607 = arith.addi %parallel_loop3A_203, %parallel_loop3A_606 : i32
        %parallel_loop3A_608 = arith.constant 0 : i32
        %parallel_loop3A_609 = arith.constant 0 : i32
        %parallel_loop3A_610 = tpu.memref_slice %arg7[%parallel_loop3A_194, %parallel_loop3A_608, %parallel_loop3A_609] : memref<2x128x256xf32, #tpu.memory_space<vmem>> -> memref<1x128x256xf32, #tpu.memory_space<vmem>>
        %parallel_loop3A_611 = tpu.memref_squeeze %parallel_loop3A_610 : memref<1x128x256xf32, #tpu.memory_space<vmem>> -> memref<128x256xf32, #tpu.memory_space<vmem>>
        %parallel_loop3A_612 = arith.index_cast %parallel_loop3A_607 : i32 to index
        %parallel_loop3A_613 = arith.constant 176 : index
        %parallel_loop3A_614 = tpu.vector_load %parallel_loop3A_611[%parallel_loop3A_612, %parallel_loop3A_613] {strides = array<i32>} : memref<128x256xf32, #tpu.memory_space<vmem>>, vector<16xf32>,
        tpu.vector_store_idx %arg8[%parallel_loop3A_506, %add3A_110], %parallel_loop3A_614 {add = true} : memref<128x256xf32, #tpu.memory_space<vmem>>[vector<16xi32>, vector<16xi32>], vector<16xf32>,
        %parallel_loop3A_615 = arith.constant 64 : i32
        %parallel_loop3A_616 = arith.addi %parallel_loop3A_203, %parallel_loop3A_615 : i32
        %parallel_loop3A_617 = arith.constant 0 : i32
        %parallel_loop3A_618 = arith.constant 0 : i32
        %parallel_loop3A_619 = tpu.memref_slice %arg7[%parallel_loop3A_194, %parallel_loop3A_617, %parallel_loop3A_618] : memref<2x128x256xf32, #tpu.memory_space<vmem>> -> memref<1x128x256xf32, #tpu.memory_space<vmem>>
        %parallel_loop3A_620 = tpu.memref_squeeze %parallel_loop3A_619 : memref<1x128x256xf32, #tpu.memory_space<vmem>> -> memref<128x256xf32, #tpu.memory_space<vmem>>
        %parallel_loop3A_621 = arith.index_cast %parallel_loop3A_616 : i32 to index
        %parallel_loop3A_622 = arith.constant 192 : index
        %parallel_loop3A_623 = tpu.vector_load %parallel_loop3A_620[%parallel_loop3A_621, %parallel_loop3A_622] {strides = array<i32>} : memref<128x256xf32, #tpu.memory_space<vmem>>, vector<16xf32>,
        tpu.vector_store_idx %arg8[%parallel_loop3A_506, %add3A_114], %parallel_loop3A_623 {add = true} : memref<128x256xf32, #tpu.memory_space<vmem>>[vector<16xi32>, vector<16xi32>], vector<16xf32>,
        %parallel_loop3A_624 = arith.constant 64 : i32
        %parallel_loop3A_625 = arith.addi %parallel_loop3A_203, %parallel_loop3A_624 : i32
        %parallel_loop3A_626 = arith.constant 0 : i32
        %parallel_loop3A_627 = arith.constant 0 : i32
        %parallel_loop3A_628 = tpu.memref_slice %arg7[%parallel_loop3A_194, %parallel_loop3A_626, %parallel_loop3A_627] : memref<2x128x256xf32, #tpu.memory_space<vmem>> -> memref<1x128x256xf32, #tpu.memory_space<vmem>>
        %parallel_loop3A_629 = tpu.memref_squeeze %parallel_loop3A_628 : memref<1x128x256xf32, #tpu.memory_space<vmem>> -> memref<128x256xf32, #tpu.memory_space<vmem>>
        %parallel_loop3A_630 = arith.index_cast %parallel_loop3A_625 : i32 to index
        %parallel_loop3A_631 = arith.constant 208 : index
        %parallel_loop3A_632 = tpu.vector_load %parallel_loop3A_629[%parallel_loop3A_630, %parallel_loop3A_631] {strides = array<i32>} : memref<128x256xf32, #tpu.memory_space<vmem>>, vector<16xf32>,
        tpu.vector_store_idx %arg8[%parallel_loop3A_506, %add3A_118], %parallel_loop3A_632 {add = true} : memref<128x256xf32, #tpu.memory_space<vmem>>[vector<16xi32>, vector<16xi32>], vector<16xf32>,
        %parallel_loop3A_633 = arith.constant 64 : i32
        %parallel_loop3A_634 = arith.addi %parallel_loop3A_203, %parallel_loop3A_633 : i32
        %parallel_loop3A_635 = arith.constant 0 : i32
        %parallel_loop3A_636 = arith.constant 0 : i32
        %parallel_loop3A_637 = tpu.memref_slice %arg7[%parallel_loop3A_194, %parallel_loop3A_635, %parallel_loop3A_636] : memref<2x128x256xf32, #tpu.memory_space<vmem>> -> memref<1x128x256xf32, #tpu.memory_space<vmem>>
        %parallel_loop3A_638 = tpu.memref_squeeze %parallel_loop3A_637 : memref<1x128x256xf32, #tpu.memory_space<vmem>> -> memref<128x256xf32, #tpu.memory_space<vmem>>
        %parallel_loop3A_639 = arith.index_cast %parallel_loop3A_634 : i32 to index
        %parallel_loop3A_640 = arith.constant 224 : index
        %parallel_loop3A_641 = tpu.vector_load %parallel_loop3A_638[%parallel_loop3A_639, %parallel_loop3A_640] {strides = array<i32>} : memref<128x256xf32, #tpu.memory_space<vmem>>, vector<16xf32>,
        tpu.vector_store_idx %arg8[%parallel_loop3A_506, %add3A_122], %parallel_loop3A_641 {add = true} : memref<128x256xf32, #tpu.memory_space<vmem>>[vector<16xi32>, vector<16xi32>], vector<16xf32>,
        %parallel_loop3A_642 = arith.constant 64 : i32
        %parallel_loop3A_643 = arith.addi %parallel_loop3A_203, %parallel_loop3A_642 : i32
        %parallel_loop3A_644 = arith.constant 0 : i32
        %parallel_loop3A_645 = arith.constant 0 : i32
        %parallel_loop3A_646 = tpu.memref_slice %arg7[%parallel_loop3A_194, %parallel_loop3A_644, %parallel_loop3A_645] : memref<2x128x256xf32, #tpu.memory_space<vmem>> -> memref<1x128x256xf32, #tpu.memory_space<vmem>>
        %parallel_loop3A_647 = tpu.memref_squeeze %parallel_loop3A_646 : memref<1x128x256xf32, #tpu.memory_space<vmem>> -> memref<128x256xf32, #tpu.memory_space<vmem>>
        %parallel_loop3A_648 = arith.index_cast %parallel_loop3A_643 : i32 to index
        %parallel_loop3A_649 = arith.constant 240 : index
        %parallel_loop3A_650 = tpu.vector_load %parallel_loop3A_647[%parallel_loop3A_648, %parallel_loop3A_649] {strides = array<i32>} : memref<128x256xf32, #tpu.memory_space<vmem>>, vector<16xf32>,
        tpu.vector_store_idx %arg8[%parallel_loop3A_506, %add3A_126], %parallel_loop3A_650 {add = true} : memref<128x256xf32, #tpu.memory_space<vmem>>[vector<16xi32>, vector<16xi32>], vector<16xf32>,
        %parallel_loop3A_651 = arith.addi %mul3A_177, %parallel_loop3A_203 : i32
        %parallel_loop3A_652 = arith.constant 96 : i32
        %parallel_loop3A_653 = arith.addi %parallel_loop3A_651, %parallel_loop3A_652 : i32
        %parallel_loop3A_654 = vector.broadcast %parallel_loop3A_653 : i32 to vector<16xi32>
        %parallel_loop3A_655 = tpu.vector_load_idx %arg6[%parallel_loop3A_654] : memref<1024xi32, #tpu.memory_space<vmem>>[vector<16xi32>], vector<16xi32>,
        tpu.vector_store_idx %arg9[%broadcast_in_dim3A_131, %parallel_loop3A_655], %broadcast_in_dim3A_133 masked %eq3A_129 {add = true} : memref<8x128xf32, #tpu.memory_space<vmem>>[vector<16xi32>, vector<16xi32>], vector<16xf32>, vector<16xi1>
        %parallel_loop3A_656 = arith.constant 96 : i32
        %parallel_loop3A_657 = arith.addi %parallel_loop3A_203, %parallel_loop3A_656 : i32
        %parallel_loop3A_658 = arith.constant 0 : i32
        %parallel_loop3A_659 = arith.constant 0 : i32
        %parallel_loop3A_660 = tpu.memref_slice %arg7[%parallel_loop3A_194, %parallel_loop3A_658, %parallel_loop3A_659] : memref<2x128x256xf32, #tpu.memory_space<vmem>> -> memref<1x128x256xf32, #tpu.memory_space<vmem>>
        %parallel_loop3A_661 = tpu.memref_squeeze %parallel_loop3A_660 : memref<1x128x256xf32, #tpu.memory_space<vmem>> -> memref<128x256xf32, #tpu.memory_space<vmem>>
        %parallel_loop3A_662 = arith.index_cast %parallel_loop3A_657 : i32 to index
        %parallel_loop3A_663 = arith.constant 0 : index
        %parallel_loop3A_664 = tpu.vector_load %parallel_loop3A_661[%parallel_loop3A_662, %parallel_loop3A_663] {strides = array<i32>} : memref<128x256xf32, #tpu.memory_space<vmem>>, vector<16xf32>,
        tpu.vector_store_idx %arg8[%parallel_loop3A_655, %add3A_66], %parallel_loop3A_664 {add = true} : memref<128x256xf32, #tpu.memory_space<vmem>>[vector<16xi32>, vector<16xi32>], vector<16xf32>,
        %parallel_loop3A_665 = arith.constant 96 : i32
        %parallel_loop3A_666 = arith.addi %parallel_loop3A_203, %parallel_loop3A_665 : i32
        %parallel_loop3A_667 = arith.constant 0 : i32
        %parallel_loop3A_668 = arith.constant 0 : i32
        %parallel_loop3A_669 = tpu.memref_slice %arg7[%parallel_loop3A_194, %parallel_loop3A_667, %parallel_loop3A_668] : memref<2x128x256xf32, #tpu.memory_space<vmem>> -> memref<1x128x256xf32, #tpu.memory_space<vmem>>
        %parallel_loop3A_670 = tpu.memref_squeeze %parallel_loop3A_669 : memref<1x128x256xf32, #tpu.memory_space<vmem>> -> memref<128x256xf32, #tpu.memory_space<vmem>>
        %parallel_loop3A_671 = arith.index_cast %parallel_loop3A_666 : i32 to index
        %parallel_loop3A_672 = arith.constant 16 : index
        %parallel_loop3A_673 = tpu.vector_load %parallel_loop3A_670[%parallel_loop3A_671, %parallel_loop3A_672] {strides = array<i32>} : memref<128x256xf32, #tpu.memory_space<vmem>>, vector<16xf32>,
        tpu.vector_store_idx %arg8[%parallel_loop3A_655, %add3A_70], %parallel_loop3A_673 {add = true} : memref<128x256xf32, #tpu.memory_space<vmem>>[vector<16xi32>, vector<16xi32>], vector<16xf32>,
        %parallel_loop3A_674 = arith.constant 96 : i32
        %parallel_loop3A_675 = arith.addi %parallel_loop3A_203, %parallel_loop3A_674 : i32
        %parallel_loop3A_676 = arith.constant 0 : i32
        %parallel_loop3A_677 = arith.constant 0 : i32
        %parallel_loop3A_678 = tpu.memref_slice %arg7[%parallel_loop3A_194, %parallel_loop3A_676, %parallel_loop3A_677] : memref<2x128x256xf32, #tpu.memory_space<vmem>> -> memref<1x128x256xf32, #tpu.memory_space<vmem>>
        %parallel_loop3A_679 = tpu.memref_squeeze %parallel_loop3A_678 : memref<1x128x256xf32, #tpu.memory_space<vmem>> -> memref<128x256xf32, #tpu.memory_space<vmem>>
        %parallel_loop3A_680 = arith.index_cast %parallel_loop3A_675 : i32 to index
        %parallel_loop3A_681 = arith.constant 32 : index
        %parallel_loop3A_682 = tpu.vector_load %parallel_loop3A_679[%parallel_loop3A_680, %parallel_loop3A_681] {strides = array<i32>} : memref<128x256xf32, #tpu.memory_space<vmem>>, vector<16xf32>,
        tpu.vector_store_idx %arg8[%parallel_loop3A_655, %add3A_74], %parallel_loop3A_682 {add = true} : memref<128x256xf32, #tpu.memory_space<vmem>>[vector<16xi32>, vector<16xi32>], vector<16xf32>,
        %parallel_loop3A_683 = arith.constant 96 : i32
        %parallel_loop3A_684 = arith.addi %parallel_loop3A_203, %parallel_loop3A_683 : i32
        %parallel_loop3A_685 = arith.constant 0 : i32
        %parallel_loop3A_686 = arith.constant 0 : i32
        %parallel_loop3A_687 = tpu.memref_slice %arg7[%parallel_loop3A_194, %parallel_loop3A_685, %parallel_loop3A_686] : memref<2x128x256xf32, #tpu.memory_space<vmem>> -> memref<1x128x256xf32, #tpu.memory_space<vmem>>
        %parallel_loop3A_688 = tpu.memref_squeeze %parallel_loop3A_687 : memref<1x128x256xf32, #tpu.memory_space<vmem>> -> memref<128x256xf32, #tpu.memory_space<vmem>>
        %parallel_loop3A_689 = arith.index_cast %parallel_loop3A_684 : i32 to index
        %parallel_loop3A_690 = arith.constant 48 : index
        %parallel_loop3A_691 = tpu.vector_load %parallel_loop3A_688[%parallel_loop3A_689, %parallel_loop3A_690] {strides = array<i32>} : memref<128x256xf32, #tpu.memory_space<vmem>>, vector<16xf32>,
        tpu.vector_store_idx %arg8[%parallel_loop3A_655, %add3A_78], %parallel_loop3A_691 {add = true} : memref<128x256xf32, #tpu.memory_space<vmem>>[vector<16xi32>, vector<16xi32>], vector<16xf32>,
        %parallel_loop3A_692 = arith.constant 96 : i32
        %parallel_loop3A_693 = arith.addi %parallel_loop3A_203, %parallel_loop3A_692 : i32
        %parallel_loop3A_694 = arith.constant 0 : i32
        %parallel_loop3A_695 = arith.constant 0 : i32
        %parallel_loop3A_696 = tpu.memref_slice %arg7[%parallel_loop3A_194, %parallel_loop3A_694, %parallel_loop3A_695] : memref<2x128x256xf32, #tpu.memory_space<vmem>> -> memref<1x128x256xf32, #tpu.memory_space<vmem>>
        %parallel_loop3A_697 = tpu.memref_squeeze %parallel_loop3A_696 : memref<1x128x256xf32, #tpu.memory_space<vmem>> -> memref<128x256xf32, #tpu.memory_space<vmem>>
        %parallel_loop3A_698 = arith.index_cast %parallel_loop3A_693 : i32 to index
        %parallel_loop3A_699 = arith.constant 64 : index
        %parallel_loop3A_700 = tpu.vector_load %parallel_loop3A_697[%parallel_loop3A_698, %parallel_loop3A_699] {strides = array<i32>} : memref<128x256xf32, #tpu.memory_space<vmem>>, vector<16xf32>,
        tpu.vector_store_idx %arg8[%parallel_loop3A_655, %add3A_82], %parallel_loop3A_700 {add = true} : memref<128x256xf32, #tpu.memory_space<vmem>>[vector<16xi32>, vector<16xi32>], vector<16xf32>,
        %parallel_loop3A_701 = arith.constant 96 : i32
        %parallel_loop3A_702 = arith.addi %parallel_loop3A_203, %parallel_loop3A_701 : i32
        %parallel_loop3A_703 = arith.constant 0 : i32
        %parallel_loop3A_704 = arith.constant 0 : i32
        %parallel_loop3A_705 = tpu.memref_slice %arg7[%parallel_loop3A_194, %parallel_loop3A_703, %parallel_loop3A_704] : memref<2x128x256xf32, #tpu.memory_space<vmem>> -> memref<1x128x256xf32, #tpu.memory_space<vmem>>
        %parallel_loop3A_706 = tpu.memref_squeeze %parallel_loop3A_705 : memref<1x128x256xf32, #tpu.memory_space<vmem>> -> memref<128x256xf32, #tpu.memory_space<vmem>>
        %parallel_loop3A_707 = arith.index_cast %parallel_loop3A_702 : i32 to index
        %parallel_loop3A_708 = arith.constant 80 : index
        %parallel_loop3A_709 = tpu.vector_load %parallel_loop3A_706[%parallel_loop3A_707, %parallel_loop3A_708] {strides = array<i32>} : memref<128x256xf32, #tpu.memory_space<vmem>>, vector<16xf32>,
        tpu.vector_store_idx %arg8[%parallel_loop3A_655, %add3A_86], %parallel_loop3A_709 {add = true} : memref<128x256xf32, #tpu.memory_space<vmem>>[vector<16xi32>, vector<16xi32>], vector<16xf32>,
        %parallel_loop3A_710 = arith.constant 96 : i32
        %parallel_loop3A_711 = arith.addi %parallel_loop3A_203, %parallel_loop3A_710 : i32
        %parallel_loop3A_712 = arith.constant 0 : i32
        %parallel_loop3A_713 = arith.constant 0 : i32
        %parallel_loop3A_714 = tpu.memref_slice %arg7[%parallel_loop3A_194, %parallel_loop3A_712, %parallel_loop3A_713] : memref<2x128x256xf32, #tpu.memory_space<vmem>> -> memref<1x128x256xf32, #tpu.memory_space<vmem>>
        %parallel_loop3A_715 = tpu.memref_squeeze %parallel_loop3A_714 : memref<1x128x256xf32, #tpu.memory_space<vmem>> -> memref<128x256xf32, #tpu.memory_space<vmem>>
        %parallel_loop3A_716 = arith.index_cast %parallel_loop3A_711 : i32 to index
        %parallel_loop3A_717 = arith.constant 96 : index
        %parallel_loop3A_718 = tpu.vector_load %parallel_loop3A_715[%parallel_loop3A_716, %parallel_loop3A_717] {strides = array<i32>} : memref<128x256xf32, #tpu.memory_space<vmem>>, vector<16xf32>,
        tpu.vector_store_idx %arg8[%parallel_loop3A_655, %add3A_90], %parallel_loop3A_718 {add = true} : memref<128x256xf32, #tpu.memory_space<vmem>>[vector<16xi32>, vector<16xi32>], vector<16xf32>,
        %parallel_loop3A_719 = arith.constant 96 : i32
        %parallel_loop3A_720 = arith.addi %parallel_loop3A_203, %parallel_loop3A_719 : i32
        %parallel_loop3A_721 = arith.constant 0 : i32
        %parallel_loop3A_722 = arith.constant 0 : i32
        %parallel_loop3A_723 = tpu.memref_slice %arg7[%parallel_loop3A_194, %parallel_loop3A_721, %parallel_loop3A_722] : memref<2x128x256xf32, #tpu.memory_space<vmem>> -> memref<1x128x256xf32, #tpu.memory_space<vmem>>
        %parallel_loop3A_724 = tpu.memref_squeeze %parallel_loop3A_723 : memref<1x128x256xf32, #tpu.memory_space<vmem>> -> memref<128x256xf32, #tpu.memory_space<vmem>>
        %parallel_loop3A_725 = arith.index_cast %parallel_loop3A_720 : i32 to index
        %parallel_loop3A_726 = arith.constant 112 : index
        %parallel_loop3A_727 = tpu.vector_load %parallel_loop3A_724[%parallel_loop3A_725, %parallel_loop3A_726] {strides = array<i32>} : memref<128x256xf32, #tpu.memory_space<vmem>>, vector<16xf32>,
        tpu.vector_store_idx %arg8[%parallel_loop3A_655, %add3A_94], %parallel_loop3A_727 {add = true} : memref<128x256xf32, #tpu.memory_space<vmem>>[vector<16xi32>, vector<16xi32>], vector<16xf32>,
        %parallel_loop3A_728 = arith.constant 96 : i32
        %parallel_loop3A_729 = arith.addi %parallel_loop3A_203, %parallel_loop3A_728 : i32
        %parallel_loop3A_730 = arith.constant 0 : i32
        %parallel_loop3A_731 = arith.constant 0 : i32
        %parallel_loop3A_732 = tpu.memref_slice %arg7[%parallel_loop3A_194, %parallel_loop3A_730, %parallel_loop3A_731] : memref<2x128x256xf32, #tpu.memory_space<vmem>> -> memref<1x128x256xf32, #tpu.memory_space<vmem>>
        %parallel_loop3A_733 = tpu.memref_squeeze %parallel_loop3A_732 : memref<1x128x256xf32, #tpu.memory_space<vmem>> -> memref<128x256xf32, #tpu.memory_space<vmem>>
        %parallel_loop3A_734 = arith.index_cast %parallel_loop3A_729 : i32 to index
        %parallel_loop3A_735 = arith.constant 128 : index
        %parallel_loop3A_736 = tpu.vector_load %parallel_loop3A_733[%parallel_loop3A_734, %parallel_loop3A_735] {strides = array<i32>} : memref<128x256xf32, #tpu.memory_space<vmem>>, vector<16xf32>,
        tpu.vector_store_idx %arg8[%parallel_loop3A_655, %add3A_98], %parallel_loop3A_736 {add = true} : memref<128x256xf32, #tpu.memory_space<vmem>>[vector<16xi32>, vector<16xi32>], vector<16xf32>,
        %parallel_loop3A_737 = arith.constant 96 : i32
        %parallel_loop3A_738 = arith.addi %parallel_loop3A_203, %parallel_loop3A_737 : i32
        %parallel_loop3A_739 = arith.constant 0 : i32
        %parallel_loop3A_740 = arith.constant 0 : i32
        %parallel_loop3A_741 = tpu.memref_slice %arg7[%parallel_loop3A_194, %parallel_loop3A_739, %parallel_loop3A_740] : memref<2x128x256xf32, #tpu.memory_space<vmem>> -> memref<1x128x256xf32, #tpu.memory_space<vmem>>
        %parallel_loop3A_742 = tpu.memref_squeeze %parallel_loop3A_741 : memref<1x128x256xf32, #tpu.memory_space<vmem>> -> memref<128x256xf32, #tpu.memory_space<vmem>>
        %parallel_loop3A_743 = arith.index_cast %parallel_loop3A_738 : i32 to index
        %parallel_loop3A_744 = arith.constant 144 : index
        %parallel_loop3A_745 = tpu.vector_load %parallel_loop3A_742[%parallel_loop3A_743, %parallel_loop3A_744] {strides = array<i32>} : memref<128x256xf32, #tpu.memory_space<vmem>>, vector<16xf32>,
        tpu.vector_store_idx %arg8[%parallel_loop3A_655, %add3A_102], %parallel_loop3A_745 {add = true} : memref<128x256xf32, #tpu.memory_space<vmem>>[vector<16xi32>, vector<16xi32>], vector<16xf32>,
        %parallel_loop3A_746 = arith.constant 96 : i32
        %parallel_loop3A_747 = arith.addi %parallel_loop3A_203, %parallel_loop3A_746 : i32
        %parallel_loop3A_748 = arith.constant 0 : i32
        %parallel_loop3A_749 = arith.constant 0 : i32
        %parallel_loop3A_750 = tpu.memref_slice %arg7[%parallel_loop3A_194, %parallel_loop3A_748, %parallel_loop3A_749] : memref<2x128x256xf32, #tpu.memory_space<vmem>> -> memref<1x128x256xf32, #tpu.memory_space<vmem>>
        %parallel_loop3A_751 = tpu.memref_squeeze %parallel_loop3A_750 : memref<1x128x256xf32, #tpu.memory_space<vmem>> -> memref<128x256xf32, #tpu.memory_space<vmem>>
        %parallel_loop3A_752 = arith.index_cast %parallel_loop3A_747 : i32 to index
        %parallel_loop3A_753 = arith.constant 160 : index
        %parallel_loop3A_754 = tpu.vector_load %parallel_loop3A_751[%parallel_loop3A_752, %parallel_loop3A_753] {strides = array<i32>} : memref<128x256xf32, #tpu.memory_space<vmem>>, vector<16xf32>,
        tpu.vector_store_idx %arg8[%parallel_loop3A_655, %add3A_106], %parallel_loop3A_754 {add = true} : memref<128x256xf32, #tpu.memory_space<vmem>>[vector<16xi32>, vector<16xi32>], vector<16xf32>,
        %parallel_loop3A_755 = arith.constant 96 : i32
        %parallel_loop3A_756 = arith.addi %parallel_loop3A_203, %parallel_loop3A_755 : i32
        %parallel_loop3A_757 = arith.constant 0 : i32
        %parallel_loop3A_758 = arith.constant 0 : i32
        %parallel_loop3A_759 = tpu.memref_slice %arg7[%parallel_loop3A_194, %parallel_loop3A_757, %parallel_loop3A_758] : memref<2x128x256xf32, #tpu.memory_space<vmem>> -> memref<1x128x256xf32, #tpu.memory_space<vmem>>
        %parallel_loop3A_760 = tpu.memref_squeeze %parallel_loop3A_759 : memref<1x128x256xf32, #tpu.memory_space<vmem>> -> memref<128x256xf32, #tpu.memory_space<vmem>>
        %parallel_loop3A_761 = arith.index_cast %parallel_loop3A_756 : i32 to index
        %parallel_loop3A_762 = arith.constant 176 : index
        %parallel_loop3A_763 = tpu.vector_load %parallel_loop3A_760[%parallel_loop3A_761, %parallel_loop3A_762] {strides = array<i32>} : memref<128x256xf32, #tpu.memory_space<vmem>>, vector<16xf32>,
        tpu.vector_store_idx %arg8[%parallel_loop3A_655, %add3A_110], %parallel_loop3A_763 {add = true} : memref<128x256xf32, #tpu.memory_space<vmem>>[vector<16xi32>, vector<16xi32>], vector<16xf32>,
        %parallel_loop3A_764 = arith.constant 96 : i32
        %parallel_loop3A_765 = arith.addi %parallel_loop3A_203, %parallel_loop3A_764 : i32
        %parallel_loop3A_766 = arith.constant 0 : i32
        %parallel_loop3A_767 = arith.constant 0 : i32
        %parallel_loop3A_768 = tpu.memref_slice %arg7[%parallel_loop3A_194, %parallel_loop3A_766, %parallel_loop3A_767] : memref<2x128x256xf32, #tpu.memory_space<vmem>> -> memref<1x128x256xf32, #tpu.memory_space<vmem>>
        %parallel_loop3A_769 = tpu.memref_squeeze %parallel_loop3A_768 : memref<1x128x256xf32, #tpu.memory_space<vmem>> -> memref<128x256xf32, #tpu.memory_space<vmem>>
        %parallel_loop3A_770 = arith.index_cast %parallel_loop3A_765 : i32 to index
        %parallel_loop3A_771 = arith.constant 192 : index
        %parallel_loop3A_772 = tpu.vector_load %parallel_loop3A_769[%parallel_loop3A_770, %parallel_loop3A_771] {strides = array<i32>} : memref<128x256xf32, #tpu.memory_space<vmem>>, vector<16xf32>,
        tpu.vector_store_idx %arg8[%parallel_loop3A_655, %add3A_114], %parallel_loop3A_772 {add = true} : memref<128x256xf32, #tpu.memory_space<vmem>>[vector<16xi32>, vector<16xi32>], vector<16xf32>,
        %parallel_loop3A_773 = arith.constant 96 : i32
        %parallel_loop3A_774 = arith.addi %parallel_loop3A_203, %parallel_loop3A_773 : i32
        %parallel_loop3A_775 = arith.constant 0 : i32
        %parallel_loop3A_776 = arith.constant 0 : i32
        %parallel_loop3A_777 = tpu.memref_slice %arg7[%parallel_loop3A_194, %parallel_loop3A_775, %parallel_loop3A_776] : memref<2x128x256xf32, #tpu.memory_space<vmem>> -> memref<1x128x256xf32, #tpu.memory_space<vmem>>
        %parallel_loop3A_778 = tpu.memref_squeeze %parallel_loop3A_777 : memref<1x128x256xf32, #tpu.memory_space<vmem>> -> memref<128x256xf32, #tpu.memory_space<vmem>>
        %parallel_loop3A_779 = arith.index_cast %parallel_loop3A_774 : i32 to index
        %parallel_loop3A_780 = arith.constant 208 : index
        %parallel_loop3A_781 = tpu.vector_load %parallel_loop3A_778[%parallel_loop3A_779, %parallel_loop3A_780] {strides = array<i32>} : memref<128x256xf32, #tpu.memory_space<vmem>>, vector<16xf32>,
        tpu.vector_store_idx %arg8[%parallel_loop3A_655, %add3A_118], %parallel_loop3A_781 {add = true} : memref<128x256xf32, #tpu.memory_space<vmem>>[vector<16xi32>, vector<16xi32>], vector<16xf32>,
        %parallel_loop3A_782 = arith.constant 96 : i32
        %parallel_loop3A_783 = arith.addi %parallel_loop3A_203, %parallel_loop3A_782 : i32
        %parallel_loop3A_784 = arith.constant 0 : i32
        %parallel_loop3A_785 = arith.constant 0 : i32
        %parallel_loop3A_786 = tpu.memref_slice %arg7[%parallel_loop3A_194, %parallel_loop3A_784, %parallel_loop3A_785] : memref<2x128x256xf32, #tpu.memory_space<vmem>> -> memref<1x128x256xf32, #tpu.memory_space<vmem>>
        %parallel_loop3A_787 = tpu.memref_squeeze %parallel_loop3A_786 : memref<1x128x256xf32, #tpu.memory_space<vmem>> -> memref<128x256xf32, #tpu.memory_space<vmem>>
        %parallel_loop3A_788 = arith.index_cast %parallel_loop3A_783 : i32 to index
        %parallel_loop3A_789 = arith.constant 224 : index
        %parallel_loop3A_790 = tpu.vector_load %parallel_loop3A_787[%parallel_loop3A_788, %parallel_loop3A_789] {strides = array<i32>} : memref<128x256xf32, #tpu.memory_space<vmem>>, vector<16xf32>,
        tpu.vector_store_idx %arg8[%parallel_loop3A_655, %add3A_122], %parallel_loop3A_790 {add = true} : memref<128x256xf32, #tpu.memory_space<vmem>>[vector<16xi32>, vector<16xi32>], vector<16xf32>,
        %parallel_loop3A_791 = arith.constant 96 : i32
        %parallel_loop3A_792 = arith.addi %parallel_loop3A_203, %parallel_loop3A_791 : i32
        %parallel_loop3A_793 = arith.constant 0 : i32
        %parallel_loop3A_794 = arith.constant 0 : i32
        %parallel_loop3A_795 = tpu.memref_slice %arg7[%parallel_loop3A_194, %parallel_loop3A_793, %parallel_loop3A_794] : memref<2x128x256xf32, #tpu.memory_space<vmem>> -> memref<1x128x256xf32, #tpu.memory_space<vmem>>
        %parallel_loop3A_796 = tpu.memref_squeeze %parallel_loop3A_795 : memref<1x128x256xf32, #tpu.memory_space<vmem>> -> memref<128x256xf32, #tpu.memory_space<vmem>>
        %parallel_loop3A_797 = arith.index_cast %parallel_loop3A_792 : i32 to index
        %parallel_loop3A_798 = arith.constant 240 : index
        %parallel_loop3A_799 = tpu.vector_load %parallel_loop3A_796[%parallel_loop3A_797, %parallel_loop3A_798] {strides = array<i32>} : memref<128x256xf32, #tpu.memory_space<vmem>>, vector<16xf32>,
        tpu.vector_store_idx %arg8[%parallel_loop3A_655, %add3A_126], %parallel_loop3A_799 {add = true} : memref<128x256xf32, #tpu.memory_space<vmem>>[vector<16xi32>, vector<16xi32>], vector<16xf32>,
      } {sc.loop_unroll_factor = 1 : i64, sc.parallel_access}
      %add3A_195 = arith.constant 2 : i32
      %add3A_196 = arith.addi %add3A_175, %add3A_195 : i32
      %lt3A_197 = arith.constant 8 : i32
      %lt3A_198 = arith.cmpi slt, %add3A_196, %lt3A_197 : i32
      %convert_element_type3A_199 = arith.extui %lt3A_198 : i1 to i32
      %cond3A_200 = arith.constant 0 : i32
      %cond3A_201 = arith.cmpi ne, %convert_element_type3A_199, %cond3A_200 : i32
      scf.if %cond3A_201 {
        %add3A_203 = arith.addi %mul3A_2, %mul3A_177 : i32
        %add3A_204 = arith.constant 256 : i32
        %add3A_205 = arith.addi %add3A_203, %add3A_204 : i32
        %dma_start3A_206 = arith.constant 1 : i32
        %dma_start3A_207 = arith.constant 0 : i32
        %dma_start3A_208 = arith.constant 0 : i32
        %dma_start3A_209 = tpu.memref_slice %arg7[%dma_start3A_206, %dma_start3A_207, %dma_start3A_208] : memref<2x128x256xf32, #tpu.memory_space<vmem>> -> memref<1x128x256xf32, #tpu.memory_space<vmem>>
        %dma_start3A_210 = tpu.memref_squeeze %dma_start3A_209 : memref<1x128x256xf32, #tpu.memory_space<vmem>> -> memref<128x256xf32, #tpu.memory_space<vmem>>
        %dma_start3A_211 = arith.constant 0 : i32
        %dma_start3A_212 = tpu.memref_slice %arg2[%add3A_205, %dma_start3A_211] : memref<32768x256xf32, #tpu.memory_space<hbm>> -> memref<128x256xf32, #tpu.memory_space<hbm>>
        %dma_start3A_213 = arith.constant 0 : i32
        %dma_start3A_214 = arith.constant 0 : i32
        %dma_start3A_215 = tpu.memref_slice %arg7[%dma_start3A_206, %dma_start3A_213, %dma_start3A_214] : memref<2x128x256xf32, #tpu.memory_space<vmem>> -> memref<1x128x256xf32, #tpu.memory_space<vmem>>
        %dma_start3A_216 = tpu.memref_squeeze %dma_start3A_215 : memref<1x128x256xf32, #tpu.memory_space<vmem>> -> memref<128x256xf32, #tpu.memory_space<vmem>>
        %dma_start3A_217 = arith.constant 0 : i32
        %dma_start3A_218 = tpu.memref_slice %arg2[%add3A_205, %dma_start3A_217] : memref<32768x256xf32, #tpu.memory_space<hbm>> -> memref<128x256xf32, #tpu.memory_space<hbm>>
        tpu.enqueue_dma source(%dma_start3A_218 : memref<128x256xf32, #tpu.memory_space<hbm>>) target(%dma_start3A_216 : memref<128x256xf32, #tpu.memory_space<vmem>>) target_semaphore(%arg11 : memref<!tpu.dma_semaphore, #tpu.memory_space<semaphore_mem>>)
      } else {
      }
      %scan3A_202 = arith.constant 0 : i32
      scf.yield %scan3A_202 : i32
    }
    %scan3A_139 = arith.constant 4 : i32
    %mul3A_140 = arith.constant 128 : i32
    %mul3A_141 = arith.muli %add3A, %mul3A_140 : i32
    "tpu.region"() ({
      %run_scoped3A_144 = tpu.sem_alloc : memref<!tpu.dma_semaphore, #tpu.memory_space<semaphore_mem>>
      %dma_start3A_145 = arith.constant 0 : i32
      %dma_start3A_146 = tpu.memref_slice %arg4[%mul3A_141, %dma_start3A_145] : memref<4096x256xf32, #tpu.memory_space<hbm>> -> memref<128x256xf32, #tpu.memory_space<hbm>>
      %dma_start3A_147 = arith.constant 0 : i32
      %dma_start3A_148 = tpu.memref_slice %arg4[%mul3A_141, %dma_start3A_147] : memref<4096x256xf32, #tpu.memory_space<hbm>> -> memref<128x256xf32, #tpu.memory_space<hbm>>
      tpu.enqueue_dma source(%arg8 : memref<128x256xf32, #tpu.memory_space<vmem>>) target(%dma_start3A_148 : memref<128x256xf32, #tpu.memory_space<hbm>>) target_semaphore(%run_scoped3A_144 : memref<!tpu.dma_semaphore, #tpu.memory_space<semaphore_mem>>)
      %dma_wait3A = arith.constant 0 : i32
      %dma_wait3A_149 = tpu.memref_slice %arg4[%mul3A_141, %dma_wait3A] : memref<4096x256xf32, #tpu.memory_space<hbm>> -> memref<128x256xf32, #tpu.memory_space<hbm>>
      %dma_wait3A_150 = arith.constant 0 : i32
      %dma_wait3A_151 = tpu.memref_slice %arg4[%mul3A_141, %dma_wait3A_150] : memref<4096x256xf32, #tpu.memory_space<hbm>> -> memref<128x256xf32, #tpu.memory_space<hbm>>
      tpu.wait_dma2 semaphore(%run_scoped3A_144 : memref<!tpu.dma_semaphore, #tpu.memory_space<semaphore_mem>>) src(%arg8 : memref<128x256xf32, #tpu.memory_space<vmem>>) dst(%dma_wait3A_151 : memref<128x256xf32, #tpu.memory_space<hbm>>)
      tpu.yield
    }) : () -> ()
    %mul3A_142 = arith.constant 128 : i32
    %mul3A_143 = arith.muli %add3A, %mul3A_142 : i32
    %run_scoped3A = arith.constant 0 : i32
    "tpu.region"() ({
      %run_scoped3A_144 = tpu.sem_alloc : memref<!tpu.dma_semaphore, #tpu.memory_space<semaphore_mem>>
      %dma_start3A_145 = arith.constant 0 : i32
      %dma_start3A_146 = tpu.memref_slice %arg9[%run_scoped3A, %dma_start3A_145] : memref<8x128xf32, #tpu.memory_space<vmem>> -> memref<1x128xf32, #tpu.memory_space<vmem>>
      %dma_start3A_147 = tpu.memref_squeeze %dma_start3A_146 : memref<1x128xf32, #tpu.memory_space<vmem>> -> memref<128xf32, #tpu.memory_space<vmem>>
      %dma_start3A_148 = tpu.memref_slice %arg5[%mul3A_143] : memref<4096xf32, #tpu.memory_space<hbm>> -> memref<128xf32, #tpu.memory_space<hbm>>
      %dma_start3A_149 = tpu.memref_slice %arg5[%mul3A_143] : memref<4096xf32, #tpu.memory_space<hbm>> -> memref<128xf32, #tpu.memory_space<hbm>>
      %dma_start3A_150 = arith.constant 0 : i32
      %dma_start3A_151 = tpu.memref_slice %arg9[%run_scoped3A, %dma_start3A_150] : memref<8x128xf32, #tpu.memory_space<vmem>> -> memref<1x128xf32, #tpu.memory_space<vmem>>
      %dma_start3A_152 = tpu.memref_squeeze %dma_start3A_151 : memref<1x128xf32, #tpu.memory_space<vmem>> -> memref<128xf32, #tpu.memory_space<vmem>>
      tpu.enqueue_dma source(%dma_start3A_152 : memref<128xf32, #tpu.memory_space<vmem>>) target(%dma_start3A_149 : memref<128xf32, #tpu.memory_space<hbm>>) target_semaphore(%run_scoped3A_144 : memref<!tpu.dma_semaphore, #tpu.memory_space<semaphore_mem>>)
      %dma_wait3A = arith.constant 0 : i32
      %dma_wait3A_153 = tpu.memref_slice %arg9[%run_scoped3A, %dma_wait3A] : memref<8x128xf32, #tpu.memory_space<vmem>> -> memref<1x128xf32, #tpu.memory_space<vmem>>
      %dma_wait3A_154 = tpu.memref_squeeze %dma_wait3A_153 : memref<1x128xf32, #tpu.memory_space<vmem>> -> memref<128xf32, #tpu.memory_space<vmem>>
      %dma_wait3A_155 = tpu.memref_slice %arg5[%mul3A_143] : memref<4096xf32, #tpu.memory_space<hbm>> -> memref<128xf32, #tpu.memory_space<hbm>>
      %dma_wait3A_156 = tpu.memref_slice %arg5[%mul3A_143] : memref<4096xf32, #tpu.memory_space<hbm>> -> memref<128xf32, #tpu.memory_space<hbm>>
      %dma_wait3A_157 = arith.constant 0 : i32
      %dma_wait3A_158 = tpu.memref_slice %arg9[%run_scoped3A, %dma_wait3A_157] : memref<8x128xf32, #tpu.memory_space<vmem>> -> memref<1x128xf32, #tpu.memory_space<vmem>>
      %dma_wait3A_159 = tpu.memref_squeeze %dma_wait3A_158 : memref<1x128xf32, #tpu.memory_space<vmem>> -> memref<128xf32, #tpu.memory_space<vmem>>
      tpu.wait_dma2 semaphore(%run_scoped3A_144 : memref<!tpu.dma_semaphore, #tpu.memory_space<semaphore_mem>>) src(%dma_wait3A_159 : memref<128xf32, #tpu.memory_space<vmem>>) dst(%dma_wait3A_156 : memref<128xf32, #tpu.memory_space<hbm>>)
      tpu.yield
    }) : () -> ()
    return
  }
}

module attributes {stable_mosaic.version = 14 : i64} {
  func.func @_dense_body(%arg0: i32, %arg1: memref<16x128xf32, #tpu.memory_space<vmem>>, %arg2: memref<16x128x256xf32, #tpu.memory_space<vmem>>, %arg3: memref<8x128x256xf32, #tpu.memory_space<vmem>>, %arg4: memref<1x1xf32, #tpu.memory_space<vmem>>, %arg5: memref<1x1xf32, #tpu.memory_space<vmem>>) attributes {dimension_semantics = [#tpu.dimension_semantics<arbitrary>], iteration_bounds = array<i64: 2>, scalar_prefetch = 0 : i64, scratch_operands = 0 : i64, tpu.core_type = #tpu.core_type<tc>, window_params = [{transform_indices = @transform_0, window_bounds = array<i64: 16, 128>}, {transform_indices = @transform_1, window_bounds = array<i64: 16, 128, 256>}, {transform_indices = @transform_2, window_bounds = array<i64: 8, 128, 256>}, {pipeline_mode = #tpu.pipeline_mode<synchronous>, transform_indices = @transform_3, window_bounds = array<i64: 1, 1>}, {pipeline_mode = #tpu.pipeline_mode<synchronous>, transform_indices = @transform_4, window_bounds = array<i64: 1, 1>}]} {
    %iota3A = tpu.iota {dimensions = array<i32: 0>} : vector<128x128xi32>
    %iota3A_0 = tpu.iota {dimensions = array<i32: 1>} : vector<128x128xi32>
    %eq3A = arith.cmpi eq, %iota3A, %iota3A_0 : vector<128x128xi32>
    %convert_element_type3A = arith.extui %eq3A : vector<128x128xi1> to vector<128x128xi32>
    %convert_element_type3A_1 = arith.sitofp %convert_element_type3A : vector<128x128xi32> to vector<128x128xf32>
    %get3A = arith.constant 0 : index
    %get3A_2 = arith.constant 0 : index
    %get3A_3 = arith.constant 0 : index
    %get3A_4 = vector.load %arg2[%get3A, %get3A_2, %get3A_3] : memref<16x128x256xf32, #tpu.memory_space<vmem>>, vector<1x128x256xf32>
    %get3A_5 = vector.shape_cast %get3A_4 : vector<1x128x256xf32> to vector<128x256xf32>
    %get3A_6 = arith.constant 1 : index
    %get3A_7 = arith.constant 0 : index
    %get3A_8 = arith.constant 0 : index
    %get3A_9 = vector.load %arg2[%get3A_6, %get3A_7, %get3A_8] : memref<16x128x256xf32, #tpu.memory_space<vmem>>, vector<1x128x256xf32>
    %get3A_10 = vector.shape_cast %get3A_9 : vector<1x128x256xf32> to vector<128x256xf32>
    %add3A = arith.addf %get3A_5, %get3A_10 : vector<128x256xf32>
    %get3A_11 = arith.constant 0 : index
    %get3A_12 = arith.constant 0 : index
    %get3A_13 = arith.constant 0 : index
    %get3A_14 = vector.load %arg3[%get3A_11, %get3A_12, %get3A_13] : memref<8x128x256xf32, #tpu.memory_space<vmem>>, vector<1x128x256xf32>
    %get3A_15 = vector.shape_cast %get3A_14 : vector<1x128x256xf32> to vector<128x256xf32>
    %get3A_16 = arith.constant 0 : index
    %get3A_17 = arith.constant 0 : index
    %get3A_18 = vector.load %arg1[%get3A_16, %get3A_17] : memref<16x128xf32, #tpu.memory_space<vmem>>, vector<1x128xf32>
    %get3A_19 = vector.shape_cast %get3A_18 : vector<1x128xf32> to vector<128xf32>
    %get3A_20 = arith.constant 1 : index
    %get3A_21 = arith.constant 0 : index
    %get3A_22 = vector.load %arg1[%get3A_20, %get3A_21] : memref<16x128xf32, #tpu.memory_space<vmem>>, vector<1x128xf32>
    %get3A_23 = vector.shape_cast %get3A_22 : vector<1x128xf32> to vector<128xf32>
    %add3A_24 = arith.addf %get3A_19, %get3A_23 : vector<128xf32>
    %gt3A = arith.constant 0.000000e+00 : f32
    %gt3A_25 = vector.broadcast %gt3A : f32 to vector<128xf32>
    %gt3A_26 = arith.cmpf ogt, %add3A_24, %gt3A_25 : vector<128xf32>
    %max3A = arith.constant 1.000000e+00 : f32
    %max3A_27 = vector.broadcast %max3A : f32 to vector<128xf32>
    %max3A_28 = arith.maximumf %add3A_24, %max3A_27 : vector<128xf32>
    %broadcast_in_dim3A = vector.shape_cast %max3A_28 : vector<128xf32> to vector<128x1xf32>
    %div3A = vector.broadcast %broadcast_in_dim3A : vector<128x1xf32> to vector<128x256xf32>
    %div3A_29 = arith.divf %add3A, %div3A : vector<128x256xf32>
    %mul3A = arith.mulf %div3A_29, %div3A_29 : vector<128x256xf32>
    %reduce_sum3A = arith.constant dense<0.000000e+00> : vector<128xf32>
    %reduce_sum3A_30 = vector.multi_reduction <add>, %mul3A, %reduce_sum3A [1] : vector<128x256xf32> to vector<128xf32>
    %broadcast_in_dim3A_31 = vector.shape_cast %reduce_sum3A_30 : vector<128xf32> to vector<128x1xf32>
    %sqrt3A = math.sqrt %broadcast_in_dim3A_31 : vector<128x1xf32>
    %max3A_32 = arith.constant 9.99999993E-9 : f32
    %max3A_33 = vector.broadcast %max3A_32 : f32 to vector<128x1xf32>
    %max3A_34 = arith.maximumf %sqrt3A, %max3A_33 : vector<128x1xf32>
    %mul3A_35 = arith.mulf %get3A_15, %get3A_15 : vector<128x256xf32>
    %reduce_sum3A_36 = arith.constant dense<0.000000e+00> : vector<128xf32>
    %reduce_sum3A_37 = vector.multi_reduction <add>, %mul3A_35, %reduce_sum3A_36 [1] : vector<128x256xf32> to vector<128xf32>
    %broadcast_in_dim3A_38 = vector.shape_cast %reduce_sum3A_37 : vector<128xf32> to vector<128x1xf32>
    %sqrt3A_39 = math.sqrt %broadcast_in_dim3A_38 : vector<128x1xf32>
    %max3A_40 = arith.constant 9.99999993E-9 : f32
    %max3A_41 = vector.broadcast %max3A_40 : f32 to vector<128x1xf32>
    %max3A_42 = arith.maximumf %sqrt3A_39, %max3A_41 : vector<128x1xf32>
    %div3A_43 = vector.broadcast %max3A_34 : vector<128x1xf32> to vector<128x256xf32>
    %div3A_44 = arith.divf %div3A_29, %div3A_43 : vector<128x256xf32>
    %div3A_45 = vector.broadcast %max3A_42 : vector<128x1xf32> to vector<128x256xf32>
    %div3A_46 = arith.divf %get3A_15, %div3A_45 : vector<128x256xf32>
    %dot_general3A = arith.constant dense<0.000000e+00> : vector<128x128xf32>
    %dot_general3A_47 = tpu.matmul %div3A_44, %div3A_46, %dot_general3A {dimension_numbers = #tpu.dot_dimension_numbers<[1], [1], [0], [0], [0, 0, 1, 0], [], []>, transpose_lhs_hint = false} : vector<128x256xf32>, vector<128x256xf32>, vector<128x128xf32> -> vector<128x128xf32>
    %div3A_48 = arith.constant 1.000000e-01 : f32
    %div3A_49 = vector.broadcast %div3A_48 : f32 to vector<128x128xf32>
    %div3A_50 = arith.divf %dot_general3A_47, %div3A_49 : vector<128x128xf32>
    %mul3A_51 = arith.mulf %div3A_50, %convert_element_type3A_1 : vector<128x128xf32>
    %reduce_sum3A_52 = arith.constant dense<0.000000e+00> : vector<128xf32>
    %reduce_sum3A_53 = vector.multi_reduction <add>, %mul3A_51, %reduce_sum3A_52 [1] : vector<128x128xf32> to vector<128xf32>
    %exp3A = math.exp %div3A_50 : vector<128x128xf32>
    %reduce_sum3A_54 = arith.constant dense<0.000000e+00> : vector<128xf32>
    %reduce_sum3A_55 = vector.multi_reduction <add>, %exp3A, %reduce_sum3A_54 [1] : vector<128x128xf32> to vector<128xf32>
    %log3A = math.log %reduce_sum3A_55 : vector<128xf32>
    %sub3A = arith.subf %log3A, %reduce_sum3A_53 : vector<128xf32>
    %jit3A = arith.constant 0.000000e+00 : f32
    %broadcast_in_dim3A_56 = vector.broadcast %jit3A : f32 to vector<128xf32>
    %select_n3A = arith.select %gt3A_26, %sub3A, %broadcast_in_dim3A_56 : vector<128xi1>, vector<128xf32>
    %reduce_sum3A_57 = vector.shape_cast %select_n3A : vector<128xf32> to vector<1x128xf32>
    %reduce_sum3A_58 = arith.constant dense<0.000000e+00> : vector<1xf32>
    %reduce_sum3A_59 = vector.multi_reduction <add>, %reduce_sum3A_57, %reduce_sum3A_58 [1] : vector<1x128xf32> to vector<1xf32>
    %reduce_sum3A_60 = vector.shape_cast %reduce_sum3A_59 : vector<1xf32> to vector<1x1xf32>
    %reduce_sum3A_61 = vector.extract %reduce_sum3A_60[0, 0] : f32 from vector<1x1xf32>
    %add3A_62 = arith.constant 0.000000e+00 : f32
    %add3A_63 = arith.addf %add3A_62, %reduce_sum3A_61 : f32
    %convert_element_type3A_64 = arith.extui %gt3A_26 : vector<128xi1> to vector<128xi32>
    %convert_element_type3A_65 = arith.sitofp %convert_element_type3A_64 : vector<128xi32> to vector<128xf32>
    %reduce_sum3A_66 = vector.shape_cast %convert_element_type3A_65 : vector<128xf32> to vector<1x128xf32>
    %reduce_sum3A_67 = arith.constant dense<0.000000e+00> : vector<1xf32>
    %reduce_sum3A_68 = vector.multi_reduction <add>, %reduce_sum3A_66, %reduce_sum3A_67 [1] : vector<1x128xf32> to vector<1xf32>
    %reduce_sum3A_69 = vector.shape_cast %reduce_sum3A_68 : vector<1xf32> to vector<1x1xf32>
    %reduce_sum3A_70 = vector.extract %reduce_sum3A_69[0, 0] : f32 from vector<1x1xf32>
    %add3A_71 = arith.constant 0.000000e+00 : f32
    %add3A_72 = arith.addf %add3A_71, %reduce_sum3A_70 : f32
    %get3A_73 = arith.constant 2 : index
    %get3A_74 = arith.constant 0 : index
    %get3A_75 = arith.constant 0 : index
    %get3A_76 = vector.load %arg2[%get3A_73, %get3A_74, %get3A_75] : memref<16x128x256xf32, #tpu.memory_space<vmem>>, vector<1x128x256xf32>
    %get3A_77 = vector.shape_cast %get3A_76 : vector<1x128x256xf32> to vector<128x256xf32>
    %get3A_78 = arith.constant 3 : index
    %get3A_79 = arith.constant 0 : index
    %get3A_80 = arith.constant 0 : index
    %get3A_81 = vector.load %arg2[%get3A_78, %get3A_79, %get3A_80] : memref<16x128x256xf32, #tpu.memory_space<vmem>>, vector<1x128x256xf32>
    %get3A_82 = vector.shape_cast %get3A_81 : vector<1x128x256xf32> to vector<128x256xf32>
    %add3A_83 = arith.addf %get3A_77, %get3A_82 : vector<128x256xf32>
    %get3A_84 = arith.constant 1 : index
    %get3A_85 = arith.constant 0 : index
    %get3A_86 = arith.constant 0 : index
    %get3A_87 = vector.load %arg3[%get3A_84, %get3A_85, %get3A_86] : memref<8x128x256xf32, #tpu.memory_space<vmem>>, vector<1x128x256xf32>
    %get3A_88 = vector.shape_cast %get3A_87 : vector<1x128x256xf32> to vector<128x256xf32>
    %get3A_89 = arith.constant 2 : index
    %get3A_90 = arith.constant 0 : index
    %get3A_91 = vector.load %arg1[%get3A_89, %get3A_90] : memref<16x128xf32, #tpu.memory_space<vmem>>, vector<1x128xf32>
    %get3A_92 = vector.shape_cast %get3A_91 : vector<1x128xf32> to vector<128xf32>
    %get3A_93 = arith.constant 3 : index
    %get3A_94 = arith.constant 0 : index
    %get3A_95 = vector.load %arg1[%get3A_93, %get3A_94] : memref<16x128xf32, #tpu.memory_space<vmem>>, vector<1x128xf32>
    %get3A_96 = vector.shape_cast %get3A_95 : vector<1x128xf32> to vector<128xf32>
    %add3A_97 = arith.addf %get3A_92, %get3A_96 : vector<128xf32>
    %gt3A_98 = arith.constant 0.000000e+00 : f32
    %gt3A_99 = vector.broadcast %gt3A_98 : f32 to vector<128xf32>
    %gt3A_100 = arith.cmpf ogt, %add3A_97, %gt3A_99 : vector<128xf32>
    %max3A_101 = arith.constant 1.000000e+00 : f32
    %max3A_102 = vector.broadcast %max3A_101 : f32 to vector<128xf32>
    %max3A_103 = arith.maximumf %add3A_97, %max3A_102 : vector<128xf32>
    %broadcast_in_dim3A_104 = vector.shape_cast %max3A_103 : vector<128xf32> to vector<128x1xf32>
    %div3A_105 = vector.broadcast %broadcast_in_dim3A_104 : vector<128x1xf32> to vector<128x256xf32>
    %div3A_106 = arith.divf %add3A_83, %div3A_105 : vector<128x256xf32>
    %mul3A_107 = arith.mulf %div3A_106, %div3A_106 : vector<128x256xf32>
    %reduce_sum3A_108 = arith.constant dense<0.000000e+00> : vector<128xf32>
    %reduce_sum3A_109 = vector.multi_reduction <add>, %mul3A_107, %reduce_sum3A_108 [1] : vector<128x256xf32> to vector<128xf32>
    %broadcast_in_dim3A_110 = vector.shape_cast %reduce_sum3A_109 : vector<128xf32> to vector<128x1xf32>
    %sqrt3A_111 = math.sqrt %broadcast_in_dim3A_110 : vector<128x1xf32>
    %max3A_112 = arith.constant 9.99999993E-9 : f32
    %max3A_113 = vector.broadcast %max3A_112 : f32 to vector<128x1xf32>
    %max3A_114 = arith.maximumf %sqrt3A_111, %max3A_113 : vector<128x1xf32>
    %mul3A_115 = arith.mulf %get3A_88, %get3A_88 : vector<128x256xf32>
    %reduce_sum3A_116 = arith.constant dense<0.000000e+00> : vector<128xf32>
    %reduce_sum3A_117 = vector.multi_reduction <add>, %mul3A_115, %reduce_sum3A_116 [1] : vector<128x256xf32> to vector<128xf32>
    %broadcast_in_dim3A_118 = vector.shape_cast %reduce_sum3A_117 : vector<128xf32> to vector<128x1xf32>
    %sqrt3A_119 = math.sqrt %broadcast_in_dim3A_118 : vector<128x1xf32>
    %max3A_120 = arith.constant 9.99999993E-9 : f32
    %max3A_121 = vector.broadcast %max3A_120 : f32 to vector<128x1xf32>
    %max3A_122 = arith.maximumf %sqrt3A_119, %max3A_121 : vector<128x1xf32>
    %div3A_123 = vector.broadcast %max3A_114 : vector<128x1xf32> to vector<128x256xf32>
    %div3A_124 = arith.divf %div3A_106, %div3A_123 : vector<128x256xf32>
    %div3A_125 = vector.broadcast %max3A_122 : vector<128x1xf32> to vector<128x256xf32>
    %div3A_126 = arith.divf %get3A_88, %div3A_125 : vector<128x256xf32>
    %dot_general3A_127 = arith.constant dense<0.000000e+00> : vector<128x128xf32>
    %dot_general3A_128 = tpu.matmul %div3A_124, %div3A_126, %dot_general3A_127 {dimension_numbers = #tpu.dot_dimension_numbers<[1], [1], [0], [0], [0, 0, 1, 0], [], []>, transpose_lhs_hint = false} : vector<128x256xf32>, vector<128x256xf32>, vector<128x128xf32> -> vector<128x128xf32>
    %div3A_129 = arith.constant 1.000000e-01 : f32
    %div3A_130 = vector.broadcast %div3A_129 : f32 to vector<128x128xf32>
    %div3A_131 = arith.divf %dot_general3A_128, %div3A_130 : vector<128x128xf32>
    %mul3A_132 = arith.mulf %div3A_131, %convert_element_type3A_1 : vector<128x128xf32>
    %reduce_sum3A_133 = arith.constant dense<0.000000e+00> : vector<128xf32>
    %reduce_sum3A_134 = vector.multi_reduction <add>, %mul3A_132, %reduce_sum3A_133 [1] : vector<128x128xf32> to vector<128xf32>
    %exp3A_135 = math.exp %div3A_131 : vector<128x128xf32>
    %reduce_sum3A_136 = arith.constant dense<0.000000e+00> : vector<128xf32>
    %reduce_sum3A_137 = vector.multi_reduction <add>, %exp3A_135, %reduce_sum3A_136 [1] : vector<128x128xf32> to vector<128xf32>
    %log3A_138 = math.log %reduce_sum3A_137 : vector<128xf32>
    %sub3A_139 = arith.subf %log3A_138, %reduce_sum3A_134 : vector<128xf32>
    %jit3A_140 = arith.constant 0.000000e+00 : f32
    %broadcast_in_dim3A_141 = vector.broadcast %jit3A_140 : f32 to vector<128xf32>
    %select_n3A_142 = arith.select %gt3A_100, %sub3A_139, %broadcast_in_dim3A_141 : vector<128xi1>, vector<128xf32>
    %reduce_sum3A_143 = vector.shape_cast %select_n3A_142 : vector<128xf32> to vector<1x128xf32>
    %reduce_sum3A_144 = arith.constant dense<0.000000e+00> : vector<1xf32>
    %reduce_sum3A_145 = vector.multi_reduction <add>, %reduce_sum3A_143, %reduce_sum3A_144 [1] : vector<1x128xf32> to vector<1xf32>
    %reduce_sum3A_146 = vector.shape_cast %reduce_sum3A_145 : vector<1xf32> to vector<1x1xf32>
    %reduce_sum3A_147 = vector.extract %reduce_sum3A_146[0, 0] : f32 from vector<1x1xf32>
    %add3A_148 = arith.addf %add3A_63, %reduce_sum3A_147 : f32
    %convert_element_type3A_149 = arith.extui %gt3A_100 : vector<128xi1> to vector<128xi32>
    %convert_element_type3A_150 = arith.sitofp %convert_element_type3A_149 : vector<128xi32> to vector<128xf32>
    %reduce_sum3A_151 = vector.shape_cast %convert_element_type3A_150 : vector<128xf32> to vector<1x128xf32>
    %reduce_sum3A_152 = arith.constant dense<0.000000e+00> : vector<1xf32>
    %reduce_sum3A_153 = vector.multi_reduction <add>, %reduce_sum3A_151, %reduce_sum3A_152 [1] : vector<1x128xf32> to vector<1xf32>
    %reduce_sum3A_154 = vector.shape_cast %reduce_sum3A_153 : vector<1xf32> to vector<1x1xf32>
    %reduce_sum3A_155 = vector.extract %reduce_sum3A_154[0, 0] : f32 from vector<1x1xf32>
    %add3A_156 = arith.addf %add3A_72, %reduce_sum3A_155 : f32
    %get3A_157 = arith.constant 4 : index
    %get3A_158 = arith.constant 0 : index
    %get3A_159 = arith.constant 0 : index
    %get3A_160 = vector.load %arg2[%get3A_157, %get3A_158, %get3A_159] : memref<16x128x256xf32, #tpu.memory_space<vmem>>, vector<1x128x256xf32>
    %get3A_161 = vector.shape_cast %get3A_160 : vector<1x128x256xf32> to vector<128x256xf32>
    %get3A_162 = arith.constant 5 : index
    %get3A_163 = arith.constant 0 : index
    %get3A_164 = arith.constant 0 : index
    %get3A_165 = vector.load %arg2[%get3A_162, %get3A_163, %get3A_164] : memref<16x128x256xf32, #tpu.memory_space<vmem>>, vector<1x128x256xf32>
    %get3A_166 = vector.shape_cast %get3A_165 : vector<1x128x256xf32> to vector<128x256xf32>
    %add3A_167 = arith.addf %get3A_161, %get3A_166 : vector<128x256xf32>
    %get3A_168 = arith.constant 2 : index
    %get3A_169 = arith.constant 0 : index
    %get3A_170 = arith.constant 0 : index
    %get3A_171 = vector.load %arg3[%get3A_168, %get3A_169, %get3A_170] : memref<8x128x256xf32, #tpu.memory_space<vmem>>, vector<1x128x256xf32>
    %get3A_172 = vector.shape_cast %get3A_171 : vector<1x128x256xf32> to vector<128x256xf32>
    %get3A_173 = arith.constant 4 : index
    %get3A_174 = arith.constant 0 : index
    %get3A_175 = vector.load %arg1[%get3A_173, %get3A_174] : memref<16x128xf32, #tpu.memory_space<vmem>>, vector<1x128xf32>
    %get3A_176 = vector.shape_cast %get3A_175 : vector<1x128xf32> to vector<128xf32>
    %get3A_177 = arith.constant 5 : index
    %get3A_178 = arith.constant 0 : index
    %get3A_179 = vector.load %arg1[%get3A_177, %get3A_178] : memref<16x128xf32, #tpu.memory_space<vmem>>, vector<1x128xf32>
    %get3A_180 = vector.shape_cast %get3A_179 : vector<1x128xf32> to vector<128xf32>
    %add3A_181 = arith.addf %get3A_176, %get3A_180 : vector<128xf32>
    %gt3A_182 = arith.constant 0.000000e+00 : f32
    %gt3A_183 = vector.broadcast %gt3A_182 : f32 to vector<128xf32>
    %gt3A_184 = arith.cmpf ogt, %add3A_181, %gt3A_183 : vector<128xf32>
    %max3A_185 = arith.constant 1.000000e+00 : f32
    %max3A_186 = vector.broadcast %max3A_185 : f32 to vector<128xf32>
    %max3A_187 = arith.maximumf %add3A_181, %max3A_186 : vector<128xf32>
    %broadcast_in_dim3A_188 = vector.shape_cast %max3A_187 : vector<128xf32> to vector<128x1xf32>
    %div3A_189 = vector.broadcast %broadcast_in_dim3A_188 : vector<128x1xf32> to vector<128x256xf32>
    %div3A_190 = arith.divf %add3A_167, %div3A_189 : vector<128x256xf32>
    %mul3A_191 = arith.mulf %div3A_190, %div3A_190 : vector<128x256xf32>
    %reduce_sum3A_192 = arith.constant dense<0.000000e+00> : vector<128xf32>
    %reduce_sum3A_193 = vector.multi_reduction <add>, %mul3A_191, %reduce_sum3A_192 [1] : vector<128x256xf32> to vector<128xf32>
    %broadcast_in_dim3A_194 = vector.shape_cast %reduce_sum3A_193 : vector<128xf32> to vector<128x1xf32>
    %sqrt3A_195 = math.sqrt %broadcast_in_dim3A_194 : vector<128x1xf32>
    %max3A_196 = arith.constant 9.99999993E-9 : f32
    %max3A_197 = vector.broadcast %max3A_196 : f32 to vector<128x1xf32>
    %max3A_198 = arith.maximumf %sqrt3A_195, %max3A_197 : vector<128x1xf32>
    %mul3A_199 = arith.mulf %get3A_172, %get3A_172 : vector<128x256xf32>
    %reduce_sum3A_200 = arith.constant dense<0.000000e+00> : vector<128xf32>
    %reduce_sum3A_201 = vector.multi_reduction <add>, %mul3A_199, %reduce_sum3A_200 [1] : vector<128x256xf32> to vector<128xf32>
    %broadcast_in_dim3A_202 = vector.shape_cast %reduce_sum3A_201 : vector<128xf32> to vector<128x1xf32>
    %sqrt3A_203 = math.sqrt %broadcast_in_dim3A_202 : vector<128x1xf32>
    %max3A_204 = arith.constant 9.99999993E-9 : f32
    %max3A_205 = vector.broadcast %max3A_204 : f32 to vector<128x1xf32>
    %max3A_206 = arith.maximumf %sqrt3A_203, %max3A_205 : vector<128x1xf32>
    %div3A_207 = vector.broadcast %max3A_198 : vector<128x1xf32> to vector<128x256xf32>
    %div3A_208 = arith.divf %div3A_190, %div3A_207 : vector<128x256xf32>
    %div3A_209 = vector.broadcast %max3A_206 : vector<128x1xf32> to vector<128x256xf32>
    %div3A_210 = arith.divf %get3A_172, %div3A_209 : vector<128x256xf32>
    %dot_general3A_211 = arith.constant dense<0.000000e+00> : vector<128x128xf32>
    %dot_general3A_212 = tpu.matmul %div3A_208, %div3A_210, %dot_general3A_211 {dimension_numbers = #tpu.dot_dimension_numbers<[1], [1], [0], [0], [0, 0, 1, 0], [], []>, transpose_lhs_hint = false} : vector<128x256xf32>, vector<128x256xf32>, vector<128x128xf32> -> vector<128x128xf32>
    %div3A_213 = arith.constant 1.000000e-01 : f32
    %div3A_214 = vector.broadcast %div3A_213 : f32 to vector<128x128xf32>
    %div3A_215 = arith.divf %dot_general3A_212, %div3A_214 : vector<128x128xf32>
    %mul3A_216 = arith.mulf %div3A_215, %convert_element_type3A_1 : vector<128x128xf32>
    %reduce_sum3A_217 = arith.constant dense<0.000000e+00> : vector<128xf32>
    %reduce_sum3A_218 = vector.multi_reduction <add>, %mul3A_216, %reduce_sum3A_217 [1] : vector<128x128xf32> to vector<128xf32>
    %exp3A_219 = math.exp %div3A_215 : vector<128x128xf32>
    %reduce_sum3A_220 = arith.constant dense<0.000000e+00> : vector<128xf32>
    %reduce_sum3A_221 = vector.multi_reduction <add>, %exp3A_219, %reduce_sum3A_220 [1] : vector<128x128xf32> to vector<128xf32>
    %log3A_222 = math.log %reduce_sum3A_221 : vector<128xf32>
    %sub3A_223 = arith.subf %log3A_222, %reduce_sum3A_218 : vector<128xf32>
    %jit3A_224 = arith.constant 0.000000e+00 : f32
    %broadcast_in_dim3A_225 = vector.broadcast %jit3A_224 : f32 to vector<128xf32>
    %select_n3A_226 = arith.select %gt3A_184, %sub3A_223, %broadcast_in_dim3A_225 : vector<128xi1>, vector<128xf32>
    %reduce_sum3A_227 = vector.shape_cast %select_n3A_226 : vector<128xf32> to vector<1x128xf32>
    %reduce_sum3A_228 = arith.constant dense<0.000000e+00> : vector<1xf32>
    %reduce_sum3A_229 = vector.multi_reduction <add>, %reduce_sum3A_227, %reduce_sum3A_228 [1] : vector<1x128xf32> to vector<1xf32>
    %reduce_sum3A_230 = vector.shape_cast %reduce_sum3A_229 : vector<1xf32> to vector<1x1xf32>
    %reduce_sum3A_231 = vector.extract %reduce_sum3A_230[0, 0] : f32 from vector<1x1xf32>
    %add3A_232 = arith.addf %add3A_148, %reduce_sum3A_231 : f32
    %convert_element_type3A_233 = arith.extui %gt3A_184 : vector<128xi1> to vector<128xi32>
    %convert_element_type3A_234 = arith.sitofp %convert_element_type3A_233 : vector<128xi32> to vector<128xf32>
    %reduce_sum3A_235 = vector.shape_cast %convert_element_type3A_234 : vector<128xf32> to vector<1x128xf32>
    %reduce_sum3A_236 = arith.constant dense<0.000000e+00> : vector<1xf32>
    %reduce_sum3A_237 = vector.multi_reduction <add>, %reduce_sum3A_235, %reduce_sum3A_236 [1] : vector<1x128xf32> to vector<1xf32>
    %reduce_sum3A_238 = vector.shape_cast %reduce_sum3A_237 : vector<1xf32> to vector<1x1xf32>
    %reduce_sum3A_239 = vector.extract %reduce_sum3A_238[0, 0] : f32 from vector<1x1xf32>
    %add3A_240 = arith.addf %add3A_156, %reduce_sum3A_239 : f32
    %get3A_241 = arith.constant 6 : index
    %get3A_242 = arith.constant 0 : index
    %get3A_243 = arith.constant 0 : index
    %get3A_244 = vector.load %arg2[%get3A_241, %get3A_242, %get3A_243] : memref<16x128x256xf32, #tpu.memory_space<vmem>>, vector<1x128x256xf32>
    %get3A_245 = vector.shape_cast %get3A_244 : vector<1x128x256xf32> to vector<128x256xf32>
    %get3A_246 = arith.constant 7 : index
    %get3A_247 = arith.constant 0 : index
    %get3A_248 = arith.constant 0 : index
    %get3A_249 = vector.load %arg2[%get3A_246, %get3A_247, %get3A_248] : memref<16x128x256xf32, #tpu.memory_space<vmem>>, vector<1x128x256xf32>
    %get3A_250 = vector.shape_cast %get3A_249 : vector<1x128x256xf32> to vector<128x256xf32>
    %add3A_251 = arith.addf %get3A_245, %get3A_250 : vector<128x256xf32>
    %get3A_252 = arith.constant 3 : index
    %get3A_253 = arith.constant 0 : index
    %get3A_254 = arith.constant 0 : index
    %get3A_255 = vector.load %arg3[%get3A_252, %get3A_253, %get3A_254] : memref<8x128x256xf32, #tpu.memory_space<vmem>>, vector<1x128x256xf32>
    %get3A_256 = vector.shape_cast %get3A_255 : vector<1x128x256xf32> to vector<128x256xf32>
    %get3A_257 = arith.constant 6 : index
    %get3A_258 = arith.constant 0 : index
    %get3A_259 = vector.load %arg1[%get3A_257, %get3A_258] : memref<16x128xf32, #tpu.memory_space<vmem>>, vector<1x128xf32>
    %get3A_260 = vector.shape_cast %get3A_259 : vector<1x128xf32> to vector<128xf32>
    %get3A_261 = arith.constant 7 : index
    %get3A_262 = arith.constant 0 : index
    %get3A_263 = vector.load %arg1[%get3A_261, %get3A_262] : memref<16x128xf32, #tpu.memory_space<vmem>>, vector<1x128xf32>
    %get3A_264 = vector.shape_cast %get3A_263 : vector<1x128xf32> to vector<128xf32>
    %add3A_265 = arith.addf %get3A_260, %get3A_264 : vector<128xf32>
    %gt3A_266 = arith.constant 0.000000e+00 : f32
    %gt3A_267 = vector.broadcast %gt3A_266 : f32 to vector<128xf32>
    %gt3A_268 = arith.cmpf ogt, %add3A_265, %gt3A_267 : vector<128xf32>
    %max3A_269 = arith.constant 1.000000e+00 : f32
    %max3A_270 = vector.broadcast %max3A_269 : f32 to vector<128xf32>
    %max3A_271 = arith.maximumf %add3A_265, %max3A_270 : vector<128xf32>
    %broadcast_in_dim3A_272 = vector.shape_cast %max3A_271 : vector<128xf32> to vector<128x1xf32>
    %div3A_273 = vector.broadcast %broadcast_in_dim3A_272 : vector<128x1xf32> to vector<128x256xf32>
    %div3A_274 = arith.divf %add3A_251, %div3A_273 : vector<128x256xf32>
    %mul3A_275 = arith.mulf %div3A_274, %div3A_274 : vector<128x256xf32>
    %reduce_sum3A_276 = arith.constant dense<0.000000e+00> : vector<128xf32>
    %reduce_sum3A_277 = vector.multi_reduction <add>, %mul3A_275, %reduce_sum3A_276 [1] : vector<128x256xf32> to vector<128xf32>
    %broadcast_in_dim3A_278 = vector.shape_cast %reduce_sum3A_277 : vector<128xf32> to vector<128x1xf32>
    %sqrt3A_279 = math.sqrt %broadcast_in_dim3A_278 : vector<128x1xf32>
    %max3A_280 = arith.constant 9.99999993E-9 : f32
    %max3A_281 = vector.broadcast %max3A_280 : f32 to vector<128x1xf32>
    %max3A_282 = arith.maximumf %sqrt3A_279, %max3A_281 : vector<128x1xf32>
    %mul3A_283 = arith.mulf %get3A_256, %get3A_256 : vector<128x256xf32>
    %reduce_sum3A_284 = arith.constant dense<0.000000e+00> : vector<128xf32>
    %reduce_sum3A_285 = vector.multi_reduction <add>, %mul3A_283, %reduce_sum3A_284 [1] : vector<128x256xf32> to vector<128xf32>
    %broadcast_in_dim3A_286 = vector.shape_cast %reduce_sum3A_285 : vector<128xf32> to vector<128x1xf32>
    %sqrt3A_287 = math.sqrt %broadcast_in_dim3A_286 : vector<128x1xf32>
    %max3A_288 = arith.constant 9.99999993E-9 : f32
    %max3A_289 = vector.broadcast %max3A_288 : f32 to vector<128x1xf32>
    %max3A_290 = arith.maximumf %sqrt3A_287, %max3A_289 : vector<128x1xf32>
    %div3A_291 = vector.broadcast %max3A_282 : vector<128x1xf32> to vector<128x256xf32>
    %div3A_292 = arith.divf %div3A_274, %div3A_291 : vector<128x256xf32>
    %div3A_293 = vector.broadcast %max3A_290 : vector<128x1xf32> to vector<128x256xf32>
    %div3A_294 = arith.divf %get3A_256, %div3A_293 : vector<128x256xf32>
    %dot_general3A_295 = arith.constant dense<0.000000e+00> : vector<128x128xf32>
    %dot_general3A_296 = tpu.matmul %div3A_292, %div3A_294, %dot_general3A_295 {dimension_numbers = #tpu.dot_dimension_numbers<[1], [1], [0], [0], [0, 0, 1, 0], [], []>, transpose_lhs_hint = false} : vector<128x256xf32>, vector<128x256xf32>, vector<128x128xf32> -> vector<128x128xf32>
    %div3A_297 = arith.constant 1.000000e-01 : f32
    %div3A_298 = vector.broadcast %div3A_297 : f32 to vector<128x128xf32>
    %div3A_299 = arith.divf %dot_general3A_296, %div3A_298 : vector<128x128xf32>
    %mul3A_300 = arith.mulf %div3A_299, %convert_element_type3A_1 : vector<128x128xf32>
    %reduce_sum3A_301 = arith.constant dense<0.000000e+00> : vector<128xf32>
    %reduce_sum3A_302 = vector.multi_reduction <add>, %mul3A_300, %reduce_sum3A_301 [1] : vector<128x128xf32> to vector<128xf32>
    %exp3A_303 = math.exp %div3A_299 : vector<128x128xf32>
    %reduce_sum3A_304 = arith.constant dense<0.000000e+00> : vector<128xf32>
    %reduce_sum3A_305 = vector.multi_reduction <add>, %exp3A_303, %reduce_sum3A_304 [1] : vector<128x128xf32> to vector<128xf32>
    %log3A_306 = math.log %reduce_sum3A_305 : vector<128xf32>
    %sub3A_307 = arith.subf %log3A_306, %reduce_sum3A_302 : vector<128xf32>
    %jit3A_308 = arith.constant 0.000000e+00 : f32
    %broadcast_in_dim3A_309 = vector.broadcast %jit3A_308 : f32 to vector<128xf32>
    %select_n3A_310 = arith.select %gt3A_268, %sub3A_307, %broadcast_in_dim3A_309 : vector<128xi1>, vector<128xf32>
    %reduce_sum3A_311 = vector.shape_cast %select_n3A_310 : vector<128xf32> to vector<1x128xf32>
    %reduce_sum3A_312 = arith.constant dense<0.000000e+00> : vector<1xf32>
    %reduce_sum3A_313 = vector.multi_reduction <add>, %reduce_sum3A_311, %reduce_sum3A_312 [1] : vector<1x128xf32> to vector<1xf32>
    %reduce_sum3A_314 = vector.shape_cast %reduce_sum3A_313 : vector<1xf32> to vector<1x1xf32>
    %reduce_sum3A_315 = vector.extract %reduce_sum3A_314[0, 0] : f32 from vector<1x1xf32>
    %add3A_316 = arith.addf %add3A_232, %reduce_sum3A_315 : f32
    %convert_element_type3A_317 = arith.extui %gt3A_268 : vector<128xi1> to vector<128xi32>
    %convert_element_type3A_318 = arith.sitofp %convert_element_type3A_317 : vector<128xi32> to vector<128xf32>
    %reduce_sum3A_319 = vector.shape_cast %convert_element_type3A_318 : vector<128xf32> to vector<1x128xf32>
    %reduce_sum3A_320 = arith.constant dense<0.000000e+00> : vector<1xf32>
    %reduce_sum3A_321 = vector.multi_reduction <add>, %reduce_sum3A_319, %reduce_sum3A_320 [1] : vector<1x128xf32> to vector<1xf32>
    %reduce_sum3A_322 = vector.shape_cast %reduce_sum3A_321 : vector<1xf32> to vector<1x1xf32>
    %reduce_sum3A_323 = vector.extract %reduce_sum3A_322[0, 0] : f32 from vector<1x1xf32>
    %add3A_324 = arith.addf %add3A_240, %reduce_sum3A_323 : f32
    %get3A_325 = arith.constant 8 : index
    %get3A_326 = arith.constant 0 : index
    %get3A_327 = arith.constant 0 : index
    %get3A_328 = vector.load %arg2[%get3A_325, %get3A_326, %get3A_327] : memref<16x128x256xf32, #tpu.memory_space<vmem>>, vector<1x128x256xf32>
    %get3A_329 = vector.shape_cast %get3A_328 : vector<1x128x256xf32> to vector<128x256xf32>
    %get3A_330 = arith.constant 9 : index
    %get3A_331 = arith.constant 0 : index
    %get3A_332 = arith.constant 0 : index
    %get3A_333 = vector.load %arg2[%get3A_330, %get3A_331, %get3A_332] : memref<16x128x256xf32, #tpu.memory_space<vmem>>, vector<1x128x256xf32>
    %get3A_334 = vector.shape_cast %get3A_333 : vector<1x128x256xf32> to vector<128x256xf32>
    %add3A_335 = arith.addf %get3A_329, %get3A_334 : vector<128x256xf32>
    %get3A_336 = arith.constant 4 : index
    %get3A_337 = arith.constant 0 : index
    %get3A_338 = arith.constant 0 : index
    %get3A_339 = vector.load %arg3[%get3A_336, %get3A_337, %get3A_338] : memref<8x128x256xf32, #tpu.memory_space<vmem>>, vector<1x128x256xf32>
    %get3A_340 = vector.shape_cast %get3A_339 : vector<1x128x256xf32> to vector<128x256xf32>
    %get3A_341 = arith.constant 8 : index
    %get3A_342 = arith.constant 0 : index
    %get3A_343 = vector.load %arg1[%get3A_341, %get3A_342] : memref<16x128xf32, #tpu.memory_space<vmem>>, vector<1x128xf32>
    %get3A_344 = vector.shape_cast %get3A_343 : vector<1x128xf32> to vector<128xf32>
    %get3A_345 = arith.constant 9 : index
    %get3A_346 = arith.constant 0 : index
    %get3A_347 = vector.load %arg1[%get3A_345, %get3A_346] : memref<16x128xf32, #tpu.memory_space<vmem>>, vector<1x128xf32>
    %get3A_348 = vector.shape_cast %get3A_347 : vector<1x128xf32> to vector<128xf32>
    %add3A_349 = arith.addf %get3A_344, %get3A_348 : vector<128xf32>
    %gt3A_350 = arith.constant 0.000000e+00 : f32
    %gt3A_351 = vector.broadcast %gt3A_350 : f32 to vector<128xf32>
    %gt3A_352 = arith.cmpf ogt, %add3A_349, %gt3A_351 : vector<128xf32>
    %max3A_353 = arith.constant 1.000000e+00 : f32
    %max3A_354 = vector.broadcast %max3A_353 : f32 to vector<128xf32>
    %max3A_355 = arith.maximumf %add3A_349, %max3A_354 : vector<128xf32>
    %broadcast_in_dim3A_356 = vector.shape_cast %max3A_355 : vector<128xf32> to vector<128x1xf32>
    %div3A_357 = vector.broadcast %broadcast_in_dim3A_356 : vector<128x1xf32> to vector<128x256xf32>
    %div3A_358 = arith.divf %add3A_335, %div3A_357 : vector<128x256xf32>
    %mul3A_359 = arith.mulf %div3A_358, %div3A_358 : vector<128x256xf32>
    %reduce_sum3A_360 = arith.constant dense<0.000000e+00> : vector<128xf32>
    %reduce_sum3A_361 = vector.multi_reduction <add>, %mul3A_359, %reduce_sum3A_360 [1] : vector<128x256xf32> to vector<128xf32>
    %broadcast_in_dim3A_362 = vector.shape_cast %reduce_sum3A_361 : vector<128xf32> to vector<128x1xf32>
    %sqrt3A_363 = math.sqrt %broadcast_in_dim3A_362 : vector<128x1xf32>
    %max3A_364 = arith.constant 9.99999993E-9 : f32
    %max3A_365 = vector.broadcast %max3A_364 : f32 to vector<128x1xf32>
    %max3A_366 = arith.maximumf %sqrt3A_363, %max3A_365 : vector<128x1xf32>
    %mul3A_367 = arith.mulf %get3A_340, %get3A_340 : vector<128x256xf32>
    %reduce_sum3A_368 = arith.constant dense<0.000000e+00> : vector<128xf32>
    %reduce_sum3A_369 = vector.multi_reduction <add>, %mul3A_367, %reduce_sum3A_368 [1] : vector<128x256xf32> to vector<128xf32>
    %broadcast_in_dim3A_370 = vector.shape_cast %reduce_sum3A_369 : vector<128xf32> to vector<128x1xf32>
    %sqrt3A_371 = math.sqrt %broadcast_in_dim3A_370 : vector<128x1xf32>
    %max3A_372 = arith.constant 9.99999993E-9 : f32
    %max3A_373 = vector.broadcast %max3A_372 : f32 to vector<128x1xf32>
    %max3A_374 = arith.maximumf %sqrt3A_371, %max3A_373 : vector<128x1xf32>
    %div3A_375 = vector.broadcast %max3A_366 : vector<128x1xf32> to vector<128x256xf32>
    %div3A_376 = arith.divf %div3A_358, %div3A_375 : vector<128x256xf32>
    %div3A_377 = vector.broadcast %max3A_374 : vector<128x1xf32> to vector<128x256xf32>
    %div3A_378 = arith.divf %get3A_340, %div3A_377 : vector<128x256xf32>
    %dot_general3A_379 = arith.constant dense<0.000000e+00> : vector<128x128xf32>
    %dot_general3A_380 = tpu.matmul %div3A_376, %div3A_378, %dot_general3A_379 {dimension_numbers = #tpu.dot_dimension_numbers<[1], [1], [0], [0], [0, 0, 1, 0], [], []>, transpose_lhs_hint = false} : vector<128x256xf32>, vector<128x256xf32>, vector<128x128xf32> -> vector<128x128xf32>
    %div3A_381 = arith.constant 1.000000e-01 : f32
    %div3A_382 = vector.broadcast %div3A_381 : f32 to vector<128x128xf32>
    %div3A_383 = arith.divf %dot_general3A_380, %div3A_382 : vector<128x128xf32>
    %mul3A_384 = arith.mulf %div3A_383, %convert_element_type3A_1 : vector<128x128xf32>
    %reduce_sum3A_385 = arith.constant dense<0.000000e+00> : vector<128xf32>
    %reduce_sum3A_386 = vector.multi_reduction <add>, %mul3A_384, %reduce_sum3A_385 [1] : vector<128x128xf32> to vector<128xf32>
    %exp3A_387 = math.exp %div3A_383 : vector<128x128xf32>
    %reduce_sum3A_388 = arith.constant dense<0.000000e+00> : vector<128xf32>
    %reduce_sum3A_389 = vector.multi_reduction <add>, %exp3A_387, %reduce_sum3A_388 [1] : vector<128x128xf32> to vector<128xf32>
    %log3A_390 = math.log %reduce_sum3A_389 : vector<128xf32>
    %sub3A_391 = arith.subf %log3A_390, %reduce_sum3A_386 : vector<128xf32>
    %jit3A_392 = arith.constant 0.000000e+00 : f32
    %broadcast_in_dim3A_393 = vector.broadcast %jit3A_392 : f32 to vector<128xf32>
    %select_n3A_394 = arith.select %gt3A_352, %sub3A_391, %broadcast_in_dim3A_393 : vector<128xi1>, vector<128xf32>
    %reduce_sum3A_395 = vector.shape_cast %select_n3A_394 : vector<128xf32> to vector<1x128xf32>
    %reduce_sum3A_396 = arith.constant dense<0.000000e+00> : vector<1xf32>
    %reduce_sum3A_397 = vector.multi_reduction <add>, %reduce_sum3A_395, %reduce_sum3A_396 [1] : vector<1x128xf32> to vector<1xf32>
    %reduce_sum3A_398 = vector.shape_cast %reduce_sum3A_397 : vector<1xf32> to vector<1x1xf32>
    %reduce_sum3A_399 = vector.extract %reduce_sum3A_398[0, 0] : f32 from vector<1x1xf32>
    %add3A_400 = arith.addf %add3A_316, %reduce_sum3A_399 : f32
    %convert_element_type3A_401 = arith.extui %gt3A_352 : vector<128xi1> to vector<128xi32>
    %convert_element_type3A_402 = arith.sitofp %convert_element_type3A_401 : vector<128xi32> to vector<128xf32>
    %reduce_sum3A_403 = vector.shape_cast %convert_element_type3A_402 : vector<128xf32> to vector<1x128xf32>
    %reduce_sum3A_404 = arith.constant dense<0.000000e+00> : vector<1xf32>
    %reduce_sum3A_405 = vector.multi_reduction <add>, %reduce_sum3A_403, %reduce_sum3A_404 [1] : vector<1x128xf32> to vector<1xf32>
    %reduce_sum3A_406 = vector.shape_cast %reduce_sum3A_405 : vector<1xf32> to vector<1x1xf32>
    %reduce_sum3A_407 = vector.extract %reduce_sum3A_406[0, 0] : f32 from vector<1x1xf32>
    %add3A_408 = arith.addf %add3A_324, %reduce_sum3A_407 : f32
    %get3A_409 = arith.constant 10 : index
    %get3A_410 = arith.constant 0 : index
    %get3A_411 = arith.constant 0 : index
    %get3A_412 = vector.load %arg2[%get3A_409, %get3A_410, %get3A_411] : memref<16x128x256xf32, #tpu.memory_space<vmem>>, vector<1x128x256xf32>
    %get3A_413 = vector.shape_cast %get3A_412 : vector<1x128x256xf32> to vector<128x256xf32>
    %get3A_414 = arith.constant 11 : index
    %get3A_415 = arith.constant 0 : index
    %get3A_416 = arith.constant 0 : index
    %get3A_417 = vector.load %arg2[%get3A_414, %get3A_415, %get3A_416] : memref<16x128x256xf32, #tpu.memory_space<vmem>>, vector<1x128x256xf32>
    %get3A_418 = vector.shape_cast %get3A_417 : vector<1x128x256xf32> to vector<128x256xf32>
    %add3A_419 = arith.addf %get3A_413, %get3A_418 : vector<128x256xf32>
    %get3A_420 = arith.constant 5 : index
    %get3A_421 = arith.constant 0 : index
    %get3A_422 = arith.constant 0 : index
    %get3A_423 = vector.load %arg3[%get3A_420, %get3A_421, %get3A_422] : memref<8x128x256xf32, #tpu.memory_space<vmem>>, vector<1x128x256xf32>
    %get3A_424 = vector.shape_cast %get3A_423 : vector<1x128x256xf32> to vector<128x256xf32>
    %get3A_425 = arith.constant 10 : index
    %get3A_426 = arith.constant 0 : index
    %get3A_427 = vector.load %arg1[%get3A_425, %get3A_426] : memref<16x128xf32, #tpu.memory_space<vmem>>, vector<1x128xf32>
    %get3A_428 = vector.shape_cast %get3A_427 : vector<1x128xf32> to vector<128xf32>
    %get3A_429 = arith.constant 11 : index
    %get3A_430 = arith.constant 0 : index
    %get3A_431 = vector.load %arg1[%get3A_429, %get3A_430] : memref<16x128xf32, #tpu.memory_space<vmem>>, vector<1x128xf32>
    %get3A_432 = vector.shape_cast %get3A_431 : vector<1x128xf32> to vector<128xf32>
    %add3A_433 = arith.addf %get3A_428, %get3A_432 : vector<128xf32>
    %gt3A_434 = arith.constant 0.000000e+00 : f32
    %gt3A_435 = vector.broadcast %gt3A_434 : f32 to vector<128xf32>
    %gt3A_436 = arith.cmpf ogt, %add3A_433, %gt3A_435 : vector<128xf32>
    %max3A_437 = arith.constant 1.000000e+00 : f32
    %max3A_438 = vector.broadcast %max3A_437 : f32 to vector<128xf32>
    %max3A_439 = arith.maximumf %add3A_433, %max3A_438 : vector<128xf32>
    %broadcast_in_dim3A_440 = vector.shape_cast %max3A_439 : vector<128xf32> to vector<128x1xf32>
    %div3A_441 = vector.broadcast %broadcast_in_dim3A_440 : vector<128x1xf32> to vector<128x256xf32>
    %div3A_442 = arith.divf %add3A_419, %div3A_441 : vector<128x256xf32>
    %mul3A_443 = arith.mulf %div3A_442, %div3A_442 : vector<128x256xf32>
    %reduce_sum3A_444 = arith.constant dense<0.000000e+00> : vector<128xf32>
    %reduce_sum3A_445 = vector.multi_reduction <add>, %mul3A_443, %reduce_sum3A_444 [1] : vector<128x256xf32> to vector<128xf32>
    %broadcast_in_dim3A_446 = vector.shape_cast %reduce_sum3A_445 : vector<128xf32> to vector<128x1xf32>
    %sqrt3A_447 = math.sqrt %broadcast_in_dim3A_446 : vector<128x1xf32>
    %max3A_448 = arith.constant 9.99999993E-9 : f32
    %max3A_449 = vector.broadcast %max3A_448 : f32 to vector<128x1xf32>
    %max3A_450 = arith.maximumf %sqrt3A_447, %max3A_449 : vector<128x1xf32>
    %mul3A_451 = arith.mulf %get3A_424, %get3A_424 : vector<128x256xf32>
    %reduce_sum3A_452 = arith.constant dense<0.000000e+00> : vector<128xf32>
    %reduce_sum3A_453 = vector.multi_reduction <add>, %mul3A_451, %reduce_sum3A_452 [1] : vector<128x256xf32> to vector<128xf32>
    %broadcast_in_dim3A_454 = vector.shape_cast %reduce_sum3A_453 : vector<128xf32> to vector<128x1xf32>
    %sqrt3A_455 = math.sqrt %broadcast_in_dim3A_454 : vector<128x1xf32>
    %max3A_456 = arith.constant 9.99999993E-9 : f32
    %max3A_457 = vector.broadcast %max3A_456 : f32 to vector<128x1xf32>
    %max3A_458 = arith.maximumf %sqrt3A_455, %max3A_457 : vector<128x1xf32>
    %div3A_459 = vector.broadcast %max3A_450 : vector<128x1xf32> to vector<128x256xf32>
    %div3A_460 = arith.divf %div3A_442, %div3A_459 : vector<128x256xf32>
    %div3A_461 = vector.broadcast %max3A_458 : vector<128x1xf32> to vector<128x256xf32>
    %div3A_462 = arith.divf %get3A_424, %div3A_461 : vector<128x256xf32>
    %dot_general3A_463 = arith.constant dense<0.000000e+00> : vector<128x128xf32>
    %dot_general3A_464 = tpu.matmul %div3A_460, %div3A_462, %dot_general3A_463 {dimension_numbers = #tpu.dot_dimension_numbers<[1], [1], [0], [0], [0, 0, 1, 0], [], []>, transpose_lhs_hint = false} : vector<128x256xf32>, vector<128x256xf32>, vector<128x128xf32> -> vector<128x128xf32>
    %div3A_465 = arith.constant 1.000000e-01 : f32
    %div3A_466 = vector.broadcast %div3A_465 : f32 to vector<128x128xf32>
    %div3A_467 = arith.divf %dot_general3A_464, %div3A_466 : vector<128x128xf32>
    %mul3A_468 = arith.mulf %div3A_467, %convert_element_type3A_1 : vector<128x128xf32>
    %reduce_sum3A_469 = arith.constant dense<0.000000e+00> : vector<128xf32>
    %reduce_sum3A_470 = vector.multi_reduction <add>, %mul3A_468, %reduce_sum3A_469 [1] : vector<128x128xf32> to vector<128xf32>
    %exp3A_471 = math.exp %div3A_467 : vector<128x128xf32>
    %reduce_sum3A_472 = arith.constant dense<0.000000e+00> : vector<128xf32>
    %reduce_sum3A_473 = vector.multi_reduction <add>, %exp3A_471, %reduce_sum3A_472 [1] : vector<128x128xf32> to vector<128xf32>
    %log3A_474 = math.log %reduce_sum3A_473 : vector<128xf32>
    %sub3A_475 = arith.subf %log3A_474, %reduce_sum3A_470 : vector<128xf32>
    %jit3A_476 = arith.constant 0.000000e+00 : f32
    %broadcast_in_dim3A_477 = vector.broadcast %jit3A_476 : f32 to vector<128xf32>
    %select_n3A_478 = arith.select %gt3A_436, %sub3A_475, %broadcast_in_dim3A_477 : vector<128xi1>, vector<128xf32>
    %reduce_sum3A_479 = vector.shape_cast %select_n3A_478 : vector<128xf32> to vector<1x128xf32>
    %reduce_sum3A_480 = arith.constant dense<0.000000e+00> : vector<1xf32>
    %reduce_sum3A_481 = vector.multi_reduction <add>, %reduce_sum3A_479, %reduce_sum3A_480 [1] : vector<1x128xf32> to vector<1xf32>
    %reduce_sum3A_482 = vector.shape_cast %reduce_sum3A_481 : vector<1xf32> to vector<1x1xf32>
    %reduce_sum3A_483 = vector.extract %reduce_sum3A_482[0, 0] : f32 from vector<1x1xf32>
    %add3A_484 = arith.addf %add3A_400, %reduce_sum3A_483 : f32
    %convert_element_type3A_485 = arith.extui %gt3A_436 : vector<128xi1> to vector<128xi32>
    %convert_element_type3A_486 = arith.sitofp %convert_element_type3A_485 : vector<128xi32> to vector<128xf32>
    %reduce_sum3A_487 = vector.shape_cast %convert_element_type3A_486 : vector<128xf32> to vector<1x128xf32>
    %reduce_sum3A_488 = arith.constant dense<0.000000e+00> : vector<1xf32>
    %reduce_sum3A_489 = vector.multi_reduction <add>, %reduce_sum3A_487, %reduce_sum3A_488 [1] : vector<1x128xf32> to vector<1xf32>
    %reduce_sum3A_490 = vector.shape_cast %reduce_sum3A_489 : vector<1xf32> to vector<1x1xf32>
    %reduce_sum3A_491 = vector.extract %reduce_sum3A_490[0, 0] : f32 from vector<1x1xf32>
    %add3A_492 = arith.addf %add3A_408, %reduce_sum3A_491 : f32
    %get3A_493 = arith.constant 12 : index
    %get3A_494 = arith.constant 0 : index
    %get3A_495 = arith.constant 0 : index
    %get3A_496 = vector.load %arg2[%get3A_493, %get3A_494, %get3A_495] : memref<16x128x256xf32, #tpu.memory_space<vmem>>, vector<1x128x256xf32>
    %get3A_497 = vector.shape_cast %get3A_496 : vector<1x128x256xf32> to vector<128x256xf32>
    %get3A_498 = arith.constant 13 : index
    %get3A_499 = arith.constant 0 : index
    %get3A_500 = arith.constant 0 : index
    %get3A_501 = vector.load %arg2[%get3A_498, %get3A_499, %get3A_500] : memref<16x128x256xf32, #tpu.memory_space<vmem>>, vector<1x128x256xf32>
    %get3A_502 = vector.shape_cast %get3A_501 : vector<1x128x256xf32> to vector<128x256xf32>
    %add3A_503 = arith.addf %get3A_497, %get3A_502 : vector<128x256xf32>
    %get3A_504 = arith.constant 6 : index
    %get3A_505 = arith.constant 0 : index
    %get3A_506 = arith.constant 0 : index
    %get3A_507 = vector.load %arg3[%get3A_504, %get3A_505, %get3A_506] : memref<8x128x256xf32, #tpu.memory_space<vmem>>, vector<1x128x256xf32>
    %get3A_508 = vector.shape_cast %get3A_507 : vector<1x128x256xf32> to vector<128x256xf32>
    %get3A_509 = arith.constant 12 : index
    %get3A_510 = arith.constant 0 : index
    %get3A_511 = vector.load %arg1[%get3A_509, %get3A_510] : memref<16x128xf32, #tpu.memory_space<vmem>>, vector<1x128xf32>
    %get3A_512 = vector.shape_cast %get3A_511 : vector<1x128xf32> to vector<128xf32>
    %get3A_513 = arith.constant 13 : index
    %get3A_514 = arith.constant 0 : index
    %get3A_515 = vector.load %arg1[%get3A_513, %get3A_514] : memref<16x128xf32, #tpu.memory_space<vmem>>, vector<1x128xf32>
    %get3A_516 = vector.shape_cast %get3A_515 : vector<1x128xf32> to vector<128xf32>
    %add3A_517 = arith.addf %get3A_512, %get3A_516 : vector<128xf32>
    %gt3A_518 = arith.constant 0.000000e+00 : f32
    %gt3A_519 = vector.broadcast %gt3A_518 : f32 to vector<128xf32>
    %gt3A_520 = arith.cmpf ogt, %add3A_517, %gt3A_519 : vector<128xf32>
    %max3A_521 = arith.constant 1.000000e+00 : f32
    %max3A_522 = vector.broadcast %max3A_521 : f32 to vector<128xf32>
    %max3A_523 = arith.maximumf %add3A_517, %max3A_522 : vector<128xf32>
    %broadcast_in_dim3A_524 = vector.shape_cast %max3A_523 : vector<128xf32> to vector<128x1xf32>
    %div3A_525 = vector.broadcast %broadcast_in_dim3A_524 : vector<128x1xf32> to vector<128x256xf32>
    %div3A_526 = arith.divf %add3A_503, %div3A_525 : vector<128x256xf32>
    %mul3A_527 = arith.mulf %div3A_526, %div3A_526 : vector<128x256xf32>
    %reduce_sum3A_528 = arith.constant dense<0.000000e+00> : vector<128xf32>
    %reduce_sum3A_529 = vector.multi_reduction <add>, %mul3A_527, %reduce_sum3A_528 [1] : vector<128x256xf32> to vector<128xf32>
    %broadcast_in_dim3A_530 = vector.shape_cast %reduce_sum3A_529 : vector<128xf32> to vector<128x1xf32>
    %sqrt3A_531 = math.sqrt %broadcast_in_dim3A_530 : vector<128x1xf32>
    %max3A_532 = arith.constant 9.99999993E-9 : f32
    %max3A_533 = vector.broadcast %max3A_532 : f32 to vector<128x1xf32>
    %max3A_534 = arith.maximumf %sqrt3A_531, %max3A_533 : vector<128x1xf32>
    %mul3A_535 = arith.mulf %get3A_508, %get3A_508 : vector<128x256xf32>
    %reduce_sum3A_536 = arith.constant dense<0.000000e+00> : vector<128xf32>
    %reduce_sum3A_537 = vector.multi_reduction <add>, %mul3A_535, %reduce_sum3A_536 [1] : vector<128x256xf32> to vector<128xf32>
    %broadcast_in_dim3A_538 = vector.shape_cast %reduce_sum3A_537 : vector<128xf32> to vector<128x1xf32>
    %sqrt3A_539 = math.sqrt %broadcast_in_dim3A_538 : vector<128x1xf32>
    %max3A_540 = arith.constant 9.99999993E-9 : f32
    %max3A_541 = vector.broadcast %max3A_540 : f32 to vector<128x1xf32>
    %max3A_542 = arith.maximumf %sqrt3A_539, %max3A_541 : vector<128x1xf32>
    %div3A_543 = vector.broadcast %max3A_534 : vector<128x1xf32> to vector<128x256xf32>
    %div3A_544 = arith.divf %div3A_526, %div3A_543 : vector<128x256xf32>
    %div3A_545 = vector.broadcast %max3A_542 : vector<128x1xf32> to vector<128x256xf32>
    %div3A_546 = arith.divf %get3A_508, %div3A_545 : vector<128x256xf32>
    %dot_general3A_547 = arith.constant dense<0.000000e+00> : vector<128x128xf32>
    %dot_general3A_548 = tpu.matmul %div3A_544, %div3A_546, %dot_general3A_547 {dimension_numbers = #tpu.dot_dimension_numbers<[1], [1], [0], [0], [0, 0, 1, 0], [], []>, transpose_lhs_hint = false} : vector<128x256xf32>, vector<128x256xf32>, vector<128x128xf32> -> vector<128x128xf32>
    %div3A_549 = arith.constant 1.000000e-01 : f32
    %div3A_550 = vector.broadcast %div3A_549 : f32 to vector<128x128xf32>
    %div3A_551 = arith.divf %dot_general3A_548, %div3A_550 : vector<128x128xf32>
    %mul3A_552 = arith.mulf %div3A_551, %convert_element_type3A_1 : vector<128x128xf32>
    %reduce_sum3A_553 = arith.constant dense<0.000000e+00> : vector<128xf32>
    %reduce_sum3A_554 = vector.multi_reduction <add>, %mul3A_552, %reduce_sum3A_553 [1] : vector<128x128xf32> to vector<128xf32>
    %exp3A_555 = math.exp %div3A_551 : vector<128x128xf32>
    %reduce_sum3A_556 = arith.constant dense<0.000000e+00> : vector<128xf32>
    %reduce_sum3A_557 = vector.multi_reduction <add>, %exp3A_555, %reduce_sum3A_556 [1] : vector<128x128xf32> to vector<128xf32>
    %log3A_558 = math.log %reduce_sum3A_557 : vector<128xf32>
    %sub3A_559 = arith.subf %log3A_558, %reduce_sum3A_554 : vector<128xf32>
    %jit3A_560 = arith.constant 0.000000e+00 : f32
    %broadcast_in_dim3A_561 = vector.broadcast %jit3A_560 : f32 to vector<128xf32>
    %select_n3A_562 = arith.select %gt3A_520, %sub3A_559, %broadcast_in_dim3A_561 : vector<128xi1>, vector<128xf32>
    %reduce_sum3A_563 = vector.shape_cast %select_n3A_562 : vector<128xf32> to vector<1x128xf32>
    %reduce_sum3A_564 = arith.constant dense<0.000000e+00> : vector<1xf32>
    %reduce_sum3A_565 = vector.multi_reduction <add>, %reduce_sum3A_563, %reduce_sum3A_564 [1] : vector<1x128xf32> to vector<1xf32>
    %reduce_sum3A_566 = vector.shape_cast %reduce_sum3A_565 : vector<1xf32> to vector<1x1xf32>
    %reduce_sum3A_567 = vector.extract %reduce_sum3A_566[0, 0] : f32 from vector<1x1xf32>
    %add3A_568 = arith.addf %add3A_484, %reduce_sum3A_567 : f32
    %convert_element_type3A_569 = arith.extui %gt3A_520 : vector<128xi1> to vector<128xi32>
    %convert_element_type3A_570 = arith.sitofp %convert_element_type3A_569 : vector<128xi32> to vector<128xf32>
    %reduce_sum3A_571 = vector.shape_cast %convert_element_type3A_570 : vector<128xf32> to vector<1x128xf32>
    %reduce_sum3A_572 = arith.constant dense<0.000000e+00> : vector<1xf32>
    %reduce_sum3A_573 = vector.multi_reduction <add>, %reduce_sum3A_571, %reduce_sum3A_572 [1] : vector<1x128xf32> to vector<1xf32>
    %reduce_sum3A_574 = vector.shape_cast %reduce_sum3A_573 : vector<1xf32> to vector<1x1xf32>
    %reduce_sum3A_575 = vector.extract %reduce_sum3A_574[0, 0] : f32 from vector<1x1xf32>
    %add3A_576 = arith.addf %add3A_492, %reduce_sum3A_575 : f32
    %get3A_577 = arith.constant 14 : index
    %get3A_578 = arith.constant 0 : index
    %get3A_579 = arith.constant 0 : index
    %get3A_580 = vector.load %arg2[%get3A_577, %get3A_578, %get3A_579] : memref<16x128x256xf32, #tpu.memory_space<vmem>>, vector<1x128x256xf32>
    %get3A_581 = vector.shape_cast %get3A_580 : vector<1x128x256xf32> to vector<128x256xf32>
    %get3A_582 = arith.constant 15 : index
    %get3A_583 = arith.constant 0 : index
    %get3A_584 = arith.constant 0 : index
    %get3A_585 = vector.load %arg2[%get3A_582, %get3A_583, %get3A_584] : memref<16x128x256xf32, #tpu.memory_space<vmem>>, vector<1x128x256xf32>
    %get3A_586 = vector.shape_cast %get3A_585 : vector<1x128x256xf32> to vector<128x256xf32>
    %add3A_587 = arith.addf %get3A_581, %get3A_586 : vector<128x256xf32>
    %get3A_588 = arith.constant 7 : index
    %get3A_589 = arith.constant 0 : index
    %get3A_590 = arith.constant 0 : index
    %get3A_591 = vector.load %arg3[%get3A_588, %get3A_589, %get3A_590] : memref<8x128x256xf32, #tpu.memory_space<vmem>>, vector<1x128x256xf32>
    %get3A_592 = vector.shape_cast %get3A_591 : vector<1x128x256xf32> to vector<128x256xf32>
    %get3A_593 = arith.constant 14 : index
    %get3A_594 = arith.constant 0 : index
    %get3A_595 = vector.load %arg1[%get3A_593, %get3A_594] : memref<16x128xf32, #tpu.memory_space<vmem>>, vector<1x128xf32>
    %get3A_596 = vector.shape_cast %get3A_595 : vector<1x128xf32> to vector<128xf32>
    %get3A_597 = arith.constant 15 : index
    %get3A_598 = arith.constant 0 : index
    %get3A_599 = vector.load %arg1[%get3A_597, %get3A_598] : memref<16x128xf32, #tpu.memory_space<vmem>>, vector<1x128xf32>
    %get3A_600 = vector.shape_cast %get3A_599 : vector<1x128xf32> to vector<128xf32>
    %add3A_601 = arith.addf %get3A_596, %get3A_600 : vector<128xf32>
    %gt3A_602 = arith.constant 0.000000e+00 : f32
    %gt3A_603 = vector.broadcast %gt3A_602 : f32 to vector<128xf32>
    %gt3A_604 = arith.cmpf ogt, %add3A_601, %gt3A_603 : vector<128xf32>
    %max3A_605 = arith.constant 1.000000e+00 : f32
    %max3A_606 = vector.broadcast %max3A_605 : f32 to vector<128xf32>
    %max3A_607 = arith.maximumf %add3A_601, %max3A_606 : vector<128xf32>
    %broadcast_in_dim3A_608 = vector.shape_cast %max3A_607 : vector<128xf32> to vector<128x1xf32>
    %div3A_609 = vector.broadcast %broadcast_in_dim3A_608 : vector<128x1xf32> to vector<128x256xf32>
    %div3A_610 = arith.divf %add3A_587, %div3A_609 : vector<128x256xf32>
    %mul3A_611 = arith.mulf %div3A_610, %div3A_610 : vector<128x256xf32>
    %reduce_sum3A_612 = arith.constant dense<0.000000e+00> : vector<128xf32>
    %reduce_sum3A_613 = vector.multi_reduction <add>, %mul3A_611, %reduce_sum3A_612 [1] : vector<128x256xf32> to vector<128xf32>
    %broadcast_in_dim3A_614 = vector.shape_cast %reduce_sum3A_613 : vector<128xf32> to vector<128x1xf32>
    %sqrt3A_615 = math.sqrt %broadcast_in_dim3A_614 : vector<128x1xf32>
    %max3A_616 = arith.constant 9.99999993E-9 : f32
    %max3A_617 = vector.broadcast %max3A_616 : f32 to vector<128x1xf32>
    %max3A_618 = arith.maximumf %sqrt3A_615, %max3A_617 : vector<128x1xf32>
    %mul3A_619 = arith.mulf %get3A_592, %get3A_592 : vector<128x256xf32>
    %reduce_sum3A_620 = arith.constant dense<0.000000e+00> : vector<128xf32>
    %reduce_sum3A_621 = vector.multi_reduction <add>, %mul3A_619, %reduce_sum3A_620 [1] : vector<128x256xf32> to vector<128xf32>
    %broadcast_in_dim3A_622 = vector.shape_cast %reduce_sum3A_621 : vector<128xf32> to vector<128x1xf32>
    %sqrt3A_623 = math.sqrt %broadcast_in_dim3A_622 : vector<128x1xf32>
    %max3A_624 = arith.constant 9.99999993E-9 : f32
    %max3A_625 = vector.broadcast %max3A_624 : f32 to vector<128x1xf32>
    %max3A_626 = arith.maximumf %sqrt3A_623, %max3A_625 : vector<128x1xf32>
    %div3A_627 = vector.broadcast %max3A_618 : vector<128x1xf32> to vector<128x256xf32>
    %div3A_628 = arith.divf %div3A_610, %div3A_627 : vector<128x256xf32>
    %div3A_629 = vector.broadcast %max3A_626 : vector<128x1xf32> to vector<128x256xf32>
    %div3A_630 = arith.divf %get3A_592, %div3A_629 : vector<128x256xf32>
    %dot_general3A_631 = arith.constant dense<0.000000e+00> : vector<128x128xf32>
    %dot_general3A_632 = tpu.matmul %div3A_628, %div3A_630, %dot_general3A_631 {dimension_numbers = #tpu.dot_dimension_numbers<[1], [1], [0], [0], [0, 0, 1, 0], [], []>, transpose_lhs_hint = false} : vector<128x256xf32>, vector<128x256xf32>, vector<128x128xf32> -> vector<128x128xf32>
    %div3A_633 = arith.constant 1.000000e-01 : f32
    %div3A_634 = vector.broadcast %div3A_633 : f32 to vector<128x128xf32>
    %div3A_635 = arith.divf %dot_general3A_632, %div3A_634 : vector<128x128xf32>
    %mul3A_636 = arith.mulf %div3A_635, %convert_element_type3A_1 : vector<128x128xf32>
    %reduce_sum3A_637 = arith.constant dense<0.000000e+00> : vector<128xf32>
    %reduce_sum3A_638 = vector.multi_reduction <add>, %mul3A_636, %reduce_sum3A_637 [1] : vector<128x128xf32> to vector<128xf32>
    %exp3A_639 = math.exp %div3A_635 : vector<128x128xf32>
    %reduce_sum3A_640 = arith.constant dense<0.000000e+00> : vector<128xf32>
    %reduce_sum3A_641 = vector.multi_reduction <add>, %exp3A_639, %reduce_sum3A_640 [1] : vector<128x128xf32> to vector<128xf32>
    %log3A_642 = math.log %reduce_sum3A_641 : vector<128xf32>
    %sub3A_643 = arith.subf %log3A_642, %reduce_sum3A_638 : vector<128xf32>
    %jit3A_644 = arith.constant 0.000000e+00 : f32
    %broadcast_in_dim3A_645 = vector.broadcast %jit3A_644 : f32 to vector<128xf32>
    %select_n3A_646 = arith.select %gt3A_604, %sub3A_643, %broadcast_in_dim3A_645 : vector<128xi1>, vector<128xf32>
    %reduce_sum3A_647 = vector.shape_cast %select_n3A_646 : vector<128xf32> to vector<1x128xf32>
    %reduce_sum3A_648 = arith.constant dense<0.000000e+00> : vector<1xf32>
    %reduce_sum3A_649 = vector.multi_reduction <add>, %reduce_sum3A_647, %reduce_sum3A_648 [1] : vector<1x128xf32> to vector<1xf32>
    %reduce_sum3A_650 = vector.shape_cast %reduce_sum3A_649 : vector<1xf32> to vector<1x1xf32>
    %reduce_sum3A_651 = vector.extract %reduce_sum3A_650[0, 0] : f32 from vector<1x1xf32>
    %add3A_652 = arith.addf %add3A_568, %reduce_sum3A_651 : f32
    %convert_element_type3A_653 = arith.extui %gt3A_604 : vector<128xi1> to vector<128xi32>
    %convert_element_type3A_654 = arith.sitofp %convert_element_type3A_653 : vector<128xi32> to vector<128xf32>
    %reduce_sum3A_655 = vector.shape_cast %convert_element_type3A_654 : vector<128xf32> to vector<1x128xf32>
    %reduce_sum3A_656 = arith.constant dense<0.000000e+00> : vector<1xf32>
    %reduce_sum3A_657 = vector.multi_reduction <add>, %reduce_sum3A_655, %reduce_sum3A_656 [1] : vector<1x128xf32> to vector<1xf32>
    %reduce_sum3A_658 = vector.shape_cast %reduce_sum3A_657 : vector<1xf32> to vector<1x1xf32>
    %reduce_sum3A_659 = vector.extract %reduce_sum3A_658[0, 0] : f32 from vector<1x1xf32>
    %add3A_660 = arith.addf %add3A_576, %reduce_sum3A_659 : f32
    %eq3A_661 = arith.constant 0 : i32
    %eq3A_662 = arith.cmpi eq, %arg0, %eq3A_661 : i32
    %convert_element_type3A_663 = arith.extui %eq3A_662 : i1 to i32
    %cond3A = arith.constant 0 : i32
    %cond3A_664 = arith.cmpi ne, %convert_element_type3A_663, %cond3A : i32
    scf.if %cond3A_664 {
      %broadcast_in_dim3A_679 = arith.constant 0.000000e+00 : f32
      %broadcast_in_dim3A_680 = vector.broadcast %broadcast_in_dim3A_679 : f32 to vector<1x1xf32>
      %swap3A_681 = arith.constant 0 : index
      %swap3A_682 = arith.constant 0 : index
      %swap3A_683 = vector.load %arg4[%swap3A_681, %swap3A_682] : memref<1x1xf32, #tpu.memory_space<vmem>>, vector<1x1xf32>
      tpu.vector_store %arg4[%swap3A_681, %swap3A_682], %broadcast_in_dim3A_680 {strides = array<i32>} : memref<1x1xf32, #tpu.memory_space<vmem>>, vector<1x1xf32>,
      %broadcast_in_dim3A_684 = arith.constant 0.000000e+00 : f32
      %broadcast_in_dim3A_685 = vector.broadcast %broadcast_in_dim3A_684 : f32 to vector<1x1xf32>
      %swap3A_686 = arith.constant 0 : index
      %swap3A_687 = arith.constant 0 : index
      %swap3A_688 = vector.load %arg5[%swap3A_686, %swap3A_687] : memref<1x1xf32, #tpu.memory_space<vmem>>, vector<1x1xf32>
      tpu.vector_store %arg5[%swap3A_686, %swap3A_687], %broadcast_in_dim3A_685 {strides = array<i32>} : memref<1x1xf32, #tpu.memory_space<vmem>>, vector<1x1xf32>,
    } else {
    }
    %get3A_665 = arith.constant 0 : index
    %get3A_666 = arith.constant 0 : index
    %get3A_667 = vector.load %arg4[%get3A_665, %get3A_666] : memref<1x1xf32, #tpu.memory_space<vmem>>, vector<1x1xf32>
    %reshape3A = vector.broadcast %add3A_652 : f32 to vector<1x1xf32>
    %add3A_668 = arith.addf %get3A_667, %reshape3A : vector<1x1xf32>
    %swap3A = arith.constant 0 : index
    %swap3A_669 = arith.constant 0 : index
    %swap3A_670 = vector.load %arg4[%swap3A, %swap3A_669] : memref<1x1xf32, #tpu.memory_space<vmem>>, vector<1x1xf32>
    tpu.vector_store %arg4[%swap3A, %swap3A_669], %add3A_668 {strides = array<i32>} : memref<1x1xf32, #tpu.memory_space<vmem>>, vector<1x1xf32>,
    %get3A_671 = arith.constant 0 : index
    %get3A_672 = arith.constant 0 : index
    %get3A_673 = vector.load %arg5[%get3A_671, %get3A_672] : memref<1x1xf32, #tpu.memory_space<vmem>>, vector<1x1xf32>
    %reshape3A_674 = vector.broadcast %add3A_660 : f32 to vector<1x1xf32>
    %add3A_675 = arith.addf %get3A_673, %reshape3A_674 : vector<1x1xf32>
    %swap3A_676 = arith.constant 0 : index
    %swap3A_677 = arith.constant 0 : index
    %swap3A_678 = vector.load %arg5[%swap3A_676, %swap3A_677] : memref<1x1xf32, #tpu.memory_space<vmem>>, vector<1x1xf32>
    tpu.vector_store %arg5[%swap3A_676, %swap3A_677], %add3A_675 {strides = array<i32>} : memref<1x1xf32, #tpu.memory_space<vmem>>, vector<1x1xf32>,
    return
  }
  func.func @transform_0(%arg0: i32) -> (i32, i32) {
    %c0_i32 = arith.constant 0 : i32
    %c0_i32_0 = arith.constant 0 : i32
    return %arg0, %c0_i32 : i32, i32
  }
  func.func @transform_1(%arg0: i32) -> (i32, i32, i32) {
    %c0_i32 = arith.constant 0 : i32
    %c0_i32_0 = arith.constant 0 : i32
    %c0_i32_1 = arith.constant 0 : i32
    return %arg0, %c0_i32, %c0_i32_0 : i32, i32, i32
  }
  func.func @transform_2(%arg0: i32) -> (i32, i32, i32) {
    %c0_i32 = arith.constant 0 : i32
    %c0_i32_0 = arith.constant 0 : i32
    %c0_i32_1 = arith.constant 0 : i32
    return %arg0, %c0_i32, %c0_i32_0 : i32, i32, i32
  }
  func.func @transform_3(%arg0: i32) -> (i32, i32) {
    %c0_i32 = arith.constant 0 : i32
    %c0_i32_0 = arith.constant 0 : i32
    %c0_i32_1 = arith.constant 0 : i32
    return %c0_i32, %c0_i32_0 : i32, i32
  }
  func.func @transform_4(%arg0: i32) -> (i32, i32) {
    %c0_i32 = arith.constant 0 : i32
    %c0_i32_0 = arith.constant 0 : i32
    %c0_i32_1 = arith.constant 0 : i32
    return %c0_i32, %c0_i32_0 : i32, i32
  }
}

</mosaic_0001>

<sc_bundles>
// kernel: kernel.4.cloned.1.call-start
scs
__scs_entry_jumppad:
0x0: {  	(pc) =	sbr.rel $0x88, $3  }
0x1: {  	(tag) =	ssettag $0x0;
	lr =	simm.s32 $0x1  }
0x2: {  	[smem:$0x3F9E] =	sst lr;
	_ =	strace $0xD0000000  }
0x3: {  	_ = 	snop  }
0x4: {  	_ = 	snop  }
0x5: {  	_ = 	snop  }
0x6: {  	_ = 	snop  }
0x7: {  	_ = 	snop  }
__scs_overlays_trampoline_lowered:
0x8: {  	[smem:$0x3FAD] =	sst s0  }
0x9: {  	[smem:$0x3FAE] =	sst s1  }
0xa: {  	[smem:$0x3FAF] =	sst s2  }
0xb: {  	[smem:$0x3FB0] =	sst s3  }
0xc: {  	[smem:$0x3FB1] =	sst s4  }
0xd: {  	[smem:$0x3FB2] =	sst s5  }
0xe: {  	[smem:$0x3FB3] =	sst s6  }
0xf: {  	[smem:$0x3FB4] =	sst s7  }
0x10: {  	[smem:$0x3FB5] =	sst s8  }
0x11: {  	[smem:$0x3FB6] =	sst s9;
	s0 =	simm.s32 @!p0 $0x0  }
0x12: {  	s1 =	sld [smem:$0x3F9C];
	s0 =	simm.s32 @p0 $0x1  }
0x13: {  	[smem:$0x3FB7] =	sst s0;
	s0 =	simm.s32 @!p1 $0x0  }
0x14: {  	s2 =	sld [smem:$0x3F9B];
	s0 =	simm.s32 @p1 $0x1  }
0x15: {  	[smem:$0x3FB8] =	sst s0;
	s0 =	simm.s32 @!p2 $0x0  }
0x16: {  	s3 =	sld [smem:$0x3FDB];
	s0 =	simm.s32 @p2 $0x1  }
0x17: {  	s4 =	simm.s32 $0x1BF5;
	[smem:$0x3FBA] =	sst s0  }
0x18: {  	s0 =	sld [smem:$0x3F9D];
	_ =	swait.ge [sflag:s4], $0x0  }
0x19: {  	s7 =	sld [smem:$0x3F9E]  }
0x1a: {  	s8 =	sadd.s32 $0xFFFFE003, lr  }
0x1b: {  	s9 =	sadd.s32 $0xFFFFFEF7, lr;
	s5 =	simm.s32 $0xFFFFFFFF;
	p2 =	slt.u32 s8, $0xFFFFF086  }
0x1c: {  	p1 =	slt.u32 s9, $0xF7A;
	s5 =	simm.s32 @!p2 $0x0  }
0x1d: {  	s5 =	simm.s32 @p1 $0x1;
	p0 =	seq.s32 s7, s2  }
0x1e: {  	s7 =	smul.u32 @!p0 $0xF7A, s2;
	p2 =	seq.s32 @!p0 s5, $0x0  }
0x1f: {  	s9 =	smul.u32 $0xF7A, s1;
	s8 =	simm.s32 @!p0 $0x1BF5;
	p2 =	por !p2, p0  }
0x20: {  	[sflag:s8] =	ssyncset.s32 @!p0 $0xFFFFF086;
	s6 =	sadd.s32 @!p0 s3, s7;
	s7 =	simm.s32 @!p0 $0x108  }
0x21: {  	s3 =	sadd.s32 s3, s9;
	s6 =	sadd.s32 @!p0 $0x88, s6;
	s7 =	simm.s32 @p2 $0x1082  }
0x22: {  	[simem:s7], [sflag:s8] =	dma.local @!p0 [hbm:s6], $0xF7A  }
0x23: {  	s9 =	sor.u32 $0xD0000000, s2;
	s6 =	simm.s32 $0x108;
	_ =	swait.ge @!p0 [sflag:s8], $0x0  }
0x24: {  	s3 =	sadd.s32 $0x88, s3;
	s6 =	simm.s32 @!p1 $0x1082;
	[sflag:s4] =	ssyncset.s32 $0xFFFFF086  }
0x25: {  	[simem:s6], [sflag:s4] =	dma.local [hbm:s3], $0xF7A  }
0x26: {  	[smem:$0x3F9E] =	sst s1;
	(tag) =	ssettag s2;
	_ =	strace s9  }
0x27: {  	s1 =	sld [smem:$0x3FAE]  }
0x28: {  	s2 =	sld [smem:$0x3FAF]  }
0x29: {  	s4 =	sld [smem:$0x3FB1]  }
0x2a: {  	p0 =	seq.s32 s5, $0x0;
	s5 =	sld [smem:$0x3FB2]  }
0x2b: {  	s6 =	sld [smem:$0x3FB3]  }
0x2c: {  	s7 =	sld [smem:$0x3FB4]  }
0x2d: {  	s3 =	simm.s32 $0x108;
	s8 =	sld [smem:$0x3FB5]  }
0x2e: {  	s3 =	simm.s32 @!p0 $0x1082;
	s9 =	sld [smem:$0x3FB6]  }
0x2f: {  	lr =	sadd.s32 s0, s3;
	s0 =	sld [smem:$0x3FAD]  }
0x30: {  	s3 =	sld [smem:$0x3FB0]  }
0x31: {  	[smem:$0x3FB9] =	sst s10  }
0x32: {  	s10 =	sld [smem:$0x3FB7];
	_ =	sdelay $0x3  }
0x33: {  	p0 =	seq.s32 s10, $0x1;
	s10 =	sld [smem:$0x3FB9];
	_ =	sdelay $0x3  }
0x34: {  	[smem:$0x3FB9] =	sst s10  }
0x35: {  	s10 =	sld [smem:$0x3FB8];
	_ =	sdelay $0x3  }
0x36: {  	p1 =	seq.s32 s10, $0x1;
	s10 =	sld [smem:$0x3FB9];
	_ =	sdelay $0x3  }
0x37: {  	[smem:$0x3FB9] =	sst s10  }
0x38: {  	s10 =	sld [smem:$0x3FBA]  }
0x39: {  	_ = 	snop;
	(pc) =	sbr.ind lr, $3  }
0x3a: {  	_ = 	snop  }
0x3b: {  	_ = 	snop  }
0x3c: {  	p2 =	seq.s32 s10, $0x1;
	s10 =	sld [smem:$0x3FB9]  }
0x3d: {  	_ =	shalt  }
0x3e: {  	_ =	shalt  }
0x3f: {  	_ =	shalt  }
0x40: {  	_ =	shalt  }
0x41: {  	_ =	shalt  }
0x42: {  	_ =	shalt  }
0x43: {  	_ =	shalt  }
0x44: {  	_ =	shalt  }
0x45: {  	_ =	shalt  }
0x46: {  	_ =	shalt  }
0x47: {  	_ =	shalt  }
0x48: {  	_ =	shalt  }
0x49: {  	_ =	shalt  }
0x4a: {  	_ =	shalt  }
0x4b: {  	_ =	shalt  }
0x4c: {  	_ =	shalt  }
0x4d: {  	_ =	shalt  }
0x4e: {  	_ =	shalt  }
0x4f: {  	_ =	shalt  }
0x50: {  	_ =	shalt  }
0x51: {  	_ =	shalt  }
0x52: {  	_ =	shalt  }
0x53: {  	_ =	shalt  }
0x54: {  	_ =	shalt  }
0x55: {  	_ =	shalt  }
0x56: {  	_ =	shalt  }
0x57: {  	_ =	shalt  }
0x58: {  	_ =	shalt  }
0x59: {  	_ =	shalt  }
0x5a: {  	_ =	shalt  }
0x5b: {  	_ =	shalt  }
0x5c: {  	_ =	shalt  }
0x5d: {  	_ =	shalt  }
0x5e: {  	_ =	shalt  }
0x5f: {  	_ =	shalt  }
0x60: {  	_ =	shalt  }
0x61: {  	_ =	shalt  }
0x62: {  	_ =	shalt  }
0x63: {  	_ =	shalt  }
0x64: {  	_ =	shalt  }
0x65: {  	_ =	shalt  }
0x66: {  	_ =	shalt  }
0x67: {  	_ =	shalt  }
0x68: {  	_ =	shalt  }
0x69: {  	_ =	shalt  }
0x6a: {  	_ =	shalt  }
0x6b: {  	_ =	shalt  }
0x6c: {  	_ =	shalt  }
0x6d: {  	_ =	shalt  }
0x6e: {  	_ =	shalt  }
0x6f: {  	_ =	shalt  }
0x70: {  	_ =	shalt  }
0x71: {  	_ =	shalt  }
0x72: {  	_ =	shalt  }
0x73: {  	_ =	shalt  }
0x74: {  	_ =	shalt  }
0x75: {  	_ =	shalt  }
0x76: {  	_ =	shalt  }
0x77: {  	_ =	shalt  }
0x78: {  	_ =	shalt  }
0x79: {  	_ =	shalt  }
0x7a: {  	_ =	shalt  }
0x7b: {  	_ =	shalt  }
0x7c: {  	_ =	shalt  }
0x7d: {  	_ =	shalt  }
0x7e: {  	_ =	shalt  }
0x7f: {  	_ =	shalt  }
0x80: {  	_ =	shalt  }
0x81: {  	_ =	shalt  }
0x82: {  	_ =	shalt  }
0x83: {  	_ =	shalt  }
0x84: {  	_ =	shalt  }
0x85: {  	_ =	shalt  }
0x86: {  	_ =	shalt  }
0x87: {  	_ =	shalt  }
.Lfunc_end0:
.L_simem_size_0:
called_computation_lowered:
.L_overlay_start_0:
0x88: {  	s2 =	sld [smem:$0x3FD9]  }
0x89: {  	s3 =	sld [smem:$0x3FFE];
	_ =	sdelay $0x1  }
0x8a: {  	s1 =	srdreg.scid  }
0x8b: {  	s0 =	sand.u32 $0x1, s1  }
0x8c: {  	s17 =	sshll.u32 s0, $0xA;
	s2 =	sadd.s32 s3, s2  }
0x8d: {  	s2 =	sadd.s32 s2, s17  }
0x8e: {  	[smem:$0x3FC5] =	sst s2  }
0x8f: {  	_ = 	snop  }
0x90: {  	s2 =	sld [smem:$0x3FC9];
	(tm) =	ssettm $0x1  }
0x91: {  	s18 =	sld [smem:$0x3FFB];
	_ =	sdelay $0x3  }
0x92: {  	_ =	strace s18  }
0x93: {  	s3 =	sld [smem:$0x3FFC];
	_ =	sdelay $0x3  }
0x94: {  	_ =	strace s3  }
0x95: {  	s3 =	sld [smem:$0x3FFD];
	_ =	sdelay $0x3  }
0x96: {  	_ =	strace s3  }
0x97: {  	_ =	strace $0x8FFFFFFF  }
0x98: {  	s19 =	sld [smem:$0x3FDB];
	_ =	sdelay $0x1  }
0x99: {  	s4 =	simm.s32 $_scs_section_size  }
0x9a: {  	s5 =	simm.s32 $_size__tile_overlayer_lowered;
	s6 =	simm.s32 $_tile_overlayer_lowered  }
0x9b: {  	s22 =	simm.s32 $0x1BFF;
	s21 =	sshll.u32 s6, $0x1;
	s3 =	sadd.s32 s4, s19  }
0x9c: {  	s7 =	simm.s32 $0x0;
	s20 =	sshll.u32 s5, $0x1;
	s5 =	sadd.s32 s21, s3  }
0x9d: {  	[timem:s7], [sflag:s22] =	dma.local [hbm:s5], s20  }
0x9e: {  	_ =	swait.ge [sflag:s22], s20  }
0x9f: {  	s4 =	ssub.s32 $0x0, s20;
	[sflag:s22] =	ssyncset.done $0x0  }
0xa0: {  	[sflag:s22] =	ssyncadd.s32 s4;
	_ =	sdelay $0x1  }
0xa1: {  	s23 =	simm.s32 $0x1B8B  }
0xa2: {  	_ =	swait.ge [sflag:s23], $0x1  }
0xa3: {  	[sflag:s23] =	ssyncset.done $0x0  }
0xa4: {  	s25 =	simm.s32 $0x1B8E;
	s24 =	sld [smem:$0x3FFE];
	[sflag:s23] =	ssyncadd.s32 $0xFFFFFFFF  }
0xa5: {  	s26 =	simm.s32 $execute0_lowered;
	[smem:$0x3FD2] =	sst s25  }
0xa6: {  	s5 =	sshll.u32 s26, $0x1;
	_ =	strace $0x80000046;
	[dreg:$0x1] =	wrdreg $0xFFFFFFFF  }
0xa7: {  	s28 =	simm.s32 $_size_execute0_lowered;
	s3 =	sadd.s32 s3, s5;
	[dreg:$0x0] =	wrdreg $0x0  }
0xa8: {  	s5 =	sshll.u32 s28, $0x1;
	[dreg:$0x2] =	wrdreg s3  }
0xa9: {  	[dreg:$0x3] =	wrdreg s5  }
0xaa: {  	[dreg:$0x4] =	wrdreg $0xC0  }
0xab: {  	_ =	task [dreg:s7], $0x5FFFF  }
0xac: {  	[dreg:$0x1] =	wrdreg $0xFFFFFFFF  }
0xad: {  	[dreg:$0x0] =	wrdreg $0x60  }
0xae: {  	[dreg:$0x2] =	wrdreg s2  }
0xaf: {  	[dreg:$0x3] =	wrdreg s24  }
0xb0: {  	[dreg:$0x4] =	wrdreg $0x9  }
0xb1: {  	_ =	task.clear_ibuf [dreg:s7], $0x5FFFF;
	_ =	strace $0x90000046  }
0xb2: {  	s29 =	simm.s32 $0x9;
	_ =	strace $0x80000048  }
0xb3: {  	_ =	swait.ge [sflag:s29], $0x1  }
0xb4: {  	[sflag:s29] =	ssyncadd.s32 $0xFFFFFFFF  }
0xb5: {  	_ =	strace $0x90000048  }
0xb6: {  	_ =	sfence  }
0xb7: {  	s30 =	sld [smem:$0x0];
	_ =	sdelay $0x2  }
0xb8: {  	s31 =	sshll.u32 s1, $0xD;
	s1 =	sshrl.u32 s1, $0x2  }
0xb9: {  	s3 =	sand.u32 $0x4000, s31;
	s1 =	sadd.s32 s1, s30  }
0xba: {  	s0 =	sor.u32 s3, s0;
	s1 =	sshll.u32 s1, $0x11  }
0xbb: {  	s0 =	sor.u32 s1, s0  }
0xbc: {  	s0 =	sadd.s32 $0x8F2B, s0  }
0xbd: {  	[sflag:s0] =	ssyncadd.remote.s32 $0x1  }
0xbe: {  	_ =	sfence.sel $0xFFFF  }
0xbf: {  	[dreg:$0x0] =	wrdreg $0xFFFFFFFF;
	(pc) =	sbr.abs _section_cstart, $3  }
0xc0: {  	[dreg:$0x1] =	wrdreg $0xFFFFFFFF  }
0xc1: {  	_ =	task.clear_ibuf [dreg:s7], $0x2FFFF;
	_ =	strace $0x9FFFFFFF  }
0xc2: {  	(tm) =	ssettm $0x7FFFFFFF  }
0xc3: {  	_ =	shalt  }
tec
execute0_lowered:
.L_overlay_start_1:
0x0: {  	(tag) =	ssettag $0x1  }
0x1: {  	s0 =	rddreg [dreg:$0x0]  }
0x2: {  	s1 =	rddreg [dreg:$0x1]  }
0x3: {  	s2 =	srdreg.scid;
	s5 =	stileid.u32;
	s15 =	simm.s32 $0x18400  }
0x4: {  	s16 =	simm.s32 $0x10400;
	s3 =	sand.u32 $0x1, s2;
	s2 =	simm.s32 $0x0  }
0x5: {  	s17 =	simm.s32 $0x2;
	s4 =	sshll.u32 s3, $0x4;
	[smem:$0x7FF] =	sst s2  }
0x6: {  	s3 =	ssub.s32 $0x2, s3;
	s4 =	sor.u32 s5, s4;
	_ =	strace $0x80000047  }
0x7: {  	s8 =	sshrl.u32 s3, $0x1;
	s5 =	sshll.u32 s4, $0x7;
	s6 =	sshll.u32 s4, $0xC  }
0x8: {  	s7 =	sshll.u32 s4, $0x4;
	s9 =	sshll.u32 s4, $0xF;
	s3 =	ssub.s32 s3, s8  }
0x9: {  	s5 =	sadd.s32 s5, s1;
	s6 =	sadd.s32 s6, s1;
	s28 =	sadd.s32 s0, s9  }
0xa: {  	v0 =	vimm.f32 $0.0e+00;
	v1 =	vimm.f32 $1.000000000e+00;
	v2 =	vlaneseq.u32;
	s1 =	sadd.s32 s7, s1;
	s31 =	smax.u32 s3, $0x1;
	[dreg:$0x3] =	wrdreg s28  }
.Ltmp0:
0xb: {  	v3 =	vor.u32 $0x10, v2;
	v4 =	vor.u32 $0x20, v2;
	v5 =	vor.u32 $0x30, v2;
	s7 =	sadd.s32 $0x1000, s28;
	[dreg:$0x8] =	wrdreg s31;
	(pc) =	sbr.rel .LBB2_1-.Ltmp0, $4  }
0xc: {  	v6 =	vor.u32 $0x40, v2;
	v7 =	vor.u32 $0x50, v2;
	v8 =	vor.u32 $0x60, v2;
	s4 =	sshll.u32 s4, $0xA;
	s5 =	sadd.s32 $0x1000, s5;
	[dreg:$0x4] =	wrdreg s7  }
0xd: {  	v9 =	vor.u32 $0x70, v2;
	v10 =	vor.u32 $0x400, v2;
	v11 =	vor.u32 $0x410, v2;
	s3 =	simm.s32 $0x3;
	s29 =	sadd.s32 $0x2000, s6;
	[dreg:$0x5] =	wrdreg s5  }
0xe: {  	v12 =	vor.u32 $0x420, v2;
	v13 =	vor.u32 $0x430, v2;
	v14 =	vor.u32 $0x440, v2;
	s30 =	sadd.s32 $0x22000, s1;
	s6 =	simm.s32 $0x8400;
	[dreg:$0x6] =	wrdreg s29  }
0xf: {  	v15 =	vor.u32 $0x450, v2;
	v16 =	vor.u32 $0x460, v2;
	v17 =	vor.u32 $0x470, v2;
	s1 =	simm.s32 $0x0;
	s7 =	sadd.s32 $0x2000, s0;
	[dreg:$0x7] =	wrdreg s30  }
.LBB2_10:
0x10: {  	s0 =	rddreg [dreg:$0x6];
	s3 =	simm.s32 $0x3  }
0x11: {  	[hbm4b:s0+s2] =	stream.linear.scatter [tilespmem:s16], [sflag:$0x3], $0x8000, $0x38;
	[tilespmem:$0x18800] =	vst v63  }
0x12: {  	_ =	swait.ge [sflag:s3], $0x8000  }
0x13: {  	[sflag:s3] =	ssyncset.done $0x0  }
0x14: {  	s30 =	rddreg [dreg:$0x7];
	[sflag:s3] =	ssyncadd.s32 $0xFFFF8000  }
0x15: {  	[hbm4b:s30+s2] =	stream.linear.scatter [tilespmem:s15], [sflag:$0x3], $0x80, $0x38;
	[tilespmem:$0x18800] =	vst v63  }
0x16: {  	_ =	swait.ge [sflag:s3], $0x80  }
0x17: {  	s1 =	rddreg [dreg:$0x9]  }
0x18: {  	s31 =	rddreg [dreg:$0x8];
	s1 =	sadd.s32 $0x1, s1  }
0x19: {  	p0 =	sne.s32 s1, s31  }
.Ltmp1:
0x1a: {  	_ = 	snop;
	(pc) =	sbr.rel @!p0 .LBB2_11-.Ltmp1, $3  }
0x1b: {  	_ =	sdelay $0x1  }
0x1c: {  	[sflag:s3] =	ssyncset.done $0x0  }
0x1d: {  	[sflag:s3] =	ssyncadd.s32 $0xFFFFFF80  }
.LBB2_1:
0x1e: {  	[dreg:$0x9] =	wrdreg s1  }
0x1f: {  	s0 =	rddreg [dreg:$0x3];
	s12 =	simm.s32 $0x400  }
0x20: {  	[tilespmem:s12], [sflag:$0x1] =	stream.linear.gather [hbm4b:s0+s2], $0x8000, $0x38;
	[tilespmem:$0x18800] =	vst v63  }
0x21: {  	s13 =	rddreg [dreg:$0x4]  }
0x22: {  	[tilespmem:s6], [sflag:$0x2] =	stream.linear.gather [hbm4b:s13+s2], $0x8000, $0x38;
	[tilespmem:$0x18800] =	vst v63  }
0x23: {  	s14 =	rddreg [dreg:$0x5]  }
0x24: {  	[tilespmem:s2], [sflag:$0x3] =	stream.linear.gather [hbm4b:s14+s2], $0x400, $0x38;
	[tilespmem:$0x18800] =	vst v63  }
0x25: {  	_ =	swait.ge [sflag:s3], $0x400  }
0x26: {  	s18 =	sand.u32 $0x7800, s2;
	s19 =	sand.u32 $0x200, s2;
	[sflag:s3] =	ssyncset.done $0x0  }
0x27: {  	s0 =	sor.u32 s19, s18;
	[sflag:s3] =	ssyncadd.s32 $0xFFFFFC00  }
0x28: {  	[tilespmem:s0+$0x105F0] =	vst v0  }
0x29: {  	[tilespmem:s0+$0x104C0] =	vst v0  }
0x2a: {  	[tilespmem:s0+$0x10540] =	vst v0  }
0x2b: {  	[tilespmem:s0+$0x105D0] =	vst v0  }
0x2c: {  	[tilespmem:s0+$0x105B0] =	vst v0  }
0x2d: {  	[tilespmem:s0+$0x10550] =	vst v0  }
0x2e: {  	[tilespmem:s0+$0x10590] =	vst v0  }
0x2f: {  	[tilespmem:s0+$0x105E0] =	vst v0  }
0x30: {  	[tilespmem:s0+$0x104F0] =	vst v0  }
0x31: {  	[tilespmem:s0+$0x105C0] =	vst v0  }
0x32: {  	[tilespmem:s0+$0x104E0] =	vst v0  }
0x33: {  	[tilespmem:s0+$0x104D0] =	vst v0  }
0x34: {  	[tilespmem:s0+$0x10530] =	vst v0  }
0x35: {  	[tilespmem:s0+$0x10470] =	vst v0  }
0x36: {  	[tilespmem:s0+$0x10560] =	vst v0  }
0x37: {  	[tilespmem:s0+$0x104B0] =	vst v0  }
0x38: {  	[tilespmem:s0+$0x10520] =	vst v0  }
0x39: {  	[tilespmem:s0+$0x10490] =	vst v0  }
0x3a: {  	[tilespmem:s0+$0x10570] =	vst v0  }
0x3b: {  	[tilespmem:s0+$0x10460] =	vst v0  }
0x3c: {  	[tilespmem:s0+$0x104A0] =	vst v0  }
0x3d: {  	[tilespmem:s0+$0x10510] =	vst v0  }
0x3e: {  	[tilespmem:s0+$0x10480] =	vst v0  }
0x3f: {  	[tilespmem:s0+$0x10500] =	vst v0  }
0x40: {  	[tilespmem:s0+$0x105A0] =	vst v0  }
0x41: {  	[tilespmem:s0+$0x10420] =	vst v0  }
0x42: {  	p0 =	por $0x0, $0x0;
	s1 =	simm.s32 $0x1;
	[tilespmem:s0+$0x10580] =	vst v0  }
0x43: {  	s1 =	simm.s32 @!p0 $0x0;
	[tilespmem:s0+$0x10450] =	vst v0  }
0x44: {  	s1 =	sshll.u32 s1, $0x9;
	[tilespmem:s0+$0x10440] =	vst v0  }
0x45: {  	s1 =	sadd.s32 $0x0, s1;
	[tilespmem:s0+$0x10430] =	vst v0  }
0x46: {  	s20 =	sadd.s32 $0x80, s1;
	[tilespmem:s0+$0x10410] =	vst v0  }
0x47: {  	s28 =	sadd.s32 $0x100, s1;
	s5 =	sor.u32 $0x400, s20;
	[tilespmem:s0+$0x10400] =	vst v0  }
0x48: {  	s13 =	sadd.s32 $0x180, s1;
	s30 =	sor.u32 $0x400, s28;
	[tilespmem:s5+$0x10400] =	vst v0  }
0x49: {  	s14 =	sor.u32 $0x400, s13;
	[tilespmem:s30+$0x10400] =	vst v0  }
0x4a: {  	s21 =	sor.u32 $0x410, s20;
	[tilespmem:s14+$0x10400] =	vst v0  }
0x4b: {  	s31 =	sor.u32 $0x410, s28;
	[tilespmem:s21+$0x10400] =	vst v0  }
0x4c: {  	s18 =	sor.u32 $0x410, s13;
	[tilespmem:s31+$0x10400] =	vst v0  }
0x4d: {  	s22 =	sor.u32 $0x420, s20;
	[tilespmem:s18+$0x10400] =	vst v0  }
0x4e: {  	s8 =	sor.u32 $0x420, s28;
	[tilespmem:s22+$0x10400] =	vst v0  }
0x4f: {  	s19 =	sor.u32 $0x420, s13;
	[tilespmem:s8+$0x10400] =	vst v0  }
0x50: {  	s23 =	sor.u32 $0x430, s20;
	[tilespmem:s19+$0x10400] =	vst v0  }
0x51: {  	s24 =	sor.u32 $0x440, s20;
	s25 =	sor.u32 $0x450, s20;
	s9 =	sor.u32 $0x430, s28;
	[tilespmem:s23+$0x10400] =	vst v0  }
0x52: {  	s26 =	sor.u32 $0x460, s20;
	s3 =	sor.u32 $0x470, s20;
	s20 =	sor.u32 $0x430, s13;
	[tilespmem:s9+$0x10400] =	vst v0  }
0x53: {  	[tilespmem:s20+$0x10400] =	vst v0  }
0x54: {  	s10 =	sor.u32 $0x440, s28;
	[tilespmem:s24+$0x10400] =	vst v0  }
0x55: {  	s21 =	sor.u32 $0x440, s13;
	[tilespmem:s10+$0x10400] =	vst v0  }
0x56: {  	[tilespmem:s21+$0x10400] =	vst v0  }
0x57: {  	s11 =	sor.u32 $0x450, s28;
	[tilespmem:s25+$0x10400] =	vst v0  }
0x58: {  	s22 =	sor.u32 $0x450, s13;
	[tilespmem:s11+$0x10400] =	vst v0  }
0x59: {  	s24 =	sor.u32 $0x400, s1;
	[tilespmem:s22+$0x10400] =	vst v0  }
0x5a: {  	[tilespmem:s24+$0x10400] =	vst v0  }
0x5b: {  	s12 =	sor.u32 $0x460, s28;
	[tilespmem:s26+$0x10400] =	vst v0  }
0x5c: {  	s23 =	sor.u32 $0x460, s13;
	[tilespmem:s12+$0x10400] =	vst v0  }
0x5d: {  	s25 =	sor.u32 $0x410, s1;
	[tilespmem:s23+$0x10400] =	vst v0  }
0x5e: {  	[tilespmem:s25+$0x10400] =	vst v0  }
0x5f: {  	s26 =	sor.u32 $0x420, s1;
	[tilespmem:s3+$0x10400] =	vst v0  }
0x60: {  	s3 =	sor.u32 $0x470, s28;
	[tilespmem:s26+$0x10400] =	vst v0  }
0x61: {  	s28 =	sor.u32 $0x430, s1;
	[tilespmem:s3+$0x10400] =	vst v0  }
0x62: {  	s3 =	sor.u32 $0x470, s13;
	[tilespmem:s28+$0x10400] =	vst v0  }
0x63: {  	p0 =	por !p0, !p0;
	s30 =	sor.u32 $0x440, s1;
	[tilespmem:s3+$0x10400] =	vst v0  }
0x64: {  	s29 =	sor.u32 $0x460, s1;
	s0 =	simm.s32 $0x0;
	s31 =	sor.u32 $0x450, s1;
	[tilespmem:s30+$0x10400] =	vst v0  }
0x65: {  	s19 =	simm.s32 $0x400;
	s3 =	sor.u32 $0x470, s1;
	s1 =	simm.s32 $0x200;
	[tilespmem:s31+$0x10400] =	vst v0  }
.LBB2_2:
0x66: {  	s5 =	simm.s32 $0x1  }
0x67: {  	s6 =	sand.u32 $0x7800, s19;
	s8 =	sand.u32 $0x200, s1;
	[tilespmem:s29+$0x10400] =	vst v0;
	s5 =	simm.s32 @!p0 $0x0  }
0x68: {  	s0 =	sadd.s32 $0x4, s0;
	s21 =	sor.u32 s8, s6;
	s5 =	sshll.u32 s5, $0x9;
	[tilespmem:s3+$0x10400] =	vst v0  }
0x69: {  	p1 =	slt.u32 s0, $0x7C;
	s20 =	sadd.s32 s5, s19;
	[tilespmem:s21+$0x105F0] =	vst v0  }
0x6a: {  	[tilespmem:s21+$0x104C0] =	vst v0;
	s10 =	sadd.s32 $0x80, s20;
	s24 =	sadd.s32 $0x100, s20;
	s22 =	sadd.s32 $0x180, s20  }
0x6b: {  	s5 =	sor.u32 $0x400, s10;
	[tilespmem:s21+$0x10540] =	vst v0;
	s23 =	sor.u32 $0x400, s22  }
0x6c: {  	s9 =	sor.u32 $0x400, s24;
	[tilespmem:s21+$0x105D0] =	vst v0  }
0x6d: {  	[tilespmem:s21+$0x105B0] =	vst v0  }
0x6e: {  	[tilespmem:s21+$0x10550] =	vst v0  }
0x6f: {  	s26 =	sor.u32 $0x410, s22;
	[tilespmem:s21+$0x10590] =	vst v0  }
0x70: {  	[tilespmem:s21+$0x105E0] =	vst v0  }
0x71: {  	[tilespmem:s21+$0x104F0] =	vst v0  }
0x72: {  	[tilespmem:s21+$0x105C0] =	vst v0  }
0x73: {  	s25 =	sor.u32 $0x450, s22;
	[tilespmem:s21+$0x104E0] =	vst v0  }
0x74: {  	[tilespmem:s21+$0x104D0] =	vst v0  }
0x75: {  	s3 =	sor.u32 $0x410, s24;
	s28 =	sor.u32 $0x470, s22;
	[tilespmem:s21+$0x10530] =	vst v0  }
0x76: {  	[tilespmem:s21+$0x10470] =	vst v0  }
0x77: {  	[tilespmem:s21+$0x10560] =	vst v0  }
0x78: {  	s13 =	sor.u32 $0x420, s24;
	[tilespmem:s21+$0x104B0] =	vst v0  }
0x79: {  	s18 =	sor.u32 $0x430, s24;
	[tilespmem:s21+$0x10520] =	vst v0  }
0x7a: {  	s12 =	sor.u32 $0x440, s24;
	[tilespmem:s21+$0x10490] =	vst v0  }
0x7b: {  	[tilespmem:s21+$0x10570] =	vst v0  }
0x7c: {  	[tilespmem:s21+$0x10460] =	vst v0  }
0x7d: {  	[tilespmem:s21+$0x104A0] =	vst v0  }
0x7e: {  	s30 =	sor.u32 $0x400, s20;
	[tilespmem:s21+$0x10510] =	vst v0  }
0x7f: {  	s31 =	sor.u32 $0x410, s20;
	[tilespmem:s21+$0x10480] =	vst v0  }
0x80: {  	s11 =	sor.u32 $0x420, s20;
	s6 =	sor.u32 $0x410, s10;
	[tilespmem:s5+$0x10400] =	vst v0  }
0x81: {  	s8 =	sor.u32 $0x420, s10;
	s5 =	sor.u32 $0x430, s20;
	[tilespmem:s6+$0x10400] =	vst v0  }
0x82: {  	s29 =	sor.u32 $0x430, s10;
	s6 =	sor.u32 $0x440, s20;
	[tilespmem:s8+$0x10400] =	vst v0  }
0x83: {  	s14 =	sor.u32 $0x440, s10;
	s8 =	sor.u32 $0x450, s20;
	[tilespmem:s29+$0x10400] =	vst v0  }
0x84: {  	s29 =	sor.u32 $0x460, s20;
	[tilespmem:s14+$0x10400] =	vst v0;
	s14 =	sor.u32 $0x450, s10  }
0x85: {  	[tilespmem:s14+$0x10400] =	vst v0;
	s14 =	sor.u32 $0x460, s10  }
0x86: {  	s10 =	sor.u32 $0x470, s10;
	[tilespmem:s14+$0x10400] =	vst v0;
	s14 =	sor.u32 $0x420, s22  }
0x87: {  	[tilespmem:s10+$0x10400] =	vst v0  }
0x88: {  	[tilespmem:s21+$0x10500] =	vst v0  }
0x89: {  	[tilespmem:s21+$0x105A0] =	vst v0  }
0x8a: {  	[tilespmem:s9+$0x10400] =	vst v0  }
0x8b: {  	[tilespmem:s3+$0x10400] =	vst v0  }
0x8c: {  	[tilespmem:s13+$0x10400] =	vst v0  }
0x8d: {  	[tilespmem:s18+$0x10400] =	vst v0  }
0x8e: {  	s3 =	sor.u32 $0x450, s24;
	[tilespmem:s12+$0x10400] =	vst v0  }
0x8f: {  	[tilespmem:s3+$0x10400] =	vst v0;
	s3 =	sor.u32 $0x460, s24  }
0x90: {  	[tilespmem:s3+$0x10400] =	vst v0;
	s3 =	sor.u32 $0x470, s24  }
0x91: {  	[tilespmem:s3+$0x10400] =	vst v0  }
0x92: {  	[tilespmem:s21+$0x10420] =	vst v0  }
0x93: {  	[tilespmem:s21+$0x10580] =	vst v0  }
0x94: {  	[tilespmem:s23+$0x10400] =	vst v0  }
0x95: {  	[tilespmem:s26+$0x10400] =	vst v0  }
0x96: {  	s3 =	sor.u32 $0x430, s22;
	[tilespmem:s14+$0x10400] =	vst v0  }
0x97: {  	[tilespmem:s3+$0x10400] =	vst v0;
	s3 =	sor.u32 $0x440, s22  }
0x98: {  	[tilespmem:s3+$0x10400] =	vst v0  }
0x99: {  	s3 =	sor.u32 $0x460, s22;
	[tilespmem:s25+$0x10400] =	vst v0  }
0x9a: {  	[tilespmem:s3+$0x10400] =	vst v0  }
0x9b: {  	[tilespmem:s28+$0x10400] =	vst v0  }
0x9c: {  	[tilespmem:s21+$0x10450] =	vst v0  }
0x9d: {  	[tilespmem:s21+$0x10440] =	vst v0  }
0x9e: {  	[tilespmem:s21+$0x10430] =	vst v0  }
0x9f: {  	[tilespmem:s21+$0x10410] =	vst v0  }
0xa0: {  	[tilespmem:s21+$0x10400] =	vst v0  }
0xa1: {  	[tilespmem:s30+$0x10400] =	vst v0  }
.Ltmp2:
0xa2: {  	[tilespmem:s31+$0x10400] =	vst v0;
	(pc) =	sbr.rel @p1 .LBB2_2-.Ltmp2, $4  }
0xa3: {  	[tilespmem:s11+$0x10400] =	vst v0  }
0xa4: {  	[tilespmem:s5+$0x10400] =	vst v0  }
0xa5: {  	p0 =	por !p0, !p0;
	[tilespmem:s6+$0x10400] =	vst v0  }
0xa6: {  	s1 =	sadd.s32 $0x200, s1;
	s19 =	sadd.s32 $0x400, s19;
	s3 =	sor.u32 $0x470, s20;
	[tilespmem:s8+$0x10400] =	vst v0  }
0xa7: {  	[tilespmem:s29+$0x10400] =	vst v0  }
0xa8: {  	[tilespmem:s3+$0x10400] =	vst v0  }
0xa9: {  	[tilespmem:$0x18400] =	vst v0  }
0xaa: {  	[tilespmem:$0x18410] =	vst v0  }
0xab: {  	[tilespmem:$0x18420] =	vst v0  }
0xac: {  	[tilespmem:$0x18430] =	vst v0  }
0xad: {  	[tilespmem:$0x18440] =	vst v0  }
0xae: {  	[tilespmem:$0x18450] =	vst v0  }
0xaf: {  	s19 =	simm.s32 $0x0;
	s20 =	simm.s32 $0x60;
	s21 =	simm.s32 $0xE0;
	[tilespmem:$0x18460] =	vst v0  }
0xb0: {  	s22 =	simm.s32 $0x0;
	s6 =	simm.s32 $0x8400;
	s8 =	simm.s32 $0x1;
	[tilespmem:$0x18470] =	vst v0  }
.LBB2_4:
0xb1: {  	s0 =	sadd.s32 $0xFFFFFFA0, s20  }
0xb2: {  	v18 =	vmov s0;
	_ =	sdelay $0x1  }
0xb3: {  	_ =	swait.ge [sflag:s8], $0x8000  }
0xb4: {  	[sflag:s8] =	ssyncset.done $0x0  }
0xb5: {  	[sflag:s8] =	ssyncadd.s32 $0xFFFF8000  }
0xb6: {  	v18 =	vld.idx.msk [tilespmem:v18+s2+$0x0], $0xffff;
	_ =	sdelay $0x5  }
0xb7: {  	v19 =	vshll.u32 v18, $0x7;
	v20 =	vshll.u32 v18, $0x8  }
0xb8: {  	s26 =	sand.u32 $0x1800, s19;
	s1 =	sand.u32 $0x380, s19;
	v20 =	vand.u32 $0xFFFFF800, v20;
	v19 =	vand.u32 $0x380, v19  }
0xb9: {  	s24 =	sor.u32 s1, s26;
	[tilespmem:v18+s15+$0x0] =	vst.idx.add.f32.msk $0x1, v1;
	v18 =	vor.u32 v19, v20  }
0xba: {  	v19 =	vor.u32 v2, v18;
	v20 =	vld [tilespmem:s24+$0x400];
	_ =	sdelay $0x4  }
0xbb: {  	[tilespmem:v19+s16+$0x0] =	vst.idx.add.f32.msk $0xffff, v20  }
0xbc: {  	v19 =	vor.u32 v3, v18;
	v20 =	vld [tilespmem:s24+$0x410];
	_ =	sdelay $0x4  }
0xbd: {  	[tilespmem:v19+s16+$0x0] =	vst.idx.add.f32.msk $0xffff, v20  }
0xbe: {  	v19 =	vor.u32 v4, v18;
	v20 =	vld [tilespmem:s24+$0x420];
	_ =	sdelay $0x4  }
0xbf: {  	[tilespmem:v19+s16+$0x0] =	vst.idx.add.f32.msk $0xffff, v20  }
0xc0: {  	v19 =	vor.u32 v5, v18;
	v20 =	vld [tilespmem:s24+$0x430];
	_ =	sdelay $0x4  }
0xc1: {  	[tilespmem:v19+s16+$0x0] =	vst.idx.add.f32.msk $0xffff, v20  }
0xc2: {  	v19 =	vor.u32 v6, v18;
	v20 =	vld [tilespmem:s24+$0x440];
	_ =	sdelay $0x4  }
0xc3: {  	[tilespmem:v19+s16+$0x0] =	vst.idx.add.f32.msk $0xffff, v20  }
0xc4: {  	v19 =	vor.u32 v7, v18;
	v20 =	vld [tilespmem:s24+$0x450];
	_ =	sdelay $0x4  }
0xc5: {  	[tilespmem:v19+s16+$0x0] =	vst.idx.add.f32.msk $0xffff, v20  }
0xc6: {  	v19 =	vor.u32 v8, v18;
	v20 =	vld [tilespmem:s24+$0x460];
	_ =	sdelay $0x4  }
0xc7: {  	[tilespmem:v19+s16+$0x0] =	vst.idx.add.f32.msk $0xffff, v20  }
0xc8: {  	v19 =	vor.u32 v9, v18;
	v20 =	vld [tilespmem:s24+$0x470];
	_ =	sdelay $0x4  }
0xc9: {  	[tilespmem:v19+s16+$0x0] =	vst.idx.add.f32.msk $0xffff, v20  }
0xca: {  	v19 =	vor.u32 v10, v18;
	v20 =	vld [tilespmem:s24+$0x800];
	_ =	sdelay $0x4  }
0xcb: {  	[tilespmem:v19+s16+$0x0] =	vst.idx.add.f32.msk $0xffff, v20  }
0xcc: {  	v19 =	vor.u32 v11, v18;
	v20 =	vld [tilespmem:s24+$0x810];
	_ =	sdelay $0x4  }
0xcd: {  	[tilespmem:v19+s16+$0x0] =	vst.idx.add.f32.msk $0xffff, v20  }
0xce: {  	v19 =	vor.u32 v12, v18;
	v20 =	vld [tilespmem:s24+$0x820];
	_ =	sdelay $0x4  }
0xcf: {  	[tilespmem:v19+s16+$0x0] =	vst.idx.add.f32.msk $0xffff, v20  }
0xd0: {  	v19 =	vor.u32 v13, v18;
	v20 =	vld [tilespmem:s24+$0x830];
	_ =	sdelay $0x4  }
0xd1: {  	[tilespmem:v19+s16+$0x0] =	vst.idx.add.f32.msk $0xffff, v20  }
0xd2: {  	v19 =	vor.u32 v14, v18;
	v20 =	vld [tilespmem:s24+$0x840];
	_ =	sdelay $0x4  }
0xd3: {  	[tilespmem:v19+s16+$0x0] =	vst.idx.add.f32.msk $0xffff, v20  }
0xd4: {  	v20 =	vor.u32 v15, v18;
	v19 =	vld [tilespmem:s24+$0x850];
	_ =	sdelay $0x4  }
0xd5: {  	[tilespmem:v20+s16+$0x0] =	vst.idx.add.f32.msk $0xffff, v19  }
0xd6: {  	v20 =	vor.u32 v16, v18;
	v19 =	vld [tilespmem:s24+$0x860];
	_ =	sdelay $0x4  }
0xd7: {  	[tilespmem:v20+s16+$0x0] =	vst.idx.add.f32.msk $0xffff, v19  }
0xd8: {  	s1 =	sadd.s32 $0xFFFFFFC0, s20;
	v18 =	vor.u32 v17, v18;
	v19 =	vld [tilespmem:s24+$0x870]  }
0xd9: {  	v20 =	vmov s1;
	_ =	sdelay $0x3  }
0xda: {  	[tilespmem:v18+s16+$0x0] =	vst.idx.add.f32.msk $0xffff, v19  }
0xdb: {  	v18 =	vld.idx.msk [tilespmem:v20+s2+$0x0], $0xffff;
	_ =	sdelay $0x5  }
0xdc: {  	v19 =	vshll.u32 v18, $0x8;
	v20 =	vshll.u32 v18, $0x7  }
0xdd: {  	v19 =	vand.u32 $0xFFFFF800, v19;
	v20 =	vand.u32 $0x380, v20  }
0xde: {  	[tilespmem:v18+s15+$0x0] =	vst.idx.add.f32.msk $0x1, v1;
	v18 =	vor.u32 v20, v19  }
0xdf: {  	v19 =	vld [tilespmem:s24+$0x2400];
	v20 =	vor.u32 v2, v18;
	_ =	sdelay $0x4  }
0xe0: {  	[tilespmem:v20+s16+$0x0] =	vst.idx.add.f32.msk $0xffff, v19  }
0xe1: {  	v20 =	vor.u32 v3, v18;
	v19 =	vld [tilespmem:s24+$0x2410];
	_ =	sdelay $0x2  }
0xe2: {  	s26 =	sadd.s32 $0x1, s20  }
0xe3: {  	s3 =	sadd.s32 $0xFFFFFFA0, s26  }
0xe4: {  	v21 =	vmov s3;
	[tilespmem:v20+s16+$0x0] =	vst.idx.add.f32.msk $0xffff, v19  }
0xe5: {  	v20 =	vor.u32 v4, v18;
	v19 =	vld [tilespmem:s24+$0x2420];
	_ =	sdelay $0x3  }
0xe6: {  	v21 =	vld.idx.msk [tilespmem:v21+s2+$0x0], $0xffff  }
0xe7: {  	[tilespmem:v20+s16+$0x0] =	vst.idx.add.f32.msk $0xffff, v19  }
0xe8: {  	v20 =	vor.u32 v5, v18;
	v19 =	vld [tilespmem:s24+$0x2430];
	_ =	sdelay $0x4  }
0xe9: {  	s5 =	simm.s32 $0x100;
	s9 =	simm.s32 $0x80;
	v22 =	vshll.u32 v21, $0x7;
	v23 =	vshll.u32 v21, $0x8;
	[tilespmem:v20+s16+$0x0] =	vst.idx.add.f32.msk $0xffff, v19  }
0xea: {  	s0 =	sand.u32 $0x1800, s5;
	s1 =	sand.u32 $0x380, s9;
	v19 =	vand.u32 $0xFFFFF800, v23;
	v20 =	vand.u32 $0x380, v22;
	v23 =	vor.u32 v6, v18;
	v22 =	vld [tilespmem:s24+$0x2440]  }
0xeb: {  	[tilespmem:v21+s15+$0x0] =	vst.idx.add.f32.msk $0x1, v1;
	s25 =	sor.u32 s1, s0;
	v19 =	vor.u32 v20, v19  }
0xec: {  	v21 =	vld [tilespmem:s25+$0x400];
	v20 =	vor.u32 v2, v19;
	_ =	sdelay $0x2  }
0xed: {  	[tilespmem:v23+s16+$0x0] =	vst.idx.add.f32.msk $0xffff, v22  }
0xee: {  	v23 =	vor.u32 v7, v18;
	v22 =	vld [tilespmem:s24+$0x2450]  }
0xef: {  	[tilespmem:v20+s16+$0x0] =	vst.idx.add.f32.msk $0xffff, v21  }
0xf0: {  	v20 =	vor.u32 v3, v19;
	v21 =	vld [tilespmem:s25+$0x410];
	_ =	sdelay $0x2  }
0xf1: {  	[tilespmem:v23+s16+$0x0] =	vst.idx.add.f32.msk $0xffff, v22  }
0xf2: {  	v23 =	vor.u32 v8, v18;
	v22 =	vld [tilespmem:s24+$0x2460]  }
0xf3: {  	[tilespmem:v20+s16+$0x0] =	vst.idx.add.f32.msk $0xffff, v21  }
0xf4: {  	v20 =	vor.u32 v4, v19;
	v21 =	vld [tilespmem:s25+$0x420];
	_ =	sdelay $0x2  }
0xf5: {  	[tilespmem:v23+s16+$0x0] =	vst.idx.add.f32.msk $0xffff, v22  }
0xf6: {  	v23 =	vor.u32 v9, v18;
	v22 =	vld [tilespmem:s24+$0x2470]  }
0xf7: {  	[tilespmem:v20+s16+$0x0] =	vst.idx.add.f32.msk $0xffff, v21  }
0xf8: {  	v20 =	vor.u32 v5, v19;
	v21 =	vld [tilespmem:s25+$0x430];
	_ =	sdelay $0x2  }
0xf9: {  	[tilespmem:v23+s16+$0x0] =	vst.idx.add.f32.msk $0xffff, v22  }
0xfa: {  	v23 =	vor.u32 v10, v18;
	v22 =	vld [tilespmem:s24+$0x2800]  }
0xfb: {  	[tilespmem:v20+s16+$0x0] =	vst.idx.add.f32.msk $0xffff, v21  }
0xfc: {  	v20 =	vor.u32 v6, v19;
	v21 =	vld [tilespmem:s25+$0x440];
	_ =	sdelay $0x2  }
0xfd: {  	[tilespmem:v23+s16+$0x0] =	vst.idx.add.f32.msk $0xffff, v22  }
0xfe: {  	v23 =	vor.u32 v11, v18;
	v22 =	vld [tilespmem:s24+$0x2810]  }
0xff: {  	[tilespmem:v20+s16+$0x0] =	vst.idx.add.f32.msk $0xffff, v21  }
0x100: {  	v20 =	vor.u32 v7, v19;
	v21 =	vld [tilespmem:s25+$0x450];
	_ =	sdelay $0x2  }
0x101: {  	[tilespmem:v23+s16+$0x0] =	vst.idx.add.f32.msk $0xffff, v22  }
0x102: {  	v23 =	vor.u32 v12, v18;
	v22 =	vld [tilespmem:s24+$0x2820]  }
0x103: {  	[tilespmem:v20+s16+$0x0] =	vst.idx.add.f32.msk $0xffff, v21  }
0x104: {  	v20 =	vor.u32 v8, v19;
	v21 =	vld [tilespmem:s25+$0x460];
	_ =	sdelay $0x2  }
0x105: {  	[tilespmem:v23+s16+$0x0] =	vst.idx.add.f32.msk $0xffff, v22  }
0x106: {  	v23 =	vor.u32 v13, v18;
	v22 =	vld [tilespmem:s24+$0x2830]  }
0x107: {  	[tilespmem:v20+s16+$0x0] =	vst.idx.add.f32.msk $0xffff, v21  }
0x108: {  	v20 =	vor.u32 v9, v19;
	v21 =	vld [tilespmem:s25+$0x470];
	_ =	sdelay $0x2  }
0x109: {  	[tilespmem:v23+s16+$0x0] =	vst.idx.add.f32.msk $0xffff, v22  }
0x10a: {  	v23 =	vor.u32 v14, v18;
	v22 =	vld [tilespmem:s24+$0x2840]  }
0x10b: {  	[tilespmem:v20+s16+$0x0] =	vst.idx.add.f32.msk $0xffff, v21  }
0x10c: {  	v20 =	vor.u32 v10, v19;
	v21 =	vld [tilespmem:s25+$0x800];
	_ =	sdelay $0x2  }
0x10d: {  	[tilespmem:v23+s16+$0x0] =	vst.idx.add.f32.msk $0xffff, v22  }
0x10e: {  	v23 =	vor.u32 v15, v18;
	v22 =	vld [tilespmem:s24+$0x2850]  }
0x10f: {  	[tilespmem:v20+s16+$0x0] =	vst.idx.add.f32.msk $0xffff, v21  }
0x110: {  	v20 =	vor.u32 v11, v19;
	v21 =	vld [tilespmem:s25+$0x810];
	_ =	sdelay $0x2  }
0x111: {  	[tilespmem:v23+s16+$0x0] =	vst.idx.add.f32.msk $0xffff, v22  }
0x112: {  	v23 =	vor.u32 v16, v18;
	v22 =	vld [tilespmem:s24+$0x2860]  }
0x113: {  	[tilespmem:v20+s16+$0x0] =	vst.idx.add.f32.msk $0xffff, v21  }
0x114: {  	v20 =	vor.u32 v12, v19;
	v21 =	vld [tilespmem:s25+$0x820];
	_ =	sdelay $0x2  }
0x115: {  	[tilespmem:v23+s16+$0x0] =	vst.idx.add.f32.msk $0xffff, v22  }
0x116: {  	v22 =	vld [tilespmem:s24+$0x2870]  }
0x117: {  	v18 =	vor.u32 v17, v18;
	[tilespmem:v20+s16+$0x0] =	vst.idx.add.f32.msk $0xffff, v21  }
0x118: {  	v20 =	vor.u32 v13, v19;
	v21 =	vld [tilespmem:s25+$0x830]  }
0x119: {  	s10 =	sadd.s32 $0xFFFFFFE0, s20  }
0x11a: {  	v23 =	vmov s10;
	_ =	sdelay $0x1  }
0x11b: {  	[tilespmem:v18+s16+$0x0] =	vst.idx.add.f32.msk $0xffff, v22  }
0x11c: {  	[tilespmem:v20+s16+$0x0] =	vst.idx.add.f32.msk $0xffff, v21  }
0x11d: {  	v18 =	vor.u32 v14, v19;
	v20 =	vld [tilespmem:s25+$0x840]  }
0x11e: {  	v21 =	vld.idx.msk [tilespmem:v23+s2+$0x0], $0xffff;
	_ =	sdelay $0x3  }
0x11f: {  	[tilespmem:v18+s16+$0x0] =	vst.idx.add.f32.msk $0xffff, v20  }
0x120: {  	v22 =	vor.u32 v15, v19;
	v20 =	vld [tilespmem:s25+$0x850]  }
0x121: {  	v23 =	vshll.u32 v21, $0x7;
	v18 =	vshll.u32 v21, $0x8  }
0x122: {  	v23 =	vand.u32 $0x380, v23;
	v18 =	vand.u32 $0xFFFFF800, v18  }
0x123: {  	[tilespmem:v21+s15+$0x0] =	vst.idx.add.f32.msk $0x1, v1;
	v18 =	vor.u32 v23, v18  }
0x124: {  	v21 =	vld [tilespmem:s24+$0x4400];
	v23 =	vor.u32 v2, v18  }
0x125: {  	[tilespmem:v22+s16+$0x0] =	vst.idx.add.f32.msk $0xffff, v20  }
0x126: {  	v22 =	vor.u32 v16, v19;
	v20 =	vld [tilespmem:s25+$0x860];
	_ =	sdelay $0x2  }
0x127: {  	[tilespmem:v23+s16+$0x0] =	vst.idx.add.f32.msk $0xffff, v21  }
0x128: {  	v21 =	vld [tilespmem:s24+$0x4410]  }
0x129: {  	v23 =	vor.u32 v3, v18;
	[tilespmem:v22+s16+$0x0] =	vst.idx.add.f32.msk $0xffff, v20  }
0x12a: {  	s11 =	sadd.s32 $0xFFFFFFC0, s26;
	v19 =	vor.u32 v17, v19;
	v20 =	vld [tilespmem:s25+$0x870]  }
0x12b: {  	v22 =	vmov s11;
	_ =	sdelay $0x2  }
0x12c: {  	[tilespmem:v23+s16+$0x0] =	vst.idx.add.f32.msk $0xffff, v21  }
0x12d: {  	[tilespmem:v19+s16+$0x0] =	vst.idx.add.f32.msk $0xffff, v20  }
0x12e: {  	v20 =	vld.idx.msk [tilespmem:v22+s2+$0x0], $0xffff  }
0x12f: {  	v21 =	vld [tilespmem:s24+$0x4420];
	v19 =	vor.u32 v4, v18;
	_ =	sdelay $0x4  }
0x130: {  	[tilespmem:v19+s16+$0x0] =	vst.idx.add.f32.msk $0xffff, v21;
	v19 =	vshll.u32 v20, $0x8;
	v23 =	vshll.u32 v20, $0x7  }
0x131: {  	v22 =	vor.u32 v5, v18;
	v21 =	vld [tilespmem:s24+$0x4430];
	v19 =	vand.u32 $0xFFFFF800, v19;
	v23 =	vand.u32 $0x380, v23  }
0x132: {  	v19 =	vor.u32 v23, v19;
	[tilespmem:v20+s15+$0x0] =	vst.idx.add.f32.msk $0x1, v1  }
0x133: {  	v23 =	vor.u32 v2, v19;
	v20 =	vld [tilespmem:s25+$0x2400];
	_ =	sdelay $0x2  }
0x134: {  	[tilespmem:v22+s16+$0x0] =	vst.idx.add.f32.msk $0xffff, v21  }
0x135: {  	v22 =	vor.u32 v6, v18;
	v21 =	vld [tilespmem:s24+$0x4440]  }
0x136: {  	[tilespmem:v23+s16+$0x0] =	vst.idx.add.f32.msk $0xffff, v20  }
0x137: {  	v23 =	vor.u32 v3, v19;
	v20 =	vld [tilespmem:s25+$0x2410]  }
0x138: {  	s29 =	sadd.s32 $0x1, s26  }
0x139: {  	s12 =	sadd.s32 $0xFFFFFFA0, s29  }
0x13a: {  	v24 =	vmov s12;
	[tilespmem:v22+s16+$0x0] =	vst.idx.add.f32.msk $0xffff, v21  }
0x13b: {  	v22 =	vor.u32 v7, v18;
	v21 =	vld [tilespmem:s24+$0x4450]  }
0x13c: {  	[tilespmem:v23+s16+$0x0] =	vst.idx.add.f32.msk $0xffff, v20  }
0x13d: {  	v23 =	vor.u32 v4, v19;
	v20 =	vld [tilespmem:s25+$0x2420];
	_ =	sdelay $0x1  }
0x13e: {  	v24 =	vld.idx.msk [tilespmem:v24+s2+$0x0], $0xffff  }
0x13f: {  	[tilespmem:v22+s16+$0x0] =	vst.idx.add.f32.msk $0xffff, v21  }
0x140: {  	v22 =	vor.u32 v8, v18;
	v21 =	vld [tilespmem:s24+$0x4460]  }
0x141: {  	[tilespmem:v23+s16+$0x0] =	vst.idx.add.f32.msk $0xffff, v20  }
0x142: {  	v23 =	vor.u32 v5, v19;
	v20 =	vld [tilespmem:s25+$0x2430];
	_ =	sdelay $0x2  }
0x143: {  	[tilespmem:v22+s16+$0x0] =	vst.idx.add.f32.msk $0xffff, v21  }
0x144: {  	v22 =	vor.u32 v9, v18;
	v21 =	vld [tilespmem:s24+$0x4470]  }
0x145: {  	s13 =	simm.s32 $0x200;
	s30 =	simm.s32 $0x100;
	v25 =	vshll.u32 v24, $0x7;
	v26 =	vshll.u32 v24, $0x8;
	[tilespmem:v23+s16+$0x0] =	vst.idx.add.f32.msk $0xffff, v20  }
0x146: {  	s14 =	sand.u32 $0x380, s30;
	s0 =	sand.u32 $0x1800, s13;
	v20 =	vand.u32 $0xFFFFF800, v26;
	v23 =	vand.u32 $0x380, v25;
	v26 =	vor.u32 v6, v19;
	v25 =	vld [tilespmem:s25+$0x2440]  }
0x147: {  	[tilespmem:v24+s15+$0x0] =	vst.idx.add.f32.msk $0x1, v1;
	s28 =	sor.u32 s14, s0;
	v20 =	vor.u32 v23, v20  }
0x148: {  	v24 =	vld [tilespmem:s28+$0x400];
	v23 =	vor.u32 v2, v20  }
0x149: {  	[tilespmem:v22+s16+$0x0] =	vst.idx.add.f32.msk $0xffff, v21  }
0x14a: {  	v22 =	vor.u32 v10, v18;
	v21 =	vld [tilespmem:s24+$0x4800]  }
0x14b: {  	[tilespmem:v26+s16+$0x0] =	vst.idx.add.f32.msk $0xffff, v25  }
0x14c: {  	v26 =	vor.u32 v7, v19;
	v25 =	vld [tilespmem:s25+$0x2450]  }
0x14d: {  	[tilespmem:v23+s16+$0x0] =	vst.idx.add.f32.msk $0xffff, v24  }
0x14e: {  	v23 =	vor.u32 v3, v20;
	v24 =	vld [tilespmem:s28+$0x410]  }
0x14f: {  	[tilespmem:v22+s16+$0x0] =	vst.idx.add.f32.msk $0xffff, v21  }
0x150: {  	v22 =	vor.u32 v11, v18;
	v21 =	vld [tilespmem:s24+$0x4810]  }
0x151: {  	[tilespmem:v26+s16+$0x0] =	vst.idx.add.f32.msk $0xffff, v25  }
0x152: {  	v26 =	vor.u32 v8, v19;
	v25 =	vld [tilespmem:s25+$0x2460]  }
0x153: {  	[tilespmem:v23+s16+$0x0] =	vst.idx.add.f32.msk $0xffff, v24  }
0x154: {  	v23 =	vor.u32 v4, v20;
	v24 =	vld [tilespmem:s28+$0x420]  }
0x155: {  	[tilespmem:v22+s16+$0x0] =	vst.idx.add.f32.msk $0xffff, v21  }
0x156: {  	v22 =	vor.u32 v12, v18;
	v21 =	vld [tilespmem:s24+$0x4820]  }
0x157: {  	[tilespmem:v26+s16+$0x0] =	vst.idx.add.f32.msk $0xffff, v25  }
0x158: {  	v26 =	vor.u32 v9, v19;
	v25 =	vld [tilespmem:s25+$0x2470]  }
0x159: {  	[tilespmem:v23+s16+$0x0] =	vst.idx.add.f32.msk $0xffff, v24  }
0x15a: {  	v23 =	vor.u32 v5, v20;
	v24 =	vld [tilespmem:s28+$0x430]  }
0x15b: {  	[tilespmem:v22+s16+$0x0] =	vst.idx.add.f32.msk $0xffff, v21  }
0x15c: {  	v22 =	vor.u32 v13, v18;
	v21 =	vld [tilespmem:s24+$0x4830]  }
0x15d: {  	[tilespmem:v26+s16+$0x0] =	vst.idx.add.f32.msk $0xffff, v25  }
0x15e: {  	v26 =	vor.u32 v10, v19;
	v25 =	vld [tilespmem:s25+$0x2800]  }
0x15f: {  	[tilespmem:v23+s16+$0x0] =	vst.idx.add.f32.msk $0xffff, v24  }
0x160: {  	v23 =	vor.u32 v6, v20;
	v24 =	vld [tilespmem:s28+$0x440]  }
0x161: {  	[tilespmem:v22+s16+$0x0] =	vst.idx.add.f32.msk $0xffff, v21  }
0x162: {  	v22 =	vor.u32 v14, v18;
	v21 =	vld [tilespmem:s24+$0x4840]  }
0x163: {  	[tilespmem:v26+s16+$0x0] =	vst.idx.add.f32.msk $0xffff, v25  }
0x164: {  	v26 =	vor.u32 v11, v19;
	v25 =	vld [tilespmem:s25+$0x2810]  }
0x165: {  	[tilespmem:v23+s16+$0x0] =	vst.idx.add.f32.msk $0xffff, v24  }
0x166: {  	v23 =	vor.u32 v7, v20;
	v24 =	vld [tilespmem:s28+$0x450]  }
0x167: {  	[tilespmem:v22+s16+$0x0] =	vst.idx.add.f32.msk $0xffff, v21  }
0x168: {  	v22 =	vor.u32 v15, v18;
	v21 =	vld [tilespmem:s24+$0x4850]  }
0x169: {  	[tilespmem:v26+s16+$0x0] =	vst.idx.add.f32.msk $0xffff, v25  }
0x16a: {  	v26 =	vor.u32 v12, v19;
	v25 =	vld [tilespmem:s25+$0x2820]  }
0x16b: {  	[tilespmem:v23+s16+$0x0] =	vst.idx.add.f32.msk $0xffff, v24  }
0x16c: {  	v23 =	vor.u32 v8, v20;
	v24 =	vld [tilespmem:s28+$0x460]  }
0x16d: {  	[tilespmem:v22+s16+$0x0] =	vst.idx.add.f32.msk $0xffff, v21  }
0x16e: {  	v22 =	vor.u32 v16, v18;
	v21 =	vld [tilespmem:s24+$0x4860]  }
0x16f: {  	[tilespmem:v26+s16+$0x0] =	vst.idx.add.f32.msk $0xffff, v25  }
0x170: {  	v26 =	vor.u32 v13, v19;
	v25 =	vld [tilespmem:s25+$0x2830]  }
0x171: {  	[tilespmem:v23+s16+$0x0] =	vst.idx.add.f32.msk $0xffff, v24  }
0x172: {  	v23 =	vor.u32 v9, v20;
	v24 =	vld [tilespmem:s28+$0x470]  }
0x173: {  	[tilespmem:v22+s16+$0x0] =	vst.idx.add.f32.msk $0xffff, v21  }
0x174: {  	v18 =	vor.u32 v17, v18;
	v21 =	vld [tilespmem:s24+$0x4870]  }
0x175: {  	v22 =	vmov s20;
	[tilespmem:v26+s16+$0x0] =	vst.idx.add.f32.msk $0xffff, v25  }
0x176: {  	v26 =	vor.u32 v14, v19;
	v25 =	vld [tilespmem:s25+$0x2840]  }
0x177: {  	[tilespmem:v23+s16+$0x0] =	vst.idx.add.f32.msk $0xffff, v24  }
0x178: {  	v23 =	vor.u32 v10, v20;
	v24 =	vld [tilespmem:s28+$0x800]  }
0x179: {  	[tilespmem:v18+s16+$0x0] =	vst.idx.add.f32.msk $0xffff, v21  }
0x17a: {  	v18 =	vld.idx.msk [tilespmem:v22+s2+$0x0], $0xffff  }
0x17b: {  	[tilespmem:v26+s16+$0x0] =	vst.idx.add.f32.msk $0xffff, v25  }
0x17c: {  	v22 =	vor.u32 v15, v19;
	v21 =	vld [tilespmem:s25+$0x2850]  }
0x17d: {  	[tilespmem:v23+s16+$0x0] =	vst.idx.add.f32.msk $0xffff, v24  }
0x17e: {  	v23 =	vor.u32 v11, v20;
	v24 =	vld [tilespmem:s28+$0x810];
	_ =	sdelay $0x2  }
0x17f: {  	[tilespmem:v22+s16+$0x0] =	vst.idx.add.f32.msk $0xffff, v21  }
0x180: {  	v22 =	vor.u32 v16, v19;
	v21 =	vld [tilespmem:s25+$0x2860]  }
0x181: {  	v25 =	vshll.u32 v18, $0x8;
	v26 =	vshll.u32 v18, $0x7;
	[tilespmem:v23+s16+$0x0] =	vst.idx.add.f32.msk $0xffff, v24  }
0x182: {  	v25 =	vand.u32 $0xFFFFF800, v25;
	v23 =	vand.u32 $0x380, v26;
	v24 =	vor.u32 v12, v20;
	v26 =	vld [tilespmem:s28+$0x820]  }
0x183: {  	[tilespmem:v18+s15+$0x0] =	vst.idx.add.f32.msk $0x1, v1;
	v18 =	vor.u32 v23, v25  }
0x184: {  	v23 =	vld [tilespmem:s24+$0x6400];
	v25 =	vor.u32 v2, v18  }
0x185: {  	[tilespmem:v22+s16+$0x0] =	vst.idx.add.f32.msk $0xffff, v21  }
0x186: {  	s18 =	sadd.s32 $0xFFFFFFE0, s26;
	v19 =	vor.u32 v17, v19;
	v21 =	vld [tilespmem:s25+$0x2870]  }
0x187: {  	v22 =	vmov s18;
	[tilespmem:v24+s16+$0x0] =	vst.idx.add.f32.msk $0xffff, v26  }
0x188: {  	v24 =	vor.u32 v13, v20;
	v26 =	vld [tilespmem:s28+$0x830]  }
0x189: {  	[tilespmem:v25+s16+$0x0] =	vst.idx.add.f32.msk $0xffff, v23  }
0x18a: {  	v23 =	vld [tilespmem:s24+$0x6410]  }
0x18b: {  	[tilespmem:v19+s16+$0x0] =	vst.idx.add.f32.msk $0xffff, v21  }
0x18c: {  	v19 =	vor.u32 v3, v18;
	v21 =	vld.idx.msk [tilespmem:v22+s2+$0x0], $0xffff  }
0x18d: {  	[tilespmem:v24+s16+$0x0] =	vst.idx.add.f32.msk $0xffff, v26  }
0x18e: {  	v22 =	vor.u32 v14, v20;
	v24 =	vld [tilespmem:s28+$0x840];
	_ =	sdelay $0x2  }
0x18f: {  	[tilespmem:v19+s16+$0x0] =	vst.idx.add.f32.msk $0xffff, v23  }
0x190: {  	v25 =	vor.u32 v4, v18;
	v23 =	vld [tilespmem:s24+$0x6420]  }
0x191: {  	v19 =	vshll.u32 v21, $0x8;
	v26 =	vshll.u32 v21, $0x7;
	[tilespmem:v22+s16+$0x0] =	vst.idx.add.f32.msk $0xffff, v24  }
0x192: {  	v19 =	vand.u32 $0xFFFFF800, v19;
	v22 =	vand.u32 $0x380, v26;
	v26 =	vor.u32 v15, v20;
	v24 =	vld [tilespmem:s28+$0x850]  }
0x193: {  	v19 =	vor.u32 v22, v19;
	[tilespmem:v21+s15+$0x0] =	vst.idx.add.f32.msk $0x1, v1  }
0x194: {  	v22 =	vor.u32 v2, v19;
	v21 =	vld [tilespmem:s25+$0x4400]  }
0x195: {  	[tilespmem:v25+s16+$0x0] =	vst.idx.add.f32.msk $0xffff, v23  }
0x196: {  	v25 =	vor.u32 v5, v18;
	v23 =	vld [tilespmem:s24+$0x6430]  }
0x197: {  	[tilespmem:v26+s16+$0x0] =	vst.idx.add.f32.msk $0xffff, v24  }
0x198: {  	v26 =	vor.u32 v16, v20;
	v24 =	vld [tilespmem:s28+$0x860]  }
0x199: {  	[tilespmem:v22+s16+$0x0] =	vst.idx.add.f32.msk $0xffff, v21  }
0x19a: {  	v22 =	vor.u32 v3, v19;
	v21 =	vld [tilespmem:s25+$0x4410]  }
0x19b: {  	[tilespmem:v25+s16+$0x0] =	vst.idx.add.f32.msk $0xffff, v23  }
0x19c: {  	v25 =	vor.u32 v6, v18;
	v23 =	vld [tilespmem:s24+$0x6440]  }
0x19d: {  	[tilespmem:v26+s16+$0x0] =	vst.idx.add.f32.msk $0xffff, v24  }
0x19e: {  	s23 =	sadd.s32 $0xFFFFFFC0, s29;
	v20 =	vor.u32 v17, v20;
	v24 =	vld [tilespmem:s28+$0x870]  }
0x19f: {  	v26 =	vmov s23;
	[tilespmem:v22+s16+$0x0] =	vst.idx.add.f32.msk $0xffff, v21  }
0x1a0: {  	v22 =	vor.u32 v4, v19;
	v21 =	vld [tilespmem:s25+$0x4420]  }
0x1a1: {  	[tilespmem:v25+s16+$0x0] =	vst.idx.add.f32.msk $0xffff, v23  }
0x1a2: {  	v23 =	vld [tilespmem:s24+$0x6450]  }
0x1a3: {  	[tilespmem:v20+s16+$0x0] =	vst.idx.add.f32.msk $0xffff, v24  }
0x1a4: {  	v24 =	vor.u32 v7, v18;
	v20 =	vld.idx.msk [tilespmem:v26+s2+$0x0], $0xffff  }
0x1a5: {  	[tilespmem:v22+s16+$0x0] =	vst.idx.add.f32.msk $0xffff, v21  }
0x1a6: {  	v22 =	vor.u32 v5, v19;
	v21 =	vld [tilespmem:s25+$0x4430];
	_ =	sdelay $0x2  }
0x1a7: {  	[tilespmem:v24+s16+$0x0] =	vst.idx.add.f32.msk $0xffff, v23  }
0x1a8: {  	v25 =	vld [tilespmem:s24+$0x6460]  }
0x1a9: {  	v26 =	vor.u32 v8, v18;
	v23 =	vshll.u32 v20, $0x8;
	v24 =	vshll.u32 v20, $0x7;
	[tilespmem:v22+s16+$0x0] =	vst.idx.add.f32.msk $0xffff, v21  }
0x1aa: {  	v23 =	vand.u32 $0xFFFFF800, v23;
	v24 =	vand.u32 $0x380, v24;
	[tilespmem:v20+s15+$0x0] =	vst.idx.add.f32.msk $0x1, v1  }
0x1ab: {  	v27 =	vor.u32 v6, v19;
	v20 =	vor.u32 v24, v23;
	v22 =	vld [tilespmem:s25+$0x4440]  }
0x1ac: {  	v23 =	vld [tilespmem:s28+$0x2400];
	v24 =	vor.u32 v2, v20;
	_ =	sdelay $0x1  }
0x1ad: {  	[tilespmem:v26+s16+$0x0] =	vst.idx.add.f32.msk $0xffff, v25  }
0x1ae: {  	v21 =	vld [tilespmem:s24+$0x6470]  }
0x1af: {  	[tilespmem:v27+s16+$0x0] =	vst.idx.add.f32.msk $0xffff, v22;
	v22 =	vor.u32 v9, v18  }
0x1b0: {  	[tilespmem:v24+s16+$0x0] =	vst.idx.add.f32.msk $0xffff, v23  }
0x1b1: {  	v26 =	vor.u32 v3, v20;
	v25 =	vld [tilespmem:s28+$0x2410]  }
0x1b2: {  	s31 =	simm.s32 $0x300;
	s0 =	sadd.s32 $0x1, s29;
	s23 =	sshll.u32 s22, $0x8;
	v23 =	vld [tilespmem:s25+$0x4450];
	v24 =	vor.u32 v7, v19  }
.LBB2_5:
0x1b3: {  	s1 =	sadd.s32 $0xFFFFFFA0, s0  }
0x1b4: {  	p0 =	sne.s32 s31, $0x1F00;
	[tilespmem:v22+s16+$0x0] =	vst.idx.add.f32.msk $0xffff, v21;
	s3 =	smov.u32 s31;
	s31 =	sadd.s32 $0x100, s31  }
0x1b5: {  	v27 =	vor.u32 v10, v18;
	v21 =	vmov s1;
	v22 =	vld [tilespmem:s24+$0x6800]  }
0x1b6: {  	[tilespmem:v26+s16+$0x0] =	vst.idx.add.f32.msk $0xffff, v25  }
0x1b7: {  	v25 =	vld [tilespmem:s28+$0x2420]  }
0x1b8: {  	v26 =	vor.u32 v4, v20;
	[tilespmem:v24+s16+$0x0] =	vst.idx.add.f32.msk $0xffff, v23  }
0x1b9: {  	v23 =	vld [tilespmem:s25+$0x4460]  }
0x1ba: {  	v24 =	vor.u32 v8, v19;
	[tilespmem:v27+s16+$0x0] =	vst.idx.add.f32.msk $0xffff, v22  }
0x1bb: {  	v22 =	vld [tilespmem:s24+$0x6810]  }
0x1bc: {  	v27 =	vor.u32 v11, v18;
	v21 =	vld.idx.msk [tilespmem:v21+s2+$0x0], $0xffff  }
0x1bd: {  	[tilespmem:v26+s16+$0x0] =	vst.idx.add.f32.msk $0xffff, v25  }
0x1be: {  	v26 =	vor.u32 v5, v20;
	v25 =	vld [tilespmem:s28+$0x2430]  }
0x1bf: {  	[tilespmem:v24+s16+$0x0] =	vst.idx.add.f32.msk $0xffff, v23  }
0x1c0: {  	s30 =	sadd.s32 $0x80, s30;
	v23 =	vld [tilespmem:s25+$0x4470]  }
0x1c1: {  	s1 =	sand.u32 $0x1800, s3;
	s3 =	sand.u32 $0x380, s30;
	v24 =	vor.u32 v9, v19;
	[tilespmem:v27+s16+$0x0] =	vst.idx.add.f32.msk $0xffff, v22  }
0x1c2: {  	s1 =	sor.u32 s3, s1;
	v22 =	vshll.u32 v21, $0x7;
	v27 =	vld [tilespmem:s24+$0x6820]  }
0x1c3: {  	v28 =	vshll.u32 v21, $0x8;
	[tilespmem:v26+s16+$0x0] =	vst.idx.add.f32.msk $0xffff, v25;
	v25 =	vor.u32 v12, v18  }
0x1c4: {  	v29 =	vor.u32 v6, v20;
	v22 =	vand.u32 $0x380, v22;
	v26 =	vand.u32 $0xFFFFF800, v28;
	v28 =	vld [tilespmem:s28+$0x2440]  }
0x1c5: {  	[tilespmem:v21+s15+$0x0] =	vst.idx.add.f32.msk $0x1, v1;
	v21 =	vor.u32 v22, v26  }
0x1c6: {  	v22 =	vor.u32 v2, v21;
	[tilespmem:v24+s16+$0x0] =	vst.idx.add.f32.msk $0xffff, v23  }
0x1c7: {  	v24 =	vor.u32 v10, v19;
	v23 =	vld [tilespmem:s25+$0x4800]  }
0x1c8: {  	[tilespmem:v25+s16+$0x0] =	vst.idx.add.f32.msk $0xffff, v27  }
0x1c9: {  	[tilespmem:v29+s16+$0x0] =	vst.idx.add.f32.msk $0xffff, v28  }
0x1ca: {  	v25 =	vld [tilespmem:s1+$0x400]  }
0x1cb: {  	v26 =	vld [tilespmem:s28+$0x2450]  }
0x1cc: {  	v27 =	vor.u32 v3, v21;
	v28 =	vor.u32 v7, v20;
	[tilespmem:v24+s16+$0x0] =	vst.idx.add.f32.msk $0xffff, v23  }
0x1cd: {  	v23 =	vld [tilespmem:s25+$0x4810]  }
0x1ce: {  	v24 =	vor.u32 v11, v19;
	v29 =	vld [tilespmem:s24+$0x6830]  }
0x1cf: {  	[tilespmem:v22+s16+$0x0] =	vst.idx.add.f32.msk $0xffff, v25  }
0x1d0: {  	v22 =	vld [tilespmem:s1+$0x410]  }
0x1d1: {  	[tilespmem:v28+s16+$0x0] =	vst.idx.add.f32.msk $0xffff, v26  }
0x1d2: {  	v25 =	vor.u32 v4, v21;
	v28 =	vor.u32 v8, v20;
	v26 =	vld [tilespmem:s28+$0x2460]  }
0x1d3: {  	[tilespmem:v24+s16+$0x0] =	vst.idx.add.f32.msk $0xffff, v23  }
0x1d4: {  	v24 =	vor.u32 v12, v19;
	v23 =	vld [tilespmem:s25+$0x4820]  }
0x1d5: {  	[tilespmem:v27+s16+$0x0] =	vst.idx.add.f32.msk $0xffff, v22  }
0x1d6: {  	v22 =	vld [tilespmem:s1+$0x420]  }
0x1d7: {  	[tilespmem:v28+s16+$0x0] =	vst.idx.add.f32.msk $0xffff, v26  }
0x1d8: {  	v26 =	vor.u32 v5, v21;
	v28 =	vor.u32 v9, v20;
	v27 =	vld [tilespmem:s28+$0x2470]  }
0x1d9: {  	[tilespmem:v24+s16+$0x0] =	vst.idx.add.f32.msk $0xffff, v23  }
0x1da: {  	v24 =	vor.u32 v13, v19;
	v23 =	vld [tilespmem:s25+$0x4830]  }
0x1db: {  	[tilespmem:v25+s16+$0x0] =	vst.idx.add.f32.msk $0xffff, v22  }
0x1dc: {  	v22 =	vld [tilespmem:s1+$0x430]  }
0x1dd: {  	[tilespmem:v28+s16+$0x0] =	vst.idx.add.f32.msk $0xffff, v27  }
0x1de: {  	v25 =	vor.u32 v6, v21;
	v28 =	vor.u32 v10, v20;
	v27 =	vld [tilespmem:s28+$0x2800]  }
0x1df: {  	[tilespmem:v24+s16+$0x0] =	vst.idx.add.f32.msk $0xffff, v23  }
0x1e0: {  	v24 =	vor.u32 v14, v19;
	v23 =	vld [tilespmem:s25+$0x4840]  }
0x1e1: {  	[tilespmem:v26+s16+$0x0] =	vst.idx.add.f32.msk $0xffff, v22  }
0x1e2: {  	v22 =	vld [tilespmem:s1+$0x440]  }
0x1e3: {  	[tilespmem:v28+s16+$0x0] =	vst.idx.add.f32.msk $0xffff, v27  }
0x1e4: {  	v26 =	vor.u32 v7, v21;
	v28 =	vor.u32 v11, v20;
	v27 =	vld [tilespmem:s28+$0x2810]  }
0x1e5: {  	[tilespmem:v24+s16+$0x0] =	vst.idx.add.f32.msk $0xffff, v23  }
0x1e6: {  	v24 =	vor.u32 v15, v19;
	v23 =	vld [tilespmem:s25+$0x4850]  }
0x1e7: {  	[tilespmem:v25+s16+$0x0] =	vst.idx.add.f32.msk $0xffff, v22  }
0x1e8: {  	v22 =	vld [tilespmem:s1+$0x450]  }
0x1e9: {  	[tilespmem:v28+s16+$0x0] =	vst.idx.add.f32.msk $0xffff, v27  }
0x1ea: {  	v25 =	vor.u32 v8, v21;
	v28 =	vor.u32 v12, v20;
	v27 =	vld [tilespmem:s28+$0x2820]  }
0x1eb: {  	[tilespmem:v24+s16+$0x0] =	vst.idx.add.f32.msk $0xffff, v23  }
0x1ec: {  	v24 =	vor.u32 v16, v19;
	v23 =	vld [tilespmem:s25+$0x4860]  }
0x1ed: {  	[tilespmem:v26+s16+$0x0] =	vst.idx.add.f32.msk $0xffff, v22  }
0x1ee: {  	v22 =	vld [tilespmem:s1+$0x460]  }
0x1ef: {  	[tilespmem:v28+s16+$0x0] =	vst.idx.add.f32.msk $0xffff, v27  }
0x1f0: {  	v26 =	vor.u32 v9, v21;
	v28 =	vor.u32 v13, v20;
	v27 =	vld [tilespmem:s28+$0x2830]  }
0x1f1: {  	[tilespmem:v24+s16+$0x0] =	vst.idx.add.f32.msk $0xffff, v23  }
0x1f2: {  	v19 =	vor.u32 v17, v19;
	v23 =	vld [tilespmem:s25+$0x4870]  }
0x1f3: {  	[tilespmem:v25+s16+$0x0] =	vst.idx.add.f32.msk $0xffff, v22;
	v22 =	vmov s26;
	s26 =	smov.u32 s29;
	s29 =	smov.u32 s0  }
0x1f4: {  	v24 =	vld [tilespmem:s1+$0x470]  }
0x1f5: {  	[tilespmem:v28+s16+$0x0] =	vst.idx.add.f32.msk $0xffff, v27  }
0x1f6: {  	v25 =	vor.u32 v10, v21;
	v28 =	vor.u32 v14, v20;
	v27 =	vld [tilespmem:s28+$0x2840]  }
0x1f7: {  	[tilespmem:v19+s16+$0x0] =	vst.idx.add.f32.msk $0xffff, v23  }
0x1f8: {  	v19 =	vld.idx.msk [tilespmem:v22+s2+$0x0], $0xffff;
	v22 =	vor.u32 v13, v18  }
0x1f9: {  	[tilespmem:v26+s16+$0x0] =	vst.idx.add.f32.msk $0xffff, v24  }
0x1fa: {  	v23 =	vld [tilespmem:s1+$0x800]  }
0x1fb: {  	[tilespmem:v28+s16+$0x0] =	vst.idx.add.f32.msk $0xffff, v27  }
0x1fc: {  	v24 =	vor.u32 v11, v21;
	v27 =	vor.u32 v15, v20;
	v26 =	vld [tilespmem:s28+$0x2850]  }
0x1fd: {  	[tilespmem:v22+s16+$0x0] =	vst.idx.add.f32.msk $0xffff, v29  }
0x1fe: {  	v22 =	vshll.u32 v19, $0x8;
	v28 =	vshll.u32 v19, $0x7;
	v29 =	vld [tilespmem:s24+$0x6840]  }
0x1ff: {  	[tilespmem:v25+s16+$0x0] =	vst.idx.add.f32.msk $0xffff, v23;
	v23 =	vand.u32 $0x380, v28  }
0x200: {  	v25 =	vld [tilespmem:s1+$0x810]  }
0x201: {  	[tilespmem:v27+s16+$0x0] =	vst.idx.add.f32.msk $0xffff, v26  }
0x202: {  	v22 =	vand.u32 $0xFFFFF800, v22;
	v28 =	vor.u32 v16, v20;
	v26 =	vor.u32 v12, v21;
	v27 =	vld [tilespmem:s28+$0x2860]  }
0x203: {  	v22 =	vor.u32 v23, v22;
	[tilespmem:v19+s15+$0x0] =	vst.idx.add.f32.msk $0x1, v1  }
0x204: {  	v23 =	vor.u32 v2, v22;
	v19 =	vld [tilespmem:s25+$0x6400]  }
0x205: {  	[tilespmem:v24+s16+$0x0] =	vst.idx.add.f32.msk $0xffff, v25  }
0x206: {  	v24 =	vld [tilespmem:s1+$0x820]  }
0x207: {  	[tilespmem:v28+s16+$0x0] =	vst.idx.add.f32.msk $0xffff, v27  }
0x208: {  	s3 =	sadd.s32 $0xFFFFFFE0, s26;
	v20 =	vor.u32 v17, v20;
	v25 =	vld [tilespmem:s28+$0x2870]  }
0x209: {  	v27 =	vmov s3;
	[tilespmem:v23+s16+$0x0] =	vst.idx.add.f32.msk $0xffff, v19  }
0x20a: {  	v28 =	vor.u32 v3, v22;
	v19 =	vor.u32 v13, v21;
	v23 =	vld [tilespmem:s25+$0x6410]  }
0x20b: {  	[tilespmem:v26+s16+$0x0] =	vst.idx.add.f32.msk $0xffff, v24  }
0x20c: {  	v24 =	vld [tilespmem:s1+$0x830]  }
0x20d: {  	[tilespmem:v20+s16+$0x0] =	vst.idx.add.f32.msk $0xffff, v25  }
0x20e: {  	v26 =	vor.u32 v14, v18;
	v20 =	vor.u32 v14, v21;
	v25 =	vld.idx.msk [tilespmem:v27+s2+$0x0], $0xffff  }
0x20f: {  	[tilespmem:v28+s16+$0x0] =	vst.idx.add.f32.msk $0xffff, v23  }
0x210: {  	v27 =	vor.u32 v4, v22;
	v23 =	vld [tilespmem:s25+$0x6420]  }
0x211: {  	[tilespmem:v19+s16+$0x0] =	vst.idx.add.f32.msk $0xffff, v24  }
0x212: {  	v24 =	vld [tilespmem:s1+$0x840]  }
0x213: {  	[tilespmem:v26+s16+$0x0] =	vst.idx.add.f32.msk $0xffff, v29  }
0x214: {  	v19 =	vshll.u32 v25, $0x8;
	v26 =	vshll.u32 v25, $0x7;
	v28 =	vld [tilespmem:s24+$0x6850]  }
0x215: {  	v19 =	vand.u32 $0xFFFFF800, v19;
	v26 =	vand.u32 $0x380, v26;
	[tilespmem:v27+s16+$0x0] =	vst.idx.add.f32.msk $0xffff, v23  }
0x216: {  	v19 =	vor.u32 v26, v19;
	v23 =	vor.u32 v15, v18;
	[tilespmem:v25+s15+$0x0] =	vst.idx.add.f32.msk $0x1, v1  }
0x217: {  	[tilespmem:v20+s16+$0x0] =	vst.idx.add.f32.msk $0xffff, v24  }
0x218: {  	v24 =	vor.u32 v15, v21;
	v20 =	vld [tilespmem:s1+$0x850]  }
0x219: {  	v25 =	vld [tilespmem:s28+$0x4400]  }
0x21a: {  	v26 =	vor.u32 v2, v19;
	v27 =	vld [tilespmem:s25+$0x6430]  }
0x21b: {  	[tilespmem:v23+s16+$0x0] =	vst.idx.add.f32.msk $0xffff, v28  }
0x21c: {  	v23 =	vor.u32 v5, v22;
	v28 =	vld [tilespmem:s24+$0x6860]  }
0x21d: {  	[tilespmem:v24+s16+$0x0] =	vst.idx.add.f32.msk $0xffff, v20  }
0x21e: {  	v24 =	vor.u32 v16, v21;
	v20 =	vld [tilespmem:s1+$0x860]  }
0x21f: {  	[tilespmem:v26+s16+$0x0] =	vst.idx.add.f32.msk $0xffff, v25  }
0x220: {  	v26 =	vor.u32 v3, v19;
	v25 =	vld [tilespmem:s28+$0x4410]  }
0x221: {  	[tilespmem:v23+s16+$0x0] =	vst.idx.add.f32.msk $0xffff, v27  }
0x222: {  	v27 =	vor.u32 v6, v22;
	v23 =	vld [tilespmem:s25+$0x6440]  }
0x223: {  	[tilespmem:v24+s16+$0x0] =	vst.idx.add.f32.msk $0xffff, v20  }
0x224: {  	s3 =	sadd.s32 $0xFFFFFFC0, s0;
	v21 =	vor.u32 v17, v21;
	v20 =	vld [tilespmem:s1+$0x870]  }
0x225: {  	v24 =	vmov s3;
	[tilespmem:v26+s16+$0x0] =	vst.idx.add.f32.msk $0xffff, v25  }
0x226: {  	v26 =	vor.u32 v4, v19;
	v25 =	vld [tilespmem:s28+$0x4420]  }
0x227: {  	[tilespmem:v27+s16+$0x0] =	vst.idx.add.f32.msk $0xffff, v23  }
0x228: {  	v27 =	vor.u32 v7, v22;
	v23 =	vld [tilespmem:s25+$0x6450]  }
0x229: {  	[tilespmem:v21+s16+$0x0] =	vst.idx.add.f32.msk $0xffff, v20  }
0x22a: {  	v21 =	vor.u32 v16, v18;
	v20 =	vld.idx.msk [tilespmem:v24+s2+$0x0], $0xffff  }
0x22b: {  	[tilespmem:v26+s16+$0x0] =	vst.idx.add.f32.msk $0xffff, v25  }
0x22c: {  	v25 =	vor.u32 v5, v19;
	v24 =	vld [tilespmem:s28+$0x4430]  }
0x22d: {  	[tilespmem:v27+s16+$0x0] =	vst.idx.add.f32.msk $0xffff, v23  }
0x22e: {  	v23 =	vld [tilespmem:s25+$0x6460]  }
0x22f: {  	[tilespmem:v21+s16+$0x0] =	vst.idx.add.f32.msk $0xffff, v28  }
0x230: {  	v27 =	vor.u32 v8, v22;
	v21 =	vshll.u32 v20, $0x8;
	v26 =	vshll.u32 v20, $0x7;
	v28 =	vld [tilespmem:s24+$0x6870];
	s24 =	smov.u32 s25;
	s25 =	smov.u32 s28;
	s28 =	smov.u32 s1  }
0x231: {  	v21 =	vand.u32 $0xFFFFF800, v21;
	v26 =	vand.u32 $0x380, v26;
	[tilespmem:v25+s16+$0x0] =	vst.idx.add.f32.msk $0xffff, v24  }
0x232: {  	v24 =	vor.u32 v17, v18;
	v18 =	vmov v22;
	[tilespmem:v20+s15+$0x0] =	vst.idx.add.f32.msk $0x1, v1;
	v20 =	vor.u32 v26, v21  }
0x233: {  	v25 =	vld [tilespmem:s28+$0x2400];
	v26 =	vor.u32 v2, v20  }
0x234: {  	v29 =	vld [tilespmem:s25+$0x4440]  }
0x235: {  	v30 =	vor.u32 v6, v19;
	[tilespmem:v27+s16+$0x0] =	vst.idx.add.f32.msk $0xffff, v23  }
0x236: {  	v21 =	vld [tilespmem:s24+$0x6470]  }
.Ltmp3:
0x237: {  	v22 =	vor.u32 v9, v18;
	[tilespmem:v24+s16+$0x0] =	vst.idx.add.f32.msk $0xffff, v28;
	(pc) =	sbr.rel @p0 .LBB2_5-.Ltmp3, $4  }
0x238: {  	[tilespmem:v26+s16+$0x0] =	vst.idx.add.f32.msk $0xffff, v25  }
0x239: {  	v26 =	vor.u32 v3, v20;
	v25 =	vld [tilespmem:s28+$0x2410]  }
0x23a: {  	[tilespmem:v30+s16+$0x0] =	vst.idx.add.f32.msk $0xffff, v29  }
0x23b: {  	s0 =	sadd.s32 $0x1, s0;
	v24 =	vor.u32 v7, v19;
	v23 =	vld [tilespmem:s25+$0x4450]  }
0x23c: {  	_ =	sdelay $0x3  }
0x23d: {  	[tilespmem:v26+s16+$0x0] =	vst.idx.add.f32.msk $0xffff, v25  }
0x23e: {  	v26 =	vor.u32 v4, v20;
	v25 =	vld [tilespmem:s28+$0x2420];
	_ =	sdelay $0x4  }
0x23f: {  	[tilespmem:v26+s16+$0x0] =	vst.idx.add.f32.msk $0xffff, v25  }
0x240: {  	v26 =	vor.u32 v5, v20;
	v25 =	vld [tilespmem:s28+$0x2430];
	_ =	sdelay $0x4  }
0x241: {  	[tilespmem:v26+s16+$0x0] =	vst.idx.add.f32.msk $0xffff, v25  }
0x242: {  	v26 =	vor.u32 v6, v20;
	v25 =	vld [tilespmem:s28+$0x2440];
	_ =	sdelay $0x4  }
0x243: {  	[tilespmem:v26+s16+$0x0] =	vst.idx.add.f32.msk $0xffff, v25  }
0x244: {  	v26 =	vor.u32 v7, v20;
	v25 =	vld [tilespmem:s28+$0x2450];
	_ =	sdelay $0x4  }
0x245: {  	[tilespmem:v26+s16+$0x0] =	vst.idx.add.f32.msk $0xffff, v25  }
0x246: {  	v26 =	vor.u32 v8, v20;
	v25 =	vld [tilespmem:s28+$0x2460];
	_ =	sdelay $0x4  }
0x247: {  	[tilespmem:v26+s16+$0x0] =	vst.idx.add.f32.msk $0xffff, v25  }
0x248: {  	v26 =	vor.u32 v9, v20;
	v25 =	vld [tilespmem:s28+$0x2470];
	_ =	sdelay $0x4  }
0x249: {  	[tilespmem:v26+s16+$0x0] =	vst.idx.add.f32.msk $0xffff, v25  }
0x24a: {  	v26 =	vor.u32 v10, v20;
	v25 =	vld [tilespmem:s28+$0x2800];
	_ =	sdelay $0x4  }
0x24b: {  	[tilespmem:v26+s16+$0x0] =	vst.idx.add.f32.msk $0xffff, v25  }
0x24c: {  	v26 =	vor.u32 v11, v20;
	v25 =	vld [tilespmem:s28+$0x2810];
	_ =	sdelay $0x4  }
0x24d: {  	[tilespmem:v26+s16+$0x0] =	vst.idx.add.f32.msk $0xffff, v25  }
0x24e: {  	v26 =	vor.u32 v12, v20;
	v25 =	vld [tilespmem:s28+$0x2820];
	_ =	sdelay $0x4  }
0x24f: {  	[tilespmem:v26+s16+$0x0] =	vst.idx.add.f32.msk $0xffff, v25  }
0x250: {  	v26 =	vor.u32 v13, v20;
	v25 =	vld [tilespmem:s28+$0x2830];
	_ =	sdelay $0x4  }
0x251: {  	[tilespmem:v26+s16+$0x0] =	vst.idx.add.f32.msk $0xffff, v25  }
0x252: {  	v26 =	vor.u32 v14, v20;
	v25 =	vld [tilespmem:s28+$0x2840];
	_ =	sdelay $0x4  }
0x253: {  	[tilespmem:v26+s16+$0x0] =	vst.idx.add.f32.msk $0xffff, v25  }
0x254: {  	v26 =	vor.u32 v15, v20;
	v25 =	vld [tilespmem:s28+$0x2850];
	_ =	sdelay $0x4  }
0x255: {  	[tilespmem:v26+s16+$0x0] =	vst.idx.add.f32.msk $0xffff, v25  }
0x256: {  	v26 =	vor.u32 v16, v20;
	v25 =	vld [tilespmem:s28+$0x2860];
	_ =	sdelay $0x4  }
0x257: {  	[tilespmem:v26+s16+$0x0] =	vst.idx.add.f32.msk $0xffff, v25  }
0x258: {  	s0 =	sadd.s32 $0xFFFFFFE0, s29;
	v20 =	vor.u32 v17, v20;
	v25 =	vld [tilespmem:s28+$0x2870]  }
0x259: {  	v26 =	vmov s0;
	_ =	sdelay $0x3  }
0x25a: {  	[tilespmem:v20+s16+$0x0] =	vst.idx.add.f32.msk $0xffff, v25  }
0x25b: {  	v20 =	vld.idx.msk [tilespmem:v26+s2+$0x0], $0xffff;
	_ =	sdelay $0x5  }
0x25c: {  	v25 =	vshll.u32 v20, $0x8;
	v26 =	vshll.u32 v20, $0x7  }
0x25d: {  	v25 =	vand.u32 $0xFFFFF800, v25;
	v26 =	vand.u32 $0x380, v26  }
0x25e: {  	[tilespmem:v20+s15+$0x0] =	vst.idx.add.f32.msk $0x1, v1;
	v20 =	vor.u32 v26, v25  }
0x25f: {  	v25 =	vld [tilespmem:s28+$0x4400];
	v26 =	vor.u32 v2, v20;
	_ =	sdelay $0x4  }
0x260: {  	[tilespmem:v26+s16+$0x0] =	vst.idx.add.f32.msk $0xffff, v25  }
0x261: {  	v26 =	vor.u32 v3, v20;
	v25 =	vld [tilespmem:s28+$0x4410];
	_ =	sdelay $0x4  }
0x262: {  	[tilespmem:v26+s16+$0x0] =	vst.idx.add.f32.msk $0xffff, v25  }
0x263: {  	v26 =	vor.u32 v4, v20;
	v25 =	vld [tilespmem:s28+$0x4420];
	_ =	sdelay $0x4  }
0x264: {  	[tilespmem:v26+s16+$0x0] =	vst.idx.add.f32.msk $0xffff, v25  }
0x265: {  	v26 =	vor.u32 v5, v20;
	v25 =	vld [tilespmem:s28+$0x4430];
	_ =	sdelay $0x4  }
0x266: {  	[tilespmem:v26+s16+$0x0] =	vst.idx.add.f32.msk $0xffff, v25  }
0x267: {  	v26 =	vor.u32 v6, v20;
	v25 =	vld [tilespmem:s28+$0x4440];
	_ =	sdelay $0x4  }
0x268: {  	[tilespmem:v26+s16+$0x0] =	vst.idx.add.f32.msk $0xffff, v25  }
0x269: {  	v26 =	vor.u32 v7, v20;
	v25 =	vld [tilespmem:s28+$0x4450];
	_ =	sdelay $0x2  }
0x26a: {  	[tilespmem:v24+s16+$0x0] =	vst.idx.add.f32.msk $0xffff, v23  }
0x26b: {  	v24 =	vor.u32 v8, v19;
	v23 =	vld [tilespmem:s25+$0x4460]  }
0x26c: {  	[tilespmem:v26+s16+$0x0] =	vst.idx.add.f32.msk $0xffff, v25  }
0x26d: {  	v26 =	vor.u32 v8, v20;
	v25 =	vld [tilespmem:s28+$0x4460];
	_ =	sdelay $0x2  }
0x26e: {  	[tilespmem:v24+s16+$0x0] =	vst.idx.add.f32.msk $0xffff, v23  }
0x26f: {  	v24 =	vor.u32 v9, v19;
	v23 =	vld [tilespmem:s25+$0x4470]  }
0x270: {  	[tilespmem:v26+s16+$0x0] =	vst.idx.add.f32.msk $0xffff, v25  }
0x271: {  	v26 =	vor.u32 v9, v20;
	v25 =	vld [tilespmem:s28+$0x4470];
	_ =	sdelay $0x2  }
0x272: {  	[tilespmem:v24+s16+$0x0] =	vst.idx.add.f32.msk $0xffff, v23  }
0x273: {  	v24 =	vor.u32 v10, v19;
	v23 =	vld [tilespmem:s25+$0x4800]  }
0x274: {  	[tilespmem:v26+s16+$0x0] =	vst.idx.add.f32.msk $0xffff, v25  }
0x275: {  	v26 =	vor.u32 v10, v20;
	v25 =	vld [tilespmem:s28+$0x4800];
	_ =	sdelay $0x2  }
0x276: {  	[tilespmem:v24+s16+$0x0] =	vst.idx.add.f32.msk $0xffff, v23  }
0x277: {  	v24 =	vor.u32 v11, v19;
	v23 =	vld [tilespmem:s25+$0x4810]  }
0x278: {  	[tilespmem:v26+s16+$0x0] =	vst.idx.add.f32.msk $0xffff, v25  }
0x279: {  	v26 =	vor.u32 v11, v20;
	v25 =	vld [tilespmem:s28+$0x4810];
	_ =	sdelay $0x2  }
0x27a: {  	[tilespmem:v24+s16+$0x0] =	vst.idx.add.f32.msk $0xffff, v23  }
0x27b: {  	v24 =	vor.u32 v12, v19;
	v23 =	vld [tilespmem:s25+$0x4820]  }
0x27c: {  	[tilespmem:v26+s16+$0x0] =	vst.idx.add.f32.msk $0xffff, v25  }
0x27d: {  	v26 =	vor.u32 v12, v20;
	v25 =	vld [tilespmem:s28+$0x4820];
	_ =	sdelay $0x2  }
0x27e: {  	[tilespmem:v24+s16+$0x0] =	vst.idx.add.f32.msk $0xffff, v23  }
0x27f: {  	v24 =	vor.u32 v13, v19;
	v23 =	vld [tilespmem:s25+$0x4830]  }
0x280: {  	[tilespmem:v26+s16+$0x0] =	vst.idx.add.f32.msk $0xffff, v25  }
0x281: {  	v26 =	vor.u32 v13, v20;
	v25 =	vld [tilespmem:s28+$0x4830];
	_ =	sdelay $0x2  }
0x282: {  	[tilespmem:v24+s16+$0x0] =	vst.idx.add.f32.msk $0xffff, v23  }
0x283: {  	v24 =	vor.u32 v14, v19;
	v23 =	vld [tilespmem:s25+$0x4840]  }
0x284: {  	[tilespmem:v26+s16+$0x0] =	vst.idx.add.f32.msk $0xffff, v25  }
0x285: {  	v26 =	vor.u32 v14, v20;
	v25 =	vld [tilespmem:s28+$0x4840];
	_ =	sdelay $0x2  }
0x286: {  	[tilespmem:v24+s16+$0x0] =	vst.idx.add.f32.msk $0xffff, v23  }
0x287: {  	v24 =	vor.u32 v15, v19;
	v23 =	vld [tilespmem:s25+$0x4850]  }
0x288: {  	[tilespmem:v26+s16+$0x0] =	vst.idx.add.f32.msk $0xffff, v25  }
0x289: {  	v26 =	vor.u32 v15, v20;
	v25 =	vld [tilespmem:s28+$0x4850];
	_ =	sdelay $0x2  }
0x28a: {  	[tilespmem:v24+s16+$0x0] =	vst.idx.add.f32.msk $0xffff, v23  }
0x28b: {  	v24 =	vor.u32 v16, v19;
	v23 =	vld [tilespmem:s25+$0x4860]  }
0x28c: {  	[tilespmem:v26+s16+$0x0] =	vst.idx.add.f32.msk $0xffff, v25  }
0x28d: {  	v26 =	vor.u32 v16, v20;
	v25 =	vld [tilespmem:s28+$0x4860];
	_ =	sdelay $0x2  }
0x28e: {  	[tilespmem:v24+s16+$0x0] =	vst.idx.add.f32.msk $0xffff, v23  }
0x28f: {  	v19 =	vor.u32 v17, v19;
	v23 =	vld [tilespmem:s25+$0x4870]  }
0x290: {  	v24 =	vmov s26;
	[tilespmem:v26+s16+$0x0] =	vst.idx.add.f32.msk $0xffff, v25  }
0x291: {  	v20 =	vor.u32 v17, v20;
	v25 =	vld [tilespmem:s28+$0x4870]  }
0x292: {  	v26 =	vmov s29;
	_ =	sdelay $0x1  }
0x293: {  	[tilespmem:v19+s16+$0x0] =	vst.idx.add.f32.msk $0xffff, v23  }
0x294: {  	v19 =	vld.idx.msk [tilespmem:v24+s2+$0x0], $0xffff  }
0x295: {  	[tilespmem:v20+s16+$0x0] =	vst.idx.add.f32.msk $0xffff, v25  }
0x296: {  	v20 =	vld.idx.msk [tilespmem:v26+s2+$0x0], $0xffff;
	_ =	sdelay $0x3  }
0x297: {  	v23 =	vshll.u32 v19, $0x8;
	v24 =	vshll.u32 v19, $0x7  }
0x298: {  	v24 =	vand.u32 $0x380, v24;
	v23 =	vand.u32 $0xFFFFF800, v23  }
0x299: {  	[tilespmem:v19+s15+$0x0] =	vst.idx.add.f32.msk $0x1, v1;
	v19 =	vor.u32 v24, v23;
	v23 =	vshll.u32 v20, $0x8;
	v24 =	vshll.u32 v20, $0x7  }
0x29a: {  	v25 =	vld [tilespmem:s25+$0x6400];
	v26 =	vor.u32 v2, v19;
	v24 =	vand.u32 $0x380, v24;
	v23 =	vand.u32 $0xFFFFF800, v23  }
0x29b: {  	[tilespmem:v20+s15+$0x0] =	vst.idx.add.f32.msk $0x1, v1;
	v20 =	vor.u32 v24, v23  }
0x29c: {  	v23 =	vld [tilespmem:s28+$0x6400];
	v24 =	vor.u32 v2, v20;
	_ =	sdelay $0x2  }
0x29d: {  	[tilespmem:v26+s16+$0x0] =	vst.idx.add.f32.msk $0xffff, v25  }
0x29e: {  	v26 =	vor.u32 v3, v19;
	v25 =	vld [tilespmem:s25+$0x6410]  }
0x29f: {  	[tilespmem:v24+s16+$0x0] =	vst.idx.add.f32.msk $0xffff, v23  }
0x2a0: {  	v24 =	vor.u32 v3, v20;
	v23 =	vld [tilespmem:s28+$0x6410];
	_ =	sdelay $0x2  }
0x2a1: {  	[tilespmem:v26+s16+$0x0] =	vst.idx.add.f32.msk $0xffff, v25  }
0x2a2: {  	v26 =	vor.u32 v4, v19;
	v25 =	vld [tilespmem:s25+$0x6420]  }
0x2a3: {  	[tilespmem:v24+s16+$0x0] =	vst.idx.add.f32.msk $0xffff, v23  }
0x2a4: {  	v24 =	vor.u32 v4, v20;
	v23 =	vld [tilespmem:s28+$0x6420];
	_ =	sdelay $0x2  }
0x2a5: {  	[tilespmem:v26+s16+$0x0] =	vst.idx.add.f32.msk $0xffff, v25  }
0x2a6: {  	v26 =	vor.u32 v5, v19;
	v25 =	vld [tilespmem:s25+$0x6430]  }
0x2a7: {  	[tilespmem:v24+s16+$0x0] =	vst.idx.add.f32.msk $0xffff, v23  }
0x2a8: {  	v24 =	vor.u32 v5, v20;
	v23 =	vld [tilespmem:s28+$0x6430];
	_ =	sdelay $0x2  }
0x2a9: {  	[tilespmem:v26+s16+$0x0] =	vst.idx.add.f32.msk $0xffff, v25  }
0x2aa: {  	v26 =	vor.u32 v6, v19;
	v25 =	vld [tilespmem:s25+$0x6440]  }
0x2ab: {  	[tilespmem:v24+s16+$0x0] =	vst.idx.add.f32.msk $0xffff, v23  }
0x2ac: {  	v24 =	vor.u32 v6, v20;
	v23 =	vld [tilespmem:s28+$0x6440];
	_ =	sdelay $0x2  }
0x2ad: {  	[tilespmem:v26+s16+$0x0] =	vst.idx.add.f32.msk $0xffff, v25  }
0x2ae: {  	v26 =	vor.u32 v7, v19;
	v25 =	vld [tilespmem:s25+$0x6450]  }
0x2af: {  	[tilespmem:v24+s16+$0x0] =	vst.idx.add.f32.msk $0xffff, v23  }
0x2b0: {  	v24 =	vor.u32 v7, v20;
	v23 =	vld [tilespmem:s28+$0x6450];
	_ =	sdelay $0x2  }
0x2b1: {  	[tilespmem:v26+s16+$0x0] =	vst.idx.add.f32.msk $0xffff, v25  }
0x2b2: {  	v26 =	vor.u32 v8, v19;
	v25 =	vld [tilespmem:s25+$0x6460]  }
0x2b3: {  	[tilespmem:v24+s16+$0x0] =	vst.idx.add.f32.msk $0xffff, v23  }
0x2b4: {  	v24 =	vor.u32 v8, v20;
	v23 =	vld [tilespmem:s28+$0x6460];
	_ =	sdelay $0x2  }
0x2b5: {  	[tilespmem:v26+s16+$0x0] =	vst.idx.add.f32.msk $0xffff, v25  }
0x2b6: {  	v26 =	vor.u32 v9, v19;
	v25 =	vld [tilespmem:s25+$0x6470]  }
0x2b7: {  	[tilespmem:v24+s16+$0x0] =	vst.idx.add.f32.msk $0xffff, v23  }
0x2b8: {  	v24 =	vor.u32 v9, v20;
	v23 =	vld [tilespmem:s28+$0x6470]  }
0x2b9: {  	[tilespmem:v22+s16+$0x0] =	vst.idx.add.f32.msk $0xffff, v21  }
0x2ba: {  	v22 =	vor.u32 v10, v18;
	v21 =	vld [tilespmem:s24+$0x6800]  }
0x2bb: {  	[tilespmem:v26+s16+$0x0] =	vst.idx.add.f32.msk $0xffff, v25  }
0x2bc: {  	v26 =	vor.u32 v10, v19;
	v25 =	vld [tilespmem:s25+$0x6800]  }
0x2bd: {  	[tilespmem:v24+s16+$0x0] =	vst.idx.add.f32.msk $0xffff, v23  }
0x2be: {  	v24 =	vor.u32 v10, v20;
	v23 =	vld [tilespmem:s28+$0x6800]  }
0x2bf: {  	[tilespmem:v22+s16+$0x0] =	vst.idx.add.f32.msk $0xffff, v21  }
0x2c0: {  	v22 =	vor.u32 v11, v18;
	v21 =	vld [tilespmem:s24+$0x6810]  }
0x2c1: {  	[tilespmem:v26+s16+$0x0] =	vst.idx.add.f32.msk $0xffff, v25  }
0x2c2: {  	v26 =	vor.u32 v11, v19;
	v25 =	vld [tilespmem:s25+$0x6810]  }
0x2c3: {  	[tilespmem:v24+s16+$0x0] =	vst.idx.add.f32.msk $0xffff, v23  }
0x2c4: {  	v24 =	vor.u32 v11, v20;
	v23 =	vld [tilespmem:s28+$0x6810]  }
0x2c5: {  	[tilespmem:v22+s16+$0x0] =	vst.idx.add.f32.msk $0xffff, v21  }
0x2c6: {  	v22 =	vor.u32 v12, v18;
	v21 =	vld [tilespmem:s24+$0x6820]  }
0x2c7: {  	[tilespmem:v26+s16+$0x0] =	vst.idx.add.f32.msk $0xffff, v25  }
0x2c8: {  	v26 =	vor.u32 v12, v19;
	v25 =	vld [tilespmem:s25+$0x6820]  }
0x2c9: {  	[tilespmem:v24+s16+$0x0] =	vst.idx.add.f32.msk $0xffff, v23  }
0x2ca: {  	v24 =	vor.u32 v12, v20;
	v23 =	vld [tilespmem:s28+$0x6820]  }
0x2cb: {  	[tilespmem:v22+s16+$0x0] =	vst.idx.add.f32.msk $0xffff, v21  }
0x2cc: {  	v22 =	vor.u32 v13, v18;
	v21 =	vld [tilespmem:s24+$0x6830]  }
0x2cd: {  	[tilespmem:v26+s16+$0x0] =	vst.idx.add.f32.msk $0xffff, v25  }
0x2ce: {  	v26 =	vor.u32 v13, v19;
	v25 =	vld [tilespmem:s25+$0x6830]  }
0x2cf: {  	[tilespmem:v24+s16+$0x0] =	vst.idx.add.f32.msk $0xffff, v23  }
0x2d0: {  	v24 =	vor.u32 v13, v20;
	v23 =	vld [tilespmem:s28+$0x6830]  }
0x2d1: {  	[tilespmem:v22+s16+$0x0] =	vst.idx.add.f32.msk $0xffff, v21  }
0x2d2: {  	v22 =	vor.u32 v14, v18;
	v21 =	vld [tilespmem:s24+$0x6840]  }
0x2d3: {  	[tilespmem:v26+s16+$0x0] =	vst.idx.add.f32.msk $0xffff, v25  }
0x2d4: {  	v26 =	vor.u32 v14, v19;
	v25 =	vld [tilespmem:s25+$0x6840]  }
0x2d5: {  	[tilespmem:v24+s16+$0x0] =	vst.idx.add.f32.msk $0xffff, v23  }
0x2d6: {  	v24 =	vor.u32 v14, v20;
	v23 =	vld [tilespmem:s28+$0x6840]  }
0x2d7: {  	[tilespmem:v22+s16+$0x0] =	vst.idx.add.f32.msk $0xffff, v21  }
0x2d8: {  	v22 =	vor.u32 v15, v18;
	v21 =	vld [tilespmem:s24+$0x6850]  }
0x2d9: {  	[tilespmem:v26+s16+$0x0] =	vst.idx.add.f32.msk $0xffff, v25  }
0x2da: {  	v26 =	vor.u32 v15, v19;
	v25 =	vld [tilespmem:s25+$0x6850]  }
0x2db: {  	[tilespmem:v24+s16+$0x0] =	vst.idx.add.f32.msk $0xffff, v23  }
0x2dc: {  	v24 =	vor.u32 v15, v20;
	v23 =	vld [tilespmem:s28+$0x6850]  }
0x2dd: {  	[tilespmem:v22+s16+$0x0] =	vst.idx.add.f32.msk $0xffff, v21  }
0x2de: {  	v22 =	vor.u32 v16, v18;
	v21 =	vld [tilespmem:s24+$0x6860]  }
0x2df: {  	[tilespmem:v26+s16+$0x0] =	vst.idx.add.f32.msk $0xffff, v25  }
0x2e0: {  	v26 =	vor.u32 v16, v19;
	v25 =	vld [tilespmem:s25+$0x6860]  }
0x2e1: {  	[tilespmem:v24+s16+$0x0] =	vst.idx.add.f32.msk $0xffff, v23  }
0x2e2: {  	v24 =	vor.u32 v16, v20;
	v23 =	vld [tilespmem:s28+$0x6860]  }
0x2e3: {  	[tilespmem:v22+s16+$0x0] =	vst.idx.add.f32.msk $0xffff, v21  }
0x2e4: {  	v21 =	vld [tilespmem:s24+$0x6870]  }
0x2e5: {  	[tilespmem:v26+s16+$0x0] =	vst.idx.add.f32.msk $0xffff, v25  }
0x2e6: {  	v18 =	vor.u32 v17, v18;
	v22 =	vld [tilespmem:s25+$0x6870]  }
0x2e7: {  	v19 =	vor.u32 v17, v19;
	[tilespmem:v24+s16+$0x0] =	vst.idx.add.f32.msk $0xffff, v23  }
0x2e8: {  	v20 =	vor.u32 v17, v20;
	v23 =	vld [tilespmem:s28+$0x6870];
	_ =	sdelay $0x1  }
0x2e9: {  	p0 =	seq.s32 s22, $0x3  }
0x2ea: {  	[tilespmem:v18+s16+$0x0] =	vst.idx.add.f32.msk $0xffff, v21;
	s0 =	sadd.s32 @!p0 s4, s23  }
0x2eb: {  	s1 =	sadd.s32 $0xFFFFFFA0, s21;
	s0 =	sshll.u32 @!p0 s0, $0x5;
	[tilespmem:v19+s16+$0x0] =	vst.idx.add.f32.msk $0xffff, v22  }
0x2ec: {  	s3 =	simm.s32 @!p0 $0x0;
	s5 =	simm.s32 @!p0 $0x400;
	v18 =	vmov s1;
	s0 =	sadd.s32 @!p0 s0, s7;
	[tilespmem:v20+s16+$0x0] =	vst.idx.add.f32.msk $0xffff, v23  }
0x2ed: {  	[tilespmem:s5], [sflag:$0x1] =	stream.linear.gather @!p0 [hbm4b:s0+s3], $0x8000, $0x38;
	[tilespmem:$0x18800] =	vst v63  }
0x2ee: {  	_ =	swait.ge [sflag:s17], $0x8000  }
0x2ef: {  	[sflag:s17] =	ssyncset.done $0x0  }
0x2f0: {  	[sflag:s17] =	ssyncadd.s32 $0xFFFF8000  }
0x2f1: {  	v18 =	vld.idx.msk [tilespmem:v18+s2+$0x0], $0xffff;
	_ =	sdelay $0x5  }
0x2f2: {  	s24 =	simm.s32 $0x0;
	v19 =	vshll.u32 v18, $0x7;
	v20 =	vshll.u32 v18, $0x8  }
0x2f3: {  	s25 =	sand.u32 $0x1800, s24;
	s0 =	sand.u32 $0x380, s24;
	v20 =	vand.u32 $0xFFFFF800, v20;
	v19 =	vand.u32 $0x380, v19  }
0x2f4: {  	s24 =	sor.u32 s0, s25;
	[tilespmem:v18+s15+$0x0] =	vst.idx.add.f32.msk $0x1, v1;
	v18 =	vor.u32 v19, v20  }
0x2f5: {  	v19 =	vor.u32 v2, v18;
	v20 =	vld [tilespmem:s24+$0x8400];
	_ =	sdelay $0x4  }
0x2f6: {  	[tilespmem:v19+s16+$0x0] =	vst.idx.add.f32.msk $0xffff, v20  }
0x2f7: {  	v19 =	vor.u32 v3, v18;
	v20 =	vld [tilespmem:s24+$0x8410];
	_ =	sdelay $0x4  }
0x2f8: {  	[tilespmem:v19+s16+$0x0] =	vst.idx.add.f32.msk $0xffff, v20  }
0x2f9: {  	v19 =	vor.u32 v4, v18;
	v20 =	vld [tilespmem:s24+$0x8420];
	_ =	sdelay $0x4  }
0x2fa: {  	[tilespmem:v19+s16+$0x0] =	vst.idx.add.f32.msk $0xffff, v20  }
0x2fb: {  	v19 =	vor.u32 v5, v18;
	v20 =	vld [tilespmem:s24+$0x8430];
	_ =	sdelay $0x4  }
0x2fc: {  	[tilespmem:v19+s16+$0x0] =	vst.idx.add.f32.msk $0xffff, v20  }
0x2fd: {  	v19 =	vor.u32 v6, v18;
	v20 =	vld [tilespmem:s24+$0x8440];
	_ =	sdelay $0x4  }
0x2fe: {  	[tilespmem:v19+s16+$0x0] =	vst.idx.add.f32.msk $0xffff, v20  }
0x2ff: {  	v19 =	vor.u32 v7, v18;
	v20 =	vld [tilespmem:s24+$0x8450];
	_ =	sdelay $0x4  }
0x300: {  	[tilespmem:v19+s16+$0x0] =	vst.idx.add.f32.msk $0xffff, v20  }
0x301: {  	v19 =	vor.u32 v8, v18;
	v20 =	vld [tilespmem:s24+$0x8460];
	_ =	sdelay $0x4  }
0x302: {  	[tilespmem:v19+s16+$0x0] =	vst.idx.add.f32.msk $0xffff, v20  }
0x303: {  	v19 =	vor.u32 v9, v18;
	v20 =	vld [tilespmem:s24+$0x8470];
	_ =	sdelay $0x4  }
0x304: {  	[tilespmem:v19+s16+$0x0] =	vst.idx.add.f32.msk $0xffff, v20  }
0x305: {  	v19 =	vor.u32 v10, v18;
	v20 =	vld [tilespmem:s24+$0x8800];
	_ =	sdelay $0x4  }
0x306: {  	[tilespmem:v19+s16+$0x0] =	vst.idx.add.f32.msk $0xffff, v20  }
0x307: {  	v19 =	vor.u32 v11, v18;
	v20 =	vld [tilespmem:s24+$0x8810];
	_ =	sdelay $0x4  }
0x308: {  	[tilespmem:v19+s16+$0x0] =	vst.idx.add.f32.msk $0xffff, v20  }
0x309: {  	v19 =	vor.u32 v12, v18;
	v20 =	vld [tilespmem:s24+$0x8820];
	_ =	sdelay $0x4  }
0x30a: {  	[tilespmem:v19+s16+$0x0] =	vst.idx.add.f32.msk $0xffff, v20  }
0x30b: {  	v19 =	vor.u32 v13, v18;
	v20 =	vld [tilespmem:s24+$0x8830];
	_ =	sdelay $0x4  }
0x30c: {  	[tilespmem:v19+s16+$0x0] =	vst.idx.add.f32.msk $0xffff, v20  }
0x30d: {  	v19 =	vor.u32 v14, v18;
	v20 =	vld [tilespmem:s24+$0x8840];
	_ =	sdelay $0x4  }
0x30e: {  	[tilespmem:v19+s16+$0x0] =	vst.idx.add.f32.msk $0xffff, v20  }
0x30f: {  	v20 =	vor.u32 v15, v18;
	v19 =	vld [tilespmem:s24+$0x8850];
	_ =	sdelay $0x4  }
0x310: {  	[tilespmem:v20+s16+$0x0] =	vst.idx.add.f32.msk $0xffff, v19  }
0x311: {  	v20 =	vor.u32 v16, v18;
	v19 =	vld [tilespmem:s24+$0x8860];
	_ =	sdelay $0x4  }
0x312: {  	[tilespmem:v20+s16+$0x0] =	vst.idx.add.f32.msk $0xffff, v19  }
0x313: {  	s26 =	sadd.s32 $0xFFFFFFC0, s21;
	v18 =	vor.u32 v17, v18;
	v19 =	vld [tilespmem:s24+$0x8870]  }
0x314: {  	v20 =	vmov s26;
	_ =	sdelay $0x3  }
0x315: {  	[tilespmem:v18+s16+$0x0] =	vst.idx.add.f32.msk $0xffff, v19  }
0x316: {  	v18 =	vld.idx.msk [tilespmem:v20+s2+$0x0], $0xffff;
	_ =	sdelay $0x5  }
0x317: {  	v19 =	vshll.u32 v18, $0x8;
	v20 =	vshll.u32 v18, $0x7  }
0x318: {  	v19 =	vand.u32 $0xFFFFF800, v19;
	v20 =	vand.u32 $0x380, v20  }
0x319: {  	[tilespmem:v18+s15+$0x0] =	vst.idx.add.f32.msk $0x1, v1;
	v18 =	vor.u32 v20, v19  }
0x31a: {  	v19 =	vld [tilespmem:s24+$0xA400];
	v20 =	vor.u32 v2, v18;
	_ =	sdelay $0x4  }
0x31b: {  	[tilespmem:v20+s16+$0x0] =	vst.idx.add.f32.msk $0xffff, v19  }
0x31c: {  	v20 =	vor.u32 v3, v18;
	v19 =	vld [tilespmem:s24+$0xA410];
	_ =	sdelay $0x2  }
0x31d: {  	s26 =	sadd.s32 $0x1, s21  }
0x31e: {  	s1 =	sadd.s32 $0xFFFFFFA0, s26  }
0x31f: {  	v21 =	vmov s1;
	[tilespmem:v20+s16+$0x0] =	vst.idx.add.f32.msk $0xffff, v19  }
0x320: {  	v20 =	vor.u32 v4, v18;
	v19 =	vld [tilespmem:s24+$0xA420];
	_ =	sdelay $0x3  }
0x321: {  	v21 =	vld.idx.msk [tilespmem:v21+s2+$0x0], $0xffff  }
0x322: {  	[tilespmem:v20+s16+$0x0] =	vst.idx.add.f32.msk $0xffff, v19  }
0x323: {  	v20 =	vor.u32 v5, v18;
	v19 =	vld [tilespmem:s24+$0xA430];
	_ =	sdelay $0x4  }
0x324: {  	s3 =	simm.s32 $0x100;
	s5 =	simm.s32 $0x80;
	v22 =	vshll.u32 v21, $0x7;
	v23 =	vshll.u32 v21, $0x8;
	[tilespmem:v20+s16+$0x0] =	vst.idx.add.f32.msk $0xffff, v19  }
0x325: {  	s0 =	sand.u32 $0x1800, s3;
	s1 =	sand.u32 $0x380, s5;
	v19 =	vand.u32 $0xFFFFF800, v23;
	v20 =	vand.u32 $0x380, v22;
	v23 =	vor.u32 v6, v18;
	v22 =	vld [tilespmem:s24+$0xA440]  }
0x326: {  	s25 =	sor.u32 s1, s0;
	[tilespmem:v21+s15+$0x0] =	vst.idx.add.f32.msk $0x1, v1;
	v19 =	vor.u32 v20, v19  }
0x327: {  	v21 =	vld [tilespmem:s25+$0x8400];
	v20 =	vor.u32 v2, v19;
	_ =	sdelay $0x2  }
0x328: {  	[tilespmem:v23+s16+$0x0] =	vst.idx.add.f32.msk $0xffff, v22  }
0x329: {  	v23 =	vor.u32 v7, v18;
	v22 =	vld [tilespmem:s24+$0xA450]  }
0x32a: {  	[tilespmem:v20+s16+$0x0] =	vst.idx.add.f32.msk $0xffff, v21  }
0x32b: {  	v20 =	vor.u32 v3, v19;
	v21 =	vld [tilespmem:s25+$0x8410];
	_ =	sdelay $0x2  }
0x32c: {  	[tilespmem:v23+s16+$0x0] =	vst.idx.add.f32.msk $0xffff, v22  }
0x32d: {  	v23 =	vor.u32 v8, v18;
	v22 =	vld [tilespmem:s24+$0xA460]  }
0x32e: {  	[tilespmem:v20+s16+$0x0] =	vst.idx.add.f32.msk $0xffff, v21  }
0x32f: {  	v20 =	vor.u32 v4, v19;
	v21 =	vld [tilespmem:s25+$0x8420];
	_ =	sdelay $0x2  }
0x330: {  	[tilespmem:v23+s16+$0x0] =	vst.idx.add.f32.msk $0xffff, v22  }
0x331: {  	v23 =	vor.u32 v9, v18;
	v22 =	vld [tilespmem:s24+$0xA470]  }
0x332: {  	[tilespmem:v20+s16+$0x0] =	vst.idx.add.f32.msk $0xffff, v21  }
0x333: {  	v20 =	vor.u32 v5, v19;
	v21 =	vld [tilespmem:s25+$0x8430];
	_ =	sdelay $0x2  }
0x334: {  	[tilespmem:v23+s16+$0x0] =	vst.idx.add.f32.msk $0xffff, v22  }
0x335: {  	v23 =	vor.u32 v10, v18;
	v22 =	vld [tilespmem:s24+$0xA800]  }
0x336: {  	[tilespmem:v20+s16+$0x0] =	vst.idx.add.f32.msk $0xffff, v21  }
0x337: {  	v20 =	vor.u32 v6, v19;
	v21 =	vld [tilespmem:s25+$0x8440];
	_ =	sdelay $0x2  }
0x338: {  	[tilespmem:v23+s16+$0x0] =	vst.idx.add.f32.msk $0xffff, v22  }
0x339: {  	v23 =	vor.u32 v11, v18;
	v22 =	vld [tilespmem:s24+$0xA810]  }
0x33a: {  	[tilespmem:v20+s16+$0x0] =	vst.idx.add.f32.msk $0xffff, v21  }
0x33b: {  	v20 =	vor.u32 v7, v19;
	v21 =	vld [tilespmem:s25+$0x8450];
	_ =	sdelay $0x2  }
0x33c: {  	[tilespmem:v23+s16+$0x0] =	vst.idx.add.f32.msk $0xffff, v22  }
0x33d: {  	v23 =	vor.u32 v12, v18;
	v22 =	vld [tilespmem:s24+$0xA820]  }
0x33e: {  	[tilespmem:v20+s16+$0x0] =	vst.idx.add.f32.msk $0xffff, v21  }
0x33f: {  	v20 =	vor.u32 v8, v19;
	v21 =	vld [tilespmem:s25+$0x8460];
	_ =	sdelay $0x2  }
0x340: {  	[tilespmem:v23+s16+$0x0] =	vst.idx.add.f32.msk $0xffff, v22  }
0x341: {  	v23 =	vor.u32 v13, v18;
	v22 =	vld [tilespmem:s24+$0xA830]  }
0x342: {  	[tilespmem:v20+s16+$0x0] =	vst.idx.add.f32.msk $0xffff, v21  }
0x343: {  	v20 =	vor.u32 v9, v19;
	v21 =	vld [tilespmem:s25+$0x8470];
	_ =	sdelay $0x2  }
0x344: {  	[tilespmem:v23+s16+$0x0] =	vst.idx.add.f32.msk $0xffff, v22  }
0x345: {  	v23 =	vor.u32 v14, v18;
	v22 =	vld [tilespmem:s24+$0xA840]  }
0x346: {  	[tilespmem:v20+s16+$0x0] =	vst.idx.add.f32.msk $0xffff, v21  }
0x347: {  	v20 =	vor.u32 v10, v19;
	v21 =	vld [tilespmem:s25+$0x8800];
	_ =	sdelay $0x2  }
0x348: {  	[tilespmem:v23+s16+$0x0] =	vst.idx.add.f32.msk $0xffff, v22  }
0x349: {  	v23 =	vor.u32 v15, v18;
	v22 =	vld [tilespmem:s24+$0xA850]  }
0x34a: {  	[tilespmem:v20+s16+$0x0] =	vst.idx.add.f32.msk $0xffff, v21  }
0x34b: {  	v20 =	vor.u32 v11, v19;
	v21 =	vld [tilespmem:s25+$0x8810];
	_ =	sdelay $0x2  }
0x34c: {  	[tilespmem:v23+s16+$0x0] =	vst.idx.add.f32.msk $0xffff, v22  }
0x34d: {  	v23 =	vor.u32 v16, v18;
	v22 =	vld [tilespmem:s24+$0xA860]  }
0x34e: {  	[tilespmem:v20+s16+$0x0] =	vst.idx.add.f32.msk $0xffff, v21  }
0x34f: {  	v20 =	vor.u32 v12, v19;
	v21 =	vld [tilespmem:s25+$0x8820];
	_ =	sdelay $0x2  }
0x350: {  	[tilespmem:v23+s16+$0x0] =	vst.idx.add.f32.msk $0xffff, v22  }
0x351: {  	v22 =	vld [tilespmem:s24+$0xA870]  }
0x352: {  	v18 =	vor.u32 v17, v18;
	[tilespmem:v20+s16+$0x0] =	vst.idx.add.f32.msk $0xffff, v21  }
0x353: {  	v20 =	vor.u32 v13, v19;
	v21 =	vld [tilespmem:s25+$0x8830]  }
0x354: {  	s9 =	sadd.s32 $0xFFFFFFE0, s21  }
0x355: {  	v23 =	vmov s9;
	_ =	sdelay $0x1  }
0x356: {  	[tilespmem:v18+s16+$0x0] =	vst.idx.add.f32.msk $0xffff, v22  }
0x357: {  	[tilespmem:v20+s16+$0x0] =	vst.idx.add.f32.msk $0xffff, v21  }
0x358: {  	v18 =	vor.u32 v14, v19;
	v20 =	vld [tilespmem:s25+$0x8840]  }
0x359: {  	v21 =	vld.idx.msk [tilespmem:v23+s2+$0x0], $0xffff;
	_ =	sdelay $0x3  }
0x35a: {  	[tilespmem:v18+s16+$0x0] =	vst.idx.add.f32.msk $0xffff, v20  }
0x35b: {  	v22 =	vor.u32 v15, v19;
	v20 =	vld [tilespmem:s25+$0x8850]  }
0x35c: {  	v23 =	vshll.u32 v21, $0x7;
	v18 =	vshll.u32 v21, $0x8  }
0x35d: {  	v23 =	vand.u32 $0x380, v23;
	v18 =	vand.u32 $0xFFFFF800, v18  }
0x35e: {  	[tilespmem:v21+s15+$0x0] =	vst.idx.add.f32.msk $0x1, v1;
	v18 =	vor.u32 v23, v18  }
0x35f: {  	v21 =	vld [tilespmem:s24+$0xC400];
	v23 =	vor.u32 v2, v18  }
0x360: {  	[tilespmem:v22+s16+$0x0] =	vst.idx.add.f32.msk $0xffff, v20  }
0x361: {  	v22 =	vor.u32 v16, v19;
	v20 =	vld [tilespmem:s25+$0x8860];
	_ =	sdelay $0x2  }
0x362: {  	[tilespmem:v23+s16+$0x0] =	vst.idx.add.f32.msk $0xffff, v21  }
0x363: {  	v21 =	vld [tilespmem:s24+$0xC410]  }
0x364: {  	v23 =	vor.u32 v3, v18;
	[tilespmem:v22+s16+$0x0] =	vst.idx.add.f32.msk $0xffff, v20  }
0x365: {  	s10 =	sadd.s32 $0xFFFFFFC0, s26;
	v19 =	vor.u32 v17, v19;
	v20 =	vld [tilespmem:s25+$0x8870]  }
0x366: {  	v22 =	vmov s10;
	_ =	sdelay $0x2  }
0x367: {  	[tilespmem:v23+s16+$0x0] =	vst.idx.add.f32.msk $0xffff, v21  }
0x368: {  	[tilespmem:v19+s16+$0x0] =	vst.idx.add.f32.msk $0xffff, v20  }
0x369: {  	v20 =	vld.idx.msk [tilespmem:v22+s2+$0x0], $0xffff  }
0x36a: {  	v21 =	vld [tilespmem:s24+$0xC420];
	v19 =	vor.u32 v4, v18;
	_ =	sdelay $0x4  }
0x36b: {  	[tilespmem:v19+s16+$0x0] =	vst.idx.add.f32.msk $0xffff, v21;
	v19 =	vshll.u32 v20, $0x8;
	v23 =	vshll.u32 v20, $0x7  }
0x36c: {  	v22 =	vor.u32 v5, v18;
	v21 =	vld [tilespmem:s24+$0xC430];
	v19 =	vand.u32 $0xFFFFF800, v19;
	v23 =	vand.u32 $0x380, v23  }
0x36d: {  	v19 =	vor.u32 v23, v19;
	[tilespmem:v20+s15+$0x0] =	vst.idx.add.f32.msk $0x1, v1  }
0x36e: {  	v23 =	vor.u32 v2, v19;
	v20 =	vld [tilespmem:s25+$0xA400];
	_ =	sdelay $0x2  }
0x36f: {  	[tilespmem:v22+s16+$0x0] =	vst.idx.add.f32.msk $0xffff, v21  }
0x370: {  	v22 =	vor.u32 v6, v18;
	v21 =	vld [tilespmem:s24+$0xC440]  }
0x371: {  	[tilespmem:v23+s16+$0x0] =	vst.idx.add.f32.msk $0xffff, v20  }
0x372: {  	v23 =	vor.u32 v3, v19;
	v20 =	vld [tilespmem:s25+$0xA410]  }
0x373: {  	s29 =	sadd.s32 $0x1, s26  }
0x374: {  	s11 =	sadd.s32 $0xFFFFFFA0, s29  }
0x375: {  	v24 =	vmov s11;
	[tilespmem:v22+s16+$0x0] =	vst.idx.add.f32.msk $0xffff, v21  }
0x376: {  	v22 =	vor.u32 v7, v18;
	v21 =	vld [tilespmem:s24+$0xC450]  }
0x377: {  	[tilespmem:v23+s16+$0x0] =	vst.idx.add.f32.msk $0xffff, v20  }
0x378: {  	v23 =	vor.u32 v4, v19;
	v20 =	vld [tilespmem:s25+$0xA420];
	_ =	sdelay $0x1  }
0x379: {  	v24 =	vld.idx.msk [tilespmem:v24+s2+$0x0], $0xffff  }
0x37a: {  	[tilespmem:v22+s16+$0x0] =	vst.idx.add.f32.msk $0xffff, v21  }
0x37b: {  	v22 =	vor.u32 v8, v18;
	v21 =	vld [tilespmem:s24+$0xC460]  }
0x37c: {  	[tilespmem:v23+s16+$0x0] =	vst.idx.add.f32.msk $0xffff, v20  }
0x37d: {  	v23 =	vor.u32 v5, v19;
	v20 =	vld [tilespmem:s25+$0xA430];
	_ =	sdelay $0x2  }
0x37e: {  	[tilespmem:v22+s16+$0x0] =	vst.idx.add.f32.msk $0xffff, v21  }
0x37f: {  	v22 =	vor.u32 v9, v18;
	v21 =	vld [tilespmem:s24+$0xC470]  }
0x380: {  	s12 =	simm.s32 $0x200;
	s30 =	simm.s32 $0x100;
	v25 =	vshll.u32 v24, $0x7;
	v26 =	vshll.u32 v24, $0x8;
	[tilespmem:v23+s16+$0x0] =	vst.idx.add.f32.msk $0xffff, v20  }
0x381: {  	s13 =	sand.u32 $0x380, s30;
	s0 =	sand.u32 $0x1800, s12;
	v20 =	vand.u32 $0xFFFFF800, v26;
	v23 =	vand.u32 $0x380, v25;
	v26 =	vor.u32 v6, v19;
	v25 =	vld [tilespmem:s25+$0xA440]  }
0x382: {  	s28 =	sor.u32 s13, s0;
	[tilespmem:v24+s15+$0x0] =	vst.idx.add.f32.msk $0x1, v1;
	v20 =	vor.u32 v23, v20  }
0x383: {  	v24 =	vld [tilespmem:s28+$0x8400];
	v23 =	vor.u32 v2, v20  }
0x384: {  	[tilespmem:v22+s16+$0x0] =	vst.idx.add.f32.msk $0xffff, v21  }
0x385: {  	v22 =	vor.u32 v10, v18;
	v21 =	vld [tilespmem:s24+$0xC800]  }
0x386: {  	[tilespmem:v26+s16+$0x0] =	vst.idx.add.f32.msk $0xffff, v25  }
0x387: {  	v26 =	vor.u32 v7, v19;
	v25 =	vld [tilespmem:s25+$0xA450]  }
0x388: {  	[tilespmem:v23+s16+$0x0] =	vst.idx.add.f32.msk $0xffff, v24  }
0x389: {  	v23 =	vor.u32 v3, v20;
	v24 =	vld [tilespmem:s28+$0x8410]  }
0x38a: {  	[tilespmem:v22+s16+$0x0] =	vst.idx.add.f32.msk $0xffff, v21  }
0x38b: {  	v22 =	vor.u32 v11, v18;
	v21 =	vld [tilespmem:s24+$0xC810]  }
0x38c: {  	[tilespmem:v26+s16+$0x0] =	vst.idx.add.f32.msk $0xffff, v25  }
0x38d: {  	v26 =	vor.u32 v8, v19;
	v25 =	vld [tilespmem:s25+$0xA460]  }
0x38e: {  	[tilespmem:v23+s16+$0x0] =	vst.idx.add.f32.msk $0xffff, v24  }
0x38f: {  	v23 =	vor.u32 v4, v20;
	v24 =	vld [tilespmem:s28+$0x8420]  }
0x390: {  	[tilespmem:v22+s16+$0x0] =	vst.idx.add.f32.msk $0xffff, v21  }
0x391: {  	v22 =	vor.u32 v12, v18;
	v21 =	vld [tilespmem:s24+$0xC820]  }
0x392: {  	[tilespmem:v26+s16+$0x0] =	vst.idx.add.f32.msk $0xffff, v25  }
0x393: {  	v26 =	vor.u32 v9, v19;
	v25 =	vld [tilespmem:s25+$0xA470]  }
0x394: {  	[tilespmem:v23+s16+$0x0] =	vst.idx.add.f32.msk $0xffff, v24  }
0x395: {  	v23 =	vor.u32 v5, v20;
	v24 =	vld [tilespmem:s28+$0x8430]  }
0x396: {  	[tilespmem:v22+s16+$0x0] =	vst.idx.add.f32.msk $0xffff, v21  }
0x397: {  	v22 =	vor.u32 v13, v18;
	v21 =	vld [tilespmem:s24+$0xC830]  }
0x398: {  	[tilespmem:v26+s16+$0x0] =	vst.idx.add.f32.msk $0xffff, v25  }
0x399: {  	v26 =	vor.u32 v10, v19;
	v25 =	vld [tilespmem:s25+$0xA800]  }
0x39a: {  	[tilespmem:v23+s16+$0x0] =	vst.idx.add.f32.msk $0xffff, v24  }
0x39b: {  	v23 =	vor.u32 v6, v20;
	v24 =	vld [tilespmem:s28+$0x8440]  }
0x39c: {  	[tilespmem:v22+s16+$0x0] =	vst.idx.add.f32.msk $0xffff, v21  }
0x39d: {  	v22 =	vor.u32 v14, v18;
	v21 =	vld [tilespmem:s24+$0xC840]  }
0x39e: {  	[tilespmem:v26+s16+$0x0] =	vst.idx.add.f32.msk $0xffff, v25  }
0x39f: {  	v26 =	vor.u32 v11, v19;
	v25 =	vld [tilespmem:s25+$0xA810]  }
0x3a0: {  	[tilespmem:v23+s16+$0x0] =	vst.idx.add.f32.msk $0xffff, v24  }
0x3a1: {  	v23 =	vor.u32 v7, v20;
	v24 =	vld [tilespmem:s28+$0x8450]  }
0x3a2: {  	[tilespmem:v22+s16+$0x0] =	vst.idx.add.f32.msk $0xffff, v21  }
0x3a3: {  	v22 =	vor.u32 v15, v18;
	v21 =	vld [tilespmem:s24+$0xC850]  }
0x3a4: {  	[tilespmem:v26+s16+$0x0] =	vst.idx.add.f32.msk $0xffff, v25  }
0x3a5: {  	v26 =	vor.u32 v12, v19;
	v25 =	vld [tilespmem:s25+$0xA820]  }
0x3a6: {  	[tilespmem:v23+s16+$0x0] =	vst.idx.add.f32.msk $0xffff, v24  }
0x3a7: {  	v23 =	vor.u32 v8, v20;
	v24 =	vld [tilespmem:s28+$0x8460]  }
0x3a8: {  	[tilespmem:v22+s16+$0x0] =	vst.idx.add.f32.msk $0xffff, v21  }
0x3a9: {  	v22 =	vor.u32 v16, v18;
	v21 =	vld [tilespmem:s24+$0xC860]  }
0x3aa: {  	[tilespmem:v26+s16+$0x0] =	vst.idx.add.f32.msk $0xffff, v25  }
0x3ab: {  	v26 =	vor.u32 v13, v19;
	v25 =	vld [tilespmem:s25+$0xA830]  }
0x3ac: {  	[tilespmem:v23+s16+$0x0] =	vst.idx.add.f32.msk $0xffff, v24  }
0x3ad: {  	v23 =	vor.u32 v9, v20;
	v24 =	vld [tilespmem:s28+$0x8470]  }
0x3ae: {  	[tilespmem:v22+s16+$0x0] =	vst.idx.add.f32.msk $0xffff, v21  }
0x3af: {  	v18 =	vor.u32 v17, v18;
	v21 =	vld [tilespmem:s24+$0xC870]  }
0x3b0: {  	v22 =	vmov s21;
	[tilespmem:v26+s16+$0x0] =	vst.idx.add.f32.msk $0xffff, v25  }
0x3b1: {  	v26 =	vor.u32 v14, v19;
	v25 =	vld [tilespmem:s25+$0xA840]  }
0x3b2: {  	[tilespmem:v23+s16+$0x0] =	vst.idx.add.f32.msk $0xffff, v24  }
0x3b3: {  	v23 =	vor.u32 v10, v20;
	v24 =	vld [tilespmem:s28+$0x8800]  }
0x3b4: {  	[tilespmem:v18+s16+$0x0] =	vst.idx.add.f32.msk $0xffff, v21  }
0x3b5: {  	v18 =	vld.idx.msk [tilespmem:v22+s2+$0x0], $0xffff  }
0x3b6: {  	[tilespmem:v26+s16+$0x0] =	vst.idx.add.f32.msk $0xffff, v25  }
0x3b7: {  	v22 =	vor.u32 v15, v19;
	v21 =	vld [tilespmem:s25+$0xA850]  }
0x3b8: {  	[tilespmem:v23+s16+$0x0] =	vst.idx.add.f32.msk $0xffff, v24  }
0x3b9: {  	v23 =	vor.u32 v11, v20;
	v24 =	vld [tilespmem:s28+$0x8810];
	_ =	sdelay $0x2  }
0x3ba: {  	[tilespmem:v22+s16+$0x0] =	vst.idx.add.f32.msk $0xffff, v21  }
0x3bb: {  	v22 =	vor.u32 v16, v19;
	v21 =	vld [tilespmem:s25+$0xA860]  }
0x3bc: {  	v25 =	vshll.u32 v18, $0x8;
	v26 =	vshll.u32 v18, $0x7;
	[tilespmem:v23+s16+$0x0] =	vst.idx.add.f32.msk $0xffff, v24  }
0x3bd: {  	v25 =	vand.u32 $0xFFFFF800, v25;
	v23 =	vand.u32 $0x380, v26;
	v24 =	vor.u32 v12, v20;
	v26 =	vld [tilespmem:s28+$0x8820]  }
0x3be: {  	[tilespmem:v18+s15+$0x0] =	vst.idx.add.f32.msk $0x1, v1;
	v18 =	vor.u32 v23, v25  }
0x3bf: {  	v23 =	vld [tilespmem:s24+$0xE400];
	v25 =	vor.u32 v2, v18  }
0x3c0: {  	[tilespmem:v22+s16+$0x0] =	vst.idx.add.f32.msk $0xffff, v21  }
0x3c1: {  	s14 =	sadd.s32 $0xFFFFFFE0, s26;
	v19 =	vor.u32 v17, v19;
	v21 =	vld [tilespmem:s25+$0xA870]  }
0x3c2: {  	v22 =	vmov s14;
	[tilespmem:v24+s16+$0x0] =	vst.idx.add.f32.msk $0xffff, v26  }
0x3c3: {  	v24 =	vor.u32 v13, v20;
	v26 =	vld [tilespmem:s28+$0x8830]  }
0x3c4: {  	[tilespmem:v25+s16+$0x0] =	vst.idx.add.f32.msk $0xffff, v23  }
0x3c5: {  	v23 =	vld [tilespmem:s24+$0xE410]  }
0x3c6: {  	[tilespmem:v19+s16+$0x0] =	vst.idx.add.f32.msk $0xffff, v21  }
0x3c7: {  	v19 =	vor.u32 v3, v18;
	v21 =	vld.idx.msk [tilespmem:v22+s2+$0x0], $0xffff  }
0x3c8: {  	[tilespmem:v24+s16+$0x0] =	vst.idx.add.f32.msk $0xffff, v26  }
0x3c9: {  	v22 =	vor.u32 v14, v20;
	v24 =	vld [tilespmem:s28+$0x8840];
	_ =	sdelay $0x2  }
0x3ca: {  	[tilespmem:v19+s16+$0x0] =	vst.idx.add.f32.msk $0xffff, v23  }
0x3cb: {  	v25 =	vor.u32 v4, v18;
	v23 =	vld [tilespmem:s24+$0xE420]  }
0x3cc: {  	v19 =	vshll.u32 v21, $0x8;
	v26 =	vshll.u32 v21, $0x7;
	[tilespmem:v22+s16+$0x0] =	vst.idx.add.f32.msk $0xffff, v24  }
0x3cd: {  	v19 =	vand.u32 $0xFFFFF800, v19;
	v22 =	vand.u32 $0x380, v26;
	v26 =	vor.u32 v15, v20;
	v24 =	vld [tilespmem:s28+$0x8850]  }
0x3ce: {  	v19 =	vor.u32 v22, v19;
	[tilespmem:v21+s15+$0x0] =	vst.idx.add.f32.msk $0x1, v1  }
0x3cf: {  	v22 =	vor.u32 v2, v19;
	v21 =	vld [tilespmem:s25+$0xC400]  }
0x3d0: {  	[tilespmem:v25+s16+$0x0] =	vst.idx.add.f32.msk $0xffff, v23  }
0x3d1: {  	v25 =	vor.u32 v5, v18;
	v23 =	vld [tilespmem:s24+$0xE430]  }
0x3d2: {  	[tilespmem:v26+s16+$0x0] =	vst.idx.add.f32.msk $0xffff, v24  }
0x3d3: {  	v26 =	vor.u32 v16, v20;
	v24 =	vld [tilespmem:s28+$0x8860]  }
0x3d4: {  	[tilespmem:v22+s16+$0x0] =	vst.idx.add.f32.msk $0xffff, v21  }
0x3d5: {  	v22 =	vor.u32 v3, v19;
	v21 =	vld [tilespmem:s25+$0xC410]  }
0x3d6: {  	[tilespmem:v25+s16+$0x0] =	vst.idx.add.f32.msk $0xffff, v23  }
0x3d7: {  	v25 =	vor.u32 v6, v18;
	v23 =	vld [tilespmem:s24+$0xE440]  }
0x3d8: {  	[tilespmem:v26+s16+$0x0] =	vst.idx.add.f32.msk $0xffff, v24  }
0x3d9: {  	s18 =	sadd.s32 $0xFFFFFFC0, s29;
	v20 =	vor.u32 v17, v20;
	v24 =	vld [tilespmem:s28+$0x8870]  }
0x3da: {  	v26 =	vmov s18;
	[tilespmem:v22+s16+$0x0] =	vst.idx.add.f32.msk $0xffff, v21  }
0x3db: {  	v22 =	vor.u32 v4, v19;
	v21 =	vld [tilespmem:s25+$0xC420]  }
0x3dc: {  	[tilespmem:v25+s16+$0x0] =	vst.idx.add.f32.msk $0xffff, v23  }
0x3dd: {  	v23 =	vld [tilespmem:s24+$0xE450]  }
0x3de: {  	[tilespmem:v20+s16+$0x0] =	vst.idx.add.f32.msk $0xffff, v24  }
0x3df: {  	v24 =	vor.u32 v7, v18;
	v20 =	vld.idx.msk [tilespmem:v26+s2+$0x0], $0xffff  }
0x3e0: {  	[tilespmem:v22+s16+$0x0] =	vst.idx.add.f32.msk $0xffff, v21  }
0x3e1: {  	v22 =	vor.u32 v5, v19;
	v21 =	vld [tilespmem:s25+$0xC430];
	_ =	sdelay $0x2  }
0x3e2: {  	[tilespmem:v24+s16+$0x0] =	vst.idx.add.f32.msk $0xffff, v23  }
0x3e3: {  	v25 =	vld [tilespmem:s24+$0xE460]  }
0x3e4: {  	v26 =	vor.u32 v8, v18;
	v23 =	vshll.u32 v20, $0x8;
	v24 =	vshll.u32 v20, $0x7;
	[tilespmem:v22+s16+$0x0] =	vst.idx.add.f32.msk $0xffff, v21  }
0x3e5: {  	v23 =	vand.u32 $0xFFFFF800, v23;
	v24 =	vand.u32 $0x380, v24;
	[tilespmem:v20+s15+$0x0] =	vst.idx.add.f32.msk $0x1, v1  }
0x3e6: {  	v27 =	vor.u32 v6, v19;
	v20 =	vor.u32 v24, v23;
	v22 =	vld [tilespmem:s25+$0xC440]  }
0x3e7: {  	v23 =	vld [tilespmem:s28+$0xA400];
	v24 =	vor.u32 v2, v20;
	_ =	sdelay $0x1  }
0x3e8: {  	[tilespmem:v26+s16+$0x0] =	vst.idx.add.f32.msk $0xffff, v25  }
0x3e9: {  	v21 =	vld [tilespmem:s24+$0xE470]  }
0x3ea: {  	[tilespmem:v27+s16+$0x0] =	vst.idx.add.f32.msk $0xffff, v22;
	v22 =	vor.u32 v9, v18  }
0x3eb: {  	[tilespmem:v24+s16+$0x0] =	vst.idx.add.f32.msk $0xffff, v23  }
0x3ec: {  	v26 =	vor.u32 v3, v20;
	v25 =	vld [tilespmem:s28+$0xA410]  }
0x3ed: {  	s31 =	simm.s32 $0x300;
	s23 =	sor.u32 $0x80, s23;
	s0 =	sadd.s32 $0x1, s29;
	v23 =	vld [tilespmem:s25+$0xC450];
	v24 =	vor.u32 v7, v19  }
.LBB2_7:
0x3ee: {  	s1 =	sadd.s32 $0xFFFFFFA0, s0  }
0x3ef: {  	p1 =	sne.s32 s31, $0x1F00;
	[tilespmem:v22+s16+$0x0] =	vst.idx.add.f32.msk $0xffff, v21;
	s3 =	smov.u32 s31;
	s31 =	sadd.s32 $0x100, s31  }
0x3f0: {  	v27 =	vor.u32 v10, v18;
	v21 =	vmov s1;
	v22 =	vld [tilespmem:s24+$0xE800]  }
0x3f1: {  	[tilespmem:v26+s16+$0x0] =	vst.idx.add.f32.msk $0xffff, v25  }
0x3f2: {  	v25 =	vld [tilespmem:s28+$0xA420]  }
0x3f3: {  	v26 =	vor.u32 v4, v20;
	[tilespmem:v24+s16+$0x0] =	vst.idx.add.f32.msk $0xffff, v23  }
0x3f4: {  	v23 =	vld [tilespmem:s25+$0xC460]  }
0x3f5: {  	v24 =	vor.u32 v8, v19;
	[tilespmem:v27+s16+$0x0] =	vst.idx.add.f32.msk $0xffff, v22  }
0x3f6: {  	v22 =	vld [tilespmem:s24+$0xE810]  }
0x3f7: {  	v27 =	vor.u32 v11, v18;
	v21 =	vld.idx.msk [tilespmem:v21+s2+$0x0], $0xffff  }
0x3f8: {  	[tilespmem:v26+s16+$0x0] =	vst.idx.add.f32.msk $0xffff, v25  }
0x3f9: {  	v26 =	vor.u32 v5, v20;
	v25 =	vld [tilespmem:s28+$0xA430]  }
0x3fa: {  	[tilespmem:v24+s16+$0x0] =	vst.idx.add.f32.msk $0xffff, v23  }
0x3fb: {  	s30 =	sadd.s32 $0x80, s30;
	v23 =	vld [tilespmem:s25+$0xC470]  }
0x3fc: {  	s1 =	sand.u32 $0x1800, s3;
	s3 =	sand.u32 $0x380, s30;
	v24 =	vor.u32 v9, v19;
	[tilespmem:v27+s16+$0x0] =	vst.idx.add.f32.msk $0xffff, v22  }
0x3fd: {  	s1 =	sor.u32 s3, s1;
	v22 =	vshll.u32 v21, $0x7;
	v27 =	vld [tilespmem:s24+$0xE820]  }
0x3fe: {  	v28 =	vshll.u32 v21, $0x8;
	[tilespmem:v26+s16+$0x0] =	vst.idx.add.f32.msk $0xffff, v25;
	v25 =	vor.u32 v12, v18  }
0x3ff: {  	v29 =	vor.u32 v6, v20;
	v22 =	vand.u32 $0x380, v22;
	v26 =	vand.u32 $0xFFFFF800, v28;
	v28 =	vld [tilespmem:s28+$0xA440]  }
0x400: {  	[tilespmem:v21+s15+$0x0] =	vst.idx.add.f32.msk $0x1, v1;
	v21 =	vor.u32 v22, v26  }
0x401: {  	v22 =	vor.u32 v2, v21;
	[tilespmem:v24+s16+$0x0] =	vst.idx.add.f32.msk $0xffff, v23  }
0x402: {  	v24 =	vor.u32 v10, v19;
	v23 =	vld [tilespmem:s25+$0xC800]  }
0x403: {  	[tilespmem:v25+s16+$0x0] =	vst.idx.add.f32.msk $0xffff, v27  }
0x404: {  	[tilespmem:v29+s16+$0x0] =	vst.idx.add.f32.msk $0xffff, v28  }
0x405: {  	v25 =	vld [tilespmem:s1+$0x8400]  }
0x406: {  	v26 =	vld [tilespmem:s28+$0xA450]  }
0x407: {  	v27 =	vor.u32 v3, v21;
	v28 =	vor.u32 v7, v20;
	[tilespmem:v24+s16+$0x0] =	vst.idx.add.f32.msk $0xffff, v23  }
0x408: {  	v23 =	vld [tilespmem:s25+$0xC810]  }
0x409: {  	v24 =	vor.u32 v11, v19;
	v29 =	vld [tilespmem:s24+$0xE830]  }
0x40a: {  	[tilespmem:v22+s16+$0x0] =	vst.idx.add.f32.msk $0xffff, v25  }
0x40b: {  	v22 =	vld [tilespmem:s1+$0x8410]  }
0x40c: {  	[tilespmem:v28+s16+$0x0] =	vst.idx.add.f32.msk $0xffff, v26  }
0x40d: {  	v25 =	vor.u32 v4, v21;
	v28 =	vor.u32 v8, v20;
	v26 =	vld [tilespmem:s28+$0xA460]  }
0x40e: {  	[tilespmem:v24+s16+$0x0] =	vst.idx.add.f32.msk $0xffff, v23  }
0x40f: {  	v24 =	vor.u32 v12, v19;
	v23 =	vld [tilespmem:s25+$0xC820]  }
0x410: {  	[tilespmem:v27+s16+$0x0] =	vst.idx.add.f32.msk $0xffff, v22  }
0x411: {  	v22 =	vld [tilespmem:s1+$0x8420]  }
0x412: {  	[tilespmem:v28+s16+$0x0] =	vst.idx.add.f32.msk $0xffff, v26  }
0x413: {  	v26 =	vor.u32 v5, v21;
	v28 =	vor.u32 v9, v20;
	v27 =	vld [tilespmem:s28+$0xA470]  }
0x414: {  	[tilespmem:v24+s16+$0x0] =	vst.idx.add.f32.msk $0xffff, v23  }
0x415: {  	v24 =	vor.u32 v13, v19;
	v23 =	vld [tilespmem:s25+$0xC830]  }
0x416: {  	[tilespmem:v25+s16+$0x0] =	vst.idx.add.f32.msk $0xffff, v22  }
0x417: {  	v22 =	vld [tilespmem:s1+$0x8430]  }
0x418: {  	[tilespmem:v28+s16+$0x0] =	vst.idx.add.f32.msk $0xffff, v27  }
0x419: {  	v25 =	vor.u32 v6, v21;
	v28 =	vor.u32 v10, v20;
	v27 =	vld [tilespmem:s28+$0xA800]  }
0x41a: {  	[tilespmem:v24+s16+$0x0] =	vst.idx.add.f32.msk $0xffff, v23  }
0x41b: {  	v24 =	vor.u32 v14, v19;
	v23 =	vld [tilespmem:s25+$0xC840]  }
0x41c: {  	[tilespmem:v26+s16+$0x0] =	vst.idx.add.f32.msk $0xffff, v22  }
0x41d: {  	v22 =	vld [tilespmem:s1+$0x8440]  }
0x41e: {  	[tilespmem:v28+s16+$0x0] =	vst.idx.add.f32.msk $0xffff, v27  }
0x41f: {  	v26 =	vor.u32 v7, v21;
	v28 =	vor.u32 v11, v20;
	v27 =	vld [tilespmem:s28+$0xA810]  }
0x420: {  	[tilespmem:v24+s16+$0x0] =	vst.idx.add.f32.msk $0xffff, v23  }
0x421: {  	v24 =	vor.u32 v15, v19;
	v23 =	vld [tilespmem:s25+$0xC850]  }
0x422: {  	[tilespmem:v25+s16+$0x0] =	vst.idx.add.f32.msk $0xffff, v22  }
0x423: {  	v22 =	vld [tilespmem:s1+$0x8450]  }
0x424: {  	[tilespmem:v28+s16+$0x0] =	vst.idx.add.f32.msk $0xffff, v27  }
0x425: {  	v25 =	vor.u32 v8, v21;
	v28 =	vor.u32 v12, v20;
	v27 =	vld [tilespmem:s28+$0xA820]  }
0x426: {  	[tilespmem:v24+s16+$0x0] =	vst.idx.add.f32.msk $0xffff, v23  }
0x427: {  	v24 =	vor.u32 v16, v19;
	v23 =	vld [tilespmem:s25+$0xC860]  }
0x428: {  	[tilespmem:v26+s16+$0x0] =	vst.idx.add.f32.msk $0xffff, v22  }
0x429: {  	v22 =	vld [tilespmem:s1+$0x8460]  }
0x42a: {  	[tilespmem:v28+s16+$0x0] =	vst.idx.add.f32.msk $0xffff, v27  }
0x42b: {  	v26 =	vor.u32 v9, v21;
	v28 =	vor.u32 v13, v20;
	v27 =	vld [tilespmem:s28+$0xA830]  }
0x42c: {  	[tilespmem:v24+s16+$0x0] =	vst.idx.add.f32.msk $0xffff, v23  }
0x42d: {  	v19 =	vor.u32 v17, v19;
	v23 =	vld [tilespmem:s25+$0xC870]  }
0x42e: {  	[tilespmem:v25+s16+$0x0] =	vst.idx.add.f32.msk $0xffff, v22;
	v22 =	vmov s26;
	s26 =	smov.u32 s29;
	s29 =	smov.u32 s0  }
0x42f: {  	v24 =	vld [tilespmem:s1+$0x8470]  }
0x430: {  	[tilespmem:v28+s16+$0x0] =	vst.idx.add.f32.msk $0xffff, v27  }
0x431: {  	v25 =	vor.u32 v10, v21;
	v28 =	vor.u32 v14, v20;
	v27 =	vld [tilespmem:s28+$0xA840]  }
0x432: {  	[tilespmem:v19+s16+$0x0] =	vst.idx.add.f32.msk $0xffff, v23  }
0x433: {  	v19 =	vld.idx.msk [tilespmem:v22+s2+$0x0], $0xffff;
	v22 =	vor.u32 v13, v18  }
0x434: {  	[tilespmem:v26+s16+$0x0] =	vst.idx.add.f32.msk $0xffff, v24  }
0x435: {  	v23 =	vld [tilespmem:s1+$0x8800]  }
0x436: {  	[tilespmem:v28+s16+$0x0] =	vst.idx.add.f32.msk $0xffff, v27  }
0x437: {  	v24 =	vor.u32 v11, v21;
	v27 =	vor.u32 v15, v20;
	v26 =	vld [tilespmem:s28+$0xA850]  }
0x438: {  	[tilespmem:v22+s16+$0x0] =	vst.idx.add.f32.msk $0xffff, v29  }
0x439: {  	v22 =	vshll.u32 v19, $0x8;
	v28 =	vshll.u32 v19, $0x7;
	v29 =	vld [tilespmem:s24+$0xE840]  }
0x43a: {  	[tilespmem:v25+s16+$0x0] =	vst.idx.add.f32.msk $0xffff, v23;
	v23 =	vand.u32 $0x380, v28  }
0x43b: {  	v25 =	vld [tilespmem:s1+$0x8810]  }
0x43c: {  	[tilespmem:v27+s16+$0x0] =	vst.idx.add.f32.msk $0xffff, v26  }
0x43d: {  	v22 =	vand.u32 $0xFFFFF800, v22;
	v28 =	vor.u32 v16, v20;
	v26 =	vor.u32 v12, v21;
	v27 =	vld [tilespmem:s28+$0xA860]  }
0x43e: {  	v22 =	vor.u32 v23, v22;
	[tilespmem:v19+s15+$0x0] =	vst.idx.add.f32.msk $0x1, v1  }
0x43f: {  	v23 =	vor.u32 v2, v22;
	v19 =	vld [tilespmem:s25+$0xE400]  }
0x440: {  	[tilespmem:v24+s16+$0x0] =	vst.idx.add.f32.msk $0xffff, v25  }
0x441: {  	v24 =	vld [tilespmem:s1+$0x8820]  }
0x442: {  	[tilespmem:v28+s16+$0x0] =	vst.idx.add.f32.msk $0xffff, v27  }
0x443: {  	s3 =	sadd.s32 $0xFFFFFFE0, s26;
	v20 =	vor.u32 v17, v20;
	v25 =	vld [tilespmem:s28+$0xA870]  }
0x444: {  	v27 =	vmov s3;
	[tilespmem:v23+s16+$0x0] =	vst.idx.add.f32.msk $0xffff, v19  }
0x445: {  	v28 =	vor.u32 v3, v22;
	v19 =	vor.u32 v13, v21;
	v23 =	vld [tilespmem:s25+$0xE410]  }
0x446: {  	[tilespmem:v26+s16+$0x0] =	vst.idx.add.f32.msk $0xffff, v24  }
0x447: {  	v24 =	vld [tilespmem:s1+$0x8830]  }
0x448: {  	[tilespmem:v20+s16+$0x0] =	vst.idx.add.f32.msk $0xffff, v25  }
0x449: {  	v26 =	vor.u32 v14, v18;
	v20 =	vor.u32 v14, v21;
	v25 =	vld.idx.msk [tilespmem:v27+s2+$0x0], $0xffff  }
0x44a: {  	[tilespmem:v28+s16+$0x0] =	vst.idx.add.f32.msk $0xffff, v23  }
0x44b: {  	v27 =	vor.u32 v4, v22;
	v23 =	vld [tilespmem:s25+$0xE420]  }
0x44c: {  	[tilespmem:v19+s16+$0x0] =	vst.idx.add.f32.msk $0xffff, v24  }
0x44d: {  	v24 =	vld [tilespmem:s1+$0x8840]  }
0x44e: {  	[tilespmem:v26+s16+$0x0] =	vst.idx.add.f32.msk $0xffff, v29  }
0x44f: {  	v19 =	vshll.u32 v25, $0x8;
	v26 =	vshll.u32 v25, $0x7;
	v28 =	vld [tilespmem:s24+$0xE850]  }
0x450: {  	v19 =	vand.u32 $0xFFFFF800, v19;
	v26 =	vand.u32 $0x380, v26;
	[tilespmem:v27+s16+$0x0] =	vst.idx.add.f32.msk $0xffff, v23  }
0x451: {  	v19 =	vor.u32 v26, v19;
	v23 =	vor.u32 v15, v18;
	[tilespmem:v25+s15+$0x0] =	vst.idx.add.f32.msk $0x1, v1  }
0x452: {  	[tilespmem:v20+s16+$0x0] =	vst.idx.add.f32.msk $0xffff, v24  }
0x453: {  	v24 =	vor.u32 v15, v21;
	v20 =	vld [tilespmem:s1+$0x8850]  }
0x454: {  	v25 =	vld [tilespmem:s28+$0xC400]  }
0x455: {  	v26 =	vor.u32 v2, v19;
	v27 =	vld [tilespmem:s25+$0xE430]  }
0x456: {  	[tilespmem:v23+s16+$0x0] =	vst.idx.add.f32.msk $0xffff, v28  }
0x457: {  	v23 =	vor.u32 v5, v22;
	v28 =	vld [tilespmem:s24+$0xE860]  }
0x458: {  	[tilespmem:v24+s16+$0x0] =	vst.idx.add.f32.msk $0xffff, v20  }
0x459: {  	v24 =	vor.u32 v16, v21;
	v20 =	vld [tilespmem:s1+$0x8860]  }
0x45a: {  	[tilespmem:v26+s16+$0x0] =	vst.idx.add.f32.msk $0xffff, v25  }
0x45b: {  	v26 =	vor.u32 v3, v19;
	v25 =	vld [tilespmem:s28+$0xC410]  }
0x45c: {  	[tilespmem:v23+s16+$0x0] =	vst.idx.add.f32.msk $0xffff, v27  }
0x45d: {  	v27 =	vor.u32 v6, v22;
	v23 =	vld [tilespmem:s25+$0xE440]  }
0x45e: {  	[tilespmem:v24+s16+$0x0] =	vst.idx.add.f32.msk $0xffff, v20  }
0x45f: {  	s3 =	sadd.s32 $0xFFFFFFC0, s0;
	v21 =	vor.u32 v17, v21;
	v20 =	vld [tilespmem:s1+$0x8870]  }
0x460: {  	v24 =	vmov s3;
	[tilespmem:v26+s16+$0x0] =	vst.idx.add.f32.msk $0xffff, v25  }
0x461: {  	v26 =	vor.u32 v4, v19;
	v25 =	vld [tilespmem:s28+$0xC420]  }
0x462: {  	[tilespmem:v27+s16+$0x0] =	vst.idx.add.f32.msk $0xffff, v23  }
0x463: {  	v27 =	vor.u32 v7, v22;
	v23 =	vld [tilespmem:s25+$0xE450]  }
0x464: {  	[tilespmem:v21+s16+$0x0] =	vst.idx.add.f32.msk $0xffff, v20  }
0x465: {  	v21 =	vor.u32 v16, v18;
	v20 =	vld.idx.msk [tilespmem:v24+s2+$0x0], $0xffff  }
0x466: {  	[tilespmem:v26+s16+$0x0] =	vst.idx.add.f32.msk $0xffff, v25  }
0x467: {  	v25 =	vor.u32 v5, v19;
	v24 =	vld [tilespmem:s28+$0xC430]  }
0x468: {  	[tilespmem:v27+s16+$0x0] =	vst.idx.add.f32.msk $0xffff, v23  }
0x469: {  	v23 =	vld [tilespmem:s25+$0xE460]  }
0x46a: {  	[tilespmem:v21+s16+$0x0] =	vst.idx.add.f32.msk $0xffff, v28  }
0x46b: {  	v27 =	vor.u32 v8, v22;
	v21 =	vshll.u32 v20, $0x8;
	v26 =	vshll.u32 v20, $0x7;
	v28 =	vld [tilespmem:s24+$0xE870];
	s24 =	smov.u32 s25;
	s25 =	smov.u32 s28;
	s28 =	smov.u32 s1  }
0x46c: {  	v21 =	vand.u32 $0xFFFFF800, v21;
	v26 =	vand.u32 $0x380, v26;
	[tilespmem:v25+s16+$0x0] =	vst.idx.add.f32.msk $0xffff, v24  }
0x46d: {  	v24 =	vor.u32 v17, v18;
	v18 =	vmov v22;
	[tilespmem:v20+s15+$0x0] =	vst.idx.add.f32.msk $0x1, v1;
	v20 =	vor.u32 v26, v21  }
0x46e: {  	v25 =	vld [tilespmem:s28+$0xA400];
	v26 =	vor.u32 v2, v20  }
0x46f: {  	v29 =	vld [tilespmem:s25+$0xC440]  }
0x470: {  	v30 =	vor.u32 v6, v19;
	[tilespmem:v27+s16+$0x0] =	vst.idx.add.f32.msk $0xffff, v23  }
0x471: {  	v21 =	vld [tilespmem:s24+$0xE470]  }
.Ltmp4:
0x472: {  	v22 =	vor.u32 v9, v18;
	[tilespmem:v24+s16+$0x0] =	vst.idx.add.f32.msk $0xffff, v28;
	(pc) =	sbr.rel @p1 .LBB2_7-.Ltmp4, $4  }
0x473: {  	[tilespmem:v26+s16+$0x0] =	vst.idx.add.f32.msk $0xffff, v25  }
0x474: {  	v26 =	vor.u32 v3, v20;
	v25 =	vld [tilespmem:s28+$0xA410]  }
0x475: {  	[tilespmem:v30+s16+$0x0] =	vst.idx.add.f32.msk $0xffff, v29  }
0x476: {  	s0 =	sadd.s32 $0x1, s0;
	v24 =	vor.u32 v7, v19;
	v23 =	vld [tilespmem:s25+$0xC450]  }
0x477: {  	_ =	sdelay $0x3  }
0x478: {  	[tilespmem:v26+s16+$0x0] =	vst.idx.add.f32.msk $0xffff, v25  }
0x479: {  	v51 =	vor.u32 v4, v20;
	v25 =	vld [tilespmem:s28+$0xA420];
	_ =	sdelay $0x4  }
0x47a: {  	[tilespmem:v51+s16+$0x0] =	vst.idx.add.f32.msk $0xffff, v25  }
0x47b: {  	v52 =	vor.u32 v5, v20;
	v25 =	vld [tilespmem:s28+$0xA430];
	_ =	sdelay $0x4  }
0x47c: {  	[tilespmem:v52+s16+$0x0] =	vst.idx.add.f32.msk $0xffff, v25  }
0x47d: {  	v53 =	vor.u32 v6, v20;
	v25 =	vld [tilespmem:s28+$0xA440];
	_ =	sdelay $0x4  }
0x47e: {  	[tilespmem:v53+s16+$0x0] =	vst.idx.add.f32.msk $0xffff, v25  }
0x47f: {  	v54 =	vor.u32 v7, v20;
	v25 =	vld [tilespmem:s28+$0xA450];
	_ =	sdelay $0x4  }
0x480: {  	[tilespmem:v54+s16+$0x0] =	vst.idx.add.f32.msk $0xffff, v25  }
0x481: {  	v55 =	vor.u32 v8, v20;
	v25 =	vld [tilespmem:s28+$0xA460];
	_ =	sdelay $0x4  }
0x482: {  	[tilespmem:v55+s16+$0x0] =	vst.idx.add.f32.msk $0xffff, v25  }
0x483: {  	v56 =	vor.u32 v9, v20;
	v25 =	vld [tilespmem:s28+$0xA470];
	_ =	sdelay $0x4  }
0x484: {  	[tilespmem:v56+s16+$0x0] =	vst.idx.add.f32.msk $0xffff, v25  }
0x485: {  	v57 =	vor.u32 v10, v20;
	v25 =	vld [tilespmem:s28+$0xA800];
	_ =	sdelay $0x4  }
0x486: {  	[tilespmem:v57+s16+$0x0] =	vst.idx.add.f32.msk $0xffff, v25  }
0x487: {  	v58 =	vor.u32 v11, v20;
	v25 =	vld [tilespmem:s28+$0xA810];
	_ =	sdelay $0x4  }
0x488: {  	[tilespmem:v58+s16+$0x0] =	vst.idx.add.f32.msk $0xffff, v25  }
0x489: {  	v59 =	vor.u32 v12, v20;
	v25 =	vld [tilespmem:s28+$0xA820];
	_ =	sdelay $0x4  }
0x48a: {  	[tilespmem:v59+s16+$0x0] =	vst.idx.add.f32.msk $0xffff, v25  }
0x48b: {  	v60 =	vor.u32 v13, v20;
	v25 =	vld [tilespmem:s28+$0xA830];
	_ =	sdelay $0x4  }
0x48c: {  	[tilespmem:v60+s16+$0x0] =	vst.idx.add.f32.msk $0xffff, v25  }
0x48d: {  	v61 =	vor.u32 v14, v20;
	v25 =	vld [tilespmem:s28+$0xA840];
	_ =	sdelay $0x4  }
0x48e: {  	[tilespmem:v61+s16+$0x0] =	vst.idx.add.f32.msk $0xffff, v25  }
0x48f: {  	v62 =	vor.u32 v15, v20;
	v25 =	vld [tilespmem:s28+$0xA850];
	_ =	sdelay $0x4  }
0x490: {  	[tilespmem:v62+s16+$0x0] =	vst.idx.add.f32.msk $0xffff, v25  }
0x491: {  	v63 =	vor.u32 v16, v20;
	v25 =	vld [tilespmem:s28+$0xA860];
	_ =	sdelay $0x4  }
0x492: {  	[tilespmem:v63+s16+$0x0] =	vst.idx.add.f32.msk $0xffff, v25  }
0x493: {  	v28 =	vor.u32 v17, v20;
	s0 =	sadd.s32 $0xFFFFFFE0, s29;
	v25 =	vld [tilespmem:s28+$0xA870]  }
0x494: {  	v29 =	vmov s0;
	_ =	sdelay $0x3  }
0x495: {  	[tilespmem:v28+s16+$0x0] =	vst.idx.add.f32.msk $0xffff, v25  }
0x496: {  	v20 =	vld.idx.msk [tilespmem:v29+s2+$0x0], $0xffff;
	_ =	sdelay $0x5  }
0x497: {  	v30 =	vshll.u32 v20, $0x8;
	v26 =	vshll.u32 v20, $0x7  }
0x498: {  	v25 =	vand.u32 $0xFFFFF800, v30;
	v26 =	vand.u32 $0x380, v26  }
0x499: {  	v31 =	vor.u32 v26, v25;
	[tilespmem:v20+s15+$0x0] =	vst.idx.add.f32.msk $0x1, v1  }
0x49a: {  	v26 =	vor.u32 v2, v31;
	v32 =	vld [tilespmem:s28+$0xC400];
	_ =	sdelay $0x4  }
0x49b: {  	[tilespmem:v26+s16+$0x0] =	vst.idx.add.f32.msk $0xffff, v32  }
0x49c: {  	v33 =	vor.u32 v3, v31;
	v25 =	vld [tilespmem:s28+$0xC410];
	_ =	sdelay $0x4  }
0x49d: {  	[tilespmem:v33+s16+$0x0] =	vst.idx.add.f32.msk $0xffff, v25  }
0x49e: {  	v34 =	vor.u32 v4, v31;
	v25 =	vld [tilespmem:s28+$0xC420];
	_ =	sdelay $0x4  }
0x49f: {  	[tilespmem:v34+s16+$0x0] =	vst.idx.add.f32.msk $0xffff, v25  }
0x4a0: {  	v35 =	vor.u32 v5, v31;
	v25 =	vld [tilespmem:s28+$0xC430];
	_ =	sdelay $0x4  }
0x4a1: {  	[tilespmem:v35+s16+$0x0] =	vst.idx.add.f32.msk $0xffff, v25  }
0x4a2: {  	v36 =	vor.u32 v6, v31;
	v25 =	vld [tilespmem:s28+$0xC440];
	_ =	sdelay $0x4  }
0x4a3: {  	[tilespmem:v36+s16+$0x0] =	vst.idx.add.f32.msk $0xffff, v25  }
0x4a4: {  	v37 =	vor.u32 v7, v31;
	v25 =	vld [tilespmem:s28+$0xC450];
	_ =	sdelay $0x2  }
0x4a5: {  	[tilespmem:v24+s16+$0x0] =	vst.idx.add.f32.msk $0xffff, v23  }
0x4a6: {  	v38 =	vor.u32 v8, v19;
	v23 =	vld [tilespmem:s25+$0xC460]  }
0x4a7: {  	[tilespmem:v37+s16+$0x0] =	vst.idx.add.f32.msk $0xffff, v25  }
0x4a8: {  	v39 =	vor.u32 v8, v31;
	v25 =	vld [tilespmem:s28+$0xC460];
	_ =	sdelay $0x2  }
0x4a9: {  	[tilespmem:v38+s16+$0x0] =	vst.idx.add.f32.msk $0xffff, v23  }
0x4aa: {  	v40 =	vor.u32 v9, v19;
	v23 =	vld [tilespmem:s25+$0xC470]  }
0x4ab: {  	[tilespmem:v39+s16+$0x0] =	vst.idx.add.f32.msk $0xffff, v25  }
0x4ac: {  	v41 =	vor.u32 v9, v31;
	v25 =	vld [tilespmem:s28+$0xC470];
	_ =	sdelay $0x2  }
0x4ad: {  	[tilespmem:v40+s16+$0x0] =	vst.idx.add.f32.msk $0xffff, v23  }
0x4ae: {  	v42 =	vor.u32 v10, v19;
	v23 =	vld [tilespmem:s25+$0xC800]  }
0x4af: {  	[tilespmem:v41+s16+$0x0] =	vst.idx.add.f32.msk $0xffff, v25  }
0x4b0: {  	v43 =	vor.u32 v10, v31;
	v25 =	vld [tilespmem:s28+$0xC800];
	_ =	sdelay $0x2  }
0x4b1: {  	[tilespmem:v42+s16+$0x0] =	vst.idx.add.f32.msk $0xffff, v23  }
0x4b2: {  	v44 =	vor.u32 v11, v19;
	v23 =	vld [tilespmem:s25+$0xC810]  }
0x4b3: {  	[tilespmem:v43+s16+$0x0] =	vst.idx.add.f32.msk $0xffff, v25  }
0x4b4: {  	v45 =	vor.u32 v11, v31;
	v25 =	vld [tilespmem:s28+$0xC810];
	_ =	sdelay $0x2  }
0x4b5: {  	[tilespmem:v44+s16+$0x0] =	vst.idx.add.f32.msk $0xffff, v23  }
0x4b6: {  	v46 =	vor.u32 v12, v19;
	v23 =	vld [tilespmem:s25+$0xC820]  }
0x4b7: {  	[tilespmem:v45+s16+$0x0] =	vst.idx.add.f32.msk $0xffff, v25  }
0x4b8: {  	v47 =	vor.u32 v12, v31;
	v25 =	vld [tilespmem:s28+$0xC820];
	_ =	sdelay $0x2  }
0x4b9: {  	[tilespmem:v46+s16+$0x0] =	vst.idx.add.f32.msk $0xffff, v23  }
0x4ba: {  	v48 =	vor.u32 v13, v19;
	v23 =	vld [tilespmem:s25+$0xC830]  }
0x4bb: {  	[tilespmem:v47+s16+$0x0] =	vst.idx.add.f32.msk $0xffff, v25  }
0x4bc: {  	v49 =	vor.u32 v13, v31;
	v25 =	vld [tilespmem:s28+$0xC830];
	_ =	sdelay $0x2  }
0x4bd: {  	[tilespmem:v48+s16+$0x0] =	vst.idx.add.f32.msk $0xffff, v23  }
0x4be: {  	v50 =	vor.u32 v14, v19;
	v23 =	vld [tilespmem:s25+$0xC840]  }
0x4bf: {  	[tilespmem:v49+s16+$0x0] =	vst.idx.add.f32.msk $0xffff, v25  }
0x4c0: {  	v51 =	vor.u32 v14, v31;
	v25 =	vld [tilespmem:s28+$0xC840];
	_ =	sdelay $0x2  }
0x4c1: {  	[tilespmem:v50+s16+$0x0] =	vst.idx.add.f32.msk $0xffff, v23  }
0x4c2: {  	v52 =	vor.u32 v15, v19;
	v23 =	vld [tilespmem:s25+$0xC850]  }
0x4c3: {  	[tilespmem:v51+s16+$0x0] =	vst.idx.add.f32.msk $0xffff, v25  }
0x4c4: {  	v53 =	vor.u32 v15, v31;
	v25 =	vld [tilespmem:s28+$0xC850];
	_ =	sdelay $0x2  }
0x4c5: {  	[tilespmem:v52+s16+$0x0] =	vst.idx.add.f32.msk $0xffff, v23  }
0x4c6: {  	v54 =	vor.u32 v16, v19;
	v23 =	vld [tilespmem:s25+$0xC860]  }
0x4c7: {  	[tilespmem:v53+s16+$0x0] =	vst.idx.add.f32.msk $0xffff, v25  }
0x4c8: {  	v55 =	vor.u32 v16, v31;
	v25 =	vld [tilespmem:s28+$0xC860];
	_ =	sdelay $0x2  }
0x4c9: {  	[tilespmem:v54+s16+$0x0] =	vst.idx.add.f32.msk $0xffff, v23  }
0x4ca: {  	v19 =	vor.u32 v17, v19;
	v23 =	vld [tilespmem:s25+$0xC870]  }
0x4cb: {  	v56 =	vmov s26;
	[tilespmem:v55+s16+$0x0] =	vst.idx.add.f32.msk $0xffff, v25  }
0x4cc: {  	v20 =	vor.u32 v17, v31;
	v25 =	vld [tilespmem:s28+$0xC870]  }
0x4cd: {  	v57 =	vmov s29;
	_ =	sdelay $0x1  }
0x4ce: {  	[tilespmem:v19+s16+$0x0] =	vst.idx.add.f32.msk $0xffff, v23  }
0x4cf: {  	v19 =	vld.idx.msk [tilespmem:v56+s2+$0x0], $0xffff  }
0x4d0: {  	[tilespmem:v20+s16+$0x0] =	vst.idx.add.f32.msk $0xffff, v25  }
0x4d1: {  	v20 =	vld.idx.msk [tilespmem:v57+s2+$0x0], $0xffff;
	_ =	sdelay $0x3  }
0x4d2: {  	v58 =	vshll.u32 v19, $0x8;
	v24 =	vshll.u32 v19, $0x7  }
0x4d3: {  	v24 =	vand.u32 $0x380, v24;
	v23 =	vand.u32 $0xFFFFF800, v58  }
0x4d4: {  	[tilespmem:v19+s15+$0x0] =	vst.idx.add.f32.msk $0x1, v1;
	v19 =	vor.u32 v24, v23;
	v59 =	vshll.u32 v20, $0x8;
	v60 =	vshll.u32 v20, $0x7  }
0x4d5: {  	v61 =	vld [tilespmem:s25+$0xE400];
	v62 =	vor.u32 v2, v19;
	v24 =	vand.u32 $0x380, v60;
	v23 =	vand.u32 $0xFFFFF800, v59  }
0x4d6: {  	[tilespmem:v20+s15+$0x0] =	vst.idx.add.f32.msk $0x1, v1;
	v20 =	vor.u32 v24, v23  }
0x4d7: {  	v63 =	vld [tilespmem:s28+$0xE400];
	v24 =	vor.u32 v2, v20;
	_ =	sdelay $0x2  }
0x4d8: {  	[tilespmem:v62+s16+$0x0] =	vst.idx.add.f32.msk $0xffff, v61  }
0x4d9: {  	v28 =	vor.u32 v3, v19;
	v25 =	vld [tilespmem:s25+$0xE410]  }
0x4da: {  	[tilespmem:v24+s16+$0x0] =	vst.idx.add.f32.msk $0xffff, v63  }
0x4db: {  	v29 =	vor.u32 v3, v20;
	v23 =	vld [tilespmem:s28+$0xE410];
	_ =	sdelay $0x2  }
0x4dc: {  	[tilespmem:v28+s16+$0x0] =	vst.idx.add.f32.msk $0xffff, v25  }
0x4dd: {  	v30 =	vor.u32 v4, v19;
	v25 =	vld [tilespmem:s25+$0xE420]  }
0x4de: {  	[tilespmem:v29+s16+$0x0] =	vst.idx.add.f32.msk $0xffff, v23  }
0x4df: {  	v31 =	vor.u32 v4, v20;
	v23 =	vld [tilespmem:s28+$0xE420];
	_ =	sdelay $0x2  }
0x4e0: {  	[tilespmem:v30+s16+$0x0] =	vst.idx.add.f32.msk $0xffff, v25  }
0x4e1: {  	v32 =	vor.u32 v5, v19;
	v25 =	vld [tilespmem:s25+$0xE430]  }
0x4e2: {  	[tilespmem:v31+s16+$0x0] =	vst.idx.add.f32.msk $0xffff, v23  }
0x4e3: {  	v33 =	vor.u32 v5, v20;
	v23 =	vld [tilespmem:s28+$0xE430];
	_ =	sdelay $0x2  }
0x4e4: {  	[tilespmem:v32+s16+$0x0] =	vst.idx.add.f32.msk $0xffff, v25  }
0x4e5: {  	v34 =	vor.u32 v6, v19;
	v25 =	vld [tilespmem:s25+$0xE440]  }
0x4e6: {  	[tilespmem:v33+s16+$0x0] =	vst.idx.add.f32.msk $0xffff, v23  }
0x4e7: {  	v35 =	vor.u32 v6, v20;
	v23 =	vld [tilespmem:s28+$0xE440];
	_ =	sdelay $0x2  }
0x4e8: {  	[tilespmem:v34+s16+$0x0] =	vst.idx.add.f32.msk $0xffff, v25  }
0x4e9: {  	v36 =	vor.u32 v7, v19;
	v25 =	vld [tilespmem:s25+$0xE450]  }
0x4ea: {  	[tilespmem:v35+s16+$0x0] =	vst.idx.add.f32.msk $0xffff, v23  }
0x4eb: {  	v37 =	vor.u32 v7, v20;
	v23 =	vld [tilespmem:s28+$0xE450];
	_ =	sdelay $0x2  }
0x4ec: {  	[tilespmem:v36+s16+$0x0] =	vst.idx.add.f32.msk $0xffff, v25  }
0x4ed: {  	v38 =	vor.u32 v8, v19;
	v25 =	vld [tilespmem:s25+$0xE460]  }
0x4ee: {  	[tilespmem:v37+s16+$0x0] =	vst.idx.add.f32.msk $0xffff, v23  }
0x4ef: {  	v39 =	vor.u32 v8, v20;
	v23 =	vld [tilespmem:s28+$0xE460];
	_ =	sdelay $0x2  }
0x4f0: {  	[tilespmem:v38+s16+$0x0] =	vst.idx.add.f32.msk $0xffff, v25  }
0x4f1: {  	v40 =	vor.u32 v9, v19;
	v25 =	vld [tilespmem:s25+$0xE470]  }
0x4f2: {  	[tilespmem:v39+s16+$0x0] =	vst.idx.add.f32.msk $0xffff, v23  }
0x4f3: {  	v41 =	vor.u32 v9, v20;
	v23 =	vld [tilespmem:s28+$0xE470]  }
0x4f4: {  	[tilespmem:v22+s16+$0x0] =	vst.idx.add.f32.msk $0xffff, v21  }
0x4f5: {  	v21 =	vld [tilespmem:s24+$0xE800];
	v42 =	vor.u32 v10, v18  }
0x4f6: {  	[tilespmem:v40+s16+$0x0] =	vst.idx.add.f32.msk $0xffff, v25  }
0x4f7: {  	v43 =	vor.u32 v10, v19;
	v25 =	vld [tilespmem:s25+$0xE800]  }
0x4f8: {  	[tilespmem:v41+s16+$0x0] =	vst.idx.add.f32.msk $0xffff, v23  }
0x4f9: {  	v44 =	vor.u32 v10, v20;
	v23 =	vld [tilespmem:s28+$0xE800]  }
0x4fa: {  	[tilespmem:v42+s16+$0x0] =	vst.idx.add.f32.msk $0xffff, v21  }
0x4fb: {  	v21 =	vld [tilespmem:s24+$0xE810];
	v45 =	vor.u32 v11, v18  }
0x4fc: {  	[tilespmem:v43+s16+$0x0] =	vst.idx.add.f32.msk $0xffff, v25  }
0x4fd: {  	v46 =	vor.u32 v11, v19;
	v25 =	vld [tilespmem:s25+$0xE810]  }
0x4fe: {  	[tilespmem:v44+s16+$0x0] =	vst.idx.add.f32.msk $0xffff, v23  }
0x4ff: {  	v47 =	vor.u32 v11, v20;
	v23 =	vld [tilespmem:s28+$0xE810]  }
0x500: {  	[tilespmem:v45+s16+$0x0] =	vst.idx.add.f32.msk $0xffff, v21  }
0x501: {  	v48 =	vor.u32 v12, v18;
	v21 =	vld [tilespmem:s24+$0xE820]  }
0x502: {  	[tilespmem:v46+s16+$0x0] =	vst.idx.add.f32.msk $0xffff, v25  }
0x503: {  	v49 =	vor.u32 v12, v19;
	v25 =	vld [tilespmem:s25+$0xE820]  }
0x504: {  	[tilespmem:v47+s16+$0x0] =	vst.idx.add.f32.msk $0xffff, v23  }
0x505: {  	v50 =	vor.u32 v12, v20;
	v23 =	vld [tilespmem:s28+$0xE820]  }
0x506: {  	[tilespmem:v48+s16+$0x0] =	vst.idx.add.f32.msk $0xffff, v21  }
0x507: {  	v21 =	vld [tilespmem:s24+$0xE830];
	v51 =	vor.u32 v13, v18  }
0x508: {  	[tilespmem:v49+s16+$0x0] =	vst.idx.add.f32.msk $0xffff, v25  }
0x509: {  	v52 =	vor.u32 v13, v19;
	v25 =	vld [tilespmem:s25+$0xE830]  }
0x50a: {  	[tilespmem:v50+s16+$0x0] =	vst.idx.add.f32.msk $0xffff, v23  }
0x50b: {  	v53 =	vor.u32 v13, v20;
	v23 =	vld [tilespmem:s28+$0xE830]  }
0x50c: {  	[tilespmem:v51+s16+$0x0] =	vst.idx.add.f32.msk $0xffff, v21  }
0x50d: {  	v54 =	vor.u32 v14, v18;
	v21 =	vld [tilespmem:s24+$0xE840]  }
0x50e: {  	[tilespmem:v52+s16+$0x0] =	vst.idx.add.f32.msk $0xffff, v25  }
0x50f: {  	v55 =	vor.u32 v14, v19;
	v25 =	vld [tilespmem:s25+$0xE840]  }
0x510: {  	[tilespmem:v53+s16+$0x0] =	vst.idx.add.f32.msk $0xffff, v23  }
0x511: {  	v56 =	vor.u32 v14, v20;
	v23 =	vld [tilespmem:s28+$0xE840]  }
0x512: {  	[tilespmem:v54+s16+$0x0] =	vst.idx.add.f32.msk $0xffff, v21  }
0x513: {  	v21 =	vld [tilespmem:s24+$0xE850];
	v57 =	vor.u32 v15, v18  }
0x514: {  	[tilespmem:v55+s16+$0x0] =	vst.idx.add.f32.msk $0xffff, v25  }
0x515: {  	v58 =	vor.u32 v15, v19;
	v25 =	vld [tilespmem:s25+$0xE850]  }
0x516: {  	[tilespmem:v56+s16+$0x0] =	vst.idx.add.f32.msk $0xffff, v23  }
0x517: {  	v59 =	vor.u32 v15, v20;
	v23 =	vld [tilespmem:s28+$0xE850]  }
0x518: {  	[tilespmem:v57+s16+$0x0] =	vst.idx.add.f32.msk $0xffff, v21  }
0x519: {  	v21 =	vld [tilespmem:s24+$0xE860];
	v60 =	vor.u32 v16, v18  }
0x51a: {  	[tilespmem:v58+s16+$0x0] =	vst.idx.add.f32.msk $0xffff, v25  }
0x51b: {  	v61 =	vor.u32 v16, v19;
	v25 =	vld [tilespmem:s25+$0xE860]  }
0x51c: {  	[tilespmem:v59+s16+$0x0] =	vst.idx.add.f32.msk $0xffff, v23  }
0x51d: {  	v62 =	vor.u32 v16, v20;
	v23 =	vld [tilespmem:s28+$0xE860]  }
0x51e: {  	[tilespmem:v60+s16+$0x0] =	vst.idx.add.f32.msk $0xffff, v21  }
0x51f: {  	v21 =	vld [tilespmem:s24+$0xE870]  }
0x520: {  	[tilespmem:v61+s16+$0x0] =	vst.idx.add.f32.msk $0xffff, v25  }
0x521: {  	v18 =	vor.u32 v17, v18;
	v63 =	vld [tilespmem:s25+$0xE870]  }
0x522: {  	v19 =	vor.u32 v17, v19;
	[tilespmem:v62+s16+$0x0] =	vst.idx.add.f32.msk $0xffff, v23  }
0x523: {  	v20 =	vor.u32 v17, v20;
	v23 =	vld [tilespmem:s28+$0xE870]  }
.Ltmp5:
0x524: {  	_ = 	snop;
	(pc) =	sbr.rel @p0 .LBB2_10-.Ltmp5, $4  }
0x525: {  	_ = 	snop  }
0x526: {  	[tilespmem:v18+s16+$0x0] =	vst.idx.add.f32.msk $0xffff, v21  }
0x527: {  	[tilespmem:v19+s16+$0x0] =	vst.idx.add.f32.msk $0xffff, v63  }
0x528: {  	[tilespmem:v20+s16+$0x0] =	vst.idx.add.f32.msk $0xffff, v23  }
.Ltmp6:
0x529: {  	(pc) =	sbr.rel .LBB2_4-.Ltmp6, $4  }
0x52a: {  	s0 =	sadd.s32 s4, s23  }
0x52b: {  	s22 =	sadd.s32 $0x1, s22;
	s0 =	sshll.u32 s0, $0x5  }
0x52c: {  	s20 =	sadd.s32 $0x100, s20;
	s21 =	sadd.s32 $0x100, s21;
	s0 =	sadd.s32 s0, s7  }
0x52d: {  	[tilespmem:s6], [sflag:$0x2] =	stream.linear.gather [hbm4b:s0+s2], $0x8000, $0x38;
	[tilespmem:$0x18800] =	vst v63  }
.LBB2_11:
0x52e: {  	_ =	sfence.sel $0x180000  }
0x52f: {  	[bflag:$0x0] =	sbarrier.arrive $0xFFFF  }
0x530: {  	_ =	strace $0x90000047  }
0x531: {  	s0 =	stileid.u32;
	[bflag:$0x2] =	sbarrier.arrive $0xFFFF  }
0x532: {  	p0 =	sne.s32 s0, $0x0;
	s0 =	rddreg [dreg:$0x2]  }
0x533: {  	s0 =	sadd.s32 @!p0 $0x100000, s0  }
0x534: {  	[sflag:s0] =	ssyncadd.tile.s32 @!p0 $0x1;
	_ =	shalt  }
.Lfunc_end2:
_tile_overlayer_lowered:
.L_overlay_start_2:
0x535: {  	(tag) =	ssettag $0x2  }
0x536: {  	s0 =	rddreg [dreg:$0x0];
	s2 =	stileid.u32  }
0x537: {  	s1 =	rddreg [dreg:$0x1];
	p0 =	sne.s32 s2, $0x0  }
0x538: {  	s3 =	rddreg [dreg:$0x2];
	[bflag:$0x3] =	sbarrier.arrive $0xFFFF;
	s2 =	simm.s32 @!p0 $0x1C03  }
0x539: {  	[timem:s3], [sflag:s2] =	dma.local @!p0 [hbm:s0], s1  }
0x53a: {  	s0 =	simm.s32 @!p0 $0x3  }
0x53b: {  	_ =	swait.ge @!p0 [sflag:s0], s1  }
0x53c: {  	s1 =	ssub.s32 @!p0 $0x0, s1;
	[sflag:s0] =	ssyncset.done @!p0 $0x0  }
0x53d: {  	[sflag:s0] =	ssyncadd.s32 @!p0 s1  }
0x53e: {  	[bflag:$0x3] =	sbarrier.arrive $0xFFFF  }
0x53f: {  	_ =	shalt  }

</sc_bundles>
